<compile_context>
chip_gen: v7x
topology: tpu7x:2x2x1
jax: 0.10.2.dev20260603
libtpu: 0.0.44.dev20260713+nightly
codegen_flags: <defaults>
</compile_context>

<pallas_src>
import functools

import jax
import jax.numpy as jnp
from jax import lax
from jax.experimental import pallas as pl
from jax.experimental.pallas import tpu as pltpu
from jax.experimental.pallas import tpu_sc as plsc

N = 10000
E = 320000
D_IN = 128
D_H = 128
D_OUT = 64

NC = 2
NS = 16
NW = NC * NS

CH = 128
NCHUNK = 80
EPW = NCHUNK * CH
E_PAD = EPW * NW
N_PAD = 10240
RPT = N_PAD // NS
DEGW = 16
NPAIR = NCHUNK // 2
NRING = 8

CNT0 = 80
CNT1 = 80


def _make_sc_agg(D, with_deg):
    mesh = plsc.VectorSubcoreMesh(core_axis_name="c", subcore_axis_name="s")
    out_type = [jax.ShapeDtypeStruct((NC, N_PAD, D), jnp.float32)]
    scratch = [
        pltpu.VMEM((NRING, CH), jnp.int32),
        pltpu.VMEM((NRING, CH), jnp.int32),
        pltpu.VMEM((CH, D), jnp.float32),
        pltpu.VMEM((CH, D), jnp.float32),
        pltpu.VMEM_SHARED((N_PAD, D), jnp.float32),
        pltpu.SemaphoreType.DMA,
        pltpu.SemaphoreType.DMA,
        pltpu.SemaphoreType.DMA,
    ]
    if with_deg:
        out_type.append(jax.ShapeDtypeStruct((NC, N_PAD, DEGW), jnp.float32))
        scratch += [
            pltpu.VMEM((64, DEGW), jnp.float32),
            pltpu.VMEM((CH, DEGW), jnp.float32),
            pltpu.VMEM_SHARED((N_PAD, DEGW), jnp.float32),
            pltpu.SemaphoreType.DMA,
            pltpu.SemaphoreType.DMA,
        ]

    def body(table_hbm, edge_hbm, pad_hbm, *refs):
        if with_deg:
            (agg_out, deg_out, src_rg, dst_rg, rows0, rows1, acc_sh,
             isem, gsem0, gsem1, zdeg, ones_v, deg_sh, dsem0, dsem1) = refs
        else:
            (agg_out, src_rg, dst_rg, rows0, rows1, acc_sh,
             isem, gsem0, gsem1) = refs
        cid = lax.axis_index("c")
        sid = lax.axis_index("s")
        nch = lax.select(cid == 0, CNT0, CNT1)
        npair = nch // 2
        cstart = lax.select(cid == 0, sid * CNT0, NS * CNT0 + sid * CNT1)
        ebase = cstart * CH

        def idx_load(g):
            r = lax.rem(g, NRING)
            off = ebase + g * CH

            @pl.when(off < E)
            def _():
                pltpu.async_copy(edge_hbm.at[0, pl.ds(off, CH)],
                                 src_rg.at[r], isem)
                pltpu.async_copy(edge_hbm.at[1, pl.ds(off, CH)],
                                 dst_rg.at[r], isem)

            @pl.when(off >= E)
            def _():
                pltpu.async_copy(pad_hbm.at[0, pl.ds(off - E, CH)],
                                 src_rg.at[r], isem)
                pltpu.async_copy(pad_hbm.at[1, pl.ds(off - E, CH)],
                                 dst_rg.at[r], isem)

        def idx_wait():
            for _ in range(4):
                pltpu.make_async_copy(edge_hbm.at[0, pl.ds(0, CH)],
                                      src_rg.at[0], isem).wait()

        idx_load(0)
        idx_load(1)
        zero16 = jnp.zeros((16,), jnp.float32)

        def zrow(r, carry):
            for k in range(D // 16):
                rows0[r, pl.ds(k * 16, 16)] = zero16
            return carry
        lax.fori_loop(0, CH, zrow, 0)

        def zcopy(j, carry):
            pltpu.sync_copy(rows0, acc_sh.at[pl.ds(sid * RPT + j * CH, CH)])
            return carry
        lax.fori_loop(0, RPT // CH, zcopy, 0)

        if with_deg:
            one16 = jnp.ones((16,), jnp.float32)

            def zdeg_row(r, carry):
                zdeg[r, :] = zero16
                return carry
            lax.fori_loop(0, 64, zdeg_row, 0)

            def ones_row(r, carry):
                ones_v[r, :] = one16
                return carry
            lax.fori_loop(0, CH, ones_row, 0)

            def zdcopy(j, carry):
                pltpu.sync_copy(zdeg,
                                deg_sh.at[pl.ds(sid * RPT + j * 64, 64)])
                return carry
            lax.fori_loop(0, RPT // 64, zdcopy, 0)

        idx_wait()
        plsc.subcore_barrier()

        def gather(g, rows, sem):
            r = lax.rem(g, NRING)
            return pltpu.async_copy(table_hbm.at[src_rg.at[r]], rows, sem)

        def gwait(rows, sem):
            pltpu.make_async_copy(table_hbm.at[src_rg.at[0]], rows,
                                  sem).wait()

        def scat(g, rows):
            r = lax.rem(g, NRING)
            pltpu.sync_copy(rows, acc_sh.at[dst_rg.at[r]], add=True)

        if with_deg:
            def deg_scat(g, dsem):
                r = lax.rem(g, NRING)
                pltpu.async_copy(ones_v, deg_sh.at[dst_rg.at[r]], dsem,
                                 add=True)

            def deg_wait(dsem):
                pltpu.make_async_copy(ones_v, deg_sh.at[dst_rg.at[0]],
                                      dsem).wait()

        gather(0, rows0, gsem0)

        def pair(i, carry):
            a = 2 * i
            b = a + 1

            @pl.when(i < npair - 1)
            def _():
                idx_load(a + 2)
                idx_load(b + 2)

            gwait(rows0, gsem0)
            gather(b, rows1, gsem1)
            scat(a, rows0)
            if with_deg:

                @pl.when(i > 0)
                def _():
                    deg_wait(dsem0)
                deg_scat(a, dsem0)

            @pl.when(i < npair - 1)
            def _():
                idx_wait()

            gwait(rows1, gsem1)

            @pl.when(i < npair - 1)
            def _():
                gather(a + 2, rows0, gsem0)
            scat(b, rows1)
            if with_deg:

                @pl.when(i > 0)
                def _():
                    deg_wait(dsem1)
                deg_scat(b, dsem1)
            return carry
        lax.fori_loop(0, npair, pair, 0)
        if with_deg:
            deg_wait(dsem0)
            deg_wait(dsem1)

        plsc.subcore_barrier()

        def wpiece(j, stage, sem):
            off = sid * RPT + j * CH
            pltpu.sync_copy(acc_sh.at[pl.ds(off, CH)], stage)
            return pltpu.async_copy(stage, agg_out.at[cid, pl.ds(off, CH)],
                                    sem)
        w = wpiece(0, rows0, gsem0)
        for j in range(1, RPT // CH):
            stage, sem = (rows0, gsem0) if j % 2 == 0 else (rows1, gsem1)
            w2 = wpiece(j, stage, sem)
            w.wait()
            w = w2
        w.wait()
        if with_deg:
            for j in range(RPT // 64):
                off = sid * RPT + j * 64
                pltpu.sync_copy(deg_sh.at[pl.ds(off, 64)], zdeg)
                pltpu.sync_copy(zdeg, deg_out.at[cid, pl.ds(off, 64)])


    return pl.kernel(
        body, out_type=out_type, mesh=mesh, scratch_types=scratch,
        compiler_params=pltpu.CompilerParams(use_tc_tiling_on_sc=False))


_sc_agg1 = _make_sc_agg(D_IN, with_deg=True)
_sc_agg2 = _make_sc_agg(D_OUT, with_deg=False)


BN = 1000


def _tc1_body(x_ref, agg_ref, degp_ref, ws1_ref, wn1_ref, b1_ref,
              ws2_ref, wn2_ref, b2_ref, wl_ref, blin_ref,
              h1p_ref, h1s_ref):
    x = x_ref[...]
    agg = agg_ref[0] + agg_ref[1]
    dp = degp_ref[...]
    deg = dp[0, :, 0] + dp[1, :, 0]
    inv = 1.0 / jnp.maximum(deg, 1.0)
    hn = agg * inv[:, None]
    dn = (((1,), (1,)), ((), ()))
    h1 = lax.dot_general(x, ws1_ref[...], dn)
    h1 = h1 + lax.dot_general(hn, wn1_ref[...], dn)
    h1 = jnp.maximum(h1 + b1_ref[...], 0.0)
    wl = wl_ref[...]
    wc_n = jnp.dot(wl, wn2_ref[...])
    wc_s = jnp.dot(wl, ws2_ref[...])
    bc = lax.dot_general(b2_ref[...], wl, dn) + blin_ref[...]
    h1p_ref[...] = lax.dot_general(h1, wc_n, dn)
    h1s_ref[...] = lax.dot_general(h1, wc_s, dn) + bc


def _tc1(x, agg, degp, ws1, wn1, b1, ws2, wn2, b2, wl, blin):
    grid = (N // BN,)
    return pl.pallas_call(
        _tc1_body,
        grid=grid,
        in_specs=[
            pl.BlockSpec((BN, D_IN), lambda i: (i, 0)),
            pl.BlockSpec((NC, BN, D_IN), lambda i: (0, i, 0)),
            pl.BlockSpec((NC, BN, DEGW), lambda i: (0, i, 0)),
            pl.BlockSpec((D_H, D_IN), lambda i: (0, 0)),
            pl.BlockSpec((D_H, D_IN), lambda i: (0, 0)),
            pl.BlockSpec((1, D_H), lambda i: (0, 0)),
            pl.BlockSpec((D_OUT, D_H), lambda i: (0, 0)),
            pl.BlockSpec((D_OUT, D_H), lambda i: (0, 0)),
            pl.BlockSpec((1, D_OUT), lambda i: (0, 0)),
            pl.BlockSpec((D_OUT, D_OUT), lambda i: (0, 0)),
            pl.BlockSpec((1, D_OUT), lambda i: (0, 0)),
        ],
        out_specs=[
            pl.BlockSpec((BN, D_OUT), lambda i: (i, 0)),
            pl.BlockSpec((BN, D_OUT), lambda i: (i, 0)),
        ],
        out_shape=[
            jax.ShapeDtypeStruct((N, D_OUT), jnp.float32),
            jax.ShapeDtypeStruct((N, D_OUT), jnp.float32),
        ],
    )(x, agg, degp, ws1, wn1, b1, ws2, wn2, b2, wl, blin)


def _tc2_body(h1s_ref, agg2_ref, degp_ref, out_ref):
    dp = degp_ref[...]
    deg = dp[0, :, 0] + dp[1, :, 0]
    inv = 1.0 / jnp.maximum(deg, 1.0)
    q = agg2_ref[0] + agg2_ref[1]
    out_ref[...] = h1s_ref[...] + q * inv[:, None]


def _tc2(h1s, agg2, degp):
    grid = (N // BN,)
    return pl.pallas_call(
        _tc2_body,
        grid=grid,
        in_specs=[
            pl.BlockSpec((BN, D_OUT), lambda i: (i, 0)),
            pl.BlockSpec((NC, BN, D_OUT), lambda i: (0, i, 0)),
            pl.BlockSpec((NC, BN, DEGW), lambda i: (0, i, 0)),
        ],
        out_specs=pl.BlockSpec((BN, D_OUT), lambda i: (i, 0)),
        out_shape=jax.ShapeDtypeStruct((N, D_OUT), jnp.float32),
    )(h1s, agg2, degp)


def kernel(in_feat, edge_index, W_self1, W_neigh1, b1, W_self2, W_neigh2,
           b2, W_lin, b_lin):
    pad = E_PAD - E
    ar = jnp.arange(pad, dtype=jnp.int32)
    pad_edges = jnp.stack([ar % N, N + ar % (N_PAD - N)])

    agg1, degp = _sc_agg1(in_feat, edge_index, pad_edges)
    h1p, h1s = _tc1(in_feat, agg1, degp, W_self1, W_neigh1,
                    b1.reshape(1, -1), W_self2, W_neigh2,
                    b2.reshape(1, -1), W_lin, b_lin.reshape(1, -1))
    (agg2,) = _sc_agg2(h1p, edge_index, pad_edges)
    return _tc2(h1s, agg2, degp)

# --- scband reference (transcript-rebuilt; emitter-appended) ---
"""Pipeline reference for scband-graph-sage-2319282339849 (READ-ONLY COPY).

The authoritative reference and input builder live on the scoring server;
editing this copy changes nothing except your own understanding.
"""

import jax, jax.numpy as jnp
import numpy as np

N = 10000
E = 320000
D_IN = 128
D_H = 128
D_OUT = 64


def setup_inputs(seed: int = 0) -> dict:
    key = jax.random.key(seed)
    ks = jax.random.split(key, 12)
    x = jax.random.normal(ks[0], (N, D_IN), dtype=jnp.float32)
    edge_index = jax.random.randint(ks[1], (2, E), 0, N, dtype=jnp.int32)
    s = 0.05
    W_self1 = jax.random.normal(ks[2], (D_H, D_IN), dtype=jnp.float32) * s
    W_neigh1 = jax.random.normal(ks[3], (D_H, D_IN), dtype=jnp.float32) * s
    b1 = jnp.zeros((D_H,), dtype=jnp.float32)
    W_self2 = jax.random.normal(ks[4], (D_OUT, D_H), dtype=jnp.float32) * s
    W_neigh2 = jax.random.normal(ks[5], (D_OUT, D_H), dtype=jnp.float32) * s
    b2 = jnp.zeros((D_OUT,), dtype=jnp.float32)
    W_lin = jax.random.normal(ks[6], (D_OUT, D_OUT), dtype=jnp.float32) * s
    b_lin = jnp.zeros((D_OUT,), dtype=jnp.float32)
    return {
        'in_feat': x,
        'edge_index': edge_index,
        'W_self1': W_self1, 'W_neigh1': W_neigh1, 'b1': b1,
        'W_self2': W_self2, 'W_neigh2': W_neigh2, 'b2': b2,
        'W_lin': W_lin, 'b_lin': b_lin,
    }


def _sage_mean(h, src, dst, W_self, W_neigh, b):
    # DGL SAGEConv 'mean': h_neigh = mean over incoming edges of src feats;
    # out = fc_self(h) + fc_neigh(h_neigh) + bias
    msg = jnp.take(h, src, axis=0)                      # gather [E, d]
    agg = jax.ops.segment_sum(msg, dst, num_segments=N)  # scatter-add [N, d]
    deg = jax.ops.segment_sum(jnp.ones((E,), dtype=h.dtype), dst, num_segments=N)
    h_neigh = agg / jnp.maximum(deg, 1.0)[:, None]
    return h @ W_self.T + h_neigh @ W_neigh.T + b


def reference(in_feat, edge_index, W_self1, W_neigh1, b1, W_self2, W_neigh2, b2, W_lin, b_lin):
    src = edge_index[0]
    dst = edge_index[1]
    h = _sage_mean(in_feat, src, dst, W_self1, W_neigh1, b1)
    h = jax.nn.relu(h)
    h = _sage_mean(h, src, dst, W_self2, W_neigh2, b2)
    out = h @ W_lin.T + b_lin
    return out

if __name__ == "__main__":
    import jax
    _d = setup_inputs()
    print(jax.jit(kernel)(*tuple(_d.values())))

</pallas_src>

<mosaic_0001>
#map = affine_map<(d0, d1) -> (0, 0)>
#map1 = affine_map<(d0, d1) -> (0, 0, 0)>
module attributes {stable_mosaic.version = 14 : i64} {
  func.func @body(%arg0: i32, %arg1: i32, %arg2: memref<10000x128xf32, #tpu.memory_space<hbm>>, %arg3: memref<2x320000xi32, #tpu.memory_space<hbm>>, %arg4: memref<2x7680xi32, #tpu.memory_space<hbm>>, %arg5: memref<2x10240x128xf32, #tpu.memory_space<hbm>>, %arg6: memref<2x10240x16xf32, #tpu.memory_space<hbm>>, %arg7: memref<8x128xi32, #tpu.memory_space<vmem>>, %arg8: memref<8x128xi32, #tpu.memory_space<vmem>>, %arg9: memref<128x128xf32, #tpu.memory_space<vmem>>, %arg10: memref<128x128xf32, #tpu.memory_space<vmem>>, %arg11: memref<10240x128xf32, #tpu.memory_space<vmem_shared>>, %arg12: memref<!tpu.dma_semaphore, #tpu.memory_space<semaphore_mem>>, %arg13: memref<!tpu.dma_semaphore, #tpu.memory_space<semaphore_mem>>, %arg14: memref<!tpu.dma_semaphore, #tpu.memory_space<semaphore_mem>>, %arg15: memref<64x16xf32, #tpu.memory_space<vmem>>, %arg16: memref<128x16xf32, #tpu.memory_space<vmem>>, %arg17: memref<10240x16xf32, #tpu.memory_space<vmem_shared>>, %arg18: memref<!tpu.dma_semaphore, #tpu.memory_space<semaphore_mem>>, %arg19: memref<!tpu.dma_semaphore, #tpu.memory_space<semaphore_mem>>) attributes {dimension_semantics = [#tpu.dimension_semantics<core_parallel>, #tpu.dimension_semantics<subcore_parallel>], iteration_bounds = array<i64: 2, 16>, scalar_prefetch = 0 : i64, scratch_operands = 13 : i64, tpu.core_type = #tpu.core_type<sc_vector_subcore>, window_params = [{transform_indices = #map}, {transform_indices = #map}, {transform_indices = #map}, {transform_indices = #map1}, {transform_indices = #map1}]} {
    %eq3A = arith.constant 0 : i32
    %eq3A_0 = arith.cmpi eq, %arg0, %eq3A : i32
    %select_n3A = arith.constant 80 : i32
    %select_n3A_1 = arith.constant 80 : i32
    %select_n3A_2 = arith.select %eq3A_0, %select_n3A_1, %select_n3A : i32
    %jit3A = arith.constant 2 : i32
    %div3A = arith.divsi %select_n3A_2, %jit3A : i32
    %sign3A = arith.constant 0 : i32
    %sign3A_3 = arith.cmpi sgt, %select_n3A_2, %sign3A : i32
    %sign3A_4 = arith.extui %sign3A_3 : i1 to i32
    %sign3A_5 = arith.constant 0 : i32
    %sign3A_6 = arith.cmpi slt, %select_n3A_2, %sign3A_5 : i32
    %sign3A_7 = arith.extui %sign3A_6 : i1 to i32
    %sign3A_8 = arith.subi %sign3A_4, %sign3A_7 : i32
    %sign3A_9 = arith.constant 0 : i32
    %sign3A_10 = arith.cmpi sgt, %jit3A, %sign3A_9 : i32
    %sign3A_11 = arith.extui %sign3A_10 : i1 to i32
    %sign3A_12 = arith.constant 0 : i32
    %sign3A_13 = arith.cmpi slt, %jit3A, %sign3A_12 : i32
    %sign3A_14 = arith.extui %sign3A_13 : i1 to i32
    %sign3A_15 = arith.subi %sign3A_11, %sign3A_14 : i32
    %ne3A = arith.cmpi ne, %sign3A_8, %sign3A_15 : i32
    %rem3A = arith.remsi %select_n3A_2, %jit3A : i32
    %ne3A_16 = arith.constant 0 : i32
    %ne3A_17 = arith.cmpi ne, %rem3A, %ne3A_16 : i32
    %and3A = arith.andi %ne3A, %ne3A_17 : i1
    %sub3A = arith.constant 1 : i32
    %sub3A_18 = arith.subi %div3A, %sub3A : i32
    %select_n3A_19 = arith.select %and3A, %sub3A_18, %div3A : i32
    %eq3A_20 = arith.constant 0 : i32
    %eq3A_21 = arith.cmpi eq, %arg0, %eq3A_20 : i32
    %mul3A = arith.constant 80 : i32
    %mul3A_22 = arith.muli %arg1, %mul3A : i32
    %mul3A_23 = arith.constant 80 : i32
    %mul3A_24 = arith.muli %arg1, %mul3A_23 : i32
    %add3A = arith.constant 1280 : i32
    %add3A_25 = arith.addi %add3A, %mul3A_24 : i32
    %select_n3A_26 = arith.select %eq3A_21, %mul3A_22, %add3A_25 : i32
    %mul3A_27 = arith.constant 128 : i32
    %mul3A_28 = arith.muli %select_n3A_26, %mul3A_27 : i32
    %rem3A_29 = arith.constant 0 : i32
    %rem3A_30 = arith.constant 8 : i32
    %rem3A_31 = arith.remsi %rem3A_29, %rem3A_30 : i32
    %add3A_32 = arith.constant 0 : i32
    %add3A_33 = arith.addi %mul3A_28, %add3A_32 : i32
    %lt3A = arith.constant 320000 : i32
    %lt3A_34 = arith.cmpi slt, %add3A_33, %lt3A : i32
    %convert_element_type3A = arith.extui %lt3A_34 : i1 to i32
    %cond3A = arith.constant 0 : i32
    %cond3A_35 = arith.cmpi ne, %convert_element_type3A, %cond3A : i32
    scf.if %cond3A_35 {
      %dma_start3A_294 = arith.constant 0 : i32
      %dma_start3A_295 = arith.constant 0 : i32
      %dma_start3A_296 = tpu.memref_slice %arg7[%rem3A_31, %dma_start3A_295] : memref<8x128xi32, #tpu.memory_space<vmem>> -> memref<1x128xi32, #tpu.memory_space<vmem>>
      %dma_start3A_297 = tpu.memref_squeeze %dma_start3A_296 : memref<1x128xi32, #tpu.memory_space<vmem>> -> memref<128xi32, #tpu.memory_space<vmem>>
      %dma_start3A_298 = tpu.memref_slice %arg3[%dma_start3A_294, %add3A_33] : memref<2x320000xi32, #tpu.memory_space<hbm>> -> memref<1x128xi32, #tpu.memory_space<hbm>>
      %dma_start3A_299 = tpu.memref_squeeze %dma_start3A_298 : memref<1x128xi32, #tpu.memory_space<hbm>> -> memref<128xi32, #tpu.memory_space<hbm>>
      %dma_start3A_300 = arith.constant 0 : i32
      %dma_start3A_301 = tpu.memref_slice %arg7[%rem3A_31, %dma_start3A_300] : memref<8x128xi32, #tpu.memory_space<vmem>> -> memref<1x128xi32, #tpu.memory_space<vmem>>
      %dma_start3A_302 = tpu.memref_squeeze %dma_start3A_301 : memref<1x128xi32, #tpu.memory_space<vmem>> -> memref<128xi32, #tpu.memory_space<vmem>>
      %dma_start3A_303 = tpu.memref_slice %arg3[%dma_start3A_294, %add3A_33] : memref<2x320000xi32, #tpu.memory_space<hbm>> -> memref<1x128xi32, #tpu.memory_space<hbm>>
      %dma_start3A_304 = tpu.memref_squeeze %dma_start3A_303 : memref<1x128xi32, #tpu.memory_space<hbm>> -> memref<128xi32, #tpu.memory_space<hbm>>
      tpu.enqueue_dma source(%dma_start3A_304 : memref<128xi32, #tpu.memory_space<hbm>>) target(%dma_start3A_302 : memref<128xi32, #tpu.memory_space<vmem>>) target_semaphore(%arg12 : memref<!tpu.dma_semaphore, #tpu.memory_space<semaphore_mem>>)
      %dma_start3A_305 = arith.constant 1 : i32
      %dma_start3A_306 = arith.constant 0 : i32
      %dma_start3A_307 = tpu.memref_slice %arg8[%rem3A_31, %dma_start3A_306] : memref<8x128xi32, #tpu.memory_space<vmem>> -> memref<1x128xi32, #tpu.memory_space<vmem>>
      %dma_start3A_308 = tpu.memref_squeeze %dma_start3A_307 : memref<1x128xi32, #tpu.memory_space<vmem>> -> memref<128xi32, #tpu.memory_space<vmem>>
      %dma_start3A_309 = tpu.memref_slice %arg3[%dma_start3A_305, %add3A_33] : memref<2x320000xi32, #tpu.memory_space<hbm>> -> memref<1x128xi32, #tpu.memory_space<hbm>>
      %dma_start3A_310 = tpu.memref_squeeze %dma_start3A_309 : memref<1x128xi32, #tpu.memory_space<hbm>> -> memref<128xi32, #tpu.memory_space<hbm>>
      %dma_start3A_311 = arith.constant 0 : i32
      %dma_start3A_312 = tpu.memref_slice %arg8[%rem3A_31, %dma_start3A_311] : memref<8x128xi32, #tpu.memory_space<vmem>> -> memref<1x128xi32, #tpu.memory_space<vmem>>
      %dma_start3A_313 = tpu.memref_squeeze %dma_start3A_312 : memref<1x128xi32, #tpu.memory_space<vmem>> -> memref<128xi32, #tpu.memory_space<vmem>>
      %dma_start3A_314 = tpu.memref_slice %arg3[%dma_start3A_305, %add3A_33] : memref<2x320000xi32, #tpu.memory_space<hbm>> -> memref<1x128xi32, #tpu.memory_space<hbm>>
      %dma_start3A_315 = tpu.memref_squeeze %dma_start3A_314 : memref<1x128xi32, #tpu.memory_space<hbm>> -> memref<128xi32, #tpu.memory_space<hbm>>
      tpu.enqueue_dma source(%dma_start3A_315 : memref<128xi32, #tpu.memory_space<hbm>>) target(%dma_start3A_313 : memref<128xi32, #tpu.memory_space<vmem>>) target_semaphore(%arg12 : memref<!tpu.dma_semaphore, #tpu.memory_space<semaphore_mem>>)
    } else {
    }
    %ge3A = arith.constant 320000 : i32
    %ge3A_36 = arith.cmpi sge, %add3A_33, %ge3A : i32
    %convert_element_type3A_37 = arith.extui %ge3A_36 : i1 to i32
    %cond3A_38 = arith.constant 0 : i32
    %cond3A_39 = arith.cmpi ne, %convert_element_type3A_37, %cond3A_38 : i32
    scf.if %cond3A_39 {
      %sub3A_294 = arith.constant 320000 : i32
      %sub3A_295 = arith.subi %add3A_33, %sub3A_294 : i32
      %dma_start3A_296 = arith.constant 0 : i32
      %dma_start3A_297 = arith.constant 0 : i32
      %dma_start3A_298 = tpu.memref_slice %arg7[%rem3A_31, %dma_start3A_297] : memref<8x128xi32, #tpu.memory_space<vmem>> -> memref<1x128xi32, #tpu.memory_space<vmem>>
      %dma_start3A_299 = tpu.memref_squeeze %dma_start3A_298 : memref<1x128xi32, #tpu.memory_space<vmem>> -> memref<128xi32, #tpu.memory_space<vmem>>
      %dma_start3A_300 = tpu.memref_slice %arg4[%dma_start3A_296, %sub3A_295] : memref<2x7680xi32, #tpu.memory_space<hbm>> -> memref<1x128xi32, #tpu.memory_space<hbm>>
      %dma_start3A_301 = tpu.memref_squeeze %dma_start3A_300 : memref<1x128xi32, #tpu.memory_space<hbm>> -> memref<128xi32, #tpu.memory_space<hbm>>
      %dma_start3A_302 = arith.constant 0 : i32
      %dma_start3A_303 = tpu.memref_slice %arg7[%rem3A_31, %dma_start3A_302] : memref<8x128xi32, #tpu.memory_space<vmem>> -> memref<1x128xi32, #tpu.memory_space<vmem>>
      %dma_start3A_304 = tpu.memref_squeeze %dma_start3A_303 : memref<1x128xi32, #tpu.memory_space<vmem>> -> memref<128xi32, #tpu.memory_space<vmem>>
      %dma_start3A_305 = tpu.memref_slice %arg4[%dma_start3A_296, %sub3A_295] : memref<2x7680xi32, #tpu.memory_space<hbm>> -> memref<1x128xi32, #tpu.memory_space<hbm>>
      %dma_start3A_306 = tpu.memref_squeeze %dma_start3A_305 : memref<1x128xi32, #tpu.memory_space<hbm>> -> memref<128xi32, #tpu.memory_space<hbm>>
      tpu.enqueue_dma source(%dma_start3A_306 : memref<128xi32, #tpu.memory_space<hbm>>) target(%dma_start3A_304 : memref<128xi32, #tpu.memory_space<vmem>>) target_semaphore(%arg12 : memref<!tpu.dma_semaphore, #tpu.memory_space<semaphore_mem>>)
      %sub3A_307 = arith.constant 320000 : i32
      %sub3A_308 = arith.subi %add3A_33, %sub3A_307 : i32
      %dma_start3A_309 = arith.constant 1 : i32
      %dma_start3A_310 = arith.constant 0 : i32
      %dma_start3A_311 = tpu.memref_slice %arg8[%rem3A_31, %dma_start3A_310] : memref<8x128xi32, #tpu.memory_space<vmem>> -> memref<1x128xi32, #tpu.memory_space<vmem>>
      %dma_start3A_312 = tpu.memref_squeeze %dma_start3A_311 : memref<1x128xi32, #tpu.memory_space<vmem>> -> memref<128xi32, #tpu.memory_space<vmem>>
      %dma_start3A_313 = tpu.memref_slice %arg4[%dma_start3A_309, %sub3A_308] : memref<2x7680xi32, #tpu.memory_space<hbm>> -> memref<1x128xi32, #tpu.memory_space<hbm>>
      %dma_start3A_314 = tpu.memref_squeeze %dma_start3A_313 : memref<1x128xi32, #tpu.memory_space<hbm>> -> memref<128xi32, #tpu.memory_space<hbm>>
      %dma_start3A_315 = arith.constant 0 : i32
      %dma_start3A_316 = tpu.memref_slice %arg8[%rem3A_31, %dma_start3A_315] : memref<8x128xi32, #tpu.memory_space<vmem>> -> memref<1x128xi32, #tpu.memory_space<vmem>>
      %dma_start3A_317 = tpu.memref_squeeze %dma_start3A_316 : memref<1x128xi32, #tpu.memory_space<vmem>> -> memref<128xi32, #tpu.memory_space<vmem>>
      %dma_start3A_318 = tpu.memref_slice %arg4[%dma_start3A_309, %sub3A_308] : memref<2x7680xi32, #tpu.memory_space<hbm>> -> memref<1x128xi32, #tpu.memory_space<hbm>>
      %dma_start3A_319 = tpu.memref_squeeze %dma_start3A_318 : memref<1x128xi32, #tpu.memory_space<hbm>> -> memref<128xi32, #tpu.memory_space<hbm>>
      tpu.enqueue_dma source(%dma_start3A_319 : memref<128xi32, #tpu.memory_space<hbm>>) target(%dma_start3A_317 : memref<128xi32, #tpu.memory_space<vmem>>) target_semaphore(%arg12 : memref<!tpu.dma_semaphore, #tpu.memory_space<semaphore_mem>>)
    } else {
    }
    %rem3A_40 = arith.constant 1 : i32
    %rem3A_41 = arith.constant 8 : i32
    %rem3A_42 = arith.remsi %rem3A_40, %rem3A_41 : i32
    %add3A_43 = arith.constant 128 : i32
    %add3A_44 = arith.addi %mul3A_28, %add3A_43 : i32
    %lt3A_45 = arith.constant 320000 : i32
    %lt3A_46 = arith.cmpi slt, %add3A_44, %lt3A_45 : i32
    %convert_element_type3A_47 = arith.extui %lt3A_46 : i1 to i32
    %cond3A_48 = arith.constant 0 : i32
    %cond3A_49 = arith.cmpi ne, %convert_element_type3A_47, %cond3A_48 : i32
    scf.if %cond3A_49 {
      %dma_start3A_294 = arith.constant 0 : i32
      %dma_start3A_295 = arith.constant 0 : i32
      %dma_start3A_296 = tpu.memref_slice %arg7[%rem3A_42, %dma_start3A_295] : memref<8x128xi32, #tpu.memory_space<vmem>> -> memref<1x128xi32, #tpu.memory_space<vmem>>
      %dma_start3A_297 = tpu.memref_squeeze %dma_start3A_296 : memref<1x128xi32, #tpu.memory_space<vmem>> -> memref<128xi32, #tpu.memory_space<vmem>>
      %dma_start3A_298 = tpu.memref_slice %arg3[%dma_start3A_294, %add3A_44] : memref<2x320000xi32, #tpu.memory_space<hbm>> -> memref<1x128xi32, #tpu.memory_space<hbm>>
      %dma_start3A_299 = tpu.memref_squeeze %dma_start3A_298 : memref<1x128xi32, #tpu.memory_space<hbm>> -> memref<128xi32, #tpu.memory_space<hbm>>
      %dma_start3A_300 = arith.constant 0 : i32
      %dma_start3A_301 = tpu.memref_slice %arg7[%rem3A_42, %dma_start3A_300] : memref<8x128xi32, #tpu.memory_space<vmem>> -> memref<1x128xi32, #tpu.memory_space<vmem>>
      %dma_start3A_302 = tpu.memref_squeeze %dma_start3A_301 : memref<1x128xi32, #tpu.memory_space<vmem>> -> memref<128xi32, #tpu.memory_space<vmem>>
      %dma_start3A_303 = tpu.memref_slice %arg3[%dma_start3A_294, %add3A_44] : memref<2x320000xi32, #tpu.memory_space<hbm>> -> memref<1x128xi32, #tpu.memory_space<hbm>>
      %dma_start3A_304 = tpu.memref_squeeze %dma_start3A_303 : memref<1x128xi32, #tpu.memory_space<hbm>> -> memref<128xi32, #tpu.memory_space<hbm>>
      tpu.enqueue_dma source(%dma_start3A_304 : memref<128xi32, #tpu.memory_space<hbm>>) target(%dma_start3A_302 : memref<128xi32, #tpu.memory_space<vmem>>) target_semaphore(%arg12 : memref<!tpu.dma_semaphore, #tpu.memory_space<semaphore_mem>>)
      %dma_start3A_305 = arith.constant 1 : i32
      %dma_start3A_306 = arith.constant 0 : i32
      %dma_start3A_307 = tpu.memref_slice %arg8[%rem3A_42, %dma_start3A_306] : memref<8x128xi32, #tpu.memory_space<vmem>> -> memref<1x128xi32, #tpu.memory_space<vmem>>
      %dma_start3A_308 = tpu.memref_squeeze %dma_start3A_307 : memref<1x128xi32, #tpu.memory_space<vmem>> -> memref<128xi32, #tpu.memory_space<vmem>>
      %dma_start3A_309 = tpu.memref_slice %arg3[%dma_start3A_305, %add3A_44] : memref<2x320000xi32, #tpu.memory_space<hbm>> -> memref<1x128xi32, #tpu.memory_space<hbm>>
      %dma_start3A_310 = tpu.memref_squeeze %dma_start3A_309 : memref<1x128xi32, #tpu.memory_space<hbm>> -> memref<128xi32, #tpu.memory_space<hbm>>
      %dma_start3A_311 = arith.constant 0 : i32
      %dma_start3A_312 = tpu.memref_slice %arg8[%rem3A_42, %dma_start3A_311] : memref<8x128xi32, #tpu.memory_space<vmem>> -> memref<1x128xi32, #tpu.memory_space<vmem>>
      %dma_start3A_313 = tpu.memref_squeeze %dma_start3A_312 : memref<1x128xi32, #tpu.memory_space<vmem>> -> memref<128xi32, #tpu.memory_space<vmem>>
      %dma_start3A_314 = tpu.memref_slice %arg3[%dma_start3A_305, %add3A_44] : memref<2x320000xi32, #tpu.memory_space<hbm>> -> memref<1x128xi32, #tpu.memory_space<hbm>>
      %dma_start3A_315 = tpu.memref_squeeze %dma_start3A_314 : memref<1x128xi32, #tpu.memory_space<hbm>> -> memref<128xi32, #tpu.memory_space<hbm>>
      tpu.enqueue_dma source(%dma_start3A_315 : memref<128xi32, #tpu.memory_space<hbm>>) target(%dma_start3A_313 : memref<128xi32, #tpu.memory_space<vmem>>) target_semaphore(%arg12 : memref<!tpu.dma_semaphore, #tpu.memory_space<semaphore_mem>>)
    } else {
    }
    %ge3A_50 = arith.constant 320000 : i32
    %ge3A_51 = arith.cmpi sge, %add3A_44, %ge3A_50 : i32
    %convert_element_type3A_52 = arith.extui %ge3A_51 : i1 to i32
    %cond3A_53 = arith.constant 0 : i32
    %cond3A_54 = arith.cmpi ne, %convert_element_type3A_52, %cond3A_53 : i32
    scf.if %cond3A_54 {
      %sub3A_294 = arith.constant 320000 : i32
      %sub3A_295 = arith.subi %add3A_44, %sub3A_294 : i32
      %dma_start3A_296 = arith.constant 0 : i32
      %dma_start3A_297 = arith.constant 0 : i32
      %dma_start3A_298 = tpu.memref_slice %arg7[%rem3A_42, %dma_start3A_297] : memref<8x128xi32, #tpu.memory_space<vmem>> -> memref<1x128xi32, #tpu.memory_space<vmem>>
      %dma_start3A_299 = tpu.memref_squeeze %dma_start3A_298 : memref<1x128xi32, #tpu.memory_space<vmem>> -> memref<128xi32, #tpu.memory_space<vmem>>
      %dma_start3A_300 = tpu.memref_slice %arg4[%dma_start3A_296, %sub3A_295] : memref<2x7680xi32, #tpu.memory_space<hbm>> -> memref<1x128xi32, #tpu.memory_space<hbm>>
      %dma_start3A_301 = tpu.memref_squeeze %dma_start3A_300 : memref<1x128xi32, #tpu.memory_space<hbm>> -> memref<128xi32, #tpu.memory_space<hbm>>
      %dma_start3A_302 = arith.constant 0 : i32
      %dma_start3A_303 = tpu.memref_slice %arg7[%rem3A_42, %dma_start3A_302] : memref<8x128xi32, #tpu.memory_space<vmem>> -> memref<1x128xi32, #tpu.memory_space<vmem>>
      %dma_start3A_304 = tpu.memref_squeeze %dma_start3A_303 : memref<1x128xi32, #tpu.memory_space<vmem>> -> memref<128xi32, #tpu.memory_space<vmem>>
      %dma_start3A_305 = tpu.memref_slice %arg4[%dma_start3A_296, %sub3A_295] : memref<2x7680xi32, #tpu.memory_space<hbm>> -> memref<1x128xi32, #tpu.memory_space<hbm>>
      %dma_start3A_306 = tpu.memref_squeeze %dma_start3A_305 : memref<1x128xi32, #tpu.memory_space<hbm>> -> memref<128xi32, #tpu.memory_space<hbm>>
      tpu.enqueue_dma source(%dma_start3A_306 : memref<128xi32, #tpu.memory_space<hbm>>) target(%dma_start3A_304 : memref<128xi32, #tpu.memory_space<vmem>>) target_semaphore(%arg12 : memref<!tpu.dma_semaphore, #tpu.memory_space<semaphore_mem>>)
      %sub3A_307 = arith.constant 320000 : i32
      %sub3A_308 = arith.subi %add3A_44, %sub3A_307 : i32
      %dma_start3A_309 = arith.constant 1 : i32
      %dma_start3A_310 = arith.constant 0 : i32
      %dma_start3A_311 = tpu.memref_slice %arg8[%rem3A_42, %dma_start3A_310] : memref<8x128xi32, #tpu.memory_space<vmem>> -> memref<1x128xi32, #tpu.memory_space<vmem>>
      %dma_start3A_312 = tpu.memref_squeeze %dma_start3A_311 : memref<1x128xi32, #tpu.memory_space<vmem>> -> memref<128xi32, #tpu.memory_space<vmem>>
      %dma_start3A_313 = tpu.memref_slice %arg4[%dma_start3A_309, %sub3A_308] : memref<2x7680xi32, #tpu.memory_space<hbm>> -> memref<1x128xi32, #tpu.memory_space<hbm>>
      %dma_start3A_314 = tpu.memref_squeeze %dma_start3A_313 : memref<1x128xi32, #tpu.memory_space<hbm>> -> memref<128xi32, #tpu.memory_space<hbm>>
      %dma_start3A_315 = arith.constant 0 : i32
      %dma_start3A_316 = tpu.memref_slice %arg8[%rem3A_42, %dma_start3A_315] : memref<8x128xi32, #tpu.memory_space<vmem>> -> memref<1x128xi32, #tpu.memory_space<vmem>>
      %dma_start3A_317 = tpu.memref_squeeze %dma_start3A_316 : memref<1x128xi32, #tpu.memory_space<vmem>> -> memref<128xi32, #tpu.memory_space<vmem>>
      %dma_start3A_318 = tpu.memref_slice %arg4[%dma_start3A_309, %sub3A_308] : memref<2x7680xi32, #tpu.memory_space<hbm>> -> memref<1x128xi32, #tpu.memory_space<hbm>>
      %dma_start3A_319 = tpu.memref_squeeze %dma_start3A_318 : memref<1x128xi32, #tpu.memory_space<hbm>> -> memref<128xi32, #tpu.memory_space<hbm>>
      tpu.enqueue_dma source(%dma_start3A_319 : memref<128xi32, #tpu.memory_space<hbm>>) target(%dma_start3A_317 : memref<128xi32, #tpu.memory_space<vmem>>) target_semaphore(%arg12 : memref<!tpu.dma_semaphore, #tpu.memory_space<semaphore_mem>>)
    } else {
    }
    %broadcast_in_dim3A = arith.constant 0.000000e+00 : f32
    %broadcast_in_dim3A_55 = vector.broadcast %broadcast_in_dim3A : f32 to vector<16xf32>
    %scan3A = arith.constant 0 : i32
    %scan3A_56 = arith.constant 0 : i32
    %scan3A_57 = arith.constant 128 : i32
    %scan3A_58 = arith.addi %scan3A_56, %scan3A_57 : i32
    %scan3A_59 = arith.constant 1 : i32
    scf.for %scan3A_294 = %scan3A_56 to %scan3A_58 step %scan3A_59  : i32 {
      %swap3A = arith.index_cast %scan3A_294 : i32 to index
      %swap3A_295 = arith.constant 0 : index
      %swap3A_296 = tpu.vector_load %arg9[%swap3A, %swap3A_295] {strides = array<i32>} : memref<128x128xf32, #tpu.memory_space<vmem>>, vector<1x16xf32>,
      %swap3A_297 = vector.shape_cast %swap3A_296 : vector<1x16xf32> to vector<16xf32>
      %swap3A_298 = vector.shape_cast %broadcast_in_dim3A_55 : vector<16xf32> to vector<1x16xf32>
      tpu.vector_store %arg9[%swap3A, %swap3A_295], %swap3A_298 {strides = array<i32>} : memref<128x128xf32, #tpu.memory_space<vmem>>, vector<1x16xf32>,
      %swap3A_299 = arith.index_cast %scan3A_294 : i32 to index
      %swap3A_300 = arith.constant 16 : index
      %swap3A_301 = tpu.vector_load %arg9[%swap3A_299, %swap3A_300] {strides = array<i32>} : memref<128x128xf32, #tpu.memory_space<vmem>>, vector<1x16xf32>,
      %swap3A_302 = vector.shape_cast %swap3A_301 : vector<1x16xf32> to vector<16xf32>
      %swap3A_303 = vector.shape_cast %broadcast_in_dim3A_55 : vector<16xf32> to vector<1x16xf32>
      tpu.vector_store %arg9[%swap3A_299, %swap3A_300], %swap3A_303 {strides = array<i32>} : memref<128x128xf32, #tpu.memory_space<vmem>>, vector<1x16xf32>,
      %swap3A_304 = arith.index_cast %scan3A_294 : i32 to index
      %swap3A_305 = arith.constant 32 : index
      %swap3A_306 = tpu.vector_load %arg9[%swap3A_304, %swap3A_305] {strides = array<i32>} : memref<128x128xf32, #tpu.memory_space<vmem>>, vector<1x16xf32>,
      %swap3A_307 = vector.shape_cast %swap3A_306 : vector<1x16xf32> to vector<16xf32>
      %swap3A_308 = vector.shape_cast %broadcast_in_dim3A_55 : vector<16xf32> to vector<1x16xf32>
      tpu.vector_store %arg9[%swap3A_304, %swap3A_305], %swap3A_308 {strides = array<i32>} : memref<128x128xf32, #tpu.memory_space<vmem>>, vector<1x16xf32>,
      %swap3A_309 = arith.index_cast %scan3A_294 : i32 to index
      %swap3A_310 = arith.constant 48 : index
      %swap3A_311 = tpu.vector_load %arg9[%swap3A_309, %swap3A_310] {strides = array<i32>} : memref<128x128xf32, #tpu.memory_space<vmem>>, vector<1x16xf32>,
      %swap3A_312 = vector.shape_cast %swap3A_311 : vector<1x16xf32> to vector<16xf32>
      %swap3A_313 = vector.shape_cast %broadcast_in_dim3A_55 : vector<16xf32> to vector<1x16xf32>
      tpu.vector_store %arg9[%swap3A_309, %swap3A_310], %swap3A_313 {strides = array<i32>} : memref<128x128xf32, #tpu.memory_space<vmem>>, vector<1x16xf32>,
      %swap3A_314 = arith.index_cast %scan3A_294 : i32 to index
      %swap3A_315 = arith.constant 64 : index
      %swap3A_316 = tpu.vector_load %arg9[%swap3A_314, %swap3A_315] {strides = array<i32>} : memref<128x128xf32, #tpu.memory_space<vmem>>, vector<1x16xf32>,
      %swap3A_317 = vector.shape_cast %swap3A_316 : vector<1x16xf32> to vector<16xf32>
      %swap3A_318 = vector.shape_cast %broadcast_in_dim3A_55 : vector<16xf32> to vector<1x16xf32>
      tpu.vector_store %arg9[%swap3A_314, %swap3A_315], %swap3A_318 {strides = array<i32>} : memref<128x128xf32, #tpu.memory_space<vmem>>, vector<1x16xf32>,
      %swap3A_319 = arith.index_cast %scan3A_294 : i32 to index
      %swap3A_320 = arith.constant 80 : index
      %swap3A_321 = tpu.vector_load %arg9[%swap3A_319, %swap3A_320] {strides = array<i32>} : memref<128x128xf32, #tpu.memory_space<vmem>>, vector<1x16xf32>,
      %swap3A_322 = vector.shape_cast %swap3A_321 : vector<1x16xf32> to vector<16xf32>
      %swap3A_323 = vector.shape_cast %broadcast_in_dim3A_55 : vector<16xf32> to vector<1x16xf32>
      tpu.vector_store %arg9[%swap3A_319, %swap3A_320], %swap3A_323 {strides = array<i32>} : memref<128x128xf32, #tpu.memory_space<vmem>>, vector<1x16xf32>,
      %swap3A_324 = arith.index_cast %scan3A_294 : i32 to index
      %swap3A_325 = arith.constant 96 : index
      %swap3A_326 = tpu.vector_load %arg9[%swap3A_324, %swap3A_325] {strides = array<i32>} : memref<128x128xf32, #tpu.memory_space<vmem>>, vector<1x16xf32>,
      %swap3A_327 = vector.shape_cast %swap3A_326 : vector<1x16xf32> to vector<16xf32>
      %swap3A_328 = vector.shape_cast %broadcast_in_dim3A_55 : vector<16xf32> to vector<1x16xf32>
      tpu.vector_store %arg9[%swap3A_324, %swap3A_325], %swap3A_328 {strides = array<i32>} : memref<128x128xf32, #tpu.memory_space<vmem>>, vector<1x16xf32>,
      %swap3A_329 = arith.index_cast %scan3A_294 : i32 to index
      %swap3A_330 = arith.constant 112 : index
      %swap3A_331 = tpu.vector_load %arg9[%swap3A_329, %swap3A_330] {strides = array<i32>} : memref<128x128xf32, #tpu.memory_space<vmem>>, vector<1x16xf32>,
      %swap3A_332 = vector.shape_cast %swap3A_331 : vector<1x16xf32> to vector<16xf32>
      %swap3A_333 = vector.shape_cast %broadcast_in_dim3A_55 : vector<16xf32> to vector<1x16xf32>
      tpu.vector_store %arg9[%swap3A_329, %swap3A_330], %swap3A_333 {strides = array<i32>} : memref<128x128xf32, #tpu.memory_space<vmem>>, vector<1x16xf32>,
    }
    %scan3A_60 = arith.constant 128 : i32
    %scan3A_61 = arith.constant 0 : i32
    %scan3A_62 = arith.constant 0 : i32
    %scan3A_63 = arith.constant 5 : i32
    %scan3A_64 = arith.addi %scan3A_62, %scan3A_63 : i32
    %scan3A_65 = arith.constant 1 : i32
    scf.for %scan3A_294 = %scan3A_62 to %scan3A_64 step %scan3A_65  : i32 {
      %mul3A_295 = arith.constant 640 : i32
      %mul3A_296 = arith.muli %arg1, %mul3A_295 : i32
      %mul3A_297 = arith.constant 128 : i32
      %mul3A_298 = arith.muli %scan3A_294, %mul3A_297 : i32
      %add3A_299 = arith.addi %mul3A_296, %mul3A_298 : i32
      "tpu.region"() ({
        %run_scoped3A = tpu.sem_alloc : memref<!tpu.dma_semaphore, #tpu.memory_space<semaphore_mem>>
        %dma_start3A_300 = arith.constant 0 : i32
        %dma_start3A_301 = tpu.memref_slice %arg11[%add3A_299, %dma_start3A_300] : memref<10240x128xf32, #tpu.memory_space<vmem_shared>> -> memref<128x128xf32, #tpu.memory_space<vmem_shared>>
        %dma_start3A_302 = arith.constant 0 : i32
        %dma_start3A_303 = tpu.memref_slice %arg11[%add3A_299, %dma_start3A_302] : memref<10240x128xf32, #tpu.memory_space<vmem_shared>> -> memref<128x128xf32, #tpu.memory_space<vmem_shared>>
        tpu.enqueue_dma source(%arg9 : memref<128x128xf32, #tpu.memory_space<vmem>>) target(%dma_start3A_303 : memref<128x128xf32, #tpu.memory_space<vmem_shared>>) target_semaphore(%run_scoped3A : memref<!tpu.dma_semaphore, #tpu.memory_space<semaphore_mem>>)
        %dma_wait3A_304 = arith.constant 0 : i32
        %dma_wait3A_305 = tpu.memref_slice %arg11[%add3A_299, %dma_wait3A_304] : memref<10240x128xf32, #tpu.memory_space<vmem_shared>> -> memref<128x128xf32, #tpu.memory_space<vmem_shared>>
        %dma_wait3A_306 = arith.constant 0 : i32
        %dma_wait3A_307 = tpu.memref_slice %arg11[%add3A_299, %dma_wait3A_306] : memref<10240x128xf32, #tpu.memory_space<vmem_shared>> -> memref<128x128xf32, #tpu.memory_space<vmem_shared>>
        tpu.wait_dma2 semaphore(%run_scoped3A : memref<!tpu.dma_semaphore, #tpu.memory_space<semaphore_mem>>) src(%arg9 : memref<128x128xf32, #tpu.memory_space<vmem>>) dst(%dma_wait3A_307 : memref<128x128xf32, #tpu.memory_space<vmem_shared>>)
        tpu.yield
      }) : () -> ()
    }
    %scan3A_66 = arith.constant 5 : i32
    %broadcast_in_dim3A_67 = arith.constant 1.000000e+00 : f32
    %broadcast_in_dim3A_68 = vector.broadcast %broadcast_in_dim3A_67 : f32 to vector<16xf32>
    %scan3A_69 = arith.constant 0 : i32
    %scan3A_70 = arith.constant 0 : i32
    %scan3A_71 = arith.constant 64 : i32
    %scan3A_72 = arith.addi %scan3A_70, %scan3A_71 : i32
    %scan3A_73 = arith.constant 1 : i32
    scf.for %scan3A_294 = %scan3A_70 to %scan3A_72 step %scan3A_73  : i32 {
      %swap3A = arith.index_cast %scan3A_294 : i32 to index
      %swap3A_295 = arith.constant 0 : index
      %swap3A_296 = tpu.vector_load %arg15[%swap3A, %swap3A_295] {strides = array<i32>} : memref<64x16xf32, #tpu.memory_space<vmem>>, vector<1x16xf32>,
      %swap3A_297 = vector.shape_cast %swap3A_296 : vector<1x16xf32> to vector<16xf32>
      %swap3A_298 = vector.shape_cast %broadcast_in_dim3A_55 : vector<16xf32> to vector<1x16xf32>
      tpu.vector_store %arg15[%swap3A, %swap3A_295], %swap3A_298 {strides = array<i32>} : memref<64x16xf32, #tpu.memory_space<vmem>>, vector<1x16xf32>,
    }
    %scan3A_74 = arith.constant 64 : i32
    %scan3A_75 = arith.constant 0 : i32
    %scan3A_76 = arith.constant 0 : i32
    %scan3A_77 = arith.constant 128 : i32
    %scan3A_78 = arith.addi %scan3A_76, %scan3A_77 : i32
    %scan3A_79 = arith.constant 1 : i32
    scf.for %scan3A_294 = %scan3A_76 to %scan3A_78 step %scan3A_79  : i32 {
      %swap3A = arith.index_cast %scan3A_294 : i32 to index
      %swap3A_295 = arith.constant 0 : index
      %swap3A_296 = tpu.vector_load %arg16[%swap3A, %swap3A_295] {strides = array<i32>} : memref<128x16xf32, #tpu.memory_space<vmem>>, vector<1x16xf32>,
      %swap3A_297 = vector.shape_cast %swap3A_296 : vector<1x16xf32> to vector<16xf32>
      %swap3A_298 = vector.shape_cast %broadcast_in_dim3A_68 : vector<16xf32> to vector<1x16xf32>
      tpu.vector_store %arg16[%swap3A, %swap3A_295], %swap3A_298 {strides = array<i32>} : memref<128x16xf32, #tpu.memory_space<vmem>>, vector<1x16xf32>,
    }
    %scan3A_80 = arith.constant 128 : i32
    %scan3A_81 = arith.constant 0 : i32
    %scan3A_82 = arith.constant 0 : i32
    %scan3A_83 = arith.constant 10 : i32
    %scan3A_84 = arith.addi %scan3A_82, %scan3A_83 : i32
    %scan3A_85 = arith.constant 1 : i32
    scf.for %scan3A_294 = %scan3A_82 to %scan3A_84 step %scan3A_85  : i32 {
      %mul3A_295 = arith.constant 640 : i32
      %mul3A_296 = arith.muli %arg1, %mul3A_295 : i32
      %mul3A_297 = arith.constant 64 : i32
      %mul3A_298 = arith.muli %scan3A_294, %mul3A_297 : i32
      %add3A_299 = arith.addi %mul3A_296, %mul3A_298 : i32
      "tpu.region"() ({
        %run_scoped3A = tpu.sem_alloc : memref<!tpu.dma_semaphore, #tpu.memory_space<semaphore_mem>>
        %dma_start3A_300 = arith.constant 0 : i32
        %dma_start3A_301 = tpu.memref_slice %arg17[%add3A_299, %dma_start3A_300] : memref<10240x16xf32, #tpu.memory_space<vmem_shared>> -> memref<64x16xf32, #tpu.memory_space<vmem_shared>>
        %dma_start3A_302 = arith.constant 0 : i32
        %dma_start3A_303 = tpu.memref_slice %arg17[%add3A_299, %dma_start3A_302] : memref<10240x16xf32, #tpu.memory_space<vmem_shared>> -> memref<64x16xf32, #tpu.memory_space<vmem_shared>>
        tpu.enqueue_dma source(%arg15 : memref<64x16xf32, #tpu.memory_space<vmem>>) target(%dma_start3A_303 : memref<64x16xf32, #tpu.memory_space<vmem_shared>>) target_semaphore(%run_scoped3A : memref<!tpu.dma_semaphore, #tpu.memory_space<semaphore_mem>>)
        %dma_wait3A_304 = arith.constant 0 : i32
        %dma_wait3A_305 = tpu.memref_slice %arg17[%add3A_299, %dma_wait3A_304] : memref<10240x16xf32, #tpu.memory_space<vmem_shared>> -> memref<64x16xf32, #tpu.memory_space<vmem_shared>>
        %dma_wait3A_306 = arith.constant 0 : i32
        %dma_wait3A_307 = tpu.memref_slice %arg17[%add3A_299, %dma_wait3A_306] : memref<10240x16xf32, #tpu.memory_space<vmem_shared>> -> memref<64x16xf32, #tpu.memory_space<vmem_shared>>
        tpu.wait_dma2 semaphore(%run_scoped3A : memref<!tpu.dma_semaphore, #tpu.memory_space<semaphore_mem>>) src(%arg15 : memref<64x16xf32, #tpu.memory_space<vmem>>) dst(%dma_wait3A_307 : memref<64x16xf32, #tpu.memory_space<vmem_shared>>)
        tpu.yield
      }) : () -> ()
    }
    %scan3A_86 = arith.constant 10 : i32
    %dma_wait3A = arith.constant 0 : i32
    %dma_wait3A_87 = arith.constant 0 : i32
    %dma_wait3A_88 = arith.constant 0 : i32
    %dma_wait3A_89 = tpu.memref_slice %arg7[%dma_wait3A_87, %dma_wait3A_88] : memref<8x128xi32, #tpu.memory_space<vmem>> -> memref<1x128xi32, #tpu.memory_space<vmem>>
    %dma_wait3A_90 = tpu.memref_squeeze %dma_wait3A_89 : memref<1x128xi32, #tpu.memory_space<vmem>> -> memref<128xi32, #tpu.memory_space<vmem>>
    %dma_wait3A_91 = arith.constant 0 : i32
    %dma_wait3A_92 = tpu.memref_slice %arg3[%dma_wait3A, %dma_wait3A_91] : memref<2x320000xi32, #tpu.memory_space<hbm>> -> memref<1x128xi32, #tpu.memory_space<hbm>>
    %dma_wait3A_93 = tpu.memref_squeeze %dma_wait3A_92 : memref<1x128xi32, #tpu.memory_space<hbm>> -> memref<128xi32, #tpu.memory_space<hbm>>
    %dma_wait3A_94 = arith.constant 0 : i32
    %dma_wait3A_95 = tpu.memref_slice %arg7[%dma_wait3A_87, %dma_wait3A_94] : memref<8x128xi32, #tpu.memory_space<vmem>> -> memref<1x128xi32, #tpu.memory_space<vmem>>
    %dma_wait3A_96 = tpu.memref_squeeze %dma_wait3A_95 : memref<1x128xi32, #tpu.memory_space<vmem>> -> memref<128xi32, #tpu.memory_space<vmem>>
    %dma_wait3A_97 = arith.constant 0 : i32
    %dma_wait3A_98 = tpu.memref_slice %arg3[%dma_wait3A, %dma_wait3A_97] : memref<2x320000xi32, #tpu.memory_space<hbm>> -> memref<1x128xi32, #tpu.memory_space<hbm>>
    %dma_wait3A_99 = tpu.memref_squeeze %dma_wait3A_98 : memref<1x128xi32, #tpu.memory_space<hbm>> -> memref<128xi32, #tpu.memory_space<hbm>>
    tpu.wait_dma2 semaphore(%arg12 : memref<!tpu.dma_semaphore, #tpu.memory_space<semaphore_mem>>) src(%dma_wait3A_99 : memref<128xi32, #tpu.memory_space<hbm>>) dst(%dma_wait3A_96 : memref<128xi32, #tpu.memory_space<vmem>>)
    %dma_wait3A_100 = arith.constant 0 : i32
    %dma_wait3A_101 = arith.constant 0 : i32
    %dma_wait3A_102 = arith.constant 0 : i32
    %dma_wait3A_103 = tpu.memref_slice %arg7[%dma_wait3A_101, %dma_wait3A_102] : memref<8x128xi32, #tpu.memory_space<vmem>> -> memref<1x128xi32, #tpu.memory_space<vmem>>
    %dma_wait3A_104 = tpu.memref_squeeze %dma_wait3A_103 : memref<1x128xi32, #tpu.memory_space<vmem>> -> memref<128xi32, #tpu.memory_space<vmem>>
    %dma_wait3A_105 = arith.constant 0 : i32
    %dma_wait3A_106 = tpu.memref_slice %arg3[%dma_wait3A_100, %dma_wait3A_105] : memref<2x320000xi32, #tpu.memory_space<hbm>> -> memref<1x128xi32, #tpu.memory_space<hbm>>
    %dma_wait3A_107 = tpu.memref_squeeze %dma_wait3A_106 : memref<1x128xi32, #tpu.memory_space<hbm>> -> memref<128xi32, #tpu.memory_space<hbm>>
    %dma_wait3A_108 = arith.constant 0 : i32
    %dma_wait3A_109 = tpu.memref_slice %arg7[%dma_wait3A_101, %dma_wait3A_108] : memref<8x128xi32, #tpu.memory_space<vmem>> -> memref<1x128xi32, #tpu.memory_space<vmem>>
    %dma_wait3A_110 = tpu.memref_squeeze %dma_wait3A_109 : memref<1x128xi32, #tpu.memory_space<vmem>> -> memref<128xi32, #tpu.memory_space<vmem>>
    %dma_wait3A_111 = arith.constant 0 : i32
    %dma_wait3A_112 = tpu.memref_slice %arg3[%dma_wait3A_100, %dma_wait3A_111] : memref<2x320000xi32, #tpu.memory_space<hbm>> -> memref<1x128xi32, #tpu.memory_space<hbm>>
    %dma_wait3A_113 = tpu.memref_squeeze %dma_wait3A_112 : memref<1x128xi32, #tpu.memory_space<hbm>> -> memref<128xi32, #tpu.memory_space<hbm>>
    tpu.wait_dma2 semaphore(%arg12 : memref<!tpu.dma_semaphore, #tpu.memory_space<semaphore_mem>>) src(%dma_wait3A_113 : memref<128xi32, #tpu.memory_space<hbm>>) dst(%dma_wait3A_110 : memref<128xi32, #tpu.memory_space<vmem>>)
    %dma_wait3A_114 = arith.constant 0 : i32
    %dma_wait3A_115 = arith.constant 0 : i32
    %dma_wait3A_116 = arith.constant 0 : i32
    %dma_wait3A_117 = tpu.memref_slice %arg7[%dma_wait3A_115, %dma_wait3A_116] : memref<8x128xi32, #tpu.memory_space<vmem>> -> memref<1x128xi32, #tpu.memory_space<vmem>>
    %dma_wait3A_118 = tpu.memref_squeeze %dma_wait3A_117 : memref<1x128xi32, #tpu.memory_space<vmem>> -> memref<128xi32, #tpu.memory_space<vmem>>
    %dma_wait3A_119 = arith.constant 0 : i32
    %dma_wait3A_120 = tpu.memref_slice %arg3[%dma_wait3A_114, %dma_wait3A_119] : memref<2x320000xi32, #tpu.memory_space<hbm>> -> memref<1x128xi32, #tpu.memory_space<hbm>>
    %dma_wait3A_121 = tpu.memref_squeeze %dma_wait3A_120 : memref<1x128xi32, #tpu.memory_space<hbm>> -> memref<128xi32, #tpu.memory_space<hbm>>
    %dma_wait3A_122 = arith.constant 0 : i32
    %dma_wait3A_123 = tpu.memref_slice %arg7[%dma_wait3A_115, %dma_wait3A_122] : memref<8x128xi32, #tpu.memory_space<vmem>> -> memref<1x128xi32, #tpu.memory_space<vmem>>
    %dma_wait3A_124 = tpu.memref_squeeze %dma_wait3A_123 : memref<1x128xi32, #tpu.memory_space<vmem>> -> memref<128xi32, #tpu.memory_space<vmem>>
    %dma_wait3A_125 = arith.constant 0 : i32
    %dma_wait3A_126 = tpu.memref_slice %arg3[%dma_wait3A_114, %dma_wait3A_125] : memref<2x320000xi32, #tpu.memory_space<hbm>> -> memref<1x128xi32, #tpu.memory_space<hbm>>
    %dma_wait3A_127 = tpu.memref_squeeze %dma_wait3A_126 : memref<1x128xi32, #tpu.memory_space<hbm>> -> memref<128xi32, #tpu.memory_space<hbm>>
    tpu.wait_dma2 semaphore(%arg12 : memref<!tpu.dma_semaphore, #tpu.memory_space<semaphore_mem>>) src(%dma_wait3A_127 : memref<128xi32, #tpu.memory_space<hbm>>) dst(%dma_wait3A_124 : memref<128xi32, #tpu.memory_space<vmem>>)
    %dma_wait3A_128 = arith.constant 0 : i32
    %dma_wait3A_129 = arith.constant 0 : i32
    %dma_wait3A_130 = arith.constant 0 : i32
    %dma_wait3A_131 = tpu.memref_slice %arg7[%dma_wait3A_129, %dma_wait3A_130] : memref<8x128xi32, #tpu.memory_space<vmem>> -> memref<1x128xi32, #tpu.memory_space<vmem>>
    %dma_wait3A_132 = tpu.memref_squeeze %dma_wait3A_131 : memref<1x128xi32, #tpu.memory_space<vmem>> -> memref<128xi32, #tpu.memory_space<vmem>>
    %dma_wait3A_133 = arith.constant 0 : i32
    %dma_wait3A_134 = tpu.memref_slice %arg3[%dma_wait3A_128, %dma_wait3A_133] : memref<2x320000xi32, #tpu.memory_space<hbm>> -> memref<1x128xi32, #tpu.memory_space<hbm>>
    %dma_wait3A_135 = tpu.memref_squeeze %dma_wait3A_134 : memref<1x128xi32, #tpu.memory_space<hbm>> -> memref<128xi32, #tpu.memory_space<hbm>>
    %dma_wait3A_136 = arith.constant 0 : i32
    %dma_wait3A_137 = tpu.memref_slice %arg7[%dma_wait3A_129, %dma_wait3A_136] : memref<8x128xi32, #tpu.memory_space<vmem>> -> memref<1x128xi32, #tpu.memory_space<vmem>>
    %dma_wait3A_138 = tpu.memref_squeeze %dma_wait3A_137 : memref<1x128xi32, #tpu.memory_space<vmem>> -> memref<128xi32, #tpu.memory_space<vmem>>
    %dma_wait3A_139 = arith.constant 0 : i32
    %dma_wait3A_140 = tpu.memref_slice %arg3[%dma_wait3A_128, %dma_wait3A_139] : memref<2x320000xi32, #tpu.memory_space<hbm>> -> memref<1x128xi32, #tpu.memory_space<hbm>>
    %dma_wait3A_141 = tpu.memref_squeeze %dma_wait3A_140 : memref<1x128xi32, #tpu.memory_space<hbm>> -> memref<128xi32, #tpu.memory_space<hbm>>
    tpu.wait_dma2 semaphore(%arg12 : memref<!tpu.dma_semaphore, #tpu.memory_space<semaphore_mem>>) src(%dma_wait3A_141 : memref<128xi32, #tpu.memory_space<hbm>>) dst(%dma_wait3A_138 : memref<128xi32, #tpu.memory_space<vmem>>)
    %barrier3A = arith.constant 0 : index
    tpu.barrier barrier_id(%barrier3A)
    %rem3A_142 = arith.constant 0 : i32
    %rem3A_143 = arith.constant 8 : i32
    %rem3A_144 = arith.remsi %rem3A_142, %rem3A_143 : i32
    %dma_start3A = arith.constant 0 : i32
    %dma_start3A_145 = tpu.memref_slice %arg7[%rem3A_144, %dma_start3A] : memref<8x128xi32, #tpu.memory_space<vmem>> -> memref<1x128xi32, #tpu.memory_space<vmem>>
    %dma_start3A_146 = tpu.memref_squeeze %dma_start3A_145 : memref<1x128xi32, #tpu.memory_space<vmem>> -> memref<128xi32, #tpu.memory_space<vmem>>
    %dma_start3A_147 = arith.constant 0 : i32
    %dma_start3A_148 = arith.constant 0 : i32
    %dma_start3A_149 = tpu.memref_slice %arg2[%dma_start3A_147, %dma_start3A_148] : memref<10000x128xf32, #tpu.memory_space<hbm>> -> memref<10000x128xf32, #tpu.memory_space<hbm>>
    tpu.enqueue_indirect_dma source(%dma_start3A_149 : memref<10000x128xf32, #tpu.memory_space<hbm>>) target(%arg9 : memref<128x128xf32, #tpu.memory_space<vmem>>) offsets(%dma_start3A_146 : memref<128xi32, #tpu.memory_space<vmem>>) semaphore(%arg13 : memref<!tpu.dma_semaphore, #tpu.memory_space<semaphore_mem>>)
    %while3A = arith.constant 0 : i32
    %while3A_150 = arith.constant 0 : i32
    %while3A_151 = arith.subi %select_n3A_19, %while3A_150 : i32
    %while3A_152 = arith.addi %while3A_150, %while3A_151 : i32
    %while3A_153 = arith.constant 1 : i32
    %while3A_154 = arith.divsi %while3A_151, %while3A_153 : i32
    %while3A_155 = arith.muli %while3A_154, %while3A_153 : i32
    %while3A_156 = arith.addi %while3A_150, %while3A_155 : i32
    %while3A_157 = arith.constant 1 : i32
    scf.for %while3A_294 = %while3A_150 to %while3A_156 step %while3A_157  : i32 {
      %mul3A_295 = arith.constant 2 : i32
      %mul3A_296 = arith.muli %mul3A_295, %while3A_294 : i32
      %add3A_297 = arith.constant 1 : i32
      %add3A_298 = arith.addi %mul3A_296, %add3A_297 : i32
      %sub3A_299 = arith.constant 1 : i32
      %sub3A_300 = arith.subi %select_n3A_19, %sub3A_299 : i32
      %lt3A_301 = arith.cmpi slt, %while3A_294, %sub3A_300 : i32
      %convert_element_type3A_302 = arith.extui %lt3A_301 : i1 to i32
      %cond3A_303 = arith.constant 0 : i32
      %cond3A_304 = arith.cmpi ne, %convert_element_type3A_302, %cond3A_303 : i32
      scf.if %cond3A_304 {
        %add3A_368 = arith.constant 2 : i32
        %add3A_369 = arith.addi %mul3A_296, %add3A_368 : i32
        %rem3A_370 = arith.constant 8 : i32
        %rem3A_371 = arith.remsi %add3A_369, %rem3A_370 : i32
        %mul3A_372 = arith.constant 128 : i32
        %mul3A_373 = arith.muli %add3A_369, %mul3A_372 : i32
        %add3A_374 = arith.addi %mul3A_28, %mul3A_373 : i32
        %lt3A_375 = arith.constant 320000 : i32
        %lt3A_376 = arith.cmpi slt, %add3A_374, %lt3A_375 : i32
        %convert_element_type3A_377 = arith.extui %lt3A_376 : i1 to i32
        %cond3A_378 = arith.constant 0 : i32
        %cond3A_379 = arith.cmpi ne, %convert_element_type3A_377, %cond3A_378 : i32
        scf.if %cond3A_379 {
          %dma_start3A_402 = arith.constant 0 : i32
          %dma_start3A_403 = arith.constant 0 : i32
          %dma_start3A_404 = tpu.memref_slice %arg7[%rem3A_371, %dma_start3A_403] : memref<8x128xi32, #tpu.memory_space<vmem>> -> memref<1x128xi32, #tpu.memory_space<vmem>>
          %dma_start3A_405 = tpu.memref_squeeze %dma_start3A_404 : memref<1x128xi32, #tpu.memory_space<vmem>> -> memref<128xi32, #tpu.memory_space<vmem>>
          %dma_start3A_406 = tpu.memref_slice %arg3[%dma_start3A_402, %add3A_374] : memref<2x320000xi32, #tpu.memory_space<hbm>> -> memref<1x128xi32, #tpu.memory_space<hbm>>
          %dma_start3A_407 = tpu.memref_squeeze %dma_start3A_406 : memref<1x128xi32, #tpu.memory_space<hbm>> -> memref<128xi32, #tpu.memory_space<hbm>>
          %dma_start3A_408 = arith.constant 0 : i32
          %dma_start3A_409 = tpu.memref_slice %arg7[%rem3A_371, %dma_start3A_408] : memref<8x128xi32, #tpu.memory_space<vmem>> -> memref<1x128xi32, #tpu.memory_space<vmem>>
          %dma_start3A_410 = tpu.memref_squeeze %dma_start3A_409 : memref<1x128xi32, #tpu.memory_space<vmem>> -> memref<128xi32, #tpu.memory_space<vmem>>
          %dma_start3A_411 = tpu.memref_slice %arg3[%dma_start3A_402, %add3A_374] : memref<2x320000xi32, #tpu.memory_space<hbm>> -> memref<1x128xi32, #tpu.memory_space<hbm>>
          %dma_start3A_412 = tpu.memref_squeeze %dma_start3A_411 : memref<1x128xi32, #tpu.memory_space<hbm>> -> memref<128xi32, #tpu.memory_space<hbm>>
          tpu.enqueue_dma source(%dma_start3A_412 : memref<128xi32, #tpu.memory_space<hbm>>) target(%dma_start3A_410 : memref<128xi32, #tpu.memory_space<vmem>>) target_semaphore(%arg12 : memref<!tpu.dma_semaphore, #tpu.memory_space<semaphore_mem>>)
          %dma_start3A_413 = arith.constant 1 : i32
          %dma_start3A_414 = arith.constant 0 : i32
          %dma_start3A_415 = tpu.memref_slice %arg8[%rem3A_371, %dma_start3A_414] : memref<8x128xi32, #tpu.memory_space<vmem>> -> memref<1x128xi32, #tpu.memory_space<vmem>>
          %dma_start3A_416 = tpu.memref_squeeze %dma_start3A_415 : memref<1x128xi32, #tpu.memory_space<vmem>> -> memref<128xi32, #tpu.memory_space<vmem>>
          %dma_start3A_417 = tpu.memref_slice %arg3[%dma_start3A_413, %add3A_374] : memref<2x320000xi32, #tpu.memory_space<hbm>> -> memref<1x128xi32, #tpu.memory_space<hbm>>
          %dma_start3A_418 = tpu.memref_squeeze %dma_start3A_417 : memref<1x128xi32, #tpu.memory_space<hbm>> -> memref<128xi32, #tpu.memory_space<hbm>>
          %dma_start3A_419 = arith.constant 0 : i32
          %dma_start3A_420 = tpu.memref_slice %arg8[%rem3A_371, %dma_start3A_419] : memref<8x128xi32, #tpu.memory_space<vmem>> -> memref<1x128xi32, #tpu.memory_space<vmem>>
          %dma_start3A_421 = tpu.memref_squeeze %dma_start3A_420 : memref<1x128xi32, #tpu.memory_space<vmem>> -> memref<128xi32, #tpu.memory_space<vmem>>
          %dma_start3A_422 = tpu.memref_slice %arg3[%dma_start3A_413, %add3A_374] : memref<2x320000xi32, #tpu.memory_space<hbm>> -> memref<1x128xi32, #tpu.memory_space<hbm>>
          %dma_start3A_423 = tpu.memref_squeeze %dma_start3A_422 : memref<1x128xi32, #tpu.memory_space<hbm>> -> memref<128xi32, #tpu.memory_space<hbm>>
          tpu.enqueue_dma source(%dma_start3A_423 : memref<128xi32, #tpu.memory_space<hbm>>) target(%dma_start3A_421 : memref<128xi32, #tpu.memory_space<vmem>>) target_semaphore(%arg12 : memref<!tpu.dma_semaphore, #tpu.memory_space<semaphore_mem>>)
        } else {
        }
        %ge3A_380 = arith.constant 320000 : i32
        %ge3A_381 = arith.cmpi sge, %add3A_374, %ge3A_380 : i32
        %convert_element_type3A_382 = arith.extui %ge3A_381 : i1 to i32
        %cond3A_383 = arith.constant 0 : i32
        %cond3A_384 = arith.cmpi ne, %convert_element_type3A_382, %cond3A_383 : i32
        scf.if %cond3A_384 {
          %sub3A_402 = arith.constant 320000 : i32
          %sub3A_403 = arith.subi %add3A_374, %sub3A_402 : i32
          %dma_start3A_404 = arith.constant 0 : i32
          %dma_start3A_405 = arith.constant 0 : i32
          %dma_start3A_406 = tpu.memref_slice %arg7[%rem3A_371, %dma_start3A_405] : memref<8x128xi32, #tpu.memory_space<vmem>> -> memref<1x128xi32, #tpu.memory_space<vmem>>
          %dma_start3A_407 = tpu.memref_squeeze %dma_start3A_406 : memref<1x128xi32, #tpu.memory_space<vmem>> -> memref<128xi32, #tpu.memory_space<vmem>>
          %dma_start3A_408 = tpu.memref_slice %arg4[%dma_start3A_404, %sub3A_403] : memref<2x7680xi32, #tpu.memory_space<hbm>> -> memref<1x128xi32, #tpu.memory_space<hbm>>
          %dma_start3A_409 = tpu.memref_squeeze %dma_start3A_408 : memref<1x128xi32, #tpu.memory_space<hbm>> -> memref<128xi32, #tpu.memory_space<hbm>>
          %dma_start3A_410 = arith.constant 0 : i32
          %dma_start3A_411 = tpu.memref_slice %arg7[%rem3A_371, %dma_start3A_410] : memref<8x128xi32, #tpu.memory_space<vmem>> -> memref<1x128xi32, #tpu.memory_space<vmem>>
          %dma_start3A_412 = tpu.memref_squeeze %dma_start3A_411 : memref<1x128xi32, #tpu.memory_space<vmem>> -> memref<128xi32, #tpu.memory_space<vmem>>
          %dma_start3A_413 = tpu.memref_slice %arg4[%dma_start3A_404, %sub3A_403] : memref<2x7680xi32, #tpu.memory_space<hbm>> -> memref<1x128xi32, #tpu.memory_space<hbm>>
          %dma_start3A_414 = tpu.memref_squeeze %dma_start3A_413 : memref<1x128xi32, #tpu.memory_space<hbm>> -> memref<128xi32, #tpu.memory_space<hbm>>
          tpu.enqueue_dma source(%dma_start3A_414 : memref<128xi32, #tpu.memory_space<hbm>>) target(%dma_start3A_412 : memref<128xi32, #tpu.memory_space<vmem>>) target_semaphore(%arg12 : memref<!tpu.dma_semaphore, #tpu.memory_space<semaphore_mem>>)
          %sub3A_415 = arith.constant 320000 : i32
          %sub3A_416 = arith.subi %add3A_374, %sub3A_415 : i32
          %dma_start3A_417 = arith.constant 1 : i32
          %dma_start3A_418 = arith.constant 0 : i32
          %dma_start3A_419 = tpu.memref_slice %arg8[%rem3A_371, %dma_start3A_418] : memref<8x128xi32, #tpu.memory_space<vmem>> -> memref<1x128xi32, #tpu.memory_space<vmem>>
          %dma_start3A_420 = tpu.memref_squeeze %dma_start3A_419 : memref<1x128xi32, #tpu.memory_space<vmem>> -> memref<128xi32, #tpu.memory_space<vmem>>
          %dma_start3A_421 = tpu.memref_slice %arg4[%dma_start3A_417, %sub3A_416] : memref<2x7680xi32, #tpu.memory_space<hbm>> -> memref<1x128xi32, #tpu.memory_space<hbm>>
          %dma_start3A_422 = tpu.memref_squeeze %dma_start3A_421 : memref<1x128xi32, #tpu.memory_space<hbm>> -> memref<128xi32, #tpu.memory_space<hbm>>
          %dma_start3A_423 = arith.constant 0 : i32
          %dma_start3A_424 = tpu.memref_slice %arg8[%rem3A_371, %dma_start3A_423] : memref<8x128xi32, #tpu.memory_space<vmem>> -> memref<1x128xi32, #tpu.memory_space<vmem>>
          %dma_start3A_425 = tpu.memref_squeeze %dma_start3A_424 : memref<1x128xi32, #tpu.memory_space<vmem>> -> memref<128xi32, #tpu.memory_space<vmem>>
          %dma_start3A_426 = tpu.memref_slice %arg4[%dma_start3A_417, %sub3A_416] : memref<2x7680xi32, #tpu.memory_space<hbm>> -> memref<1x128xi32, #tpu.memory_space<hbm>>
          %dma_start3A_427 = tpu.memref_squeeze %dma_start3A_426 : memref<1x128xi32, #tpu.memory_space<hbm>> -> memref<128xi32, #tpu.memory_space<hbm>>
          tpu.enqueue_dma source(%dma_start3A_427 : memref<128xi32, #tpu.memory_space<hbm>>) target(%dma_start3A_425 : memref<128xi32, #tpu.memory_space<vmem>>) target_semaphore(%arg12 : memref<!tpu.dma_semaphore, #tpu.memory_space<semaphore_mem>>)
        } else {
        }
        %add3A_385 = arith.constant 2 : i32
        %add3A_386 = arith.addi %add3A_298, %add3A_385 : i32
        %rem3A_387 = arith.constant 8 : i32
        %rem3A_388 = arith.remsi %add3A_386, %rem3A_387 : i32
        %mul3A_389 = arith.constant 128 : i32
        %mul3A_390 = arith.muli %add3A_386, %mul3A_389 : i32
        %add3A_391 = arith.addi %mul3A_28, %mul3A_390 : i32
        %lt3A_392 = arith.constant 320000 : i32
        %lt3A_393 = arith.cmpi slt, %add3A_391, %lt3A_392 : i32
        %convert_element_type3A_394 = arith.extui %lt3A_393 : i1 to i32
        %cond3A_395 = arith.constant 0 : i32
        %cond3A_396 = arith.cmpi ne, %convert_element_type3A_394, %cond3A_395 : i32
        scf.if %cond3A_396 {
          %dma_start3A_402 = arith.constant 0 : i32
          %dma_start3A_403 = arith.constant 0 : i32
          %dma_start3A_404 = tpu.memref_slice %arg7[%rem3A_388, %dma_start3A_403] : memref<8x128xi32, #tpu.memory_space<vmem>> -> memref<1x128xi32, #tpu.memory_space<vmem>>
          %dma_start3A_405 = tpu.memref_squeeze %dma_start3A_404 : memref<1x128xi32, #tpu.memory_space<vmem>> -> memref<128xi32, #tpu.memory_space<vmem>>
          %dma_start3A_406 = tpu.memref_slice %arg3[%dma_start3A_402, %add3A_391] : memref<2x320000xi32, #tpu.memory_space<hbm>> -> memref<1x128xi32, #tpu.memory_space<hbm>>
          %dma_start3A_407 = tpu.memref_squeeze %dma_start3A_406 : memref<1x128xi32, #tpu.memory_space<hbm>> -> memref<128xi32, #tpu.memory_space<hbm>>
          %dma_start3A_408 = arith.constant 0 : i32
          %dma_start3A_409 = tpu.memref_slice %arg7[%rem3A_388, %dma_start3A_408] : memref<8x128xi32, #tpu.memory_space<vmem>> -> memref<1x128xi32, #tpu.memory_space<vmem>>
          %dma_start3A_410 = tpu.memref_squeeze %dma_start3A_409 : memref<1x128xi32, #tpu.memory_space<vmem>> -> memref<128xi32, #tpu.memory_space<vmem>>
          %dma_start3A_411 = tpu.memref_slice %arg3[%dma_start3A_402, %add3A_391] : memref<2x320000xi32, #tpu.memory_space<hbm>> -> memref<1x128xi32, #tpu.memory_space<hbm>>
          %dma_start3A_412 = tpu.memref_squeeze %dma_start3A_411 : memref<1x128xi32, #tpu.memory_space<hbm>> -> memref<128xi32, #tpu.memory_space<hbm>>
          tpu.enqueue_dma source(%dma_start3A_412 : memref<128xi32, #tpu.memory_space<hbm>>) target(%dma_start3A_410 : memref<128xi32, #tpu.memory_space<vmem>>) target_semaphore(%arg12 : memref<!tpu.dma_semaphore, #tpu.memory_space<semaphore_mem>>)
          %dma_start3A_413 = arith.constant 1 : i32
          %dma_start3A_414 = arith.constant 0 : i32
          %dma_start3A_415 = tpu.memref_slice %arg8[%rem3A_388, %dma_start3A_414] : memref<8x128xi32, #tpu.memory_space<vmem>> -> memref<1x128xi32, #tpu.memory_space<vmem>>
          %dma_start3A_416 = tpu.memref_squeeze %dma_start3A_415 : memref<1x128xi32, #tpu.memory_space<vmem>> -> memref<128xi32, #tpu.memory_space<vmem>>
          %dma_start3A_417 = tpu.memref_slice %arg3[%dma_start3A_413, %add3A_391] : memref<2x320000xi32, #tpu.memory_space<hbm>> -> memref<1x128xi32, #tpu.memory_space<hbm>>
          %dma_start3A_418 = tpu.memref_squeeze %dma_start3A_417 : memref<1x128xi32, #tpu.memory_space<hbm>> -> memref<128xi32, #tpu.memory_space<hbm>>
          %dma_start3A_419 = arith.constant 0 : i32
          %dma_start3A_420 = tpu.memref_slice %arg8[%rem3A_388, %dma_start3A_419] : memref<8x128xi32, #tpu.memory_space<vmem>> -> memref<1x128xi32, #tpu.memory_space<vmem>>
          %dma_start3A_421 = tpu.memref_squeeze %dma_start3A_420 : memref<1x128xi32, #tpu.memory_space<vmem>> -> memref<128xi32, #tpu.memory_space<vmem>>
          %dma_start3A_422 = tpu.memref_slice %arg3[%dma_start3A_413, %add3A_391] : memref<2x320000xi32, #tpu.memory_space<hbm>> -> memref<1x128xi32, #tpu.memory_space<hbm>>
          %dma_start3A_423 = tpu.memref_squeeze %dma_start3A_422 : memref<1x128xi32, #tpu.memory_space<hbm>> -> memref<128xi32, #tpu.memory_space<hbm>>
          tpu.enqueue_dma source(%dma_start3A_423 : memref<128xi32, #tpu.memory_space<hbm>>) target(%dma_start3A_421 : memref<128xi32, #tpu.memory_space<vmem>>) target_semaphore(%arg12 : memref<!tpu.dma_semaphore, #tpu.memory_space<semaphore_mem>>)
        } else {
        }
        %ge3A_397 = arith.constant 320000 : i32
        %ge3A_398 = arith.cmpi sge, %add3A_391, %ge3A_397 : i32
        %convert_element_type3A_399 = arith.extui %ge3A_398 : i1 to i32
        %cond3A_400 = arith.constant 0 : i32
        %cond3A_401 = arith.cmpi ne, %convert_element_type3A_399, %cond3A_400 : i32
        scf.if %cond3A_401 {
          %sub3A_402 = arith.constant 320000 : i32
          %sub3A_403 = arith.subi %add3A_391, %sub3A_402 : i32
          %dma_start3A_404 = arith.constant 0 : i32
          %dma_start3A_405 = arith.constant 0 : i32
          %dma_start3A_406 = tpu.memref_slice %arg7[%rem3A_388, %dma_start3A_405] : memref<8x128xi32, #tpu.memory_space<vmem>> -> memref<1x128xi32, #tpu.memory_space<vmem>>
          %dma_start3A_407 = tpu.memref_squeeze %dma_start3A_406 : memref<1x128xi32, #tpu.memory_space<vmem>> -> memref<128xi32, #tpu.memory_space<vmem>>
          %dma_start3A_408 = tpu.memref_slice %arg4[%dma_start3A_404, %sub3A_403] : memref<2x7680xi32, #tpu.memory_space<hbm>> -> memref<1x128xi32, #tpu.memory_space<hbm>>
          %dma_start3A_409 = tpu.memref_squeeze %dma_start3A_408 : memref<1x128xi32, #tpu.memory_space<hbm>> -> memref<128xi32, #tpu.memory_space<hbm>>
          %dma_start3A_410 = arith.constant 0 : i32
          %dma_start3A_411 = tpu.memref_slice %arg7[%rem3A_388, %dma_start3A_410] : memref<8x128xi32, #tpu.memory_space<vmem>> -> memref<1x128xi32, #tpu.memory_space<vmem>>
          %dma_start3A_412 = tpu.memref_squeeze %dma_start3A_411 : memref<1x128xi32, #tpu.memory_space<vmem>> -> memref<128xi32, #tpu.memory_space<vmem>>
          %dma_start3A_413 = tpu.memref_slice %arg4[%dma_start3A_404, %sub3A_403] : memref<2x7680xi32, #tpu.memory_space<hbm>> -> memref<1x128xi32, #tpu.memory_space<hbm>>
          %dma_start3A_414 = tpu.memref_squeeze %dma_start3A_413 : memref<1x128xi32, #tpu.memory_space<hbm>> -> memref<128xi32, #tpu.memory_space<hbm>>
          tpu.enqueue_dma source(%dma_start3A_414 : memref<128xi32, #tpu.memory_space<hbm>>) target(%dma_start3A_412 : memref<128xi32, #tpu.memory_space<vmem>>) target_semaphore(%arg12 : memref<!tpu.dma_semaphore, #tpu.memory_space<semaphore_mem>>)
          %sub3A_415 = arith.constant 320000 : i32
          %sub3A_416 = arith.subi %add3A_391, %sub3A_415 : i32
          %dma_start3A_417 = arith.constant 1 : i32
          %dma_start3A_418 = arith.constant 0 : i32
          %dma_start3A_419 = tpu.memref_slice %arg8[%rem3A_388, %dma_start3A_418] : memref<8x128xi32, #tpu.memory_space<vmem>> -> memref<1x128xi32, #tpu.memory_space<vmem>>
          %dma_start3A_420 = tpu.memref_squeeze %dma_start3A_419 : memref<1x128xi32, #tpu.memory_space<vmem>> -> memref<128xi32, #tpu.memory_space<vmem>>
          %dma_start3A_421 = tpu.memref_slice %arg4[%dma_start3A_417, %sub3A_416] : memref<2x7680xi32, #tpu.memory_space<hbm>> -> memref<1x128xi32, #tpu.memory_space<hbm>>
          %dma_start3A_422 = tpu.memref_squeeze %dma_start3A_421 : memref<1x128xi32, #tpu.memory_space<hbm>> -> memref<128xi32, #tpu.memory_space<hbm>>
          %dma_start3A_423 = arith.constant 0 : i32
          %dma_start3A_424 = tpu.memref_slice %arg8[%rem3A_388, %dma_start3A_423] : memref<8x128xi32, #tpu.memory_space<vmem>> -> memref<1x128xi32, #tpu.memory_space<vmem>>
          %dma_start3A_425 = tpu.memref_squeeze %dma_start3A_424 : memref<1x128xi32, #tpu.memory_space<vmem>> -> memref<128xi32, #tpu.memory_space<vmem>>
          %dma_start3A_426 = tpu.memref_slice %arg4[%dma_start3A_417, %sub3A_416] : memref<2x7680xi32, #tpu.memory_space<hbm>> -> memref<1x128xi32, #tpu.memory_space<hbm>>
          %dma_start3A_427 = tpu.memref_squeeze %dma_start3A_426 : memref<1x128xi32, #tpu.memory_space<hbm>> -> memref<128xi32, #tpu.memory_space<hbm>>
          tpu.enqueue_dma source(%dma_start3A_427 : memref<128xi32, #tpu.memory_space<hbm>>) target(%dma_start3A_425 : memref<128xi32, #tpu.memory_space<vmem>>) target_semaphore(%arg12 : memref<!tpu.dma_semaphore, #tpu.memory_space<semaphore_mem>>)
        } else {
        }
      } else {
      }
      %dma_wait3A_305 = arith.constant 0 : i32
      %dma_wait3A_306 = arith.constant 0 : i32
      %dma_wait3A_307 = tpu.memref_slice %arg7[%dma_wait3A_305, %dma_wait3A_306] : memref<8x128xi32, #tpu.memory_space<vmem>> -> memref<1x128xi32, #tpu.memory_space<vmem>>
      %dma_wait3A_308 = tpu.memref_squeeze %dma_wait3A_307 : memref<1x128xi32, #tpu.memory_space<vmem>> -> memref<128xi32, #tpu.memory_space<vmem>>
      %dma_wait3A_309 = arith.constant 0 : i32
      %dma_wait3A_310 = arith.constant 0 : i32
      %dma_wait3A_311 = tpu.memref_slice %arg2[%dma_wait3A_309, %dma_wait3A_310] : memref<10000x128xf32, #tpu.memory_space<hbm>> -> memref<10000x128xf32, #tpu.memory_space<hbm>>
      tpu.wait_indirect_dma semaphore(%arg13 : memref<!tpu.dma_semaphore, #tpu.memory_space<semaphore_mem>>) src(%dma_wait3A_311 : memref<10000x128xf32, #tpu.memory_space<hbm>>) dst(%arg9 : memref<128x128xf32, #tpu.memory_space<vmem>>)
      %rem3A_312 = arith.constant 8 : i32
      %rem3A_313 = arith.remsi %add3A_298, %rem3A_312 : i32
      %dma_start3A_314 = arith.constant 0 : i32
      %dma_start3A_315 = tpu.memref_slice %arg7[%rem3A_313, %dma_start3A_314] : memref<8x128xi32, #tpu.memory_space<vmem>> -> memref<1x128xi32, #tpu.memory_space<vmem>>
      %dma_start3A_316 = tpu.memref_squeeze %dma_start3A_315 : memref<1x128xi32, #tpu.memory_space<vmem>> -> memref<128xi32, #tpu.memory_space<vmem>>
      %dma_start3A_317 = arith.constant 0 : i32
      %dma_start3A_318 = arith.constant 0 : i32
      %dma_start3A_319 = tpu.memref_slice %arg2[%dma_start3A_317, %dma_start3A_318] : memref<10000x128xf32, #tpu.memory_space<hbm>> -> memref<10000x128xf32, #tpu.memory_space<hbm>>
      tpu.enqueue_indirect_dma source(%dma_start3A_319 : memref<10000x128xf32, #tpu.memory_space<hbm>>) target(%arg10 : memref<128x128xf32, #tpu.memory_space<vmem>>) offsets(%dma_start3A_316 : memref<128xi32, #tpu.memory_space<vmem>>) semaphore(%arg14 : memref<!tpu.dma_semaphore, #tpu.memory_space<semaphore_mem>>)
      %rem3A_320 = arith.constant 8 : i32
      %rem3A_321 = arith.remsi %mul3A_296, %rem3A_320 : i32
      "tpu.region"() ({
        %run_scoped3A = tpu.sem_alloc : memref<!tpu.dma_semaphore, #tpu.memory_space<semaphore_mem>>
        %dma_start3A_368 = arith.constant 0 : i32
        %dma_start3A_369 = tpu.memref_slice %arg8[%rem3A_321, %dma_start3A_368] : memref<8x128xi32, #tpu.memory_space<vmem>> -> memref<1x128xi32, #tpu.memory_space<vmem>>
        %dma_start3A_370 = tpu.memref_squeeze %dma_start3A_369 : memref<1x128xi32, #tpu.memory_space<vmem>> -> memref<128xi32, #tpu.memory_space<vmem>>
        %dma_start3A_371 = arith.constant 0 : i32
        %dma_start3A_372 = arith.constant 0 : i32
        %dma_start3A_373 = tpu.memref_slice %arg11[%dma_start3A_371, %dma_start3A_372] : memref<10240x128xf32, #tpu.memory_space<vmem_shared>> -> memref<10240x128xf32, #tpu.memory_space<vmem_shared>>
        tpu.enqueue_indirect_dma source(%arg9 : memref<128x128xf32, #tpu.memory_space<vmem>>) target(%dma_start3A_373 : memref<10240x128xf32, #tpu.memory_space<vmem_shared>>) offsets(%dma_start3A_370 : memref<128xi32, #tpu.memory_space<vmem>>) semaphore(%run_scoped3A : memref<!tpu.dma_semaphore, #tpu.memory_space<semaphore_mem>>) {add = true}
        %dma_wait3A_374 = arith.constant 0 : i32
        %dma_wait3A_375 = tpu.memref_slice %arg8[%rem3A_321, %dma_wait3A_374] : memref<8x128xi32, #tpu.memory_space<vmem>> -> memref<1x128xi32, #tpu.memory_space<vmem>>
        %dma_wait3A_376 = tpu.memref_squeeze %dma_wait3A_375 : memref<1x128xi32, #tpu.memory_space<vmem>> -> memref<128xi32, #tpu.memory_space<vmem>>
        %dma_wait3A_377 = arith.constant 0 : i32
        %dma_wait3A_378 = arith.constant 0 : i32
        %dma_wait3A_379 = tpu.memref_slice %arg11[%dma_wait3A_377, %dma_wait3A_378] : memref<10240x128xf32, #tpu.memory_space<vmem_shared>> -> memref<10240x128xf32, #tpu.memory_space<vmem_shared>>
        tpu.wait_indirect_dma semaphore(%run_scoped3A : memref<!tpu.dma_semaphore, #tpu.memory_space<semaphore_mem>>) src(%arg9 : memref<128x128xf32, #tpu.memory_space<vmem>>) dst(%dma_wait3A_379 : memref<10240x128xf32, #tpu.memory_space<vmem_shared>>)
        tpu.yield
      }) : () -> ()
      %gt3A = arith.constant 0 : i32
      %gt3A_322 = arith.cmpi sgt, %while3A_294, %gt3A : i32
      %convert_element_type3A_323 = arith.extui %gt3A_322 : i1 to i32
      %cond3A_324 = arith.constant 0 : i32
      %cond3A_325 = arith.cmpi ne, %convert_element_type3A_323, %cond3A_324 : i32
      scf.if %cond3A_325 {
        %dma_wait3A_368 = arith.constant 0 : i32
        %dma_wait3A_369 = arith.constant 0 : i32
        %dma_wait3A_370 = tpu.memref_slice %arg8[%dma_wait3A_368, %dma_wait3A_369] : memref<8x128xi32, #tpu.memory_space<vmem>> -> memref<1x128xi32, #tpu.memory_space<vmem>>
        %dma_wait3A_371 = tpu.memref_squeeze %dma_wait3A_370 : memref<1x128xi32, #tpu.memory_space<vmem>> -> memref<128xi32, #tpu.memory_space<vmem>>
        %dma_wait3A_372 = arith.constant 0 : i32
        %dma_wait3A_373 = arith.constant 0 : i32
        %dma_wait3A_374 = tpu.memref_slice %arg17[%dma_wait3A_372, %dma_wait3A_373] : memref<10240x16xf32, #tpu.memory_space<vmem_shared>> -> memref<10240x16xf32, #tpu.memory_space<vmem_shared>>
        tpu.wait_indirect_dma semaphore(%arg18 : memref<!tpu.dma_semaphore, #tpu.memory_space<semaphore_mem>>) src(%arg16 : memref<128x16xf32, #tpu.memory_space<vmem>>) dst(%dma_wait3A_374 : memref<10240x16xf32, #tpu.memory_space<vmem_shared>>)
      } else {
      }
      %rem3A_326 = arith.constant 8 : i32
      %rem3A_327 = arith.remsi %mul3A_296, %rem3A_326 : i32
      %dma_start3A_328 = arith.constant 0 : i32
      %dma_start3A_329 = tpu.memref_slice %arg8[%rem3A_327, %dma_start3A_328] : memref<8x128xi32, #tpu.memory_space<vmem>> -> memref<1x128xi32, #tpu.memory_space<vmem>>
      %dma_start3A_330 = tpu.memref_squeeze %dma_start3A_329 : memref<1x128xi32, #tpu.memory_space<vmem>> -> memref<128xi32, #tpu.memory_space<vmem>>
      %dma_start3A_331 = arith.constant 0 : i32
      %dma_start3A_332 = arith.constant 0 : i32
      %dma_start3A_333 = tpu.memref_slice %arg17[%dma_start3A_331, %dma_start3A_332] : memref<10240x16xf32, #tpu.memory_space<vmem_shared>> -> memref<10240x16xf32, #tpu.memory_space<vmem_shared>>
      tpu.enqueue_indirect_dma source(%arg16 : memref<128x16xf32, #tpu.memory_space<vmem>>) target(%dma_start3A_333 : memref<10240x16xf32, #tpu.memory_space<vmem_shared>>) offsets(%dma_start3A_330 : memref<128xi32, #tpu.memory_space<vmem>>) semaphore(%arg18 : memref<!tpu.dma_semaphore, #tpu.memory_space<semaphore_mem>>) {add = true}
      %sub3A_334 = arith.constant 1 : i32
      %sub3A_335 = arith.subi %select_n3A_19, %sub3A_334 : i32
      %lt3A_336 = arith.cmpi slt, %while3A_294, %sub3A_335 : i32
      %convert_element_type3A_337 = arith.extui %lt3A_336 : i1 to i32
      %cond3A_338 = arith.constant 0 : i32
      %cond3A_339 = arith.cmpi ne, %convert_element_type3A_337, %cond3A_338 : i32
      scf.if %cond3A_339 {
        %dma_wait3A_368 = arith.constant 0 : i32
        %dma_wait3A_369 = arith.constant 0 : i32
        %dma_wait3A_370 = arith.constant 0 : i32
        %dma_wait3A_371 = tpu.memref_slice %arg7[%dma_wait3A_369, %dma_wait3A_370] : memref<8x128xi32, #tpu.memory_space<vmem>> -> memref<1x128xi32, #tpu.memory_space<vmem>>
        %dma_wait3A_372 = tpu.memref_squeeze %dma_wait3A_371 : memref<1x128xi32, #tpu.memory_space<vmem>> -> memref<128xi32, #tpu.memory_space<vmem>>
        %dma_wait3A_373 = arith.constant 0 : i32
        %dma_wait3A_374 = tpu.memref_slice %arg3[%dma_wait3A_368, %dma_wait3A_373] : memref<2x320000xi32, #tpu.memory_space<hbm>> -> memref<1x128xi32, #tpu.memory_space<hbm>>
        %dma_wait3A_375 = tpu.memref_squeeze %dma_wait3A_374 : memref<1x128xi32, #tpu.memory_space<hbm>> -> memref<128xi32, #tpu.memory_space<hbm>>
        %dma_wait3A_376 = arith.constant 0 : i32
        %dma_wait3A_377 = tpu.memref_slice %arg7[%dma_wait3A_369, %dma_wait3A_376] : memref<8x128xi32, #tpu.memory_space<vmem>> -> memref<1x128xi32, #tpu.memory_space<vmem>>
        %dma_wait3A_378 = tpu.memref_squeeze %dma_wait3A_377 : memref<1x128xi32, #tpu.memory_space<vmem>> -> memref<128xi32, #tpu.memory_space<vmem>>
        %dma_wait3A_379 = arith.constant 0 : i32
        %dma_wait3A_380 = tpu.memref_slice %arg3[%dma_wait3A_368, %dma_wait3A_379] : memref<2x320000xi32, #tpu.memory_space<hbm>> -> memref<1x128xi32, #tpu.memory_space<hbm>>
        %dma_wait3A_381 = tpu.memref_squeeze %dma_wait3A_380 : memref<1x128xi32, #tpu.memory_space<hbm>> -> memref<128xi32, #tpu.memory_space<hbm>>
        tpu.wait_dma2 semaphore(%arg12 : memref<!tpu.dma_semaphore, #tpu.memory_space<semaphore_mem>>) src(%dma_wait3A_381 : memref<128xi32, #tpu.memory_space<hbm>>) dst(%dma_wait3A_378 : memref<128xi32, #tpu.memory_space<vmem>>)
        %dma_wait3A_382 = arith.constant 0 : i32
        %dma_wait3A_383 = arith.constant 0 : i32
        %dma_wait3A_384 = arith.constant 0 : i32
        %dma_wait3A_385 = tpu.memref_slice %arg7[%dma_wait3A_383, %dma_wait3A_384] : memref<8x128xi32, #tpu.memory_space<vmem>> -> memref<1x128xi32, #tpu.memory_space<vmem>>
        %dma_wait3A_386 = tpu.memref_squeeze %dma_wait3A_385 : memref<1x128xi32, #tpu.memory_space<vmem>> -> memref<128xi32, #tpu.memory_space<vmem>>
        %dma_wait3A_387 = arith.constant 0 : i32
        %dma_wait3A_388 = tpu.memref_slice %arg3[%dma_wait3A_382, %dma_wait3A_387] : memref<2x320000xi32, #tpu.memory_space<hbm>> -> memref<1x128xi32, #tpu.memory_space<hbm>>
        %dma_wait3A_389 = tpu.memref_squeeze %dma_wait3A_388 : memref<1x128xi32, #tpu.memory_space<hbm>> -> memref<128xi32, #tpu.memory_space<hbm>>
        %dma_wait3A_390 = arith.constant 0 : i32
        %dma_wait3A_391 = tpu.memref_slice %arg7[%dma_wait3A_383, %dma_wait3A_390] : memref<8x128xi32, #tpu.memory_space<vmem>> -> memref<1x128xi32, #tpu.memory_space<vmem>>
        %dma_wait3A_392 = tpu.memref_squeeze %dma_wait3A_391 : memref<1x128xi32, #tpu.memory_space<vmem>> -> memref<128xi32, #tpu.memory_space<vmem>>
        %dma_wait3A_393 = arith.constant 0 : i32
        %dma_wait3A_394 = tpu.memref_slice %arg3[%dma_wait3A_382, %dma_wait3A_393] : memref<2x320000xi32, #tpu.memory_space<hbm>> -> memref<1x128xi32, #tpu.memory_space<hbm>>
        %dma_wait3A_395 = tpu.memref_squeeze %dma_wait3A_394 : memref<1x128xi32, #tpu.memory_space<hbm>> -> memref<128xi32, #tpu.memory_space<hbm>>
        tpu.wait_dma2 semaphore(%arg12 : memref<!tpu.dma_semaphore, #tpu.memory_space<semaphore_mem>>) src(%dma_wait3A_395 : memref<128xi32, #tpu.memory_space<hbm>>) dst(%dma_wait3A_392 : memref<128xi32, #tpu.memory_space<vmem>>)
        %dma_wait3A_396 = arith.constant 0 : i32
        %dma_wait3A_397 = arith.constant 0 : i32
        %dma_wait3A_398 = arith.constant 0 : i32
        %dma_wait3A_399 = tpu.memref_slice %arg7[%dma_wait3A_397, %dma_wait3A_398] : memref<8x128xi32, #tpu.memory_space<vmem>> -> memref<1x128xi32, #tpu.memory_space<vmem>>
        %dma_wait3A_400 = tpu.memref_squeeze %dma_wait3A_399 : memref<1x128xi32, #tpu.memory_space<vmem>> -> memref<128xi32, #tpu.memory_space<vmem>>
        %dma_wait3A_401 = arith.constant 0 : i32
        %dma_wait3A_402 = tpu.memref_slice %arg3[%dma_wait3A_396, %dma_wait3A_401] : memref<2x320000xi32, #tpu.memory_space<hbm>> -> memref<1x128xi32, #tpu.memory_space<hbm>>
        %dma_wait3A_403 = tpu.memref_squeeze %dma_wait3A_402 : memref<1x128xi32, #tpu.memory_space<hbm>> -> memref<128xi32, #tpu.memory_space<hbm>>
        %dma_wait3A_404 = arith.constant 0 : i32
        %dma_wait3A_405 = tpu.memref_slice %arg7[%dma_wait3A_397, %dma_wait3A_404] : memref<8x128xi32, #tpu.memory_space<vmem>> -> memref<1x128xi32, #tpu.memory_space<vmem>>
        %dma_wait3A_406 = tpu.memref_squeeze %dma_wait3A_405 : memref<1x128xi32, #tpu.memory_space<vmem>> -> memref<128xi32, #tpu.memory_space<vmem>>
        %dma_wait3A_407 = arith.constant 0 : i32
        %dma_wait3A_408 = tpu.memref_slice %arg3[%dma_wait3A_396, %dma_wait3A_407] : memref<2x320000xi32, #tpu.memory_space<hbm>> -> memref<1x128xi32, #tpu.memory_space<hbm>>
        %dma_wait3A_409 = tpu.memref_squeeze %dma_wait3A_408 : memref<1x128xi32, #tpu.memory_space<hbm>> -> memref<128xi32, #tpu.memory_space<hbm>>
        tpu.wait_dma2 semaphore(%arg12 : memref<!tpu.dma_semaphore, #tpu.memory_space<semaphore_mem>>) src(%dma_wait3A_409 : memref<128xi32, #tpu.memory_space<hbm>>) dst(%dma_wait3A_406 : memref<128xi32, #tpu.memory_space<vmem>>)
        %dma_wait3A_410 = arith.constant 0 : i32
        %dma_wait3A_411 = arith.constant 0 : i32
        %dma_wait3A_412 = arith.constant 0 : i32
        %dma_wait3A_413 = tpu.memref_slice %arg7[%dma_wait3A_411, %dma_wait3A_412] : memref<8x128xi32, #tpu.memory_space<vmem>> -> memref<1x128xi32, #tpu.memory_space<vmem>>
        %dma_wait3A_414 = tpu.memref_squeeze %dma_wait3A_413 : memref<1x128xi32, #tpu.memory_space<vmem>> -> memref<128xi32, #tpu.memory_space<vmem>>
        %dma_wait3A_415 = arith.constant 0 : i32
        %dma_wait3A_416 = tpu.memref_slice %arg3[%dma_wait3A_410, %dma_wait3A_415] : memref<2x320000xi32, #tpu.memory_space<hbm>> -> memref<1x128xi32, #tpu.memory_space<hbm>>
        %dma_wait3A_417 = tpu.memref_squeeze %dma_wait3A_416 : memref<1x128xi32, #tpu.memory_space<hbm>> -> memref<128xi32, #tpu.memory_space<hbm>>
        %dma_wait3A_418 = arith.constant 0 : i32
        %dma_wait3A_419 = tpu.memref_slice %arg7[%dma_wait3A_411, %dma_wait3A_418] : memref<8x128xi32, #tpu.memory_space<vmem>> -> memref<1x128xi32, #tpu.memory_space<vmem>>
        %dma_wait3A_420 = tpu.memref_squeeze %dma_wait3A_419 : memref<1x128xi32, #tpu.memory_space<vmem>> -> memref<128xi32, #tpu.memory_space<vmem>>
        %dma_wait3A_421 = arith.constant 0 : i32
        %dma_wait3A_422 = tpu.memref_slice %arg3[%dma_wait3A_410, %dma_wait3A_421] : memref<2x320000xi32, #tpu.memory_space<hbm>> -> memref<1x128xi32, #tpu.memory_space<hbm>>
        %dma_wait3A_423 = tpu.memref_squeeze %dma_wait3A_422 : memref<1x128xi32, #tpu.memory_space<hbm>> -> memref<128xi32, #tpu.memory_space<hbm>>
        tpu.wait_dma2 semaphore(%arg12 : memref<!tpu.dma_semaphore, #tpu.memory_space<semaphore_mem>>) src(%dma_wait3A_423 : memref<128xi32, #tpu.memory_space<hbm>>) dst(%dma_wait3A_420 : memref<128xi32, #tpu.memory_space<vmem>>)
      } else {
      }
      %dma_wait3A_340 = arith.constant 0 : i32
      %dma_wait3A_341 = arith.constant 0 : i32
      %dma_wait3A_342 = tpu.memref_slice %arg7[%dma_wait3A_340, %dma_wait3A_341] : memref<8x128xi32, #tpu.memory_space<vmem>> -> memref<1x128xi32, #tpu.memory_space<vmem>>
      %dma_wait3A_343 = tpu.memref_squeeze %dma_wait3A_342 : memref<1x128xi32, #tpu.memory_space<vmem>> -> memref<128xi32, #tpu.memory_space<vmem>>
      %dma_wait3A_344 = arith.constant 0 : i32
      %dma_wait3A_345 = arith.constant 0 : i32
      %dma_wait3A_346 = tpu.memref_slice %arg2[%dma_wait3A_344, %dma_wait3A_345] : memref<10000x128xf32, #tpu.memory_space<hbm>> -> memref<10000x128xf32, #tpu.memory_space<hbm>>
      tpu.wait_indirect_dma semaphore(%arg14 : memref<!tpu.dma_semaphore, #tpu.memory_space<semaphore_mem>>) src(%dma_wait3A_346 : memref<10000x128xf32, #tpu.memory_space<hbm>>) dst(%arg10 : memref<128x128xf32, #tpu.memory_space<vmem>>)
      %sub3A_347 = arith.constant 1 : i32
      %sub3A_348 = arith.subi %select_n3A_19, %sub3A_347 : i32
      %lt3A_349 = arith.cmpi slt, %while3A_294, %sub3A_348 : i32
      %convert_element_type3A_350 = arith.extui %lt3A_349 : i1 to i32
      %cond3A_351 = arith.constant 0 : i32
      %cond3A_352 = arith.cmpi ne, %convert_element_type3A_350, %cond3A_351 : i32
      scf.if %cond3A_352 {
        %add3A_368 = arith.constant 2 : i32
        %add3A_369 = arith.addi %mul3A_296, %add3A_368 : i32
        %rem3A_370 = arith.constant 8 : i32
        %rem3A_371 = arith.remsi %add3A_369, %rem3A_370 : i32
        %dma_start3A_372 = arith.constant 0 : i32
        %dma_start3A_373 = tpu.memref_slice %arg7[%rem3A_371, %dma_start3A_372] : memref<8x128xi32, #tpu.memory_space<vmem>> -> memref<1x128xi32, #tpu.memory_space<vmem>>
        %dma_start3A_374 = tpu.memref_squeeze %dma_start3A_373 : memref<1x128xi32, #tpu.memory_space<vmem>> -> memref<128xi32, #tpu.memory_space<vmem>>
        %dma_start3A_375 = arith.constant 0 : i32
        %dma_start3A_376 = arith.constant 0 : i32
        %dma_start3A_377 = tpu.memref_slice %arg2[%dma_start3A_375, %dma_start3A_376] : memref<10000x128xf32, #tpu.memory_space<hbm>> -> memref<10000x128xf32, #tpu.memory_space<hbm>>
        tpu.enqueue_indirect_dma source(%dma_start3A_377 : memref<10000x128xf32, #tpu.memory_space<hbm>>) target(%arg9 : memref<128x128xf32, #tpu.memory_space<vmem>>) offsets(%dma_start3A_374 : memref<128xi32, #tpu.memory_space<vmem>>) semaphore(%arg13 : memref<!tpu.dma_semaphore, #tpu.memory_space<semaphore_mem>>)
      } else {
      }
      %rem3A_353 = arith.constant 8 : i32
      %rem3A_354 = arith.remsi %add3A_298, %rem3A_353 : i32
      "tpu.region"() ({
        %run_scoped3A = tpu.sem_alloc : memref<!tpu.dma_semaphore, #tpu.memory_space<semaphore_mem>>
        %dma_start3A_368 = arith.constant 0 : i32
        %dma_start3A_369 = tpu.memref_slice %arg8[%rem3A_354, %dma_start3A_368] : memref<8x128xi32, #tpu.memory_space<vmem>> -> memref<1x128xi32, #tpu.memory_space<vmem>>
        %dma_start3A_370 = tpu.memref_squeeze %dma_start3A_369 : memref<1x128xi32, #tpu.memory_space<vmem>> -> memref<128xi32, #tpu.memory_space<vmem>>
        %dma_start3A_371 = arith.constant 0 : i32
        %dma_start3A_372 = arith.constant 0 : i32
        %dma_start3A_373 = tpu.memref_slice %arg11[%dma_start3A_371, %dma_start3A_372] : memref<10240x128xf32, #tpu.memory_space<vmem_shared>> -> memref<10240x128xf32, #tpu.memory_space<vmem_shared>>
        tpu.enqueue_indirect_dma source(%arg10 : memref<128x128xf32, #tpu.memory_space<vmem>>) target(%dma_start3A_373 : memref<10240x128xf32, #tpu.memory_space<vmem_shared>>) offsets(%dma_start3A_370 : memref<128xi32, #tpu.memory_space<vmem>>) semaphore(%run_scoped3A : memref<!tpu.dma_semaphore, #tpu.memory_space<semaphore_mem>>) {add = true}
        %dma_wait3A_374 = arith.constant 0 : i32
        %dma_wait3A_375 = tpu.memref_slice %arg8[%rem3A_354, %dma_wait3A_374] : memref<8x128xi32, #tpu.memory_space<vmem>> -> memref<1x128xi32, #tpu.memory_space<vmem>>
        %dma_wait3A_376 = tpu.memref_squeeze %dma_wait3A_375 : memref<1x128xi32, #tpu.memory_space<vmem>> -> memref<128xi32, #tpu.memory_space<vmem>>
        %dma_wait3A_377 = arith.constant 0 : i32
        %dma_wait3A_378 = arith.constant 0 : i32
        %dma_wait3A_379 = tpu.memref_slice %arg11[%dma_wait3A_377, %dma_wait3A_378] : memref<10240x128xf32, #tpu.memory_space<vmem_shared>> -> memref<10240x128xf32, #tpu.memory_space<vmem_shared>>
        tpu.wait_indirect_dma semaphore(%run_scoped3A : memref<!tpu.dma_semaphore, #tpu.memory_space<semaphore_mem>>) src(%arg10 : memref<128x128xf32, #tpu.memory_space<vmem>>) dst(%dma_wait3A_379 : memref<10240x128xf32, #tpu.memory_space<vmem_shared>>)
        tpu.yield
      }) : () -> ()
      %gt3A_355 = arith.constant 0 : i32
      %gt3A_356 = arith.cmpi sgt, %while3A_294, %gt3A_355 : i32
      %convert_element_type3A_357 = arith.extui %gt3A_356 : i1 to i32
      %cond3A_358 = arith.constant 0 : i32
      %cond3A_359 = arith.cmpi ne, %convert_element_type3A_357, %cond3A_358 : i32
      scf.if %cond3A_359 {
        %dma_wait3A_368 = arith.constant 0 : i32
        %dma_wait3A_369 = arith.constant 0 : i32
        %dma_wait3A_370 = tpu.memref_slice %arg8[%dma_wait3A_368, %dma_wait3A_369] : memref<8x128xi32, #tpu.memory_space<vmem>> -> memref<1x128xi32, #tpu.memory_space<vmem>>
        %dma_wait3A_371 = tpu.memref_squeeze %dma_wait3A_370 : memref<1x128xi32, #tpu.memory_space<vmem>> -> memref<128xi32, #tpu.memory_space<vmem>>
        %dma_wait3A_372 = arith.constant 0 : i32
        %dma_wait3A_373 = arith.constant 0 : i32
        %dma_wait3A_374 = tpu.memref_slice %arg17[%dma_wait3A_372, %dma_wait3A_373] : memref<10240x16xf32, #tpu.memory_space<vmem_shared>> -> memref<10240x16xf32, #tpu.memory_space<vmem_shared>>
        tpu.wait_indirect_dma semaphore(%arg19 : memref<!tpu.dma_semaphore, #tpu.memory_space<semaphore_mem>>) src(%arg16 : memref<128x16xf32, #tpu.memory_space<vmem>>) dst(%dma_wait3A_374 : memref<10240x16xf32, #tpu.memory_space<vmem_shared>>)
      } else {
      }
      %rem3A_360 = arith.constant 8 : i32
      %rem3A_361 = arith.remsi %add3A_298, %rem3A_360 : i32
      %dma_start3A_362 = arith.constant 0 : i32
      %dma_start3A_363 = tpu.memref_slice %arg8[%rem3A_361, %dma_start3A_362] : memref<8x128xi32, #tpu.memory_space<vmem>> -> memref<1x128xi32, #tpu.memory_space<vmem>>
      %dma_start3A_364 = tpu.memref_squeeze %dma_start3A_363 : memref<1x128xi32, #tpu.memory_space<vmem>> -> memref<128xi32, #tpu.memory_space<vmem>>
      %dma_start3A_365 = arith.constant 0 : i32
      %dma_start3A_366 = arith.constant 0 : i32
      %dma_start3A_367 = tpu.memref_slice %arg17[%dma_start3A_365, %dma_start3A_366] : memref<10240x16xf32, #tpu.memory_space<vmem_shared>> -> memref<10240x16xf32, #tpu.memory_space<vmem_shared>>
      tpu.enqueue_indirect_dma source(%arg16 : memref<128x16xf32, #tpu.memory_space<vmem>>) target(%dma_start3A_367 : memref<10240x16xf32, #tpu.memory_space<vmem_shared>>) offsets(%dma_start3A_364 : memref<128xi32, #tpu.memory_space<vmem>>) semaphore(%arg19 : memref<!tpu.dma_semaphore, #tpu.memory_space<semaphore_mem>>) {add = true}
    }
    %while3A_158 = arith.constant 1 : i32
    scf.for %while3A_294 = %while3A_156 to %while3A_152 step %while3A_158  : i32 {
      %mul3A_295 = arith.constant 2 : i32
      %mul3A_296 = arith.muli %mul3A_295, %while3A_294 : i32
      %add3A_297 = arith.constant 1 : i32
      %add3A_298 = arith.addi %mul3A_296, %add3A_297 : i32
      %sub3A_299 = arith.constant 1 : i32
      %sub3A_300 = arith.subi %select_n3A_19, %sub3A_299 : i32
      %lt3A_301 = arith.cmpi slt, %while3A_294, %sub3A_300 : i32
      %convert_element_type3A_302 = arith.extui %lt3A_301 : i1 to i32
      %cond3A_303 = arith.constant 0 : i32
      %cond3A_304 = arith.cmpi ne, %convert_element_type3A_302, %cond3A_303 : i32
      scf.if %cond3A_304 {
        %add3A_368 = arith.constant 2 : i32
        %add3A_369 = arith.addi %mul3A_296, %add3A_368 : i32
        %rem3A_370 = arith.constant 8 : i32
        %rem3A_371 = arith.remsi %add3A_369, %rem3A_370 : i32
        %mul3A_372 = arith.constant 128 : i32
        %mul3A_373 = arith.muli %add3A_369, %mul3A_372 : i32
        %add3A_374 = arith.addi %mul3A_28, %mul3A_373 : i32
        %lt3A_375 = arith.constant 320000 : i32
        %lt3A_376 = arith.cmpi slt, %add3A_374, %lt3A_375 : i32
        %convert_element_type3A_377 = arith.extui %lt3A_376 : i1 to i32
        %cond3A_378 = arith.constant 0 : i32
        %cond3A_379 = arith.cmpi ne, %convert_element_type3A_377, %cond3A_378 : i32
        scf.if %cond3A_379 {
          %dma_start3A_402 = arith.constant 0 : i32
          %dma_start3A_403 = arith.constant 0 : i32
          %dma_start3A_404 = tpu.memref_slice %arg7[%rem3A_371, %dma_start3A_403] : memref<8x128xi32, #tpu.memory_space<vmem>> -> memref<1x128xi32, #tpu.memory_space<vmem>>
          %dma_start3A_405 = tpu.memref_squeeze %dma_start3A_404 : memref<1x128xi32, #tpu.memory_space<vmem>> -> memref<128xi32, #tpu.memory_space<vmem>>
          %dma_start3A_406 = tpu.memref_slice %arg3[%dma_start3A_402, %add3A_374] : memref<2x320000xi32, #tpu.memory_space<hbm>> -> memref<1x128xi32, #tpu.memory_space<hbm>>
          %dma_start3A_407 = tpu.memref_squeeze %dma_start3A_406 : memref<1x128xi32, #tpu.memory_space<hbm>> -> memref<128xi32, #tpu.memory_space<hbm>>
          %dma_start3A_408 = arith.constant 0 : i32
          %dma_start3A_409 = tpu.memref_slice %arg7[%rem3A_371, %dma_start3A_408] : memref<8x128xi32, #tpu.memory_space<vmem>> -> memref<1x128xi32, #tpu.memory_space<vmem>>
          %dma_start3A_410 = tpu.memref_squeeze %dma_start3A_409 : memref<1x128xi32, #tpu.memory_space<vmem>> -> memref<128xi32, #tpu.memory_space<vmem>>
          %dma_start3A_411 = tpu.memref_slice %arg3[%dma_start3A_402, %add3A_374] : memref<2x320000xi32, #tpu.memory_space<hbm>> -> memref<1x128xi32, #tpu.memory_space<hbm>>
          %dma_start3A_412 = tpu.memref_squeeze %dma_start3A_411 : memref<1x128xi32, #tpu.memory_space<hbm>> -> memref<128xi32, #tpu.memory_space<hbm>>
          tpu.enqueue_dma source(%dma_start3A_412 : memref<128xi32, #tpu.memory_space<hbm>>) target(%dma_start3A_410 : memref<128xi32, #tpu.memory_space<vmem>>) target_semaphore(%arg12 : memref<!tpu.dma_semaphore, #tpu.memory_space<semaphore_mem>>)
          %dma_start3A_413 = arith.constant 1 : i32
          %dma_start3A_414 = arith.constant 0 : i32
          %dma_start3A_415 = tpu.memref_slice %arg8[%rem3A_371, %dma_start3A_414] : memref<8x128xi32, #tpu.memory_space<vmem>> -> memref<1x128xi32, #tpu.memory_space<vmem>>
          %dma_start3A_416 = tpu.memref_squeeze %dma_start3A_415 : memref<1x128xi32, #tpu.memory_space<vmem>> -> memref<128xi32, #tpu.memory_space<vmem>>
          %dma_start3A_417 = tpu.memref_slice %arg3[%dma_start3A_413, %add3A_374] : memref<2x320000xi32, #tpu.memory_space<hbm>> -> memref<1x128xi32, #tpu.memory_space<hbm>>
          %dma_start3A_418 = tpu.memref_squeeze %dma_start3A_417 : memref<1x128xi32, #tpu.memory_space<hbm>> -> memref<128xi32, #tpu.memory_space<hbm>>
          %dma_start3A_419 = arith.constant 0 : i32
          %dma_start3A_420 = tpu.memref_slice %arg8[%rem3A_371, %dma_start3A_419] : memref<8x128xi32, #tpu.memory_space<vmem>> -> memref<1x128xi32, #tpu.memory_space<vmem>>
          %dma_start3A_421 = tpu.memref_squeeze %dma_start3A_420 : memref<1x128xi32, #tpu.memory_space<vmem>> -> memref<128xi32, #tpu.memory_space<vmem>>
          %dma_start3A_422 = tpu.memref_slice %arg3[%dma_start3A_413, %add3A_374] : memref<2x320000xi32, #tpu.memory_space<hbm>> -> memref<1x128xi32, #tpu.memory_space<hbm>>
          %dma_start3A_423 = tpu.memref_squeeze %dma_start3A_422 : memref<1x128xi32, #tpu.memory_space<hbm>> -> memref<128xi32, #tpu.memory_space<hbm>>
          tpu.enqueue_dma source(%dma_start3A_423 : memref<128xi32, #tpu.memory_space<hbm>>) target(%dma_start3A_421 : memref<128xi32, #tpu.memory_space<vmem>>) target_semaphore(%arg12 : memref<!tpu.dma_semaphore, #tpu.memory_space<semaphore_mem>>)
        } else {
        }
        %ge3A_380 = arith.constant 320000 : i32
        %ge3A_381 = arith.cmpi sge, %add3A_374, %ge3A_380 : i32
        %convert_element_type3A_382 = arith.extui %ge3A_381 : i1 to i32
        %cond3A_383 = arith.constant 0 : i32
        %cond3A_384 = arith.cmpi ne, %convert_element_type3A_382, %cond3A_383 : i32
        scf.if %cond3A_384 {
          %sub3A_402 = arith.constant 320000 : i32
          %sub3A_403 = arith.subi %add3A_374, %sub3A_402 : i32
          %dma_start3A_404 = arith.constant 0 : i32
          %dma_start3A_405 = arith.constant 0 : i32
          %dma_start3A_406 = tpu.memref_slice %arg7[%rem3A_371, %dma_start3A_405] : memref<8x128xi32, #tpu.memory_space<vmem>> -> memref<1x128xi32, #tpu.memory_space<vmem>>
          %dma_start3A_407 = tpu.memref_squeeze %dma_start3A_406 : memref<1x128xi32, #tpu.memory_space<vmem>> -> memref<128xi32, #tpu.memory_space<vmem>>
          %dma_start3A_408 = tpu.memref_slice %arg4[%dma_start3A_404, %sub3A_403] : memref<2x7680xi32, #tpu.memory_space<hbm>> -> memref<1x128xi32, #tpu.memory_space<hbm>>
          %dma_start3A_409 = tpu.memref_squeeze %dma_start3A_408 : memref<1x128xi32, #tpu.memory_space<hbm>> -> memref<128xi32, #tpu.memory_space<hbm>>
          %dma_start3A_410 = arith.constant 0 : i32
          %dma_start3A_411 = tpu.memref_slice %arg7[%rem3A_371, %dma_start3A_410] : memref<8x128xi32, #tpu.memory_space<vmem>> -> memref<1x128xi32, #tpu.memory_space<vmem>>
          %dma_start3A_412 = tpu.memref_squeeze %dma_start3A_411 : memref<1x128xi32, #tpu.memory_space<vmem>> -> memref<128xi32, #tpu.memory_space<vmem>>
          %dma_start3A_413 = tpu.memref_slice %arg4[%dma_start3A_404, %sub3A_403] : memref<2x7680xi32, #tpu.memory_space<hbm>> -> memref<1x128xi32, #tpu.memory_space<hbm>>
          %dma_start3A_414 = tpu.memref_squeeze %dma_start3A_413 : memref<1x128xi32, #tpu.memory_space<hbm>> -> memref<128xi32, #tpu.memory_space<hbm>>
          tpu.enqueue_dma source(%dma_start3A_414 : memref<128xi32, #tpu.memory_space<hbm>>) target(%dma_start3A_412 : memref<128xi32, #tpu.memory_space<vmem>>) target_semaphore(%arg12 : memref<!tpu.dma_semaphore, #tpu.memory_space<semaphore_mem>>)
          %sub3A_415 = arith.constant 320000 : i32
          %sub3A_416 = arith.subi %add3A_374, %sub3A_415 : i32
          %dma_start3A_417 = arith.constant 1 : i32
          %dma_start3A_418 = arith.constant 0 : i32
          %dma_start3A_419 = tpu.memref_slice %arg8[%rem3A_371, %dma_start3A_418] : memref<8x128xi32, #tpu.memory_space<vmem>> -> memref<1x128xi32, #tpu.memory_space<vmem>>
          %dma_start3A_420 = tpu.memref_squeeze %dma_start3A_419 : memref<1x128xi32, #tpu.memory_space<vmem>> -> memref<128xi32, #tpu.memory_space<vmem>>
          %dma_start3A_421 = tpu.memref_slice %arg4[%dma_start3A_417, %sub3A_416] : memref<2x7680xi32, #tpu.memory_space<hbm>> -> memref<1x128xi32, #tpu.memory_space<hbm>>
          %dma_start3A_422 = tpu.memref_squeeze %dma_start3A_421 : memref<1x128xi32, #tpu.memory_space<hbm>> -> memref<128xi32, #tpu.memory_space<hbm>>
          %dma_start3A_423 = arith.constant 0 : i32
          %dma_start3A_424 = tpu.memref_slice %arg8[%rem3A_371, %dma_start3A_423] : memref<8x128xi32, #tpu.memory_space<vmem>> -> memref<1x128xi32, #tpu.memory_space<vmem>>
          %dma_start3A_425 = tpu.memref_squeeze %dma_start3A_424 : memref<1x128xi32, #tpu.memory_space<vmem>> -> memref<128xi32, #tpu.memory_space<vmem>>
          %dma_start3A_426 = tpu.memref_slice %arg4[%dma_start3A_417, %sub3A_416] : memref<2x7680xi32, #tpu.memory_space<hbm>> -> memref<1x128xi32, #tpu.memory_space<hbm>>
          %dma_start3A_427 = tpu.memref_squeeze %dma_start3A_426 : memref<1x128xi32, #tpu.memory_space<hbm>> -> memref<128xi32, #tpu.memory_space<hbm>>
          tpu.enqueue_dma source(%dma_start3A_427 : memref<128xi32, #tpu.memory_space<hbm>>) target(%dma_start3A_425 : memref<128xi32, #tpu.memory_space<vmem>>) target_semaphore(%arg12 : memref<!tpu.dma_semaphore, #tpu.memory_space<semaphore_mem>>)
        } else {
        }
        %add3A_385 = arith.constant 2 : i32
        %add3A_386 = arith.addi %add3A_298, %add3A_385 : i32
        %rem3A_387 = arith.constant 8 : i32
        %rem3A_388 = arith.remsi %add3A_386, %rem3A_387 : i32
        %mul3A_389 = arith.constant 128 : i32
        %mul3A_390 = arith.muli %add3A_386, %mul3A_389 : i32
        %add3A_391 = arith.addi %mul3A_28, %mul3A_390 : i32
        %lt3A_392 = arith.constant 320000 : i32
        %lt3A_393 = arith.cmpi slt, %add3A_391, %lt3A_392 : i32
        %convert_element_type3A_394 = arith.extui %lt3A_393 : i1 to i32
        %cond3A_395 = arith.constant 0 : i32
        %cond3A_396 = arith.cmpi ne, %convert_element_type3A_394, %cond3A_395 : i32
        scf.if %cond3A_396 {
          %dma_start3A_402 = arith.constant 0 : i32
          %dma_start3A_403 = arith.constant 0 : i32
          %dma_start3A_404 = tpu.memref_slice %arg7[%rem3A_388, %dma_start3A_403] : memref<8x128xi32, #tpu.memory_space<vmem>> -> memref<1x128xi32, #tpu.memory_space<vmem>>
          %dma_start3A_405 = tpu.memref_squeeze %dma_start3A_404 : memref<1x128xi32, #tpu.memory_space<vmem>> -> memref<128xi32, #tpu.memory_space<vmem>>
          %dma_start3A_406 = tpu.memref_slice %arg3[%dma_start3A_402, %add3A_391] : memref<2x320000xi32, #tpu.memory_space<hbm>> -> memref<1x128xi32, #tpu.memory_space<hbm>>
          %dma_start3A_407 = tpu.memref_squeeze %dma_start3A_406 : memref<1x128xi32, #tpu.memory_space<hbm>> -> memref<128xi32, #tpu.memory_space<hbm>>
          %dma_start3A_408 = arith.constant 0 : i32
          %dma_start3A_409 = tpu.memref_slice %arg7[%rem3A_388, %dma_start3A_408] : memref<8x128xi32, #tpu.memory_space<vmem>> -> memref<1x128xi32, #tpu.memory_space<vmem>>
          %dma_start3A_410 = tpu.memref_squeeze %dma_start3A_409 : memref<1x128xi32, #tpu.memory_space<vmem>> -> memref<128xi32, #tpu.memory_space<vmem>>
          %dma_start3A_411 = tpu.memref_slice %arg3[%dma_start3A_402, %add3A_391] : memref<2x320000xi32, #tpu.memory_space<hbm>> -> memref<1x128xi32, #tpu.memory_space<hbm>>
          %dma_start3A_412 = tpu.memref_squeeze %dma_start3A_411 : memref<1x128xi32, #tpu.memory_space<hbm>> -> memref<128xi32, #tpu.memory_space<hbm>>
          tpu.enqueue_dma source(%dma_start3A_412 : memref<128xi32, #tpu.memory_space<hbm>>) target(%dma_start3A_410 : memref<128xi32, #tpu.memory_space<vmem>>) target_semaphore(%arg12 : memref<!tpu.dma_semaphore, #tpu.memory_space<semaphore_mem>>)
          %dma_start3A_413 = arith.constant 1 : i32
          %dma_start3A_414 = arith.constant 0 : i32
          %dma_start3A_415 = tpu.memref_slice %arg8[%rem3A_388, %dma_start3A_414] : memref<8x128xi32, #tpu.memory_space<vmem>> -> memref<1x128xi32, #tpu.memory_space<vmem>>
          %dma_start3A_416 = tpu.memref_squeeze %dma_start3A_415 : memref<1x128xi32, #tpu.memory_space<vmem>> -> memref<128xi32, #tpu.memory_space<vmem>>
          %dma_start3A_417 = tpu.memref_slice %arg3[%dma_start3A_413, %add3A_391] : memref<2x320000xi32, #tpu.memory_space<hbm>> -> memref<1x128xi32, #tpu.memory_space<hbm>>
          %dma_start3A_418 = tpu.memref_squeeze %dma_start3A_417 : memref<1x128xi32, #tpu.memory_space<hbm>> -> memref<128xi32, #tpu.memory_space<hbm>>
          %dma_start3A_419 = arith.constant 0 : i32
          %dma_start3A_420 = tpu.memref_slice %arg8[%rem3A_388, %dma_start3A_419] : memref<8x128xi32, #tpu.memory_space<vmem>> -> memref<1x128xi32, #tpu.memory_space<vmem>>
          %dma_start3A_421 = tpu.memref_squeeze %dma_start3A_420 : memref<1x128xi32, #tpu.memory_space<vmem>> -> memref<128xi32, #tpu.memory_space<vmem>>
          %dma_start3A_422 = tpu.memref_slice %arg3[%dma_start3A_413, %add3A_391] : memref<2x320000xi32, #tpu.memory_space<hbm>> -> memref<1x128xi32, #tpu.memory_space<hbm>>
          %dma_start3A_423 = tpu.memref_squeeze %dma_start3A_422 : memref<1x128xi32, #tpu.memory_space<hbm>> -> memref<128xi32, #tpu.memory_space<hbm>>
          tpu.enqueue_dma source(%dma_start3A_423 : memref<128xi32, #tpu.memory_space<hbm>>) target(%dma_start3A_421 : memref<128xi32, #tpu.memory_space<vmem>>) target_semaphore(%arg12 : memref<!tpu.dma_semaphore, #tpu.memory_space<semaphore_mem>>)
        } else {
        }
        %ge3A_397 = arith.constant 320000 : i32
        %ge3A_398 = arith.cmpi sge, %add3A_391, %ge3A_397 : i32
        %convert_element_type3A_399 = arith.extui %ge3A_398 : i1 to i32
        %cond3A_400 = arith.constant 0 : i32
        %cond3A_401 = arith.cmpi ne, %convert_element_type3A_399, %cond3A_400 : i32
        scf.if %cond3A_401 {
          %sub3A_402 = arith.constant 320000 : i32
          %sub3A_403 = arith.subi %add3A_391, %sub3A_402 : i32
          %dma_start3A_404 = arith.constant 0 : i32
          %dma_start3A_405 = arith.constant 0 : i32
          %dma_start3A_406 = tpu.memref_slice %arg7[%rem3A_388, %dma_start3A_405] : memref<8x128xi32, #tpu.memory_space<vmem>> -> memref<1x128xi32, #tpu.memory_space<vmem>>
          %dma_start3A_407 = tpu.memref_squeeze %dma_start3A_406 : memref<1x128xi32, #tpu.memory_space<vmem>> -> memref<128xi32, #tpu.memory_space<vmem>>
          %dma_start3A_408 = tpu.memref_slice %arg4[%dma_start3A_404, %sub3A_403] : memref<2x7680xi32, #tpu.memory_space<hbm>> -> memref<1x128xi32, #tpu.memory_space<hbm>>
          %dma_start3A_409 = tpu.memref_squeeze %dma_start3A_408 : memref<1x128xi32, #tpu.memory_space<hbm>> -> memref<128xi32, #tpu.memory_space<hbm>>
          %dma_start3A_410 = arith.constant 0 : i32
          %dma_start3A_411 = tpu.memref_slice %arg7[%rem3A_388, %dma_start3A_410] : memref<8x128xi32, #tpu.memory_space<vmem>> -> memref<1x128xi32, #tpu.memory_space<vmem>>
          %dma_start3A_412 = tpu.memref_squeeze %dma_start3A_411 : memref<1x128xi32, #tpu.memory_space<vmem>> -> memref<128xi32, #tpu.memory_space<vmem>>
          %dma_start3A_413 = tpu.memref_slice %arg4[%dma_start3A_404, %sub3A_403] : memref<2x7680xi32, #tpu.memory_space<hbm>> -> memref<1x128xi32, #tpu.memory_space<hbm>>
          %dma_start3A_414 = tpu.memref_squeeze %dma_start3A_413 : memref<1x128xi32, #tpu.memory_space<hbm>> -> memref<128xi32, #tpu.memory_space<hbm>>
          tpu.enqueue_dma source(%dma_start3A_414 : memref<128xi32, #tpu.memory_space<hbm>>) target(%dma_start3A_412 : memref<128xi32, #tpu.memory_space<vmem>>) target_semaphore(%arg12 : memref<!tpu.dma_semaphore, #tpu.memory_space<semaphore_mem>>)
          %sub3A_415 = arith.constant 320000 : i32
          %sub3A_416 = arith.subi %add3A_391, %sub3A_415 : i32
          %dma_start3A_417 = arith.constant 1 : i32
          %dma_start3A_418 = arith.constant 0 : i32
          %dma_start3A_419 = tpu.memref_slice %arg8[%rem3A_388, %dma_start3A_418] : memref<8x128xi32, #tpu.memory_space<vmem>> -> memref<1x128xi32, #tpu.memory_space<vmem>>
          %dma_start3A_420 = tpu.memref_squeeze %dma_start3A_419 : memref<1x128xi32, #tpu.memory_space<vmem>> -> memref<128xi32, #tpu.memory_space<vmem>>
          %dma_start3A_421 = tpu.memref_slice %arg4[%dma_start3A_417, %sub3A_416] : memref<2x7680xi32, #tpu.memory_space<hbm>> -> memref<1x128xi32, #tpu.memory_space<hbm>>
          %dma_start3A_422 = tpu.memref_squeeze %dma_start3A_421 : memref<1x128xi32, #tpu.memory_space<hbm>> -> memref<128xi32, #tpu.memory_space<hbm>>
          %dma_start3A_423 = arith.constant 0 : i32
          %dma_start3A_424 = tpu.memref_slice %arg8[%rem3A_388, %dma_start3A_423] : memref<8x128xi32, #tpu.memory_space<vmem>> -> memref<1x128xi32, #tpu.memory_space<vmem>>
          %dma_start3A_425 = tpu.memref_squeeze %dma_start3A_424 : memref<1x128xi32, #tpu.memory_space<vmem>> -> memref<128xi32, #tpu.memory_space<vmem>>
          %dma_start3A_426 = tpu.memref_slice %arg4[%dma_start3A_417, %sub3A_416] : memref<2x7680xi32, #tpu.memory_space<hbm>> -> memref<1x128xi32, #tpu.memory_space<hbm>>
          %dma_start3A_427 = tpu.memref_squeeze %dma_start3A_426 : memref<1x128xi32, #tpu.memory_space<hbm>> -> memref<128xi32, #tpu.memory_space<hbm>>
          tpu.enqueue_dma source(%dma_start3A_427 : memref<128xi32, #tpu.memory_space<hbm>>) target(%dma_start3A_425 : memref<128xi32, #tpu.memory_space<vmem>>) target_semaphore(%arg12 : memref<!tpu.dma_semaphore, #tpu.memory_space<semaphore_mem>>)
        } else {
        }
      } else {
      }
      %dma_wait3A_305 = arith.constant 0 : i32
      %dma_wait3A_306 = arith.constant 0 : i32
      %dma_wait3A_307 = tpu.memref_slice %arg7[%dma_wait3A_305, %dma_wait3A_306] : memref<8x128xi32, #tpu.memory_space<vmem>> -> memref<1x128xi32, #tpu.memory_space<vmem>>
      %dma_wait3A_308 = tpu.memref_squeeze %dma_wait3A_307 : memref<1x128xi32, #tpu.memory_space<vmem>> -> memref<128xi32, #tpu.memory_space<vmem>>
      %dma_wait3A_309 = arith.constant 0 : i32
      %dma_wait3A_310 = arith.constant 0 : i32
      %dma_wait3A_311 = tpu.memref_slice %arg2[%dma_wait3A_309, %dma_wait3A_310] : memref<10000x128xf32, #tpu.memory_space<hbm>> -> memref<10000x128xf32, #tpu.memory_space<hbm>>
      tpu.wait_indirect_dma semaphore(%arg13 : memref<!tpu.dma_semaphore, #tpu.memory_space<semaphore_mem>>) src(%dma_wait3A_311 : memref<10000x128xf32, #tpu.memory_space<hbm>>) dst(%arg9 : memref<128x128xf32, #tpu.memory_space<vmem>>)
      %rem3A_312 = arith.constant 8 : i32
      %rem3A_313 = arith.remsi %add3A_298, %rem3A_312 : i32
      %dma_start3A_314 = arith.constant 0 : i32
      %dma_start3A_315 = tpu.memref_slice %arg7[%rem3A_313, %dma_start3A_314] : memref<8x128xi32, #tpu.memory_space<vmem>> -> memref<1x128xi32, #tpu.memory_space<vmem>>
      %dma_start3A_316 = tpu.memref_squeeze %dma_start3A_315 : memref<1x128xi32, #tpu.memory_space<vmem>> -> memref<128xi32, #tpu.memory_space<vmem>>
      %dma_start3A_317 = arith.constant 0 : i32
      %dma_start3A_318 = arith.constant 0 : i32
      %dma_start3A_319 = tpu.memref_slice %arg2[%dma_start3A_317, %dma_start3A_318] : memref<10000x128xf32, #tpu.memory_space<hbm>> -> memref<10000x128xf32, #tpu.memory_space<hbm>>
      tpu.enqueue_indirect_dma source(%dma_start3A_319 : memref<10000x128xf32, #tpu.memory_space<hbm>>) target(%arg10 : memref<128x128xf32, #tpu.memory_space<vmem>>) offsets(%dma_start3A_316 : memref<128xi32, #tpu.memory_space<vmem>>) semaphore(%arg14 : memref<!tpu.dma_semaphore, #tpu.memory_space<semaphore_mem>>)
      %rem3A_320 = arith.constant 8 : i32
      %rem3A_321 = arith.remsi %mul3A_296, %rem3A_320 : i32
      "tpu.region"() ({
        %run_scoped3A = tpu.sem_alloc : memref<!tpu.dma_semaphore, #tpu.memory_space<semaphore_mem>>
        %dma_start3A_368 = arith.constant 0 : i32
        %dma_start3A_369 = tpu.memref_slice %arg8[%rem3A_321, %dma_start3A_368] : memref<8x128xi32, #tpu.memory_space<vmem>> -> memref<1x128xi32, #tpu.memory_space<vmem>>
        %dma_start3A_370 = tpu.memref_squeeze %dma_start3A_369 : memref<1x128xi32, #tpu.memory_space<vmem>> -> memref<128xi32, #tpu.memory_space<vmem>>
        %dma_start3A_371 = arith.constant 0 : i32
        %dma_start3A_372 = arith.constant 0 : i32
        %dma_start3A_373 = tpu.memref_slice %arg11[%dma_start3A_371, %dma_start3A_372] : memref<10240x128xf32, #tpu.memory_space<vmem_shared>> -> memref<10240x128xf32, #tpu.memory_space<vmem_shared>>
        tpu.enqueue_indirect_dma source(%arg9 : memref<128x128xf32, #tpu.memory_space<vmem>>) target(%dma_start3A_373 : memref<10240x128xf32, #tpu.memory_space<vmem_shared>>) offsets(%dma_start3A_370 : memref<128xi32, #tpu.memory_space<vmem>>) semaphore(%run_scoped3A : memref<!tpu.dma_semaphore, #tpu.memory_space<semaphore_mem>>) {add = true}
        %dma_wait3A_374 = arith.constant 0 : i32
        %dma_wait3A_375 = tpu.memref_slice %arg8[%rem3A_321, %dma_wait3A_374] : memref<8x128xi32, #tpu.memory_space<vmem>> -> memref<1x128xi32, #tpu.memory_space<vmem>>
        %dma_wait3A_376 = tpu.memref_squeeze %dma_wait3A_375 : memref<1x128xi32, #tpu.memory_space<vmem>> -> memref<128xi32, #tpu.memory_space<vmem>>
        %dma_wait3A_377 = arith.constant 0 : i32
        %dma_wait3A_378 = arith.constant 0 : i32
        %dma_wait3A_379 = tpu.memref_slice %arg11[%dma_wait3A_377, %dma_wait3A_378] : memref<10240x128xf32, #tpu.memory_space<vmem_shared>> -> memref<10240x128xf32, #tpu.memory_space<vmem_shared>>
        tpu.wait_indirect_dma semaphore(%run_scoped3A : memref<!tpu.dma_semaphore, #tpu.memory_space<semaphore_mem>>) src(%arg9 : memref<128x128xf32, #tpu.memory_space<vmem>>) dst(%dma_wait3A_379 : memref<10240x128xf32, #tpu.memory_space<vmem_shared>>)
        tpu.yield
      }) : () -> ()
      %gt3A = arith.constant 0 : i32
      %gt3A_322 = arith.cmpi sgt, %while3A_294, %gt3A : i32
      %convert_element_type3A_323 = arith.extui %gt3A_322 : i1 to i32
      %cond3A_324 = arith.constant 0 : i32
      %cond3A_325 = arith.cmpi ne, %convert_element_type3A_323, %cond3A_324 : i32
      scf.if %cond3A_325 {
        %dma_wait3A_368 = arith.constant 0 : i32
        %dma_wait3A_369 = arith.constant 0 : i32
        %dma_wait3A_370 = tpu.memref_slice %arg8[%dma_wait3A_368, %dma_wait3A_369] : memref<8x128xi32, #tpu.memory_space<vmem>> -> memref<1x128xi32, #tpu.memory_space<vmem>>
        %dma_wait3A_371 = tpu.memref_squeeze %dma_wait3A_370 : memref<1x128xi32, #tpu.memory_space<vmem>> -> memref<128xi32, #tpu.memory_space<vmem>>
        %dma_wait3A_372 = arith.constant 0 : i32
        %dma_wait3A_373 = arith.constant 0 : i32
        %dma_wait3A_374 = tpu.memref_slice %arg17[%dma_wait3A_372, %dma_wait3A_373] : memref<10240x16xf32, #tpu.memory_space<vmem_shared>> -> memref<10240x16xf32, #tpu.memory_space<vmem_shared>>
        tpu.wait_indirect_dma semaphore(%arg18 : memref<!tpu.dma_semaphore, #tpu.memory_space<semaphore_mem>>) src(%arg16 : memref<128x16xf32, #tpu.memory_space<vmem>>) dst(%dma_wait3A_374 : memref<10240x16xf32, #tpu.memory_space<vmem_shared>>)
      } else {
      }
      %rem3A_326 = arith.constant 8 : i32
      %rem3A_327 = arith.remsi %mul3A_296, %rem3A_326 : i32
      %dma_start3A_328 = arith.constant 0 : i32
      %dma_start3A_329 = tpu.memref_slice %arg8[%rem3A_327, %dma_start3A_328] : memref<8x128xi32, #tpu.memory_space<vmem>> -> memref<1x128xi32, #tpu.memory_space<vmem>>
      %dma_start3A_330 = tpu.memref_squeeze %dma_start3A_329 : memref<1x128xi32, #tpu.memory_space<vmem>> -> memref<128xi32, #tpu.memory_space<vmem>>
      %dma_start3A_331 = arith.constant 0 : i32
      %dma_start3A_332 = arith.constant 0 : i32
      %dma_start3A_333 = tpu.memref_slice %arg17[%dma_start3A_331, %dma_start3A_332] : memref<10240x16xf32, #tpu.memory_space<vmem_shared>> -> memref<10240x16xf32, #tpu.memory_space<vmem_shared>>
      tpu.enqueue_indirect_dma source(%arg16 : memref<128x16xf32, #tpu.memory_space<vmem>>) target(%dma_start3A_333 : memref<10240x16xf32, #tpu.memory_space<vmem_shared>>) offsets(%dma_start3A_330 : memref<128xi32, #tpu.memory_space<vmem>>) semaphore(%arg18 : memref<!tpu.dma_semaphore, #tpu.memory_space<semaphore_mem>>) {add = true}
      %sub3A_334 = arith.constant 1 : i32
      %sub3A_335 = arith.subi %select_n3A_19, %sub3A_334 : i32
      %lt3A_336 = arith.cmpi slt, %while3A_294, %sub3A_335 : i32
      %convert_element_type3A_337 = arith.extui %lt3A_336 : i1 to i32
      %cond3A_338 = arith.constant 0 : i32
      %cond3A_339 = arith.cmpi ne, %convert_element_type3A_337, %cond3A_338 : i32
      scf.if %cond3A_339 {
        %dma_wait3A_368 = arith.constant 0 : i32
        %dma_wait3A_369 = arith.constant 0 : i32
        %dma_wait3A_370 = arith.constant 0 : i32
        %dma_wait3A_371 = tpu.memref_slice %arg7[%dma_wait3A_369, %dma_wait3A_370] : memref<8x128xi32, #tpu.memory_space<vmem>> -> memref<1x128xi32, #tpu.memory_space<vmem>>
        %dma_wait3A_372 = tpu.memref_squeeze %dma_wait3A_371 : memref<1x128xi32, #tpu.memory_space<vmem>> -> memref<128xi32, #tpu.memory_space<vmem>>
        %dma_wait3A_373 = arith.constant 0 : i32
        %dma_wait3A_374 = tpu.memref_slice %arg3[%dma_wait3A_368, %dma_wait3A_373] : memref<2x320000xi32, #tpu.memory_space<hbm>> -> memref<1x128xi32, #tpu.memory_space<hbm>>
        %dma_wait3A_375 = tpu.memref_squeeze %dma_wait3A_374 : memref<1x128xi32, #tpu.memory_space<hbm>> -> memref<128xi32, #tpu.memory_space<hbm>>
        %dma_wait3A_376 = arith.constant 0 : i32
        %dma_wait3A_377 = tpu.memref_slice %arg7[%dma_wait3A_369, %dma_wait3A_376] : memref<8x128xi32, #tpu.memory_space<vmem>> -> memref<1x128xi32, #tpu.memory_space<vmem>>
        %dma_wait3A_378 = tpu.memref_squeeze %dma_wait3A_377 : memref<1x128xi32, #tpu.memory_space<vmem>> -> memref<128xi32, #tpu.memory_space<vmem>>
        %dma_wait3A_379 = arith.constant 0 : i32
        %dma_wait3A_380 = tpu.memref_slice %arg3[%dma_wait3A_368, %dma_wait3A_379] : memref<2x320000xi32, #tpu.memory_space<hbm>> -> memref<1x128xi32, #tpu.memory_space<hbm>>
        %dma_wait3A_381 = tpu.memref_squeeze %dma_wait3A_380 : memref<1x128xi32, #tpu.memory_space<hbm>> -> memref<128xi32, #tpu.memory_space<hbm>>
        tpu.wait_dma2 semaphore(%arg12 : memref<!tpu.dma_semaphore, #tpu.memory_space<semaphore_mem>>) src(%dma_wait3A_381 : memref<128xi32, #tpu.memory_space<hbm>>) dst(%dma_wait3A_378 : memref<128xi32, #tpu.memory_space<vmem>>)
        %dma_wait3A_382 = arith.constant 0 : i32
        %dma_wait3A_383 = arith.constant 0 : i32
        %dma_wait3A_384 = arith.constant 0 : i32
        %dma_wait3A_385 = tpu.memref_slice %arg7[%dma_wait3A_383, %dma_wait3A_384] : memref<8x128xi32, #tpu.memory_space<vmem>> -> memref<1x128xi32, #tpu.memory_space<vmem>>
        %dma_wait3A_386 = tpu.memref_squeeze %dma_wait3A_385 : memref<1x128xi32, #tpu.memory_space<vmem>> -> memref<128xi32, #tpu.memory_space<vmem>>
        %dma_wait3A_387 = arith.constant 0 : i32
        %dma_wait3A_388 = tpu.memref_slice %arg3[%dma_wait3A_382, %dma_wait3A_387] : memref<2x320000xi32, #tpu.memory_space<hbm>> -> memref<1x128xi32, #tpu.memory_space<hbm>>
        %dma_wait3A_389 = tpu.memref_squeeze %dma_wait3A_388 : memref<1x128xi32, #tpu.memory_space<hbm>> -> memref<128xi32, #tpu.memory_space<hbm>>
        %dma_wait3A_390 = arith.constant 0 : i32
        %dma_wait3A_391 = tpu.memref_slice %arg7[%dma_wait3A_383, %dma_wait3A_390] : memref<8x128xi32, #tpu.memory_space<vmem>> -> memref<1x128xi32, #tpu.memory_space<vmem>>
        %dma_wait3A_392 = tpu.memref_squeeze %dma_wait3A_391 : memref<1x128xi32, #tpu.memory_space<vmem>> -> memref<128xi32, #tpu.memory_space<vmem>>
        %dma_wait3A_393 = arith.constant 0 : i32
        %dma_wait3A_394 = tpu.memref_slice %arg3[%dma_wait3A_382, %dma_wait3A_393] : memref<2x320000xi32, #tpu.memory_space<hbm>> -> memref<1x128xi32, #tpu.memory_space<hbm>>
        %dma_wait3A_395 = tpu.memref_squeeze %dma_wait3A_394 : memref<1x128xi32, #tpu.memory_space<hbm>> -> memref<128xi32, #tpu.memory_space<hbm>>
        tpu.wait_dma2 semaphore(%arg12 : memref<!tpu.dma_semaphore, #tpu.memory_space<semaphore_mem>>) src(%dma_wait3A_395 : memref<128xi32, #tpu.memory_space<hbm>>) dst(%dma_wait3A_392 : memref<128xi32, #tpu.memory_space<vmem>>)
        %dma_wait3A_396 = arith.constant 0 : i32
        %dma_wait3A_397 = arith.constant 0 : i32
        %dma_wait3A_398 = arith.constant 0 : i32
        %dma_wait3A_399 = tpu.memref_slice %arg7[%dma_wait3A_397, %dma_wait3A_398] : memref<8x128xi32, #tpu.memory_space<vmem>> -> memref<1x128xi32, #tpu.memory_space<vmem>>
        %dma_wait3A_400 = tpu.memref_squeeze %dma_wait3A_399 : memref<1x128xi32, #tpu.memory_space<vmem>> -> memref<128xi32, #tpu.memory_space<vmem>>
        %dma_wait3A_401 = arith.constant 0 : i32
        %dma_wait3A_402 = tpu.memref_slice %arg3[%dma_wait3A_396, %dma_wait3A_401] : memref<2x320000xi32, #tpu.memory_space<hbm>> -> memref<1x128xi32, #tpu.memory_space<hbm>>
        %dma_wait3A_403 = tpu.memref_squeeze %dma_wait3A_402 : memref<1x128xi32, #tpu.memory_space<hbm>> -> memref<128xi32, #tpu.memory_space<hbm>>
        %dma_wait3A_404 = arith.constant 0 : i32
        %dma_wait3A_405 = tpu.memref_slice %arg7[%dma_wait3A_397, %dma_wait3A_404] : memref<8x128xi32, #tpu.memory_space<vmem>> -> memref<1x128xi32, #tpu.memory_space<vmem>>
        %dma_wait3A_406 = tpu.memref_squeeze %dma_wait3A_405 : memref<1x128xi32, #tpu.memory_space<vmem>> -> memref<128xi32, #tpu.memory_space<vmem>>
        %dma_wait3A_407 = arith.constant 0 : i32
        %dma_wait3A_408 = tpu.memref_slice %arg3[%dma_wait3A_396, %dma_wait3A_407] : memref<2x320000xi32, #tpu.memory_space<hbm>> -> memref<1x128xi32, #tpu.memory_space<hbm>>
        %dma_wait3A_409 = tpu.memref_squeeze %dma_wait3A_408 : memref<1x128xi32, #tpu.memory_space<hbm>> -> memref<128xi32, #tpu.memory_space<hbm>>
        tpu.wait_dma2 semaphore(%arg12 : memref<!tpu.dma_semaphore, #tpu.memory_space<semaphore_mem>>) src(%dma_wait3A_409 : memref<128xi32, #tpu.memory_space<hbm>>) dst(%dma_wait3A_406 : memref<128xi32, #tpu.memory_space<vmem>>)
        %dma_wait3A_410 = arith.constant 0 : i32
        %dma_wait3A_411 = arith.constant 0 : i32
        %dma_wait3A_412 = arith.constant 0 : i32
        %dma_wait3A_413 = tpu.memref_slice %arg7[%dma_wait3A_411, %dma_wait3A_412] : memref<8x128xi32, #tpu.memory_space<vmem>> -> memref<1x128xi32, #tpu.memory_space<vmem>>
        %dma_wait3A_414 = tpu.memref_squeeze %dma_wait3A_413 : memref<1x128xi32, #tpu.memory_space<vmem>> -> memref<128xi32, #tpu.memory_space<vmem>>
        %dma_wait3A_415 = arith.constant 0 : i32
        %dma_wait3A_416 = tpu.memref_slice %arg3[%dma_wait3A_410, %dma_wait3A_415] : memref<2x320000xi32, #tpu.memory_space<hbm>> -> memref<1x128xi32, #tpu.memory_space<hbm>>
        %dma_wait3A_417 = tpu.memref_squeeze %dma_wait3A_416 : memref<1x128xi32, #tpu.memory_space<hbm>> -> memref<128xi32, #tpu.memory_space<hbm>>
        %dma_wait3A_418 = arith.constant 0 : i32
        %dma_wait3A_419 = tpu.memref_slice %arg7[%dma_wait3A_411, %dma_wait3A_418] : memref<8x128xi32, #tpu.memory_space<vmem>> -> memref<1x128xi32, #tpu.memory_space<vmem>>
        %dma_wait3A_420 = tpu.memref_squeeze %dma_wait3A_419 : memref<1x128xi32, #tpu.memory_space<vmem>> -> memref<128xi32, #tpu.memory_space<vmem>>
        %dma_wait3A_421 = arith.constant 0 : i32
        %dma_wait3A_422 = tpu.memref_slice %arg3[%dma_wait3A_410, %dma_wait3A_421] : memref<2x320000xi32, #tpu.memory_space<hbm>> -> memref<1x128xi32, #tpu.memory_space<hbm>>
        %dma_wait3A_423 = tpu.memref_squeeze %dma_wait3A_422 : memref<1x128xi32, #tpu.memory_space<hbm>> -> memref<128xi32, #tpu.memory_space<hbm>>
        tpu.wait_dma2 semaphore(%arg12 : memref<!tpu.dma_semaphore, #tpu.memory_space<semaphore_mem>>) src(%dma_wait3A_423 : memref<128xi32, #tpu.memory_space<hbm>>) dst(%dma_wait3A_420 : memref<128xi32, #tpu.memory_space<vmem>>)
      } else {
      }
      %dma_wait3A_340 = arith.constant 0 : i32
      %dma_wait3A_341 = arith.constant 0 : i32
      %dma_wait3A_342 = tpu.memref_slice %arg7[%dma_wait3A_340, %dma_wait3A_341] : memref<8x128xi32, #tpu.memory_space<vmem>> -> memref<1x128xi32, #tpu.memory_space<vmem>>
      %dma_wait3A_343 = tpu.memref_squeeze %dma_wait3A_342 : memref<1x128xi32, #tpu.memory_space<vmem>> -> memref<128xi32, #tpu.memory_space<vmem>>
      %dma_wait3A_344 = arith.constant 0 : i32
      %dma_wait3A_345 = arith.constant 0 : i32
      %dma_wait3A_346 = tpu.memref_slice %arg2[%dma_wait3A_344, %dma_wait3A_345] : memref<10000x128xf32, #tpu.memory_space<hbm>> -> memref<10000x128xf32, #tpu.memory_space<hbm>>
      tpu.wait_indirect_dma semaphore(%arg14 : memref<!tpu.dma_semaphore, #tpu.memory_space<semaphore_mem>>) src(%dma_wait3A_346 : memref<10000x128xf32, #tpu.memory_space<hbm>>) dst(%arg10 : memref<128x128xf32, #tpu.memory_space<vmem>>)
      %sub3A_347 = arith.constant 1 : i32
      %sub3A_348 = arith.subi %select_n3A_19, %sub3A_347 : i32
      %lt3A_349 = arith.cmpi slt, %while3A_294, %sub3A_348 : i32
      %convert_element_type3A_350 = arith.extui %lt3A_349 : i1 to i32
      %cond3A_351 = arith.constant 0 : i32
      %cond3A_352 = arith.cmpi ne, %convert_element_type3A_350, %cond3A_351 : i32
      scf.if %cond3A_352 {
        %add3A_368 = arith.constant 2 : i32
        %add3A_369 = arith.addi %mul3A_296, %add3A_368 : i32
        %rem3A_370 = arith.constant 8 : i32
        %rem3A_371 = arith.remsi %add3A_369, %rem3A_370 : i32
        %dma_start3A_372 = arith.constant 0 : i32
        %dma_start3A_373 = tpu.memref_slice %arg7[%rem3A_371, %dma_start3A_372] : memref<8x128xi32, #tpu.memory_space<vmem>> -> memref<1x128xi32, #tpu.memory_space<vmem>>
        %dma_start3A_374 = tpu.memref_squeeze %dma_start3A_373 : memref<1x128xi32, #tpu.memory_space<vmem>> -> memref<128xi32, #tpu.memory_space<vmem>>
        %dma_start3A_375 = arith.constant 0 : i32
        %dma_start3A_376 = arith.constant 0 : i32
        %dma_start3A_377 = tpu.memref_slice %arg2[%dma_start3A_375, %dma_start3A_376] : memref<10000x128xf32, #tpu.memory_space<hbm>> -> memref<10000x128xf32, #tpu.memory_space<hbm>>
        tpu.enqueue_indirect_dma source(%dma_start3A_377 : memref<10000x128xf32, #tpu.memory_space<hbm>>) target(%arg9 : memref<128x128xf32, #tpu.memory_space<vmem>>) offsets(%dma_start3A_374 : memref<128xi32, #tpu.memory_space<vmem>>) semaphore(%arg13 : memref<!tpu.dma_semaphore, #tpu.memory_space<semaphore_mem>>)
      } else {
      }
      %rem3A_353 = arith.constant 8 : i32
      %rem3A_354 = arith.remsi %add3A_298, %rem3A_353 : i32
      "tpu.region"() ({
        %run_scoped3A = tpu.sem_alloc : memref<!tpu.dma_semaphore, #tpu.memory_space<semaphore_mem>>
        %dma_start3A_368 = arith.constant 0 : i32
        %dma_start3A_369 = tpu.memref_slice %arg8[%rem3A_354, %dma_start3A_368] : memref<8x128xi32, #tpu.memory_space<vmem>> -> memref<1x128xi32, #tpu.memory_space<vmem>>
        %dma_start3A_370 = tpu.memref_squeeze %dma_start3A_369 : memref<1x128xi32, #tpu.memory_space<vmem>> -> memref<128xi32, #tpu.memory_space<vmem>>
        %dma_start3A_371 = arith.constant 0 : i32
        %dma_start3A_372 = arith.constant 0 : i32
        %dma_start3A_373 = tpu.memref_slice %arg11[%dma_start3A_371, %dma_start3A_372] : memref<10240x128xf32, #tpu.memory_space<vmem_shared>> -> memref<10240x128xf32, #tpu.memory_space<vmem_shared>>
        tpu.enqueue_indirect_dma source(%arg10 : memref<128x128xf32, #tpu.memory_space<vmem>>) target(%dma_start3A_373 : memref<10240x128xf32, #tpu.memory_space<vmem_shared>>) offsets(%dma_start3A_370 : memref<128xi32, #tpu.memory_space<vmem>>) semaphore(%run_scoped3A : memref<!tpu.dma_semaphore, #tpu.memory_space<semaphore_mem>>) {add = true}
        %dma_wait3A_374 = arith.constant 0 : i32
        %dma_wait3A_375 = tpu.memref_slice %arg8[%rem3A_354, %dma_wait3A_374] : memref<8x128xi32, #tpu.memory_space<vmem>> -> memref<1x128xi32, #tpu.memory_space<vmem>>
        %dma_wait3A_376 = tpu.memref_squeeze %dma_wait3A_375 : memref<1x128xi32, #tpu.memory_space<vmem>> -> memref<128xi32, #tpu.memory_space<vmem>>
        %dma_wait3A_377 = arith.constant 0 : i32
        %dma_wait3A_378 = arith.constant 0 : i32
        %dma_wait3A_379 = tpu.memref_slice %arg11[%dma_wait3A_377, %dma_wait3A_378] : memref<10240x128xf32, #tpu.memory_space<vmem_shared>> -> memref<10240x128xf32, #tpu.memory_space<vmem_shared>>
        tpu.wait_indirect_dma semaphore(%run_scoped3A : memref<!tpu.dma_semaphore, #tpu.memory_space<semaphore_mem>>) src(%arg10 : memref<128x128xf32, #tpu.memory_space<vmem>>) dst(%dma_wait3A_379 : memref<10240x128xf32, #tpu.memory_space<vmem_shared>>)
        tpu.yield
      }) : () -> ()
      %gt3A_355 = arith.constant 0 : i32
      %gt3A_356 = arith.cmpi sgt, %while3A_294, %gt3A_355 : i32
      %convert_element_type3A_357 = arith.extui %gt3A_356 : i1 to i32
      %cond3A_358 = arith.constant 0 : i32
      %cond3A_359 = arith.cmpi ne, %convert_element_type3A_357, %cond3A_358 : i32
      scf.if %cond3A_359 {
        %dma_wait3A_368 = arith.constant 0 : i32
        %dma_wait3A_369 = arith.constant 0 : i32
        %dma_wait3A_370 = tpu.memref_slice %arg8[%dma_wait3A_368, %dma_wait3A_369] : memref<8x128xi32, #tpu.memory_space<vmem>> -> memref<1x128xi32, #tpu.memory_space<vmem>>
        %dma_wait3A_371 = tpu.memref_squeeze %dma_wait3A_370 : memref<1x128xi32, #tpu.memory_space<vmem>> -> memref<128xi32, #tpu.memory_space<vmem>>
        %dma_wait3A_372 = arith.constant 0 : i32
        %dma_wait3A_373 = arith.constant 0 : i32
        %dma_wait3A_374 = tpu.memref_slice %arg17[%dma_wait3A_372, %dma_wait3A_373] : memref<10240x16xf32, #tpu.memory_space<vmem_shared>> -> memref<10240x16xf32, #tpu.memory_space<vmem_shared>>
        tpu.wait_indirect_dma semaphore(%arg19 : memref<!tpu.dma_semaphore, #tpu.memory_space<semaphore_mem>>) src(%arg16 : memref<128x16xf32, #tpu.memory_space<vmem>>) dst(%dma_wait3A_374 : memref<10240x16xf32, #tpu.memory_space<vmem_shared>>)
      } else {
      }
      %rem3A_360 = arith.constant 8 : i32
      %rem3A_361 = arith.remsi %add3A_298, %rem3A_360 : i32
      %dma_start3A_362 = arith.constant 0 : i32
      %dma_start3A_363 = tpu.memref_slice %arg8[%rem3A_361, %dma_start3A_362] : memref<8x128xi32, #tpu.memory_space<vmem>> -> memref<1x128xi32, #tpu.memory_space<vmem>>
      %dma_start3A_364 = tpu.memref_squeeze %dma_start3A_363 : memref<1x128xi32, #tpu.memory_space<vmem>> -> memref<128xi32, #tpu.memory_space<vmem>>
      %dma_start3A_365 = arith.constant 0 : i32
      %dma_start3A_366 = arith.constant 0 : i32
      %dma_start3A_367 = tpu.memref_slice %arg17[%dma_start3A_365, %dma_start3A_366] : memref<10240x16xf32, #tpu.memory_space<vmem_shared>> -> memref<10240x16xf32, #tpu.memory_space<vmem_shared>>
      tpu.enqueue_indirect_dma source(%arg16 : memref<128x16xf32, #tpu.memory_space<vmem>>) target(%dma_start3A_367 : memref<10240x16xf32, #tpu.memory_space<vmem_shared>>) offsets(%dma_start3A_364 : memref<128xi32, #tpu.memory_space<vmem>>) semaphore(%arg19 : memref<!tpu.dma_semaphore, #tpu.memory_space<semaphore_mem>>) {add = true}
    }
    %dma_wait3A_159 = arith.constant 0 : i32
    %dma_wait3A_160 = arith.constant 0 : i32
    %dma_wait3A_161 = tpu.memref_slice %arg8[%dma_wait3A_159, %dma_wait3A_160] : memref<8x128xi32, #tpu.memory_space<vmem>> -> memref<1x128xi32, #tpu.memory_space<vmem>>
    %dma_wait3A_162 = tpu.memref_squeeze %dma_wait3A_161 : memref<1x128xi32, #tpu.memory_space<vmem>> -> memref<128xi32, #tpu.memory_space<vmem>>
    %dma_wait3A_163 = arith.constant 0 : i32
    %dma_wait3A_164 = arith.constant 0 : i32
    %dma_wait3A_165 = tpu.memref_slice %arg17[%dma_wait3A_163, %dma_wait3A_164] : memref<10240x16xf32, #tpu.memory_space<vmem_shared>> -> memref<10240x16xf32, #tpu.memory_space<vmem_shared>>
    tpu.wait_indirect_dma semaphore(%arg18 : memref<!tpu.dma_semaphore, #tpu.memory_space<semaphore_mem>>) src(%arg16 : memref<128x16xf32, #tpu.memory_space<vmem>>) dst(%dma_wait3A_165 : memref<10240x16xf32, #tpu.memory_space<vmem_shared>>)
    %dma_wait3A_166 = arith.constant 0 : i32
    %dma_wait3A_167 = arith.constant 0 : i32
    %dma_wait3A_168 = tpu.memref_slice %arg8[%dma_wait3A_166, %dma_wait3A_167] : memref<8x128xi32, #tpu.memory_space<vmem>> -> memref<1x128xi32, #tpu.memory_space<vmem>>
    %dma_wait3A_169 = tpu.memref_squeeze %dma_wait3A_168 : memref<1x128xi32, #tpu.memory_space<vmem>> -> memref<128xi32, #tpu.memory_space<vmem>>
    %dma_wait3A_170 = arith.constant 0 : i32
    %dma_wait3A_171 = arith.constant 0 : i32
    %dma_wait3A_172 = tpu.memref_slice %arg17[%dma_wait3A_170, %dma_wait3A_171] : memref<10240x16xf32, #tpu.memory_space<vmem_shared>> -> memref<10240x16xf32, #tpu.memory_space<vmem_shared>>
    tpu.wait_indirect_dma semaphore(%arg19 : memref<!tpu.dma_semaphore, #tpu.memory_space<semaphore_mem>>) src(%arg16 : memref<128x16xf32, #tpu.memory_space<vmem>>) dst(%dma_wait3A_172 : memref<10240x16xf32, #tpu.memory_space<vmem_shared>>)
    %barrier3A_173 = arith.constant 0 : index
    tpu.barrier barrier_id(%barrier3A_173)
    %mul3A_174 = arith.constant 640 : i32
    %mul3A_175 = arith.muli %arg1, %mul3A_174 : i32
    %add3A_176 = arith.constant 0 : i32
    %add3A_177 = arith.addi %mul3A_175, %add3A_176 : i32
    "tpu.region"() ({
      %run_scoped3A = tpu.sem_alloc : memref<!tpu.dma_semaphore, #tpu.memory_space<semaphore_mem>>
      %dma_start3A_294 = arith.constant 0 : i32
      %dma_start3A_295 = tpu.memref_slice %arg11[%add3A_177, %dma_start3A_294] : memref<10240x128xf32, #tpu.memory_space<vmem_shared>> -> memref<128x128xf32, #tpu.memory_space<vmem_shared>>
      %dma_start3A_296 = arith.constant 0 : i32
      %dma_start3A_297 = tpu.memref_slice %arg11[%add3A_177, %dma_start3A_296] : memref<10240x128xf32, #tpu.memory_space<vmem_shared>> -> memref<128x128xf32, #tpu.memory_space<vmem_shared>>
      tpu.enqueue_dma source(%dma_start3A_297 : memref<128x128xf32, #tpu.memory_space<vmem_shared>>) target(%arg9 : memref<128x128xf32, #tpu.memory_space<vmem>>) target_semaphore(%run_scoped3A : memref<!tpu.dma_semaphore, #tpu.memory_space<semaphore_mem>>)
      %dma_wait3A_298 = arith.constant 0 : i32
      %dma_wait3A_299 = tpu.memref_slice %arg11[%add3A_177, %dma_wait3A_298] : memref<10240x128xf32, #tpu.memory_space<vmem_shared>> -> memref<128x128xf32, #tpu.memory_space<vmem_shared>>
      %dma_wait3A_300 = arith.constant 0 : i32
      %dma_wait3A_301 = tpu.memref_slice %arg11[%add3A_177, %dma_wait3A_300] : memref<10240x128xf32, #tpu.memory_space<vmem_shared>> -> memref<128x128xf32, #tpu.memory_space<vmem_shared>>
      tpu.wait_dma2 semaphore(%run_scoped3A : memref<!tpu.dma_semaphore, #tpu.memory_space<semaphore_mem>>) src(%dma_wait3A_301 : memref<128x128xf32, #tpu.memory_space<vmem_shared>>) dst(%arg9 : memref<128x128xf32, #tpu.memory_space<vmem>>)
      tpu.yield
    }) : () -> ()
    %dma_start3A_178 = arith.constant 0 : i32
    %dma_start3A_179 = tpu.memref_slice %arg5[%arg0, %add3A_177, %dma_start3A_178] : memref<2x10240x128xf32, #tpu.memory_space<hbm>> -> memref<1x128x128xf32, #tpu.memory_space<hbm>>
    %dma_start3A_180 = tpu.memref_squeeze %dma_start3A_179 : memref<1x128x128xf32, #tpu.memory_space<hbm>> -> memref<128x128xf32, #tpu.memory_space<hbm>>
    %dma_start3A_181 = arith.constant 0 : i32
    %dma_start3A_182 = tpu.memref_slice %arg5[%arg0, %add3A_177, %dma_start3A_181] : memref<2x10240x128xf32, #tpu.memory_space<hbm>> -> memref<1x128x128xf32, #tpu.memory_space<hbm>>
    %dma_start3A_183 = tpu.memref_squeeze %dma_start3A_182 : memref<1x128x128xf32, #tpu.memory_space<hbm>> -> memref<128x128xf32, #tpu.memory_space<hbm>>
    tpu.enqueue_dma source(%arg9 : memref<128x128xf32, #tpu.memory_space<vmem>>) target(%dma_start3A_183 : memref<128x128xf32, #tpu.memory_space<hbm>>) target_semaphore(%arg13 : memref<!tpu.dma_semaphore, #tpu.memory_space<semaphore_mem>>)
    %mul3A_184 = arith.constant 640 : i32
    %mul3A_185 = arith.muli %arg1, %mul3A_184 : i32
    %add3A_186 = arith.constant 128 : i32
    %add3A_187 = arith.addi %mul3A_185, %add3A_186 : i32
    "tpu.region"() ({
      %run_scoped3A = tpu.sem_alloc : memref<!tpu.dma_semaphore, #tpu.memory_space<semaphore_mem>>
      %dma_start3A_294 = arith.constant 0 : i32
      %dma_start3A_295 = tpu.memref_slice %arg11[%add3A_187, %dma_start3A_294] : memref<10240x128xf32, #tpu.memory_space<vmem_shared>> -> memref<128x128xf32, #tpu.memory_space<vmem_shared>>
      %dma_start3A_296 = arith.constant 0 : i32
      %dma_start3A_297 = tpu.memref_slice %arg11[%add3A_187, %dma_start3A_296] : memref<10240x128xf32, #tpu.memory_space<vmem_shared>> -> memref<128x128xf32, #tpu.memory_space<vmem_shared>>
      tpu.enqueue_dma source(%dma_start3A_297 : memref<128x128xf32, #tpu.memory_space<vmem_shared>>) target(%arg10 : memref<128x128xf32, #tpu.memory_space<vmem>>) target_semaphore(%run_scoped3A : memref<!tpu.dma_semaphore, #tpu.memory_space<semaphore_mem>>)
      %dma_wait3A_298 = arith.constant 0 : i32
      %dma_wait3A_299 = tpu.memref_slice %arg11[%add3A_187, %dma_wait3A_298] : memref<10240x128xf32, #tpu.memory_space<vmem_shared>> -> memref<128x128xf32, #tpu.memory_space<vmem_shared>>
      %dma_wait3A_300 = arith.constant 0 : i32
      %dma_wait3A_301 = tpu.memref_slice %arg11[%add3A_187, %dma_wait3A_300] : memref<10240x128xf32, #tpu.memory_space<vmem_shared>> -> memref<128x128xf32, #tpu.memory_space<vmem_shared>>
      tpu.wait_dma2 semaphore(%run_scoped3A : memref<!tpu.dma_semaphore, #tpu.memory_space<semaphore_mem>>) src(%dma_wait3A_301 : memref<128x128xf32, #tpu.memory_space<vmem_shared>>) dst(%arg10 : memref<128x128xf32, #tpu.memory_space<vmem>>)
      tpu.yield
    }) : () -> ()
    %dma_start3A_188 = arith.constant 0 : i32
    %dma_start3A_189 = tpu.memref_slice %arg5[%arg0, %add3A_187, %dma_start3A_188] : memref<2x10240x128xf32, #tpu.memory_space<hbm>> -> memref<1x128x128xf32, #tpu.memory_space<hbm>>
    %dma_start3A_190 = tpu.memref_squeeze %dma_start3A_189 : memref<1x128x128xf32, #tpu.memory_space<hbm>> -> memref<128x128xf32, #tpu.memory_space<hbm>>
    %dma_start3A_191 = arith.constant 0 : i32
    %dma_start3A_192 = tpu.memref_slice %arg5[%arg0, %add3A_187, %dma_start3A_191] : memref<2x10240x128xf32, #tpu.memory_space<hbm>> -> memref<1x128x128xf32, #tpu.memory_space<hbm>>
    %dma_start3A_193 = tpu.memref_squeeze %dma_start3A_192 : memref<1x128x128xf32, #tpu.memory_space<hbm>> -> memref<128x128xf32, #tpu.memory_space<hbm>>
    tpu.enqueue_dma source(%arg10 : memref<128x128xf32, #tpu.memory_space<vmem>>) target(%dma_start3A_193 : memref<128x128xf32, #tpu.memory_space<hbm>>) target_semaphore(%arg14 : memref<!tpu.dma_semaphore, #tpu.memory_space<semaphore_mem>>)
    %dma_wait3A_194 = arith.constant 0 : i32
    %dma_wait3A_195 = tpu.memref_slice %arg5[%arg0, %add3A_177, %dma_wait3A_194] : memref<2x10240x128xf32, #tpu.memory_space<hbm>> -> memref<1x128x128xf32, #tpu.memory_space<hbm>>
    %dma_wait3A_196 = tpu.memref_squeeze %dma_wait3A_195 : memref<1x128x128xf32, #tpu.memory_space<hbm>> -> memref<128x128xf32, #tpu.memory_space<hbm>>
    %dma_wait3A_197 = arith.constant 0 : i32
    %dma_wait3A_198 = tpu.memref_slice %arg5[%arg0, %add3A_177, %dma_wait3A_197] : memref<2x10240x128xf32, #tpu.memory_space<hbm>> -> memref<1x128x128xf32, #tpu.memory_space<hbm>>
    %dma_wait3A_199 = tpu.memref_squeeze %dma_wait3A_198 : memref<1x128x128xf32, #tpu.memory_space<hbm>> -> memref<128x128xf32, #tpu.memory_space<hbm>>
    tpu.wait_dma2 semaphore(%arg13 : memref<!tpu.dma_semaphore, #tpu.memory_space<semaphore_mem>>) src(%arg9 : memref<128x128xf32, #tpu.memory_space<vmem>>) dst(%dma_wait3A_199 : memref<128x128xf32, #tpu.memory_space<hbm>>)
    %mul3A_200 = arith.constant 640 : i32
    %mul3A_201 = arith.muli %arg1, %mul3A_200 : i32
    %add3A_202 = arith.constant 256 : i32
    %add3A_203 = arith.addi %mul3A_201, %add3A_202 : i32
    "tpu.region"() ({
      %run_scoped3A = tpu.sem_alloc : memref<!tpu.dma_semaphore, #tpu.memory_space<semaphore_mem>>
      %dma_start3A_294 = arith.constant 0 : i32
      %dma_start3A_295 = tpu.memref_slice %arg11[%add3A_203, %dma_start3A_294] : memref<10240x128xf32, #tpu.memory_space<vmem_shared>> -> memref<128x128xf32, #tpu.memory_space<vmem_shared>>
      %dma_start3A_296 = arith.constant 0 : i32
      %dma_start3A_297 = tpu.memref_slice %arg11[%add3A_203, %dma_start3A_296] : memref<10240x128xf32, #tpu.memory_space<vmem_shared>> -> memref<128x128xf32, #tpu.memory_space<vmem_shared>>
      tpu.enqueue_dma source(%dma_start3A_297 : memref<128x128xf32, #tpu.memory_space<vmem_shared>>) target(%arg9 : memref<128x128xf32, #tpu.memory_space<vmem>>) target_semaphore(%run_scoped3A : memref<!tpu.dma_semaphore, #tpu.memory_space<semaphore_mem>>)
      %dma_wait3A_298 = arith.constant 0 : i32
      %dma_wait3A_299 = tpu.memref_slice %arg11[%add3A_203, %dma_wait3A_298] : memref<10240x128xf32, #tpu.memory_space<vmem_shared>> -> memref<128x128xf32, #tpu.memory_space<vmem_shared>>
      %dma_wait3A_300 = arith.constant 0 : i32
      %dma_wait3A_301 = tpu.memref_slice %arg11[%add3A_203, %dma_wait3A_300] : memref<10240x128xf32, #tpu.memory_space<vmem_shared>> -> memref<128x128xf32, #tpu.memory_space<vmem_shared>>
      tpu.wait_dma2 semaphore(%run_scoped3A : memref<!tpu.dma_semaphore, #tpu.memory_space<semaphore_mem>>) src(%dma_wait3A_301 : memref<128x128xf32, #tpu.memory_space<vmem_shared>>) dst(%arg9 : memref<128x128xf32, #tpu.memory_space<vmem>>)
      tpu.yield
    }) : () -> ()
    %dma_start3A_204 = arith.constant 0 : i32
    %dma_start3A_205 = tpu.memref_slice %arg5[%arg0, %add3A_203, %dma_start3A_204] : memref<2x10240x128xf32, #tpu.memory_space<hbm>> -> memref<1x128x128xf32, #tpu.memory_space<hbm>>
    %dma_start3A_206 = tpu.memref_squeeze %dma_start3A_205 : memref<1x128x128xf32, #tpu.memory_space<hbm>> -> memref<128x128xf32, #tpu.memory_space<hbm>>
    %dma_start3A_207 = arith.constant 0 : i32
    %dma_start3A_208 = tpu.memref_slice %arg5[%arg0, %add3A_203, %dma_start3A_207] : memref<2x10240x128xf32, #tpu.memory_space<hbm>> -> memref<1x128x128xf32, #tpu.memory_space<hbm>>
    %dma_start3A_209 = tpu.memref_squeeze %dma_start3A_208 : memref<1x128x128xf32, #tpu.memory_space<hbm>> -> memref<128x128xf32, #tpu.memory_space<hbm>>
    tpu.enqueue_dma source(%arg9 : memref<128x128xf32, #tpu.memory_space<vmem>>) target(%dma_start3A_209 : memref<128x128xf32, #tpu.memory_space<hbm>>) target_semaphore(%arg13 : memref<!tpu.dma_semaphore, #tpu.memory_space<semaphore_mem>>)
    %dma_wait3A_210 = arith.constant 0 : i32
    %dma_wait3A_211 = tpu.memref_slice %arg5[%arg0, %add3A_187, %dma_wait3A_210] : memref<2x10240x128xf32, #tpu.memory_space<hbm>> -> memref<1x128x128xf32, #tpu.memory_space<hbm>>
    %dma_wait3A_212 = tpu.memref_squeeze %dma_wait3A_211 : memref<1x128x128xf32, #tpu.memory_space<hbm>> -> memref<128x128xf32, #tpu.memory_space<hbm>>
    %dma_wait3A_213 = arith.constant 0 : i32
    %dma_wait3A_214 = tpu.memref_slice %arg5[%arg0, %add3A_187, %dma_wait3A_213] : memref<2x10240x128xf32, #tpu.memory_space<hbm>> -> memref<1x128x128xf32, #tpu.memory_space<hbm>>
    %dma_wait3A_215 = tpu.memref_squeeze %dma_wait3A_214 : memref<1x128x128xf32, #tpu.memory_space<hbm>> -> memref<128x128xf32, #tpu.memory_space<hbm>>
    tpu.wait_dma2 semaphore(%arg14 : memref<!tpu.dma_semaphore, #tpu.memory_space<semaphore_mem>>) src(%arg10 : memref<128x128xf32, #tpu.memory_space<vmem>>) dst(%dma_wait3A_215 : memref<128x128xf32, #tpu.memory_space<hbm>>)
    %mul3A_216 = arith.constant 640 : i32
    %mul3A_217 = arith.muli %arg1, %mul3A_216 : i32
    %add3A_218 = arith.constant 384 : i32
    %add3A_219 = arith.addi %mul3A_217, %add3A_218 : i32
    "tpu.region"() ({
      %run_scoped3A = tpu.sem_alloc : memref<!tpu.dma_semaphore, #tpu.memory_space<semaphore_mem>>
      %dma_start3A_294 = arith.constant 0 : i32
      %dma_start3A_295 = tpu.memref_slice %arg11[%add3A_219, %dma_start3A_294] : memref<10240x128xf32, #tpu.memory_space<vmem_shared>> -> memref<128x128xf32, #tpu.memory_space<vmem_shared>>
      %dma_start3A_296 = arith.constant 0 : i32
      %dma_start3A_297 = tpu.memref_slice %arg11[%add3A_219, %dma_start3A_296] : memref<10240x128xf32, #tpu.memory_space<vmem_shared>> -> memref<128x128xf32, #tpu.memory_space<vmem_shared>>
      tpu.enqueue_dma source(%dma_start3A_297 : memref<128x128xf32, #tpu.memory_space<vmem_shared>>) target(%arg10 : memref<128x128xf32, #tpu.memory_space<vmem>>) target_semaphore(%run_scoped3A : memref<!tpu.dma_semaphore, #tpu.memory_space<semaphore_mem>>)
      %dma_wait3A_298 = arith.constant 0 : i32
      %dma_wait3A_299 = tpu.memref_slice %arg11[%add3A_219, %dma_wait3A_298] : memref<10240x128xf32, #tpu.memory_space<vmem_shared>> -> memref<128x128xf32, #tpu.memory_space<vmem_shared>>
      %dma_wait3A_300 = arith.constant 0 : i32
      %dma_wait3A_301 = tpu.memref_slice %arg11[%add3A_219, %dma_wait3A_300] : memref<10240x128xf32, #tpu.memory_space<vmem_shared>> -> memref<128x128xf32, #tpu.memory_space<vmem_shared>>
      tpu.wait_dma2 semaphore(%run_scoped3A : memref<!tpu.dma_semaphore, #tpu.memory_space<semaphore_mem>>) src(%dma_wait3A_301 : memref<128x128xf32, #tpu.memory_space<vmem_shared>>) dst(%arg10 : memref<128x128xf32, #tpu.memory_space<vmem>>)
      tpu.yield
    }) : () -> ()
    %dma_start3A_220 = arith.constant 0 : i32
    %dma_start3A_221 = tpu.memref_slice %arg5[%arg0, %add3A_219, %dma_start3A_220] : memref<2x10240x128xf32, #tpu.memory_space<hbm>> -> memref<1x128x128xf32, #tpu.memory_space<hbm>>
    %dma_start3A_222 = tpu.memref_squeeze %dma_start3A_221 : memref<1x128x128xf32, #tpu.memory_space<hbm>> -> memref<128x128xf32, #tpu.memory_space<hbm>>
    %dma_start3A_223 = arith.constant 0 : i32
    %dma_start3A_224 = tpu.memref_slice %arg5[%arg0, %add3A_219, %dma_start3A_223] : memref<2x10240x128xf32, #tpu.memory_space<hbm>> -> memref<1x128x128xf32, #tpu.memory_space<hbm>>
    %dma_start3A_225 = tpu.memref_squeeze %dma_start3A_224 : memref<1x128x128xf32, #tpu.memory_space<hbm>> -> memref<128x128xf32, #tpu.memory_space<hbm>>
    tpu.enqueue_dma source(%arg10 : memref<128x128xf32, #tpu.memory_space<vmem>>) target(%dma_start3A_225 : memref<128x128xf32, #tpu.memory_space<hbm>>) target_semaphore(%arg14 : memref<!tpu.dma_semaphore, #tpu.memory_space<semaphore_mem>>)
    %dma_wait3A_226 = arith.constant 0 : i32
    %dma_wait3A_227 = tpu.memref_slice %arg5[%arg0, %add3A_203, %dma_wait3A_226] : memref<2x10240x128xf32, #tpu.memory_space<hbm>> -> memref<1x128x128xf32, #tpu.memory_space<hbm>>
    %dma_wait3A_228 = tpu.memref_squeeze %dma_wait3A_227 : memref<1x128x128xf32, #tpu.memory_space<hbm>> -> memref<128x128xf32, #tpu.memory_space<hbm>>
    %dma_wait3A_229 = arith.constant 0 : i32
    %dma_wait3A_230 = tpu.memref_slice %arg5[%arg0, %add3A_203, %dma_wait3A_229] : memref<2x10240x128xf32, #tpu.memory_space<hbm>> -> memref<1x128x128xf32, #tpu.memory_space<hbm>>
    %dma_wait3A_231 = tpu.memref_squeeze %dma_wait3A_230 : memref<1x128x128xf32, #tpu.memory_space<hbm>> -> memref<128x128xf32, #tpu.memory_space<hbm>>
    tpu.wait_dma2 semaphore(%arg13 : memref<!tpu.dma_semaphore, #tpu.memory_space<semaphore_mem>>) src(%arg9 : memref<128x128xf32, #tpu.memory_space<vmem>>) dst(%dma_wait3A_231 : memref<128x128xf32, #tpu.memory_space<hbm>>)
    %mul3A_232 = arith.constant 640 : i32
    %mul3A_233 = arith.muli %arg1, %mul3A_232 : i32
    %add3A_234 = arith.constant 512 : i32
    %add3A_235 = arith.addi %mul3A_233, %add3A_234 : i32
    "tpu.region"() ({
      %run_scoped3A = tpu.sem_alloc : memref<!tpu.dma_semaphore, #tpu.memory_space<semaphore_mem>>
      %dma_start3A_294 = arith.constant 0 : i32
      %dma_start3A_295 = tpu.memref_slice %arg11[%add3A_235, %dma_start3A_294] : memref<10240x128xf32, #tpu.memory_space<vmem_shared>> -> memref<128x128xf32, #tpu.memory_space<vmem_shared>>
      %dma_start3A_296 = arith.constant 0 : i32
      %dma_start3A_297 = tpu.memref_slice %arg11[%add3A_235, %dma_start3A_296] : memref<10240x128xf32, #tpu.memory_space<vmem_shared>> -> memref<128x128xf32, #tpu.memory_space<vmem_shared>>
      tpu.enqueue_dma source(%dma_start3A_297 : memref<128x128xf32, #tpu.memory_space<vmem_shared>>) target(%arg9 : memref<128x128xf32, #tpu.memory_space<vmem>>) target_semaphore(%run_scoped3A : memref<!tpu.dma_semaphore, #tpu.memory_space<semaphore_mem>>)
      %dma_wait3A_298 = arith.constant 0 : i32
      %dma_wait3A_299 = tpu.memref_slice %arg11[%add3A_235, %dma_wait3A_298] : memref<10240x128xf32, #tpu.memory_space<vmem_shared>> -> memref<128x128xf32, #tpu.memory_space<vmem_shared>>
      %dma_wait3A_300 = arith.constant 0 : i32
      %dma_wait3A_301 = tpu.memref_slice %arg11[%add3A_235, %dma_wait3A_300] : memref<10240x128xf32, #tpu.memory_space<vmem_shared>> -> memref<128x128xf32, #tpu.memory_space<vmem_shared>>
      tpu.wait_dma2 semaphore(%run_scoped3A : memref<!tpu.dma_semaphore, #tpu.memory_space<semaphore_mem>>) src(%dma_wait3A_301 : memref<128x128xf32, #tpu.memory_space<vmem_shared>>) dst(%arg9 : memref<128x128xf32, #tpu.memory_space<vmem>>)
      tpu.yield
    }) : () -> ()
    %dma_start3A_236 = arith.constant 0 : i32
    %dma_start3A_237 = tpu.memref_slice %arg5[%arg0, %add3A_235, %dma_start3A_236] : memref<2x10240x128xf32, #tpu.memory_space<hbm>> -> memref<1x128x128xf32, #tpu.memory_space<hbm>>
    %dma_start3A_238 = tpu.memref_squeeze %dma_start3A_237 : memref<1x128x128xf32, #tpu.memory_space<hbm>> -> memref<128x128xf32, #tpu.memory_space<hbm>>
    %dma_start3A_239 = arith.constant 0 : i32
    %dma_start3A_240 = tpu.memref_slice %arg5[%arg0, %add3A_235, %dma_start3A_239] : memref<2x10240x128xf32, #tpu.memory_space<hbm>> -> memref<1x128x128xf32, #tpu.memory_space<hbm>>
    %dma_start3A_241 = tpu.memref_squeeze %dma_start3A_240 : memref<1x128x128xf32, #tpu.memory_space<hbm>> -> memref<128x128xf32, #tpu.memory_space<hbm>>
    tpu.enqueue_dma source(%arg9 : memref<128x128xf32, #tpu.memory_space<vmem>>) target(%dma_start3A_241 : memref<128x128xf32, #tpu.memory_space<hbm>>) target_semaphore(%arg13 : memref<!tpu.dma_semaphore, #tpu.memory_space<semaphore_mem>>)
    %dma_wait3A_242 = arith.constant 0 : i32
    %dma_wait3A_243 = tpu.memref_slice %arg5[%arg0, %add3A_219, %dma_wait3A_242] : memref<2x10240x128xf32, #tpu.memory_space<hbm>> -> memref<1x128x128xf32, #tpu.memory_space<hbm>>
    %dma_wait3A_244 = tpu.memref_squeeze %dma_wait3A_243 : memref<1x128x128xf32, #tpu.memory_space<hbm>> -> memref<128x128xf32, #tpu.memory_space<hbm>>
    %dma_wait3A_245 = arith.constant 0 : i32
    %dma_wait3A_246 = tpu.memref_slice %arg5[%arg0, %add3A_219, %dma_wait3A_245] : memref<2x10240x128xf32, #tpu.memory_space<hbm>> -> memref<1x128x128xf32, #tpu.memory_space<hbm>>
    %dma_wait3A_247 = tpu.memref_squeeze %dma_wait3A_246 : memref<1x128x128xf32, #tpu.memory_space<hbm>> -> memref<128x128xf32, #tpu.memory_space<hbm>>
    tpu.wait_dma2 semaphore(%arg14 : memref<!tpu.dma_semaphore, #tpu.memory_space<semaphore_mem>>) src(%arg10 : memref<128x128xf32, #tpu.memory_space<vmem>>) dst(%dma_wait3A_247 : memref<128x128xf32, #tpu.memory_space<hbm>>)
    %dma_wait3A_248 = arith.constant 0 : i32
    %dma_wait3A_249 = tpu.memref_slice %arg5[%arg0, %add3A_235, %dma_wait3A_248] : memref<2x10240x128xf32, #tpu.memory_space<hbm>> -> memref<1x128x128xf32, #tpu.memory_space<hbm>>
    %dma_wait3A_250 = tpu.memref_squeeze %dma_wait3A_249 : memref<1x128x128xf32, #tpu.memory_space<hbm>> -> memref<128x128xf32, #tpu.memory_space<hbm>>
    %dma_wait3A_251 = arith.constant 0 : i32
    %dma_wait3A_252 = tpu.memref_slice %arg5[%arg0, %add3A_235, %dma_wait3A_251] : memref<2x10240x128xf32, #tpu.memory_space<hbm>> -> memref<1x128x128xf32, #tpu.memory_space<hbm>>
    %dma_wait3A_253 = tpu.memref_squeeze %dma_wait3A_252 : memref<1x128x128xf32, #tpu.memory_space<hbm>> -> memref<128x128xf32, #tpu.memory_space<hbm>>
    tpu.wait_dma2 semaphore(%arg13 : memref<!tpu.dma_semaphore, #tpu.memory_space<semaphore_mem>>) src(%arg9 : memref<128x128xf32, #tpu.memory_space<vmem>>) dst(%dma_wait3A_253 : memref<128x128xf32, #tpu.memory_space<hbm>>)
    %mul3A_254 = arith.constant 640 : i32
    %mul3A_255 = arith.muli %arg1, %mul3A_254 : i32
    %add3A_256 = arith.constant 0 : i32
    %add3A_257 = arith.addi %mul3A_255, %add3A_256 : i32
    "tpu.region"() ({
      %run_scoped3A = tpu.sem_alloc : memref<!tpu.dma_semaphore, #tpu.memory_space<semaphore_mem>>
      %dma_start3A_294 = arith.constant 0 : i32
      %dma_start3A_295 = tpu.memref_slice %arg17[%add3A_257, %dma_start3A_294] : memref<10240x16xf32, #tpu.memory_space<vmem_shared>> -> memref<64x16xf32, #tpu.memory_space<vmem_shared>>
      %dma_start3A_296 = arith.constant 0 : i32
      %dma_start3A_297 = tpu.memref_slice %arg17[%add3A_257, %dma_start3A_296] : memref<10240x16xf32, #tpu.memory_space<vmem_shared>> -> memref<64x16xf32, #tpu.memory_space<vmem_shared>>
      tpu.enqueue_dma source(%dma_start3A_297 : memref<64x16xf32, #tpu.memory_space<vmem_shared>>) target(%arg15 : memref<64x16xf32, #tpu.memory_space<vmem>>) target_semaphore(%run_scoped3A : memref<!tpu.dma_semaphore, #tpu.memory_space<semaphore_mem>>)
      %dma_wait3A_298 = arith.constant 0 : i32
      %dma_wait3A_299 = tpu.memref_slice %arg17[%add3A_257, %dma_wait3A_298] : memref<10240x16xf32, #tpu.memory_space<vmem_shared>> -> memref<64x16xf32, #tpu.memory_space<vmem_shared>>
      %dma_wait3A_300 = arith.constant 0 : i32
      %dma_wait3A_301 = tpu.memref_slice %arg17[%add3A_257, %dma_wait3A_300] : memref<10240x16xf32, #tpu.memory_space<vmem_shared>> -> memref<64x16xf32, #tpu.memory_space<vmem_shared>>
      tpu.wait_dma2 semaphore(%run_scoped3A : memref<!tpu.dma_semaphore, #tpu.memory_space<semaphore_mem>>) src(%dma_wait3A_301 : memref<64x16xf32, #tpu.memory_space<vmem_shared>>) dst(%arg15 : memref<64x16xf32, #tpu.memory_space<vmem>>)
      tpu.yield
    }) : () -> ()
    "tpu.region"() ({
      %run_scoped3A = tpu.sem_alloc : memref<!tpu.dma_semaphore, #tpu.memory_space<semaphore_mem>>
      %dma_start3A_294 = arith.constant 0 : i32
      %dma_start3A_295 = tpu.memref_slice %arg6[%arg0, %add3A_257, %dma_start3A_294] : memref<2x10240x16xf32, #tpu.memory_space<hbm>> -> memref<1x64x16xf32, #tpu.memory_space<hbm>>
      %dma_start3A_296 = tpu.memref_squeeze %dma_start3A_295 : memref<1x64x16xf32, #tpu.memory_space<hbm>> -> memref<64x16xf32, #tpu.memory_space<hbm>>
      %dma_start3A_297 = arith.constant 0 : i32
      %dma_start3A_298 = tpu.memref_slice %arg6[%arg0, %add3A_257, %dma_start3A_297] : memref<2x10240x16xf32, #tpu.memory_space<hbm>> -> memref<1x64x16xf32, #tpu.memory_space<hbm>>
      %dma_start3A_299 = tpu.memref_squeeze %dma_start3A_298 : memref<1x64x16xf32, #tpu.memory_space<hbm>> -> memref<64x16xf32, #tpu.memory_space<hbm>>
      tpu.enqueue_dma source(%arg15 : memref<64x16xf32, #tpu.memory_space<vmem>>) target(%dma_start3A_299 : memref<64x16xf32, #tpu.memory_space<hbm>>) target_semaphore(%run_scoped3A : memref<!tpu.dma_semaphore, #tpu.memory_space<semaphore_mem>>)
      %dma_wait3A_300 = arith.constant 0 : i32
      %dma_wait3A_301 = tpu.memref_slice %arg6[%arg0, %add3A_257, %dma_wait3A_300] : memref<2x10240x16xf32, #tpu.memory_space<hbm>> -> memref<1x64x16xf32, #tpu.memory_space<hbm>>
      %dma_wait3A_302 = tpu.memref_squeeze %dma_wait3A_301 : memref<1x64x16xf32, #tpu.memory_space<hbm>> -> memref<64x16xf32, #tpu.memory_space<hbm>>
      %dma_wait3A_303 = arith.constant 0 : i32
      %dma_wait3A_304 = tpu.memref_slice %arg6[%arg0, %add3A_257, %dma_wait3A_303] : memref<2x10240x16xf32, #tpu.memory_space<hbm>> -> memref<1x64x16xf32, #tpu.memory_space<hbm>>
      %dma_wait3A_305 = tpu.memref_squeeze %dma_wait3A_304 : memref<1x64x16xf32, #tpu.memory_space<hbm>> -> memref<64x16xf32, #tpu.memory_space<hbm>>
      tpu.wait_dma2 semaphore(%run_scoped3A : memref<!tpu.dma_semaphore, #tpu.memory_space<semaphore_mem>>) src(%arg15 : memref<64x16xf32, #tpu.memory_space<vmem>>) dst(%dma_wait3A_305 : memref<64x16xf32, #tpu.memory_space<hbm>>)
      tpu.yield
    }) : () -> ()
    %mul3A_258 = arith.constant 640 : i32
    %mul3A_259 = arith.muli %arg1, %mul3A_258 : i32
    %add3A_260 = arith.constant 64 : i32
    %add3A_261 = arith.addi %mul3A_259, %add3A_260 : i32
    "tpu.region"() ({
      %run_scoped3A = tpu.sem_alloc : memref<!tpu.dma_semaphore, #tpu.memory_space<semaphore_mem>>
      %dma_start3A_294 = arith.constant 0 : i32
      %dma_start3A_295 = tpu.memref_slice %arg17[%add3A_261, %dma_start3A_294] : memref<10240x16xf32, #tpu.memory_space<vmem_shared>> -> memref<64x16xf32, #tpu.memory_space<vmem_shared>>
      %dma_start3A_296 = arith.constant 0 : i32
      %dma_start3A_297 = tpu.memref_slice %arg17[%add3A_261, %dma_start3A_296] : memref<10240x16xf32, #tpu.memory_space<vmem_shared>> -> memref<64x16xf32, #tpu.memory_space<vmem_shared>>
      tpu.enqueue_dma source(%dma_start3A_297 : memref<64x16xf32, #tpu.memory_space<vmem_shared>>) target(%arg15 : memref<64x16xf32, #tpu.memory_space<vmem>>) target_semaphore(%run_scoped3A : memref<!tpu.dma_semaphore, #tpu.memory_space<semaphore_mem>>)
      %dma_wait3A_298 = arith.constant 0 : i32
      %dma_wait3A_299 = tpu.memref_slice %arg17[%add3A_261, %dma_wait3A_298] : memref<10240x16xf32, #tpu.memory_space<vmem_shared>> -> memref<64x16xf32, #tpu.memory_space<vmem_shared>>
      %dma_wait3A_300 = arith.constant 0 : i32
      %dma_wait3A_301 = tpu.memref_slice %arg17[%add3A_261, %dma_wait3A_300] : memref<10240x16xf32, #tpu.memory_space<vmem_shared>> -> memref<64x16xf32, #tpu.memory_space<vmem_shared>>
      tpu.wait_dma2 semaphore(%run_scoped3A : memref<!tpu.dma_semaphore, #tpu.memory_space<semaphore_mem>>) src(%dma_wait3A_301 : memref<64x16xf32, #tpu.memory_space<vmem_shared>>) dst(%arg15 : memref<64x16xf32, #tpu.memory_space<vmem>>)
      tpu.yield
    }) : () -> ()
    "tpu.region"() ({
      %run_scoped3A = tpu.sem_alloc : memref<!tpu.dma_semaphore, #tpu.memory_space<semaphore_mem>>
      %dma_start3A_294 = arith.constant 0 : i32
      %dma_start3A_295 = tpu.memref_slice %arg6[%arg0, %add3A_261, %dma_start3A_294] : memref<2x10240x16xf32, #tpu.memory_space<hbm>> -> memref<1x64x16xf32, #tpu.memory_space<hbm>>
      %dma_start3A_296 = tpu.memref_squeeze %dma_start3A_295 : memref<1x64x16xf32, #tpu.memory_space<hbm>> -> memref<64x16xf32, #tpu.memory_space<hbm>>
      %dma_start3A_297 = arith.constant 0 : i32
      %dma_start3A_298 = tpu.memref_slice %arg6[%arg0, %add3A_261, %dma_start3A_297] : memref<2x10240x16xf32, #tpu.memory_space<hbm>> -> memref<1x64x16xf32, #tpu.memory_space<hbm>>
      %dma_start3A_299 = tpu.memref_squeeze %dma_start3A_298 : memref<1x64x16xf32, #tpu.memory_space<hbm>> -> memref<64x16xf32, #tpu.memory_space<hbm>>
      tpu.enqueue_dma source(%arg15 : memref<64x16xf32, #tpu.memory_space<vmem>>) target(%dma_start3A_299 : memref<64x16xf32, #tpu.memory_space<hbm>>) target_semaphore(%run_scoped3A : memref<!tpu.dma_semaphore, #tpu.memory_space<semaphore_mem>>)
      %dma_wait3A_300 = arith.constant 0 : i32
      %dma_wait3A_301 = tpu.memref_slice %arg6[%arg0, %add3A_261, %dma_wait3A_300] : memref<2x10240x16xf32, #tpu.memory_space<hbm>> -> memref<1x64x16xf32, #tpu.memory_space<hbm>>
      %dma_wait3A_302 = tpu.memref_squeeze %dma_wait3A_301 : memref<1x64x16xf32, #tpu.memory_space<hbm>> -> memref<64x16xf32, #tpu.memory_space<hbm>>
      %dma_wait3A_303 = arith.constant 0 : i32
      %dma_wait3A_304 = tpu.memref_slice %arg6[%arg0, %add3A_261, %dma_wait3A_303] : memref<2x10240x16xf32, #tpu.memory_space<hbm>> -> memref<1x64x16xf32, #tpu.memory_space<hbm>>
      %dma_wait3A_305 = tpu.memref_squeeze %dma_wait3A_304 : memref<1x64x16xf32, #tpu.memory_space<hbm>> -> memref<64x16xf32, #tpu.memory_space<hbm>>
      tpu.wait_dma2 semaphore(%run_scoped3A : memref<!tpu.dma_semaphore, #tpu.memory_space<semaphore_mem>>) src(%arg15 : memref<64x16xf32, #tpu.memory_space<vmem>>) dst(%dma_wait3A_305 : memref<64x16xf32, #tpu.memory_space<hbm>>)
      tpu.yield
    }) : () -> ()
    %mul3A_262 = arith.constant 640 : i32
    %mul3A_263 = arith.muli %arg1, %mul3A_262 : i32
    %add3A_264 = arith.constant 128 : i32
    %add3A_265 = arith.addi %mul3A_263, %add3A_264 : i32
    "tpu.region"() ({
      %run_scoped3A = tpu.sem_alloc : memref<!tpu.dma_semaphore, #tpu.memory_space<semaphore_mem>>
      %dma_start3A_294 = arith.constant 0 : i32
      %dma_start3A_295 = tpu.memref_slice %arg17[%add3A_265, %dma_start3A_294] : memref<10240x16xf32, #tpu.memory_space<vmem_shared>> -> memref<64x16xf32, #tpu.memory_space<vmem_shared>>
      %dma_start3A_296 = arith.constant 0 : i32
      %dma_start3A_297 = tpu.memref_slice %arg17[%add3A_265, %dma_start3A_296] : memref<10240x16xf32, #tpu.memory_space<vmem_shared>> -> memref<64x16xf32, #tpu.memory_space<vmem_shared>>
      tpu.enqueue_dma source(%dma_start3A_297 : memref<64x16xf32, #tpu.memory_space<vmem_shared>>) target(%arg15 : memref<64x16xf32, #tpu.memory_space<vmem>>) target_semaphore(%run_scoped3A : memref<!tpu.dma_semaphore, #tpu.memory_space<semaphore_mem>>)
      %dma_wait3A_298 = arith.constant 0 : i32
      %dma_wait3A_299 = tpu.memref_slice %arg17[%add3A_265, %dma_wait3A_298] : memref<10240x16xf32, #tpu.memory_space<vmem_shared>> -> memref<64x16xf32, #tpu.memory_space<vmem_shared>>
      %dma_wait3A_300 = arith.constant 0 : i32
      %dma_wait3A_301 = tpu.memref_slice %arg17[%add3A_265, %dma_wait3A_300] : memref<10240x16xf32, #tpu.memory_space<vmem_shared>> -> memref<64x16xf32, #tpu.memory_space<vmem_shared>>
      tpu.wait_dma2 semaphore(%run_scoped3A : memref<!tpu.dma_semaphore, #tpu.memory_space<semaphore_mem>>) src(%dma_wait3A_301 : memref<64x16xf32, #tpu.memory_space<vmem_shared>>) dst(%arg15 : memref<64x16xf32, #tpu.memory_space<vmem>>)
      tpu.yield
    }) : () -> ()
    "tpu.region"() ({
      %run_scoped3A = tpu.sem_alloc : memref<!tpu.dma_semaphore, #tpu.memory_space<semaphore_mem>>
      %dma_start3A_294 = arith.constant 0 : i32
      %dma_start3A_295 = tpu.memref_slice %arg6[%arg0, %add3A_265, %dma_start3A_294] : memref<2x10240x16xf32, #tpu.memory_space<hbm>> -> memref<1x64x16xf32, #tpu.memory_space<hbm>>
      %dma_start3A_296 = tpu.memref_squeeze %dma_start3A_295 : memref<1x64x16xf32, #tpu.memory_space<hbm>> -> memref<64x16xf32, #tpu.memory_space<hbm>>
      %dma_start3A_297 = arith.constant 0 : i32
      %dma_start3A_298 = tpu.memref_slice %arg6[%arg0, %add3A_265, %dma_start3A_297] : memref<2x10240x16xf32, #tpu.memory_space<hbm>> -> memref<1x64x16xf32, #tpu.memory_space<hbm>>
      %dma_start3A_299 = tpu.memref_squeeze %dma_start3A_298 : memref<1x64x16xf32, #tpu.memory_space<hbm>> -> memref<64x16xf32, #tpu.memory_space<hbm>>
      tpu.enqueue_dma source(%arg15 : memref<64x16xf32, #tpu.memory_space<vmem>>) target(%dma_start3A_299 : memref<64x16xf32, #tpu.memory_space<hbm>>) target_semaphore(%run_scoped3A : memref<!tpu.dma_semaphore, #tpu.memory_space<semaphore_mem>>)
      %dma_wait3A_300 = arith.constant 0 : i32
      %dma_wait3A_301 = tpu.memref_slice %arg6[%arg0, %add3A_265, %dma_wait3A_300] : memref<2x10240x16xf32, #tpu.memory_space<hbm>> -> memref<1x64x16xf32, #tpu.memory_space<hbm>>
      %dma_wait3A_302 = tpu.memref_squeeze %dma_wait3A_301 : memref<1x64x16xf32, #tpu.memory_space<hbm>> -> memref<64x16xf32, #tpu.memory_space<hbm>>
      %dma_wait3A_303 = arith.constant 0 : i32
      %dma_wait3A_304 = tpu.memref_slice %arg6[%arg0, %add3A_265, %dma_wait3A_303] : memref<2x10240x16xf32, #tpu.memory_space<hbm>> -> memref<1x64x16xf32, #tpu.memory_space<hbm>>
      %dma_wait3A_305 = tpu.memref_squeeze %dma_wait3A_304 : memref<1x64x16xf32, #tpu.memory_space<hbm>> -> memref<64x16xf32, #tpu.memory_space<hbm>>
      tpu.wait_dma2 semaphore(%run_scoped3A : memref<!tpu.dma_semaphore, #tpu.memory_space<semaphore_mem>>) src(%arg15 : memref<64x16xf32, #tpu.memory_space<vmem>>) dst(%dma_wait3A_305 : memref<64x16xf32, #tpu.memory_space<hbm>>)
      tpu.yield
    }) : () -> ()
    %mul3A_266 = arith.constant 640 : i32
    %mul3A_267 = arith.muli %arg1, %mul3A_266 : i32
    %add3A_268 = arith.constant 192 : i32
    %add3A_269 = arith.addi %mul3A_267, %add3A_268 : i32
    "tpu.region"() ({
      %run_scoped3A = tpu.sem_alloc : memref<!tpu.dma_semaphore, #tpu.memory_space<semaphore_mem>>
      %dma_start3A_294 = arith.constant 0 : i32
      %dma_start3A_295 = tpu.memref_slice %arg17[%add3A_269, %dma_start3A_294] : memref<10240x16xf32, #tpu.memory_space<vmem_shared>> -> memref<64x16xf32, #tpu.memory_space<vmem_shared>>
      %dma_start3A_296 = arith.constant 0 : i32
      %dma_start3A_297 = tpu.memref_slice %arg17[%add3A_269, %dma_start3A_296] : memref<10240x16xf32, #tpu.memory_space<vmem_shared>> -> memref<64x16xf32, #tpu.memory_space<vmem_shared>>
      tpu.enqueue_dma source(%dma_start3A_297 : memref<64x16xf32, #tpu.memory_space<vmem_shared>>) target(%arg15 : memref<64x16xf32, #tpu.memory_space<vmem>>) target_semaphore(%run_scoped3A : memref<!tpu.dma_semaphore, #tpu.memory_space<semaphore_mem>>)
      %dma_wait3A_298 = arith.constant 0 : i32
      %dma_wait3A_299 = tpu.memref_slice %arg17[%add3A_269, %dma_wait3A_298] : memref<10240x16xf32, #tpu.memory_space<vmem_shared>> -> memref<64x16xf32, #tpu.memory_space<vmem_shared>>
      %dma_wait3A_300 = arith.constant 0 : i32
      %dma_wait3A_301 = tpu.memref_slice %arg17[%add3A_269, %dma_wait3A_300] : memref<10240x16xf32, #tpu.memory_space<vmem_shared>> -> memref<64x16xf32, #tpu.memory_space<vmem_shared>>
      tpu.wait_dma2 semaphore(%run_scoped3A : memref<!tpu.dma_semaphore, #tpu.memory_space<semaphore_mem>>) src(%dma_wait3A_301 : memref<64x16xf32, #tpu.memory_space<vmem_shared>>) dst(%arg15 : memref<64x16xf32, #tpu.memory_space<vmem>>)
      tpu.yield
    }) : () -> ()
    "tpu.region"() ({
      %run_scoped3A = tpu.sem_alloc : memref<!tpu.dma_semaphore, #tpu.memory_space<semaphore_mem>>
      %dma_start3A_294 = arith.constant 0 : i32
      %dma_start3A_295 = tpu.memref_slice %arg6[%arg0, %add3A_269, %dma_start3A_294] : memref<2x10240x16xf32, #tpu.memory_space<hbm>> -> memref<1x64x16xf32, #tpu.memory_space<hbm>>
      %dma_start3A_296 = tpu.memref_squeeze %dma_start3A_295 : memref<1x64x16xf32, #tpu.memory_space<hbm>> -> memref<64x16xf32, #tpu.memory_space<hbm>>
      %dma_start3A_297 = arith.constant 0 : i32
      %dma_start3A_298 = tpu.memref_slice %arg6[%arg0, %add3A_269, %dma_start3A_297] : memref<2x10240x16xf32, #tpu.memory_space<hbm>> -> memref<1x64x16xf32, #tpu.memory_space<hbm>>
      %dma_start3A_299 = tpu.memref_squeeze %dma_start3A_298 : memref<1x64x16xf32, #tpu.memory_space<hbm>> -> memref<64x16xf32, #tpu.memory_space<hbm>>
      tpu.enqueue_dma source(%arg15 : memref<64x16xf32, #tpu.memory_space<vmem>>) target(%dma_start3A_299 : memref<64x16xf32, #tpu.memory_space<hbm>>) target_semaphore(%run_scoped3A : memref<!tpu.dma_semaphore, #tpu.memory_space<semaphore_mem>>)
      %dma_wait3A_300 = arith.constant 0 : i32
      %dma_wait3A_301 = tpu.memref_slice %arg6[%arg0, %add3A_269, %dma_wait3A_300] : memref<2x10240x16xf32, #tpu.memory_space<hbm>> -> memref<1x64x16xf32, #tpu.memory_space<hbm>>
      %dma_wait3A_302 = tpu.memref_squeeze %dma_wait3A_301 : memref<1x64x16xf32, #tpu.memory_space<hbm>> -> memref<64x16xf32, #tpu.memory_space<hbm>>
      %dma_wait3A_303 = arith.constant 0 : i32
      %dma_wait3A_304 = tpu.memref_slice %arg6[%arg0, %add3A_269, %dma_wait3A_303] : memref<2x10240x16xf32, #tpu.memory_space<hbm>> -> memref<1x64x16xf32, #tpu.memory_space<hbm>>
      %dma_wait3A_305 = tpu.memref_squeeze %dma_wait3A_304 : memref<1x64x16xf32, #tpu.memory_space<hbm>> -> memref<64x16xf32, #tpu.memory_space<hbm>>
      tpu.wait_dma2 semaphore(%run_scoped3A : memref<!tpu.dma_semaphore, #tpu.memory_space<semaphore_mem>>) src(%arg15 : memref<64x16xf32, #tpu.memory_space<vmem>>) dst(%dma_wait3A_305 : memref<64x16xf32, #tpu.memory_space<hbm>>)
      tpu.yield
    }) : () -> ()
    %mul3A_270 = arith.constant 640 : i32
    %mul3A_271 = arith.muli %arg1, %mul3A_270 : i32
    %add3A_272 = arith.constant 256 : i32
    %add3A_273 = arith.addi %mul3A_271, %add3A_272 : i32
    "tpu.region"() ({
      %run_scoped3A = tpu.sem_alloc : memref<!tpu.dma_semaphore, #tpu.memory_space<semaphore_mem>>
      %dma_start3A_294 = arith.constant 0 : i32
      %dma_start3A_295 = tpu.memref_slice %arg17[%add3A_273, %dma_start3A_294] : memref<10240x16xf32, #tpu.memory_space<vmem_shared>> -> memref<64x16xf32, #tpu.memory_space<vmem_shared>>
      %dma_start3A_296 = arith.constant 0 : i32
      %dma_start3A_297 = tpu.memref_slice %arg17[%add3A_273, %dma_start3A_296] : memref<10240x16xf32, #tpu.memory_space<vmem_shared>> -> memref<64x16xf32, #tpu.memory_space<vmem_shared>>
      tpu.enqueue_dma source(%dma_start3A_297 : memref<64x16xf32, #tpu.memory_space<vmem_shared>>) target(%arg15 : memref<64x16xf32, #tpu.memory_space<vmem>>) target_semaphore(%run_scoped3A : memref<!tpu.dma_semaphore, #tpu.memory_space<semaphore_mem>>)
      %dma_wait3A_298 = arith.constant 0 : i32
      %dma_wait3A_299 = tpu.memref_slice %arg17[%add3A_273, %dma_wait3A_298] : memref<10240x16xf32, #tpu.memory_space<vmem_shared>> -> memref<64x16xf32, #tpu.memory_space<vmem_shared>>
      %dma_wait3A_300 = arith.constant 0 : i32
      %dma_wait3A_301 = tpu.memref_slice %arg17[%add3A_273, %dma_wait3A_300] : memref<10240x16xf32, #tpu.memory_space<vmem_shared>> -> memref<64x16xf32, #tpu.memory_space<vmem_shared>>
      tpu.wait_dma2 semaphore(%run_scoped3A : memref<!tpu.dma_semaphore, #tpu.memory_space<semaphore_mem>>) src(%dma_wait3A_301 : memref<64x16xf32, #tpu.memory_space<vmem_shared>>) dst(%arg15 : memref<64x16xf32, #tpu.memory_space<vmem>>)
      tpu.yield
    }) : () -> ()
    "tpu.region"() ({
      %run_scoped3A = tpu.sem_alloc : memref<!tpu.dma_semaphore, #tpu.memory_space<semaphore_mem>>
      %dma_start3A_294 = arith.constant 0 : i32
      %dma_start3A_295 = tpu.memref_slice %arg6[%arg0, %add3A_273, %dma_start3A_294] : memref<2x10240x16xf32, #tpu.memory_space<hbm>> -> memref<1x64x16xf32, #tpu.memory_space<hbm>>
      %dma_start3A_296 = tpu.memref_squeeze %dma_start3A_295 : memref<1x64x16xf32, #tpu.memory_space<hbm>> -> memref<64x16xf32, #tpu.memory_space<hbm>>
      %dma_start3A_297 = arith.constant 0 : i32
      %dma_start3A_298 = tpu.memref_slice %arg6[%arg0, %add3A_273, %dma_start3A_297] : memref<2x10240x16xf32, #tpu.memory_space<hbm>> -> memref<1x64x16xf32, #tpu.memory_space<hbm>>
      %dma_start3A_299 = tpu.memref_squeeze %dma_start3A_298 : memref<1x64x16xf32, #tpu.memory_space<hbm>> -> memref<64x16xf32, #tpu.memory_space<hbm>>
      tpu.enqueue_dma source(%arg15 : memref<64x16xf32, #tpu.memory_space<vmem>>) target(%dma_start3A_299 : memref<64x16xf32, #tpu.memory_space<hbm>>) target_semaphore(%run_scoped3A : memref<!tpu.dma_semaphore, #tpu.memory_space<semaphore_mem>>)
      %dma_wait3A_300 = arith.constant 0 : i32
      %dma_wait3A_301 = tpu.memref_slice %arg6[%arg0, %add3A_273, %dma_wait3A_300] : memref<2x10240x16xf32, #tpu.memory_space<hbm>> -> memref<1x64x16xf32, #tpu.memory_space<hbm>>
      %dma_wait3A_302 = tpu.memref_squeeze %dma_wait3A_301 : memref<1x64x16xf32, #tpu.memory_space<hbm>> -> memref<64x16xf32, #tpu.memory_space<hbm>>
      %dma_wait3A_303 = arith.constant 0 : i32
      %dma_wait3A_304 = tpu.memref_slice %arg6[%arg0, %add3A_273, %dma_wait3A_303] : memref<2x10240x16xf32, #tpu.memory_space<hbm>> -> memref<1x64x16xf32, #tpu.memory_space<hbm>>
      %dma_wait3A_305 = tpu.memref_squeeze %dma_wait3A_304 : memref<1x64x16xf32, #tpu.memory_space<hbm>> -> memref<64x16xf32, #tpu.memory_space<hbm>>
      tpu.wait_dma2 semaphore(%run_scoped3A : memref<!tpu.dma_semaphore, #tpu.memory_space<semaphore_mem>>) src(%arg15 : memref<64x16xf32, #tpu.memory_space<vmem>>) dst(%dma_wait3A_305 : memref<64x16xf32, #tpu.memory_space<hbm>>)
      tpu.yield
    }) : () -> ()
    %mul3A_274 = arith.constant 640 : i32
    %mul3A_275 = arith.muli %arg1, %mul3A_274 : i32
    %add3A_276 = arith.constant 320 : i32
    %add3A_277 = arith.addi %mul3A_275, %add3A_276 : i32
    "tpu.region"() ({
      %run_scoped3A = tpu.sem_alloc : memref<!tpu.dma_semaphore, #tpu.memory_space<semaphore_mem>>
      %dma_start3A_294 = arith.constant 0 : i32
      %dma_start3A_295 = tpu.memref_slice %arg17[%add3A_277, %dma_start3A_294] : memref<10240x16xf32, #tpu.memory_space<vmem_shared>> -> memref<64x16xf32, #tpu.memory_space<vmem_shared>>
      %dma_start3A_296 = arith.constant 0 : i32
      %dma_start3A_297 = tpu.memref_slice %arg17[%add3A_277, %dma_start3A_296] : memref<10240x16xf32, #tpu.memory_space<vmem_shared>> -> memref<64x16xf32, #tpu.memory_space<vmem_shared>>
      tpu.enqueue_dma source(%dma_start3A_297 : memref<64x16xf32, #tpu.memory_space<vmem_shared>>) target(%arg15 : memref<64x16xf32, #tpu.memory_space<vmem>>) target_semaphore(%run_scoped3A : memref<!tpu.dma_semaphore, #tpu.memory_space<semaphore_mem>>)
      %dma_wait3A_298 = arith.constant 0 : i32
      %dma_wait3A_299 = tpu.memref_slice %arg17[%add3A_277, %dma_wait3A_298] : memref<10240x16xf32, #tpu.memory_space<vmem_shared>> -> memref<64x16xf32, #tpu.memory_space<vmem_shared>>
      %dma_wait3A_300 = arith.constant 0 : i32
      %dma_wait3A_301 = tpu.memref_slice %arg17[%add3A_277, %dma_wait3A_300] : memref<10240x16xf32, #tpu.memory_space<vmem_shared>> -> memref<64x16xf32, #tpu.memory_space<vmem_shared>>
      tpu.wait_dma2 semaphore(%run_scoped3A : memref<!tpu.dma_semaphore, #tpu.memory_space<semaphore_mem>>) src(%dma_wait3A_301 : memref<64x16xf32, #tpu.memory_space<vmem_shared>>) dst(%arg15 : memref<64x16xf32, #tpu.memory_space<vmem>>)
      tpu.yield
    }) : () -> ()
    "tpu.region"() ({
      %run_scoped3A = tpu.sem_alloc : memref<!tpu.dma_semaphore, #tpu.memory_space<semaphore_mem>>
      %dma_start3A_294 = arith.constant 0 : i32
      %dma_start3A_295 = tpu.memref_slice %arg6[%arg0, %add3A_277, %dma_start3A_294] : memref<2x10240x16xf32, #tpu.memory_space<hbm>> -> memref<1x64x16xf32, #tpu.memory_space<hbm>>
      %dma_start3A_296 = tpu.memref_squeeze %dma_start3A_295 : memref<1x64x16xf32, #tpu.memory_space<hbm>> -> memref<64x16xf32, #tpu.memory_space<hbm>>
      %dma_start3A_297 = arith.constant 0 : i32
      %dma_start3A_298 = tpu.memref_slice %arg6[%arg0, %add3A_277, %dma_start3A_297] : memref<2x10240x16xf32, #tpu.memory_space<hbm>> -> memref<1x64x16xf32, #tpu.memory_space<hbm>>
      %dma_start3A_299 = tpu.memref_squeeze %dma_start3A_298 : memref<1x64x16xf32, #tpu.memory_space<hbm>> -> memref<64x16xf32, #tpu.memory_space<hbm>>
      tpu.enqueue_dma source(%arg15 : memref<64x16xf32, #tpu.memory_space<vmem>>) target(%dma_start3A_299 : memref<64x16xf32, #tpu.memory_space<hbm>>) target_semaphore(%run_scoped3A : memref<!tpu.dma_semaphore, #tpu.memory_space<semaphore_mem>>)
      %dma_wait3A_300 = arith.constant 0 : i32
      %dma_wait3A_301 = tpu.memref_slice %arg6[%arg0, %add3A_277, %dma_wait3A_300] : memref<2x10240x16xf32, #tpu.memory_space<hbm>> -> memref<1x64x16xf32, #tpu.memory_space<hbm>>
      %dma_wait3A_302 = tpu.memref_squeeze %dma_wait3A_301 : memref<1x64x16xf32, #tpu.memory_space<hbm>> -> memref<64x16xf32, #tpu.memory_space<hbm>>
      %dma_wait3A_303 = arith.constant 0 : i32
      %dma_wait3A_304 = tpu.memref_slice %arg6[%arg0, %add3A_277, %dma_wait3A_303] : memref<2x10240x16xf32, #tpu.memory_space<hbm>> -> memref<1x64x16xf32, #tpu.memory_space<hbm>>
      %dma_wait3A_305 = tpu.memref_squeeze %dma_wait3A_304 : memref<1x64x16xf32, #tpu.memory_space<hbm>> -> memref<64x16xf32, #tpu.memory_space<hbm>>
      tpu.wait_dma2 semaphore(%run_scoped3A : memref<!tpu.dma_semaphore, #tpu.memory_space<semaphore_mem>>) src(%arg15 : memref<64x16xf32, #tpu.memory_space<vmem>>) dst(%dma_wait3A_305 : memref<64x16xf32, #tpu.memory_space<hbm>>)
      tpu.yield
    }) : () -> ()
    %mul3A_278 = arith.constant 640 : i32
    %mul3A_279 = arith.muli %arg1, %mul3A_278 : i32
    %add3A_280 = arith.constant 384 : i32
    %add3A_281 = arith.addi %mul3A_279, %add3A_280 : i32
    "tpu.region"() ({
      %run_scoped3A = tpu.sem_alloc : memref<!tpu.dma_semaphore, #tpu.memory_space<semaphore_mem>>
      %dma_start3A_294 = arith.constant 0 : i32
      %dma_start3A_295 = tpu.memref_slice %arg17[%add3A_281, %dma_start3A_294] : memref<10240x16xf32, #tpu.memory_space<vmem_shared>> -> memref<64x16xf32, #tpu.memory_space<vmem_shared>>
      %dma_start3A_296 = arith.constant 0 : i32
      %dma_start3A_297 = tpu.memref_slice %arg17[%add3A_281, %dma_start3A_296] : memref<10240x16xf32, #tpu.memory_space<vmem_shared>> -> memref<64x16xf32, #tpu.memory_space<vmem_shared>>
      tpu.enqueue_dma source(%dma_start3A_297 : memref<64x16xf32, #tpu.memory_space<vmem_shared>>) target(%arg15 : memref<64x16xf32, #tpu.memory_space<vmem>>) target_semaphore(%run_scoped3A : memref<!tpu.dma_semaphore, #tpu.memory_space<semaphore_mem>>)
      %dma_wait3A_298 = arith.constant 0 : i32
      %dma_wait3A_299 = tpu.memref_slice %arg17[%add3A_281, %dma_wait3A_298] : memref<10240x16xf32, #tpu.memory_space<vmem_shared>> -> memref<64x16xf32, #tpu.memory_space<vmem_shared>>
      %dma_wait3A_300 = arith.constant 0 : i32
      %dma_wait3A_301 = tpu.memref_slice %arg17[%add3A_281, %dma_wait3A_300] : memref<10240x16xf32, #tpu.memory_space<vmem_shared>> -> memref<64x16xf32, #tpu.memory_space<vmem_shared>>
      tpu.wait_dma2 semaphore(%run_scoped3A : memref<!tpu.dma_semaphore, #tpu.memory_space<semaphore_mem>>) src(%dma_wait3A_301 : memref<64x16xf32, #tpu.memory_space<vmem_shared>>) dst(%arg15 : memref<64x16xf32, #tpu.memory_space<vmem>>)
      tpu.yield
    }) : () -> ()
    "tpu.region"() ({
      %run_scoped3A = tpu.sem_alloc : memref<!tpu.dma_semaphore, #tpu.memory_space<semaphore_mem>>
      %dma_start3A_294 = arith.constant 0 : i32
      %dma_start3A_295 = tpu.memref_slice %arg6[%arg0, %add3A_281, %dma_start3A_294] : memref<2x10240x16xf32, #tpu.memory_space<hbm>> -> memref<1x64x16xf32, #tpu.memory_space<hbm>>
      %dma_start3A_296 = tpu.memref_squeeze %dma_start3A_295 : memref<1x64x16xf32, #tpu.memory_space<hbm>> -> memref<64x16xf32, #tpu.memory_space<hbm>>
      %dma_start3A_297 = arith.constant 0 : i32
      %dma_start3A_298 = tpu.memref_slice %arg6[%arg0, %add3A_281, %dma_start3A_297] : memref<2x10240x16xf32, #tpu.memory_space<hbm>> -> memref<1x64x16xf32, #tpu.memory_space<hbm>>
      %dma_start3A_299 = tpu.memref_squeeze %dma_start3A_298 : memref<1x64x16xf32, #tpu.memory_space<hbm>> -> memref<64x16xf32, #tpu.memory_space<hbm>>
      tpu.enqueue_dma source(%arg15 : memref<64x16xf32, #tpu.memory_space<vmem>>) target(%dma_start3A_299 : memref<64x16xf32, #tpu.memory_space<hbm>>) target_semaphore(%run_scoped3A : memref<!tpu.dma_semaphore, #tpu.memory_space<semaphore_mem>>)
      %dma_wait3A_300 = arith.constant 0 : i32
      %dma_wait3A_301 = tpu.memref_slice %arg6[%arg0, %add3A_281, %dma_wait3A_300] : memref<2x10240x16xf32, #tpu.memory_space<hbm>> -> memref<1x64x16xf32, #tpu.memory_space<hbm>>
      %dma_wait3A_302 = tpu.memref_squeeze %dma_wait3A_301 : memref<1x64x16xf32, #tpu.memory_space<hbm>> -> memref<64x16xf32, #tpu.memory_space<hbm>>
      %dma_wait3A_303 = arith.constant 0 : i32
      %dma_wait3A_304 = tpu.memref_slice %arg6[%arg0, %add3A_281, %dma_wait3A_303] : memref<2x10240x16xf32, #tpu.memory_space<hbm>> -> memref<1x64x16xf32, #tpu.memory_space<hbm>>
      %dma_wait3A_305 = tpu.memref_squeeze %dma_wait3A_304 : memref<1x64x16xf32, #tpu.memory_space<hbm>> -> memref<64x16xf32, #tpu.memory_space<hbm>>
      tpu.wait_dma2 semaphore(%run_scoped3A : memref<!tpu.dma_semaphore, #tpu.memory_space<semaphore_mem>>) src(%arg15 : memref<64x16xf32, #tpu.memory_space<vmem>>) dst(%dma_wait3A_305 : memref<64x16xf32, #tpu.memory_space<hbm>>)
      tpu.yield
    }) : () -> ()
    %mul3A_282 = arith.constant 640 : i32
    %mul3A_283 = arith.muli %arg1, %mul3A_282 : i32
    %add3A_284 = arith.constant 448 : i32
    %add3A_285 = arith.addi %mul3A_283, %add3A_284 : i32
    "tpu.region"() ({
      %run_scoped3A = tpu.sem_alloc : memref<!tpu.dma_semaphore, #tpu.memory_space<semaphore_mem>>
      %dma_start3A_294 = arith.constant 0 : i32
      %dma_start3A_295 = tpu.memref_slice %arg17[%add3A_285, %dma_start3A_294] : memref<10240x16xf32, #tpu.memory_space<vmem_shared>> -> memref<64x16xf32, #tpu.memory_space<vmem_shared>>
      %dma_start3A_296 = arith.constant 0 : i32
      %dma_start3A_297 = tpu.memref_slice %arg17[%add3A_285, %dma_start3A_296] : memref<10240x16xf32, #tpu.memory_space<vmem_shared>> -> memref<64x16xf32, #tpu.memory_space<vmem_shared>>
      tpu.enqueue_dma source(%dma_start3A_297 : memref<64x16xf32, #tpu.memory_space<vmem_shared>>) target(%arg15 : memref<64x16xf32, #tpu.memory_space<vmem>>) target_semaphore(%run_scoped3A : memref<!tpu.dma_semaphore, #tpu.memory_space<semaphore_mem>>)
      %dma_wait3A_298 = arith.constant 0 : i32
      %dma_wait3A_299 = tpu.memref_slice %arg17[%add3A_285, %dma_wait3A_298] : memref<10240x16xf32, #tpu.memory_space<vmem_shared>> -> memref<64x16xf32, #tpu.memory_space<vmem_shared>>
      %dma_wait3A_300 = arith.constant 0 : i32
      %dma_wait3A_301 = tpu.memref_slice %arg17[%add3A_285, %dma_wait3A_300] : memref<10240x16xf32, #tpu.memory_space<vmem_shared>> -> memref<64x16xf32, #tpu.memory_space<vmem_shared>>
      tpu.wait_dma2 semaphore(%run_scoped3A : memref<!tpu.dma_semaphore, #tpu.memory_space<semaphore_mem>>) src(%dma_wait3A_301 : memref<64x16xf32, #tpu.memory_space<vmem_shared>>) dst(%arg15 : memref<64x16xf32, #tpu.memory_space<vmem>>)
      tpu.yield
    }) : () -> ()
    "tpu.region"() ({
      %run_scoped3A = tpu.sem_alloc : memref<!tpu.dma_semaphore, #tpu.memory_space<semaphore_mem>>
      %dma_start3A_294 = arith.constant 0 : i32
      %dma_start3A_295 = tpu.memref_slice %arg6[%arg0, %add3A_285, %dma_start3A_294] : memref<2x10240x16xf32, #tpu.memory_space<hbm>> -> memref<1x64x16xf32, #tpu.memory_space<hbm>>
      %dma_start3A_296 = tpu.memref_squeeze %dma_start3A_295 : memref<1x64x16xf32, #tpu.memory_space<hbm>> -> memref<64x16xf32, #tpu.memory_space<hbm>>
      %dma_start3A_297 = arith.constant 0 : i32
      %dma_start3A_298 = tpu.memref_slice %arg6[%arg0, %add3A_285, %dma_start3A_297] : memref<2x10240x16xf32, #tpu.memory_space<hbm>> -> memref<1x64x16xf32, #tpu.memory_space<hbm>>
      %dma_start3A_299 = tpu.memref_squeeze %dma_start3A_298 : memref<1x64x16xf32, #tpu.memory_space<hbm>> -> memref<64x16xf32, #tpu.memory_space<hbm>>
      tpu.enqueue_dma source(%arg15 : memref<64x16xf32, #tpu.memory_space<vmem>>) target(%dma_start3A_299 : memref<64x16xf32, #tpu.memory_space<hbm>>) target_semaphore(%run_scoped3A : memref<!tpu.dma_semaphore, #tpu.memory_space<semaphore_mem>>)
      %dma_wait3A_300 = arith.constant 0 : i32
      %dma_wait3A_301 = tpu.memref_slice %arg6[%arg0, %add3A_285, %dma_wait3A_300] : memref<2x10240x16xf32, #tpu.memory_space<hbm>> -> memref<1x64x16xf32, #tpu.memory_space<hbm>>
      %dma_wait3A_302 = tpu.memref_squeeze %dma_wait3A_301 : memref<1x64x16xf32, #tpu.memory_space<hbm>> -> memref<64x16xf32, #tpu.memory_space<hbm>>
      %dma_wait3A_303 = arith.constant 0 : i32
      %dma_wait3A_304 = tpu.memref_slice %arg6[%arg0, %add3A_285, %dma_wait3A_303] : memref<2x10240x16xf32, #tpu.memory_space<hbm>> -> memref<1x64x16xf32, #tpu.memory_space<hbm>>
      %dma_wait3A_305 = tpu.memref_squeeze %dma_wait3A_304 : memref<1x64x16xf32, #tpu.memory_space<hbm>> -> memref<64x16xf32, #tpu.memory_space<hbm>>
      tpu.wait_dma2 semaphore(%run_scoped3A : memref<!tpu.dma_semaphore, #tpu.memory_space<semaphore_mem>>) src(%arg15 : memref<64x16xf32, #tpu.memory_space<vmem>>) dst(%dma_wait3A_305 : memref<64x16xf32, #tpu.memory_space<hbm>>)
      tpu.yield
    }) : () -> ()
    %mul3A_286 = arith.constant 640 : i32
    %mul3A_287 = arith.muli %arg1, %mul3A_286 : i32
    %add3A_288 = arith.constant 512 : i32
    %add3A_289 = arith.addi %mul3A_287, %add3A_288 : i32
    "tpu.region"() ({
      %run_scoped3A = tpu.sem_alloc : memref<!tpu.dma_semaphore, #tpu.memory_space<semaphore_mem>>
      %dma_start3A_294 = arith.constant 0 : i32
      %dma_start3A_295 = tpu.memref_slice %arg17[%add3A_289, %dma_start3A_294] : memref<10240x16xf32, #tpu.memory_space<vmem_shared>> -> memref<64x16xf32, #tpu.memory_space<vmem_shared>>
      %dma_start3A_296 = arith.constant 0 : i32
      %dma_start3A_297 = tpu.memref_slice %arg17[%add3A_289, %dma_start3A_296] : memref<10240x16xf32, #tpu.memory_space<vmem_shared>> -> memref<64x16xf32, #tpu.memory_space<vmem_shared>>
      tpu.enqueue_dma source(%dma_start3A_297 : memref<64x16xf32, #tpu.memory_space<vmem_shared>>) target(%arg15 : memref<64x16xf32, #tpu.memory_space<vmem>>) target_semaphore(%run_scoped3A : memref<!tpu.dma_semaphore, #tpu.memory_space<semaphore_mem>>)
      %dma_wait3A_298 = arith.constant 0 : i32
      %dma_wait3A_299 = tpu.memref_slice %arg17[%add3A_289, %dma_wait3A_298] : memref<10240x16xf32, #tpu.memory_space<vmem_shared>> -> memref<64x16xf32, #tpu.memory_space<vmem_shared>>
      %dma_wait3A_300 = arith.constant 0 : i32
      %dma_wait3A_301 = tpu.memref_slice %arg17[%add3A_289, %dma_wait3A_300] : memref<10240x16xf32, #tpu.memory_space<vmem_shared>> -> memref<64x16xf32, #tpu.memory_space<vmem_shared>>
      tpu.wait_dma2 semaphore(%run_scoped3A : memref<!tpu.dma_semaphore, #tpu.memory_space<semaphore_mem>>) src(%dma_wait3A_301 : memref<64x16xf32, #tpu.memory_space<vmem_shared>>) dst(%arg15 : memref<64x16xf32, #tpu.memory_space<vmem>>)
      tpu.yield
    }) : () -> ()
    "tpu.region"() ({
      %run_scoped3A = tpu.sem_alloc : memref<!tpu.dma_semaphore, #tpu.memory_space<semaphore_mem>>
      %dma_start3A_294 = arith.constant 0 : i32
      %dma_start3A_295 = tpu.memref_slice %arg6[%arg0, %add3A_289, %dma_start3A_294] : memref<2x10240x16xf32, #tpu.memory_space<hbm>> -> memref<1x64x16xf32, #tpu.memory_space<hbm>>
      %dma_start3A_296 = tpu.memref_squeeze %dma_start3A_295 : memref<1x64x16xf32, #tpu.memory_space<hbm>> -> memref<64x16xf32, #tpu.memory_space<hbm>>
      %dma_start3A_297 = arith.constant 0 : i32
      %dma_start3A_298 = tpu.memref_slice %arg6[%arg0, %add3A_289, %dma_start3A_297] : memref<2x10240x16xf32, #tpu.memory_space<hbm>> -> memref<1x64x16xf32, #tpu.memory_space<hbm>>
      %dma_start3A_299 = tpu.memref_squeeze %dma_start3A_298 : memref<1x64x16xf32, #tpu.memory_space<hbm>> -> memref<64x16xf32, #tpu.memory_space<hbm>>
      tpu.enqueue_dma source(%arg15 : memref<64x16xf32, #tpu.memory_space<vmem>>) target(%dma_start3A_299 : memref<64x16xf32, #tpu.memory_space<hbm>>) target_semaphore(%run_scoped3A : memref<!tpu.dma_semaphore, #tpu.memory_space<semaphore_mem>>)
      %dma_wait3A_300 = arith.constant 0 : i32
      %dma_wait3A_301 = tpu.memref_slice %arg6[%arg0, %add3A_289, %dma_wait3A_300] : memref<2x10240x16xf32, #tpu.memory_space<hbm>> -> memref<1x64x16xf32, #tpu.memory_space<hbm>>
      %dma_wait3A_302 = tpu.memref_squeeze %dma_wait3A_301 : memref<1x64x16xf32, #tpu.memory_space<hbm>> -> memref<64x16xf32, #tpu.memory_space<hbm>>
      %dma_wait3A_303 = arith.constant 0 : i32
      %dma_wait3A_304 = tpu.memref_slice %arg6[%arg0, %add3A_289, %dma_wait3A_303] : memref<2x10240x16xf32, #tpu.memory_space<hbm>> -> memref<1x64x16xf32, #tpu.memory_space<hbm>>
      %dma_wait3A_305 = tpu.memref_squeeze %dma_wait3A_304 : memref<1x64x16xf32, #tpu.memory_space<hbm>> -> memref<64x16xf32, #tpu.memory_space<hbm>>
      tpu.wait_dma2 semaphore(%run_scoped3A : memref<!tpu.dma_semaphore, #tpu.memory_space<semaphore_mem>>) src(%arg15 : memref<64x16xf32, #tpu.memory_space<vmem>>) dst(%dma_wait3A_305 : memref<64x16xf32, #tpu.memory_space<hbm>>)
      tpu.yield
    }) : () -> ()
    %mul3A_290 = arith.constant 640 : i32
    %mul3A_291 = arith.muli %arg1, %mul3A_290 : i32
    %add3A_292 = arith.constant 576 : i32
    %add3A_293 = arith.addi %mul3A_291, %add3A_292 : i32
    "tpu.region"() ({
      %run_scoped3A = tpu.sem_alloc : memref<!tpu.dma_semaphore, #tpu.memory_space<semaphore_mem>>
      %dma_start3A_294 = arith.constant 0 : i32
      %dma_start3A_295 = tpu.memref_slice %arg17[%add3A_293, %dma_start3A_294] : memref<10240x16xf32, #tpu.memory_space<vmem_shared>> -> memref<64x16xf32, #tpu.memory_space<vmem_shared>>
      %dma_start3A_296 = arith.constant 0 : i32
      %dma_start3A_297 = tpu.memref_slice %arg17[%add3A_293, %dma_start3A_296] : memref<10240x16xf32, #tpu.memory_space<vmem_shared>> -> memref<64x16xf32, #tpu.memory_space<vmem_shared>>
      tpu.enqueue_dma source(%dma_start3A_297 : memref<64x16xf32, #tpu.memory_space<vmem_shared>>) target(%arg15 : memref<64x16xf32, #tpu.memory_space<vmem>>) target_semaphore(%run_scoped3A : memref<!tpu.dma_semaphore, #tpu.memory_space<semaphore_mem>>)
      %dma_wait3A_298 = arith.constant 0 : i32
      %dma_wait3A_299 = tpu.memref_slice %arg17[%add3A_293, %dma_wait3A_298] : memref<10240x16xf32, #tpu.memory_space<vmem_shared>> -> memref<64x16xf32, #tpu.memory_space<vmem_shared>>
      %dma_wait3A_300 = arith.constant 0 : i32
      %dma_wait3A_301 = tpu.memref_slice %arg17[%add3A_293, %dma_wait3A_300] : memref<10240x16xf32, #tpu.memory_space<vmem_shared>> -> memref<64x16xf32, #tpu.memory_space<vmem_shared>>
      tpu.wait_dma2 semaphore(%run_scoped3A : memref<!tpu.dma_semaphore, #tpu.memory_space<semaphore_mem>>) src(%dma_wait3A_301 : memref<64x16xf32, #tpu.memory_space<vmem_shared>>) dst(%arg15 : memref<64x16xf32, #tpu.memory_space<vmem>>)
      tpu.yield
    }) : () -> ()
    "tpu.region"() ({
      %run_scoped3A = tpu.sem_alloc : memref<!tpu.dma_semaphore, #tpu.memory_space<semaphore_mem>>
      %dma_start3A_294 = arith.constant 0 : i32
      %dma_start3A_295 = tpu.memref_slice %arg6[%arg0, %add3A_293, %dma_start3A_294] : memref<2x10240x16xf32, #tpu.memory_space<hbm>> -> memref<1x64x16xf32, #tpu.memory_space<hbm>>
      %dma_start3A_296 = tpu.memref_squeeze %dma_start3A_295 : memref<1x64x16xf32, #tpu.memory_space<hbm>> -> memref<64x16xf32, #tpu.memory_space<hbm>>
      %dma_start3A_297 = arith.constant 0 : i32
      %dma_start3A_298 = tpu.memref_slice %arg6[%arg0, %add3A_293, %dma_start3A_297] : memref<2x10240x16xf32, #tpu.memory_space<hbm>> -> memref<1x64x16xf32, #tpu.memory_space<hbm>>
      %dma_start3A_299 = tpu.memref_squeeze %dma_start3A_298 : memref<1x64x16xf32, #tpu.memory_space<hbm>> -> memref<64x16xf32, #tpu.memory_space<hbm>>
      tpu.enqueue_dma source(%arg15 : memref<64x16xf32, #tpu.memory_space<vmem>>) target(%dma_start3A_299 : memref<64x16xf32, #tpu.memory_space<hbm>>) target_semaphore(%run_scoped3A : memref<!tpu.dma_semaphore, #tpu.memory_space<semaphore_mem>>)
      %dma_wait3A_300 = arith.constant 0 : i32
      %dma_wait3A_301 = tpu.memref_slice %arg6[%arg0, %add3A_293, %dma_wait3A_300] : memref<2x10240x16xf32, #tpu.memory_space<hbm>> -> memref<1x64x16xf32, #tpu.memory_space<hbm>>
      %dma_wait3A_302 = tpu.memref_squeeze %dma_wait3A_301 : memref<1x64x16xf32, #tpu.memory_space<hbm>> -> memref<64x16xf32, #tpu.memory_space<hbm>>
      %dma_wait3A_303 = arith.constant 0 : i32
      %dma_wait3A_304 = tpu.memref_slice %arg6[%arg0, %add3A_293, %dma_wait3A_303] : memref<2x10240x16xf32, #tpu.memory_space<hbm>> -> memref<1x64x16xf32, #tpu.memory_space<hbm>>
      %dma_wait3A_305 = tpu.memref_squeeze %dma_wait3A_304 : memref<1x64x16xf32, #tpu.memory_space<hbm>> -> memref<64x16xf32, #tpu.memory_space<hbm>>
      tpu.wait_dma2 semaphore(%run_scoped3A : memref<!tpu.dma_semaphore, #tpu.memory_space<semaphore_mem>>) src(%arg15 : memref<64x16xf32, #tpu.memory_space<vmem>>) dst(%dma_wait3A_305 : memref<64x16xf32, #tpu.memory_space<hbm>>)
      tpu.yield
    }) : () -> ()
    return
  }
}

#map = affine_map<(d0, d1) -> (0, 0)>
#map1 = affine_map<(d0, d1) -> (0, 0, 0)>
module attributes {stable_mosaic.version = 14 : i64} {
  func.func @body(%arg0: i32, %arg1: i32, %arg2: memref<10000x64xf32, #tpu.memory_space<hbm>>, %arg3: memref<2x320000xi32, #tpu.memory_space<hbm>>, %arg4: memref<2x7680xi32, #tpu.memory_space<hbm>>, %arg5: memref<2x10240x64xf32, #tpu.memory_space<hbm>>, %arg6: memref<8x128xi32, #tpu.memory_space<vmem>>, %arg7: memref<8x128xi32, #tpu.memory_space<vmem>>, %arg8: memref<128x64xf32, #tpu.memory_space<vmem>>, %arg9: memref<128x64xf32, #tpu.memory_space<vmem>>, %arg10: memref<10240x64xf32, #tpu.memory_space<vmem_shared>>, %arg11: memref<!tpu.dma_semaphore, #tpu.memory_space<semaphore_mem>>, %arg12: memref<!tpu.dma_semaphore, #tpu.memory_space<semaphore_mem>>, %arg13: memref<!tpu.dma_semaphore, #tpu.memory_space<semaphore_mem>>) attributes {dimension_semantics = [#tpu.dimension_semantics<core_parallel>, #tpu.dimension_semantics<subcore_parallel>], iteration_bounds = array<i64: 2, 16>, scalar_prefetch = 0 : i64, scratch_operands = 8 : i64, tpu.core_type = #tpu.core_type<sc_vector_subcore>, window_params = [{transform_indices = #map}, {transform_indices = #map}, {transform_indices = #map}, {transform_indices = #map1}]} {
    %eq3A = arith.constant 0 : i32
    %eq3A_0 = arith.cmpi eq, %arg0, %eq3A : i32
    %select_n3A = arith.constant 80 : i32
    %select_n3A_1 = arith.constant 80 : i32
    %select_n3A_2 = arith.select %eq3A_0, %select_n3A_1, %select_n3A : i32
    %jit3A = arith.constant 2 : i32
    %div3A = arith.divsi %select_n3A_2, %jit3A : i32
    %sign3A = arith.constant 0 : i32
    %sign3A_3 = arith.cmpi sgt, %select_n3A_2, %sign3A : i32
    %sign3A_4 = arith.extui %sign3A_3 : i1 to i32
    %sign3A_5 = arith.constant 0 : i32
    %sign3A_6 = arith.cmpi slt, %select_n3A_2, %sign3A_5 : i32
    %sign3A_7 = arith.extui %sign3A_6 : i1 to i32
    %sign3A_8 = arith.subi %sign3A_4, %sign3A_7 : i32
    %sign3A_9 = arith.constant 0 : i32
    %sign3A_10 = arith.cmpi sgt, %jit3A, %sign3A_9 : i32
    %sign3A_11 = arith.extui %sign3A_10 : i1 to i32
    %sign3A_12 = arith.constant 0 : i32
    %sign3A_13 = arith.cmpi slt, %jit3A, %sign3A_12 : i32
    %sign3A_14 = arith.extui %sign3A_13 : i1 to i32
    %sign3A_15 = arith.subi %sign3A_11, %sign3A_14 : i32
    %ne3A = arith.cmpi ne, %sign3A_8, %sign3A_15 : i32
    %rem3A = arith.remsi %select_n3A_2, %jit3A : i32
    %ne3A_16 = arith.constant 0 : i32
    %ne3A_17 = arith.cmpi ne, %rem3A, %ne3A_16 : i32
    %and3A = arith.andi %ne3A, %ne3A_17 : i1
    %sub3A = arith.constant 1 : i32
    %sub3A_18 = arith.subi %div3A, %sub3A : i32
    %select_n3A_19 = arith.select %and3A, %sub3A_18, %div3A : i32
    %eq3A_20 = arith.constant 0 : i32
    %eq3A_21 = arith.cmpi eq, %arg0, %eq3A_20 : i32
    %mul3A = arith.constant 80 : i32
    %mul3A_22 = arith.muli %arg1, %mul3A : i32
    %mul3A_23 = arith.constant 80 : i32
    %mul3A_24 = arith.muli %arg1, %mul3A_23 : i32
    %add3A = arith.constant 1280 : i32
    %add3A_25 = arith.addi %add3A, %mul3A_24 : i32
    %select_n3A_26 = arith.select %eq3A_21, %mul3A_22, %add3A_25 : i32
    %mul3A_27 = arith.constant 128 : i32
    %mul3A_28 = arith.muli %select_n3A_26, %mul3A_27 : i32
    %rem3A_29 = arith.constant 0 : i32
    %rem3A_30 = arith.constant 8 : i32
    %rem3A_31 = arith.remsi %rem3A_29, %rem3A_30 : i32
    %add3A_32 = arith.constant 0 : i32
    %add3A_33 = arith.addi %mul3A_28, %add3A_32 : i32
    %lt3A = arith.constant 320000 : i32
    %lt3A_34 = arith.cmpi slt, %add3A_33, %lt3A : i32
    %convert_element_type3A = arith.extui %lt3A_34 : i1 to i32
    %cond3A = arith.constant 0 : i32
    %cond3A_35 = arith.cmpi ne, %convert_element_type3A, %cond3A : i32
    scf.if %cond3A_35 {
      %dma_start3A_220 = arith.constant 0 : i32
      %dma_start3A_221 = arith.constant 0 : i32
      %dma_start3A_222 = tpu.memref_slice %arg6[%rem3A_31, %dma_start3A_221] : memref<8x128xi32, #tpu.memory_space<vmem>> -> memref<1x128xi32, #tpu.memory_space<vmem>>
      %dma_start3A_223 = tpu.memref_squeeze %dma_start3A_222 : memref<1x128xi32, #tpu.memory_space<vmem>> -> memref<128xi32, #tpu.memory_space<vmem>>
      %dma_start3A_224 = tpu.memref_slice %arg3[%dma_start3A_220, %add3A_33] : memref<2x320000xi32, #tpu.memory_space<hbm>> -> memref<1x128xi32, #tpu.memory_space<hbm>>
      %dma_start3A_225 = tpu.memref_squeeze %dma_start3A_224 : memref<1x128xi32, #tpu.memory_space<hbm>> -> memref<128xi32, #tpu.memory_space<hbm>>
      %dma_start3A_226 = arith.constant 0 : i32
      %dma_start3A_227 = tpu.memref_slice %arg6[%rem3A_31, %dma_start3A_226] : memref<8x128xi32, #tpu.memory_space<vmem>> -> memref<1x128xi32, #tpu.memory_space<vmem>>
      %dma_start3A_228 = tpu.memref_squeeze %dma_start3A_227 : memref<1x128xi32, #tpu.memory_space<vmem>> -> memref<128xi32, #tpu.memory_space<vmem>>
      %dma_start3A_229 = tpu.memref_slice %arg3[%dma_start3A_220, %add3A_33] : memref<2x320000xi32, #tpu.memory_space<hbm>> -> memref<1x128xi32, #tpu.memory_space<hbm>>
      %dma_start3A_230 = tpu.memref_squeeze %dma_start3A_229 : memref<1x128xi32, #tpu.memory_space<hbm>> -> memref<128xi32, #tpu.memory_space<hbm>>
      tpu.enqueue_dma source(%dma_start3A_230 : memref<128xi32, #tpu.memory_space<hbm>>) target(%dma_start3A_228 : memref<128xi32, #tpu.memory_space<vmem>>) target_semaphore(%arg11 : memref<!tpu.dma_semaphore, #tpu.memory_space<semaphore_mem>>)
      %dma_start3A_231 = arith.constant 1 : i32
      %dma_start3A_232 = arith.constant 0 : i32
      %dma_start3A_233 = tpu.memref_slice %arg7[%rem3A_31, %dma_start3A_232] : memref<8x128xi32, #tpu.memory_space<vmem>> -> memref<1x128xi32, #tpu.memory_space<vmem>>
      %dma_start3A_234 = tpu.memref_squeeze %dma_start3A_233 : memref<1x128xi32, #tpu.memory_space<vmem>> -> memref<128xi32, #tpu.memory_space<vmem>>
      %dma_start3A_235 = tpu.memref_slice %arg3[%dma_start3A_231, %add3A_33] : memref<2x320000xi32, #tpu.memory_space<hbm>> -> memref<1x128xi32, #tpu.memory_space<hbm>>
      %dma_start3A_236 = tpu.memref_squeeze %dma_start3A_235 : memref<1x128xi32, #tpu.memory_space<hbm>> -> memref<128xi32, #tpu.memory_space<hbm>>
      %dma_start3A_237 = arith.constant 0 : i32
      %dma_start3A_238 = tpu.memref_slice %arg7[%rem3A_31, %dma_start3A_237] : memref<8x128xi32, #tpu.memory_space<vmem>> -> memref<1x128xi32, #tpu.memory_space<vmem>>
      %dma_start3A_239 = tpu.memref_squeeze %dma_start3A_238 : memref<1x128xi32, #tpu.memory_space<vmem>> -> memref<128xi32, #tpu.memory_space<vmem>>
      %dma_start3A_240 = tpu.memref_slice %arg3[%dma_start3A_231, %add3A_33] : memref<2x320000xi32, #tpu.memory_space<hbm>> -> memref<1x128xi32, #tpu.memory_space<hbm>>
      %dma_start3A_241 = tpu.memref_squeeze %dma_start3A_240 : memref<1x128xi32, #tpu.memory_space<hbm>> -> memref<128xi32, #tpu.memory_space<hbm>>
      tpu.enqueue_dma source(%dma_start3A_241 : memref<128xi32, #tpu.memory_space<hbm>>) target(%dma_start3A_239 : memref<128xi32, #tpu.memory_space<vmem>>) target_semaphore(%arg11 : memref<!tpu.dma_semaphore, #tpu.memory_space<semaphore_mem>>)
    } else {
    }
    %ge3A = arith.constant 320000 : i32
    %ge3A_36 = arith.cmpi sge, %add3A_33, %ge3A : i32
    %convert_element_type3A_37 = arith.extui %ge3A_36 : i1 to i32
    %cond3A_38 = arith.constant 0 : i32
    %cond3A_39 = arith.cmpi ne, %convert_element_type3A_37, %cond3A_38 : i32
    scf.if %cond3A_39 {
      %sub3A_220 = arith.constant 320000 : i32
      %sub3A_221 = arith.subi %add3A_33, %sub3A_220 : i32
      %dma_start3A_222 = arith.constant 0 : i32
      %dma_start3A_223 = arith.constant 0 : i32
      %dma_start3A_224 = tpu.memref_slice %arg6[%rem3A_31, %dma_start3A_223] : memref<8x128xi32, #tpu.memory_space<vmem>> -> memref<1x128xi32, #tpu.memory_space<vmem>>
      %dma_start3A_225 = tpu.memref_squeeze %dma_start3A_224 : memref<1x128xi32, #tpu.memory_space<vmem>> -> memref<128xi32, #tpu.memory_space<vmem>>
      %dma_start3A_226 = tpu.memref_slice %arg4[%dma_start3A_222, %sub3A_221] : memref<2x7680xi32, #tpu.memory_space<hbm>> -> memref<1x128xi32, #tpu.memory_space<hbm>>
      %dma_start3A_227 = tpu.memref_squeeze %dma_start3A_226 : memref<1x128xi32, #tpu.memory_space<hbm>> -> memref<128xi32, #tpu.memory_space<hbm>>
      %dma_start3A_228 = arith.constant 0 : i32
      %dma_start3A_229 = tpu.memref_slice %arg6[%rem3A_31, %dma_start3A_228] : memref<8x128xi32, #tpu.memory_space<vmem>> -> memref<1x128xi32, #tpu.memory_space<vmem>>
      %dma_start3A_230 = tpu.memref_squeeze %dma_start3A_229 : memref<1x128xi32, #tpu.memory_space<vmem>> -> memref<128xi32, #tpu.memory_space<vmem>>
      %dma_start3A_231 = tpu.memref_slice %arg4[%dma_start3A_222, %sub3A_221] : memref<2x7680xi32, #tpu.memory_space<hbm>> -> memref<1x128xi32, #tpu.memory_space<hbm>>
      %dma_start3A_232 = tpu.memref_squeeze %dma_start3A_231 : memref<1x128xi32, #tpu.memory_space<hbm>> -> memref<128xi32, #tpu.memory_space<hbm>>
      tpu.enqueue_dma source(%dma_start3A_232 : memref<128xi32, #tpu.memory_space<hbm>>) target(%dma_start3A_230 : memref<128xi32, #tpu.memory_space<vmem>>) target_semaphore(%arg11 : memref<!tpu.dma_semaphore, #tpu.memory_space<semaphore_mem>>)
      %sub3A_233 = arith.constant 320000 : i32
      %sub3A_234 = arith.subi %add3A_33, %sub3A_233 : i32
      %dma_start3A_235 = arith.constant 1 : i32
      %dma_start3A_236 = arith.constant 0 : i32
      %dma_start3A_237 = tpu.memref_slice %arg7[%rem3A_31, %dma_start3A_236] : memref<8x128xi32, #tpu.memory_space<vmem>> -> memref<1x128xi32, #tpu.memory_space<vmem>>
      %dma_start3A_238 = tpu.memref_squeeze %dma_start3A_237 : memref<1x128xi32, #tpu.memory_space<vmem>> -> memref<128xi32, #tpu.memory_space<vmem>>
      %dma_start3A_239 = tpu.memref_slice %arg4[%dma_start3A_235, %sub3A_234] : memref<2x7680xi32, #tpu.memory_space<hbm>> -> memref<1x128xi32, #tpu.memory_space<hbm>>
      %dma_start3A_240 = tpu.memref_squeeze %dma_start3A_239 : memref<1x128xi32, #tpu.memory_space<hbm>> -> memref<128xi32, #tpu.memory_space<hbm>>
      %dma_start3A_241 = arith.constant 0 : i32
      %dma_start3A_242 = tpu.memref_slice %arg7[%rem3A_31, %dma_start3A_241] : memref<8x128xi32, #tpu.memory_space<vmem>> -> memref<1x128xi32, #tpu.memory_space<vmem>>
      %dma_start3A_243 = tpu.memref_squeeze %dma_start3A_242 : memref<1x128xi32, #tpu.memory_space<vmem>> -> memref<128xi32, #tpu.memory_space<vmem>>
      %dma_start3A_244 = tpu.memref_slice %arg4[%dma_start3A_235, %sub3A_234] : memref<2x7680xi32, #tpu.memory_space<hbm>> -> memref<1x128xi32, #tpu.memory_space<hbm>>
      %dma_start3A_245 = tpu.memref_squeeze %dma_start3A_244 : memref<1x128xi32, #tpu.memory_space<hbm>> -> memref<128xi32, #tpu.memory_space<hbm>>
      tpu.enqueue_dma source(%dma_start3A_245 : memref<128xi32, #tpu.memory_space<hbm>>) target(%dma_start3A_243 : memref<128xi32, #tpu.memory_space<vmem>>) target_semaphore(%arg11 : memref<!tpu.dma_semaphore, #tpu.memory_space<semaphore_mem>>)
    } else {
    }
    %rem3A_40 = arith.constant 1 : i32
    %rem3A_41 = arith.constant 8 : i32
    %rem3A_42 = arith.remsi %rem3A_40, %rem3A_41 : i32
    %add3A_43 = arith.constant 128 : i32
    %add3A_44 = arith.addi %mul3A_28, %add3A_43 : i32
    %lt3A_45 = arith.constant 320000 : i32
    %lt3A_46 = arith.cmpi slt, %add3A_44, %lt3A_45 : i32
    %convert_element_type3A_47 = arith.extui %lt3A_46 : i1 to i32
    %cond3A_48 = arith.constant 0 : i32
    %cond3A_49 = arith.cmpi ne, %convert_element_type3A_47, %cond3A_48 : i32
    scf.if %cond3A_49 {
      %dma_start3A_220 = arith.constant 0 : i32
      %dma_start3A_221 = arith.constant 0 : i32
      %dma_start3A_222 = tpu.memref_slice %arg6[%rem3A_42, %dma_start3A_221] : memref<8x128xi32, #tpu.memory_space<vmem>> -> memref<1x128xi32, #tpu.memory_space<vmem>>
      %dma_start3A_223 = tpu.memref_squeeze %dma_start3A_222 : memref<1x128xi32, #tpu.memory_space<vmem>> -> memref<128xi32, #tpu.memory_space<vmem>>
      %dma_start3A_224 = tpu.memref_slice %arg3[%dma_start3A_220, %add3A_44] : memref<2x320000xi32, #tpu.memory_space<hbm>> -> memref<1x128xi32, #tpu.memory_space<hbm>>
      %dma_start3A_225 = tpu.memref_squeeze %dma_start3A_224 : memref<1x128xi32, #tpu.memory_space<hbm>> -> memref<128xi32, #tpu.memory_space<hbm>>
      %dma_start3A_226 = arith.constant 0 : i32
      %dma_start3A_227 = tpu.memref_slice %arg6[%rem3A_42, %dma_start3A_226] : memref<8x128xi32, #tpu.memory_space<vmem>> -> memref<1x128xi32, #tpu.memory_space<vmem>>
      %dma_start3A_228 = tpu.memref_squeeze %dma_start3A_227 : memref<1x128xi32, #tpu.memory_space<vmem>> -> memref<128xi32, #tpu.memory_space<vmem>>
      %dma_start3A_229 = tpu.memref_slice %arg3[%dma_start3A_220, %add3A_44] : memref<2x320000xi32, #tpu.memory_space<hbm>> -> memref<1x128xi32, #tpu.memory_space<hbm>>
      %dma_start3A_230 = tpu.memref_squeeze %dma_start3A_229 : memref<1x128xi32, #tpu.memory_space<hbm>> -> memref<128xi32, #tpu.memory_space<hbm>>
      tpu.enqueue_dma source(%dma_start3A_230 : memref<128xi32, #tpu.memory_space<hbm>>) target(%dma_start3A_228 : memref<128xi32, #tpu.memory_space<vmem>>) target_semaphore(%arg11 : memref<!tpu.dma_semaphore, #tpu.memory_space<semaphore_mem>>)
      %dma_start3A_231 = arith.constant 1 : i32
      %dma_start3A_232 = arith.constant 0 : i32
      %dma_start3A_233 = tpu.memref_slice %arg7[%rem3A_42, %dma_start3A_232] : memref<8x128xi32, #tpu.memory_space<vmem>> -> memref<1x128xi32, #tpu.memory_space<vmem>>
      %dma_start3A_234 = tpu.memref_squeeze %dma_start3A_233 : memref<1x128xi32, #tpu.memory_space<vmem>> -> memref<128xi32, #tpu.memory_space<vmem>>
      %dma_start3A_235 = tpu.memref_slice %arg3[%dma_start3A_231, %add3A_44] : memref<2x320000xi32, #tpu.memory_space<hbm>> -> memref<1x128xi32, #tpu.memory_space<hbm>>
      %dma_start3A_236 = tpu.memref_squeeze %dma_start3A_235 : memref<1x128xi32, #tpu.memory_space<hbm>> -> memref<128xi32, #tpu.memory_space<hbm>>
      %dma_start3A_237 = arith.constant 0 : i32
      %dma_start3A_238 = tpu.memref_slice %arg7[%rem3A_42, %dma_start3A_237] : memref<8x128xi32, #tpu.memory_space<vmem>> -> memref<1x128xi32, #tpu.memory_space<vmem>>
      %dma_start3A_239 = tpu.memref_squeeze %dma_start3A_238 : memref<1x128xi32, #tpu.memory_space<vmem>> -> memref<128xi32, #tpu.memory_space<vmem>>
      %dma_start3A_240 = tpu.memref_slice %arg3[%dma_start3A_231, %add3A_44] : memref<2x320000xi32, #tpu.memory_space<hbm>> -> memref<1x128xi32, #tpu.memory_space<hbm>>
      %dma_start3A_241 = tpu.memref_squeeze %dma_start3A_240 : memref<1x128xi32, #tpu.memory_space<hbm>> -> memref<128xi32, #tpu.memory_space<hbm>>
      tpu.enqueue_dma source(%dma_start3A_241 : memref<128xi32, #tpu.memory_space<hbm>>) target(%dma_start3A_239 : memref<128xi32, #tpu.memory_space<vmem>>) target_semaphore(%arg11 : memref<!tpu.dma_semaphore, #tpu.memory_space<semaphore_mem>>)
    } else {
    }
    %ge3A_50 = arith.constant 320000 : i32
    %ge3A_51 = arith.cmpi sge, %add3A_44, %ge3A_50 : i32
    %convert_element_type3A_52 = arith.extui %ge3A_51 : i1 to i32
    %cond3A_53 = arith.constant 0 : i32
    %cond3A_54 = arith.cmpi ne, %convert_element_type3A_52, %cond3A_53 : i32
    scf.if %cond3A_54 {
      %sub3A_220 = arith.constant 320000 : i32
      %sub3A_221 = arith.subi %add3A_44, %sub3A_220 : i32
      %dma_start3A_222 = arith.constant 0 : i32
      %dma_start3A_223 = arith.constant 0 : i32
      %dma_start3A_224 = tpu.memref_slice %arg6[%rem3A_42, %dma_start3A_223] : memref<8x128xi32, #tpu.memory_space<vmem>> -> memref<1x128xi32, #tpu.memory_space<vmem>>
      %dma_start3A_225 = tpu.memref_squeeze %dma_start3A_224 : memref<1x128xi32, #tpu.memory_space<vmem>> -> memref<128xi32, #tpu.memory_space<vmem>>
      %dma_start3A_226 = tpu.memref_slice %arg4[%dma_start3A_222, %sub3A_221] : memref<2x7680xi32, #tpu.memory_space<hbm>> -> memref<1x128xi32, #tpu.memory_space<hbm>>
      %dma_start3A_227 = tpu.memref_squeeze %dma_start3A_226 : memref<1x128xi32, #tpu.memory_space<hbm>> -> memref<128xi32, #tpu.memory_space<hbm>>
      %dma_start3A_228 = arith.constant 0 : i32
      %dma_start3A_229 = tpu.memref_slice %arg6[%rem3A_42, %dma_start3A_228] : memref<8x128xi32, #tpu.memory_space<vmem>> -> memref<1x128xi32, #tpu.memory_space<vmem>>
      %dma_start3A_230 = tpu.memref_squeeze %dma_start3A_229 : memref<1x128xi32, #tpu.memory_space<vmem>> -> memref<128xi32, #tpu.memory_space<vmem>>
      %dma_start3A_231 = tpu.memref_slice %arg4[%dma_start3A_222, %sub3A_221] : memref<2x7680xi32, #tpu.memory_space<hbm>> -> memref<1x128xi32, #tpu.memory_space<hbm>>
      %dma_start3A_232 = tpu.memref_squeeze %dma_start3A_231 : memref<1x128xi32, #tpu.memory_space<hbm>> -> memref<128xi32, #tpu.memory_space<hbm>>
      tpu.enqueue_dma source(%dma_start3A_232 : memref<128xi32, #tpu.memory_space<hbm>>) target(%dma_start3A_230 : memref<128xi32, #tpu.memory_space<vmem>>) target_semaphore(%arg11 : memref<!tpu.dma_semaphore, #tpu.memory_space<semaphore_mem>>)
      %sub3A_233 = arith.constant 320000 : i32
      %sub3A_234 = arith.subi %add3A_44, %sub3A_233 : i32
      %dma_start3A_235 = arith.constant 1 : i32
      %dma_start3A_236 = arith.constant 0 : i32
      %dma_start3A_237 = tpu.memref_slice %arg7[%rem3A_42, %dma_start3A_236] : memref<8x128xi32, #tpu.memory_space<vmem>> -> memref<1x128xi32, #tpu.memory_space<vmem>>
      %dma_start3A_238 = tpu.memref_squeeze %dma_start3A_237 : memref<1x128xi32, #tpu.memory_space<vmem>> -> memref<128xi32, #tpu.memory_space<vmem>>
      %dma_start3A_239 = tpu.memref_slice %arg4[%dma_start3A_235, %sub3A_234] : memref<2x7680xi32, #tpu.memory_space<hbm>> -> memref<1x128xi32, #tpu.memory_space<hbm>>
      %dma_start3A_240 = tpu.memref_squeeze %dma_start3A_239 : memref<1x128xi32, #tpu.memory_space<hbm>> -> memref<128xi32, #tpu.memory_space<hbm>>
      %dma_start3A_241 = arith.constant 0 : i32
      %dma_start3A_242 = tpu.memref_slice %arg7[%rem3A_42, %dma_start3A_241] : memref<8x128xi32, #tpu.memory_space<vmem>> -> memref<1x128xi32, #tpu.memory_space<vmem>>
      %dma_start3A_243 = tpu.memref_squeeze %dma_start3A_242 : memref<1x128xi32, #tpu.memory_space<vmem>> -> memref<128xi32, #tpu.memory_space<vmem>>
      %dma_start3A_244 = tpu.memref_slice %arg4[%dma_start3A_235, %sub3A_234] : memref<2x7680xi32, #tpu.memory_space<hbm>> -> memref<1x128xi32, #tpu.memory_space<hbm>>
      %dma_start3A_245 = tpu.memref_squeeze %dma_start3A_244 : memref<1x128xi32, #tpu.memory_space<hbm>> -> memref<128xi32, #tpu.memory_space<hbm>>
      tpu.enqueue_dma source(%dma_start3A_245 : memref<128xi32, #tpu.memory_space<hbm>>) target(%dma_start3A_243 : memref<128xi32, #tpu.memory_space<vmem>>) target_semaphore(%arg11 : memref<!tpu.dma_semaphore, #tpu.memory_space<semaphore_mem>>)
    } else {
    }
    %broadcast_in_dim3A = arith.constant 0.000000e+00 : f32
    %broadcast_in_dim3A_55 = vector.broadcast %broadcast_in_dim3A : f32 to vector<16xf32>
    %scan3A = arith.constant 0 : i32
    %scan3A_56 = arith.constant 0 : i32
    %scan3A_57 = arith.constant 128 : i32
    %scan3A_58 = arith.addi %scan3A_56, %scan3A_57 : i32
    %scan3A_59 = arith.constant 1 : i32
    scf.for %scan3A_220 = %scan3A_56 to %scan3A_58 step %scan3A_59  : i32 {
      %swap3A = arith.index_cast %scan3A_220 : i32 to index
      %swap3A_221 = arith.constant 0 : index
      %swap3A_222 = tpu.vector_load %arg8[%swap3A, %swap3A_221] {strides = array<i32>} : memref<128x64xf32, #tpu.memory_space<vmem>>, vector<1x16xf32>,
      %swap3A_223 = vector.shape_cast %swap3A_222 : vector<1x16xf32> to vector<16xf32>
      %swap3A_224 = vector.shape_cast %broadcast_in_dim3A_55 : vector<16xf32> to vector<1x16xf32>
      tpu.vector_store %arg8[%swap3A, %swap3A_221], %swap3A_224 {strides = array<i32>} : memref<128x64xf32, #tpu.memory_space<vmem>>, vector<1x16xf32>,
      %swap3A_225 = arith.index_cast %scan3A_220 : i32 to index
      %swap3A_226 = arith.constant 16 : index
      %swap3A_227 = tpu.vector_load %arg8[%swap3A_225, %swap3A_226] {strides = array<i32>} : memref<128x64xf32, #tpu.memory_space<vmem>>, vector<1x16xf32>,
      %swap3A_228 = vector.shape_cast %swap3A_227 : vector<1x16xf32> to vector<16xf32>
      %swap3A_229 = vector.shape_cast %broadcast_in_dim3A_55 : vector<16xf32> to vector<1x16xf32>
      tpu.vector_store %arg8[%swap3A_225, %swap3A_226], %swap3A_229 {strides = array<i32>} : memref<128x64xf32, #tpu.memory_space<vmem>>, vector<1x16xf32>,
      %swap3A_230 = arith.index_cast %scan3A_220 : i32 to index
      %swap3A_231 = arith.constant 32 : index
      %swap3A_232 = tpu.vector_load %arg8[%swap3A_230, %swap3A_231] {strides = array<i32>} : memref<128x64xf32, #tpu.memory_space<vmem>>, vector<1x16xf32>,
      %swap3A_233 = vector.shape_cast %swap3A_232 : vector<1x16xf32> to vector<16xf32>
      %swap3A_234 = vector.shape_cast %broadcast_in_dim3A_55 : vector<16xf32> to vector<1x16xf32>
      tpu.vector_store %arg8[%swap3A_230, %swap3A_231], %swap3A_234 {strides = array<i32>} : memref<128x64xf32, #tpu.memory_space<vmem>>, vector<1x16xf32>,
      %swap3A_235 = arith.index_cast %scan3A_220 : i32 to index
      %swap3A_236 = arith.constant 48 : index
      %swap3A_237 = tpu.vector_load %arg8[%swap3A_235, %swap3A_236] {strides = array<i32>} : memref<128x64xf32, #tpu.memory_space<vmem>>, vector<1x16xf32>,
      %swap3A_238 = vector.shape_cast %swap3A_237 : vector<1x16xf32> to vector<16xf32>
      %swap3A_239 = vector.shape_cast %broadcast_in_dim3A_55 : vector<16xf32> to vector<1x16xf32>
      tpu.vector_store %arg8[%swap3A_235, %swap3A_236], %swap3A_239 {strides = array<i32>} : memref<128x64xf32, #tpu.memory_space<vmem>>, vector<1x16xf32>,
    }
    %scan3A_60 = arith.constant 128 : i32
    %scan3A_61 = arith.constant 0 : i32
    %scan3A_62 = arith.constant 0 : i32
    %scan3A_63 = arith.constant 5 : i32
    %scan3A_64 = arith.addi %scan3A_62, %scan3A_63 : i32
    %scan3A_65 = arith.constant 1 : i32
    scf.for %scan3A_220 = %scan3A_62 to %scan3A_64 step %scan3A_65  : i32 {
      %mul3A_221 = arith.constant 640 : i32
      %mul3A_222 = arith.muli %arg1, %mul3A_221 : i32
      %mul3A_223 = arith.constant 128 : i32
      %mul3A_224 = arith.muli %scan3A_220, %mul3A_223 : i32
      %add3A_225 = arith.addi %mul3A_222, %mul3A_224 : i32
      "tpu.region"() ({
        %run_scoped3A = tpu.sem_alloc : memref<!tpu.dma_semaphore, #tpu.memory_space<semaphore_mem>>
        %dma_start3A_226 = arith.constant 0 : i32
        %dma_start3A_227 = tpu.memref_slice %arg10[%add3A_225, %dma_start3A_226] : memref<10240x64xf32, #tpu.memory_space<vmem_shared>> -> memref<128x64xf32, #tpu.memory_space<vmem_shared>>
        %dma_start3A_228 = arith.constant 0 : i32
        %dma_start3A_229 = tpu.memref_slice %arg10[%add3A_225, %dma_start3A_228] : memref<10240x64xf32, #tpu.memory_space<vmem_shared>> -> memref<128x64xf32, #tpu.memory_space<vmem_shared>>
        tpu.enqueue_dma source(%arg8 : memref<128x64xf32, #tpu.memory_space<vmem>>) target(%dma_start3A_229 : memref<128x64xf32, #tpu.memory_space<vmem_shared>>) target_semaphore(%run_scoped3A : memref<!tpu.dma_semaphore, #tpu.memory_space<semaphore_mem>>)
        %dma_wait3A_230 = arith.constant 0 : i32
        %dma_wait3A_231 = tpu.memref_slice %arg10[%add3A_225, %dma_wait3A_230] : memref<10240x64xf32, #tpu.memory_space<vmem_shared>> -> memref<128x64xf32, #tpu.memory_space<vmem_shared>>
        %dma_wait3A_232 = arith.constant 0 : i32
        %dma_wait3A_233 = tpu.memref_slice %arg10[%add3A_225, %dma_wait3A_232] : memref<10240x64xf32, #tpu.memory_space<vmem_shared>> -> memref<128x64xf32, #tpu.memory_space<vmem_shared>>
        tpu.wait_dma2 semaphore(%run_scoped3A : memref<!tpu.dma_semaphore, #tpu.memory_space<semaphore_mem>>) src(%arg8 : memref<128x64xf32, #tpu.memory_space<vmem>>) dst(%dma_wait3A_233 : memref<128x64xf32, #tpu.memory_space<vmem_shared>>)
        tpu.yield
      }) : () -> ()
    }
    %scan3A_66 = arith.constant 5 : i32
    %dma_wait3A = arith.constant 0 : i32
    %dma_wait3A_67 = arith.constant 0 : i32
    %dma_wait3A_68 = arith.constant 0 : i32
    %dma_wait3A_69 = tpu.memref_slice %arg6[%dma_wait3A_67, %dma_wait3A_68] : memref<8x128xi32, #tpu.memory_space<vmem>> -> memref<1x128xi32, #tpu.memory_space<vmem>>
    %dma_wait3A_70 = tpu.memref_squeeze %dma_wait3A_69 : memref<1x128xi32, #tpu.memory_space<vmem>> -> memref<128xi32, #tpu.memory_space<vmem>>
    %dma_wait3A_71 = arith.constant 0 : i32
    %dma_wait3A_72 = tpu.memref_slice %arg3[%dma_wait3A, %dma_wait3A_71] : memref<2x320000xi32, #tpu.memory_space<hbm>> -> memref<1x128xi32, #tpu.memory_space<hbm>>
    %dma_wait3A_73 = tpu.memref_squeeze %dma_wait3A_72 : memref<1x128xi32, #tpu.memory_space<hbm>> -> memref<128xi32, #tpu.memory_space<hbm>>
    %dma_wait3A_74 = arith.constant 0 : i32
    %dma_wait3A_75 = tpu.memref_slice %arg6[%dma_wait3A_67, %dma_wait3A_74] : memref<8x128xi32, #tpu.memory_space<vmem>> -> memref<1x128xi32, #tpu.memory_space<vmem>>
    %dma_wait3A_76 = tpu.memref_squeeze %dma_wait3A_75 : memref<1x128xi32, #tpu.memory_space<vmem>> -> memref<128xi32, #tpu.memory_space<vmem>>
    %dma_wait3A_77 = arith.constant 0 : i32
    %dma_wait3A_78 = tpu.memref_slice %arg3[%dma_wait3A, %dma_wait3A_77] : memref<2x320000xi32, #tpu.memory_space<hbm>> -> memref<1x128xi32, #tpu.memory_space<hbm>>
    %dma_wait3A_79 = tpu.memref_squeeze %dma_wait3A_78 : memref<1x128xi32, #tpu.memory_space<hbm>> -> memref<128xi32, #tpu.memory_space<hbm>>
    tpu.wait_dma2 semaphore(%arg11 : memref<!tpu.dma_semaphore, #tpu.memory_space<semaphore_mem>>) src(%dma_wait3A_79 : memref<128xi32, #tpu.memory_space<hbm>>) dst(%dma_wait3A_76 : memref<128xi32, #tpu.memory_space<vmem>>)
    %dma_wait3A_80 = arith.constant 0 : i32
    %dma_wait3A_81 = arith.constant 0 : i32
    %dma_wait3A_82 = arith.constant 0 : i32
    %dma_wait3A_83 = tpu.memref_slice %arg6[%dma_wait3A_81, %dma_wait3A_82] : memref<8x128xi32, #tpu.memory_space<vmem>> -> memref<1x128xi32, #tpu.memory_space<vmem>>
    %dma_wait3A_84 = tpu.memref_squeeze %dma_wait3A_83 : memref<1x128xi32, #tpu.memory_space<vmem>> -> memref<128xi32, #tpu.memory_space<vmem>>
    %dma_wait3A_85 = arith.constant 0 : i32
    %dma_wait3A_86 = tpu.memref_slice %arg3[%dma_wait3A_80, %dma_wait3A_85] : memref<2x320000xi32, #tpu.memory_space<hbm>> -> memref<1x128xi32, #tpu.memory_space<hbm>>
    %dma_wait3A_87 = tpu.memref_squeeze %dma_wait3A_86 : memref<1x128xi32, #tpu.memory_space<hbm>> -> memref<128xi32, #tpu.memory_space<hbm>>
    %dma_wait3A_88 = arith.constant 0 : i32
    %dma_wait3A_89 = tpu.memref_slice %arg6[%dma_wait3A_81, %dma_wait3A_88] : memref<8x128xi32, #tpu.memory_space<vmem>> -> memref<1x128xi32, #tpu.memory_space<vmem>>
    %dma_wait3A_90 = tpu.memref_squeeze %dma_wait3A_89 : memref<1x128xi32, #tpu.memory_space<vmem>> -> memref<128xi32, #tpu.memory_space<vmem>>
    %dma_wait3A_91 = arith.constant 0 : i32
    %dma_wait3A_92 = tpu.memref_slice %arg3[%dma_wait3A_80, %dma_wait3A_91] : memref<2x320000xi32, #tpu.memory_space<hbm>> -> memref<1x128xi32, #tpu.memory_space<hbm>>
    %dma_wait3A_93 = tpu.memref_squeeze %dma_wait3A_92 : memref<1x128xi32, #tpu.memory_space<hbm>> -> memref<128xi32, #tpu.memory_space<hbm>>
    tpu.wait_dma2 semaphore(%arg11 : memref<!tpu.dma_semaphore, #tpu.memory_space<semaphore_mem>>) src(%dma_wait3A_93 : memref<128xi32, #tpu.memory_space<hbm>>) dst(%dma_wait3A_90 : memref<128xi32, #tpu.memory_space<vmem>>)
    %dma_wait3A_94 = arith.constant 0 : i32
    %dma_wait3A_95 = arith.constant 0 : i32
    %dma_wait3A_96 = arith.constant 0 : i32
    %dma_wait3A_97 = tpu.memref_slice %arg6[%dma_wait3A_95, %dma_wait3A_96] : memref<8x128xi32, #tpu.memory_space<vmem>> -> memref<1x128xi32, #tpu.memory_space<vmem>>
    %dma_wait3A_98 = tpu.memref_squeeze %dma_wait3A_97 : memref<1x128xi32, #tpu.memory_space<vmem>> -> memref<128xi32, #tpu.memory_space<vmem>>
    %dma_wait3A_99 = arith.constant 0 : i32
    %dma_wait3A_100 = tpu.memref_slice %arg3[%dma_wait3A_94, %dma_wait3A_99] : memref<2x320000xi32, #tpu.memory_space<hbm>> -> memref<1x128xi32, #tpu.memory_space<hbm>>
    %dma_wait3A_101 = tpu.memref_squeeze %dma_wait3A_100 : memref<1x128xi32, #tpu.memory_space<hbm>> -> memref<128xi32, #tpu.memory_space<hbm>>
    %dma_wait3A_102 = arith.constant 0 : i32
    %dma_wait3A_103 = tpu.memref_slice %arg6[%dma_wait3A_95, %dma_wait3A_102] : memref<8x128xi32, #tpu.memory_space<vmem>> -> memref<1x128xi32, #tpu.memory_space<vmem>>
    %dma_wait3A_104 = tpu.memref_squeeze %dma_wait3A_103 : memref<1x128xi32, #tpu.memory_space<vmem>> -> memref<128xi32, #tpu.memory_space<vmem>>
    %dma_wait3A_105 = arith.constant 0 : i32
    %dma_wait3A_106 = tpu.memref_slice %arg3[%dma_wait3A_94, %dma_wait3A_105] : memref<2x320000xi32, #tpu.memory_space<hbm>> -> memref<1x128xi32, #tpu.memory_space<hbm>>
    %dma_wait3A_107 = tpu.memref_squeeze %dma_wait3A_106 : memref<1x128xi32, #tpu.memory_space<hbm>> -> memref<128xi32, #tpu.memory_space<hbm>>
    tpu.wait_dma2 semaphore(%arg11 : memref<!tpu.dma_semaphore, #tpu.memory_space<semaphore_mem>>) src(%dma_wait3A_107 : memref<128xi32, #tpu.memory_space<hbm>>) dst(%dma_wait3A_104 : memref<128xi32, #tpu.memory_space<vmem>>)
    %dma_wait3A_108 = arith.constant 0 : i32
    %dma_wait3A_109 = arith.constant 0 : i32
    %dma_wait3A_110 = arith.constant 0 : i32
    %dma_wait3A_111 = tpu.memref_slice %arg6[%dma_wait3A_109, %dma_wait3A_110] : memref<8x128xi32, #tpu.memory_space<vmem>> -> memref<1x128xi32, #tpu.memory_space<vmem>>
    %dma_wait3A_112 = tpu.memref_squeeze %dma_wait3A_111 : memref<1x128xi32, #tpu.memory_space<vmem>> -> memref<128xi32, #tpu.memory_space<vmem>>
    %dma_wait3A_113 = arith.constant 0 : i32
    %dma_wait3A_114 = tpu.memref_slice %arg3[%dma_wait3A_108, %dma_wait3A_113] : memref<2x320000xi32, #tpu.memory_space<hbm>> -> memref<1x128xi32, #tpu.memory_space<hbm>>
    %dma_wait3A_115 = tpu.memref_squeeze %dma_wait3A_114 : memref<1x128xi32, #tpu.memory_space<hbm>> -> memref<128xi32, #tpu.memory_space<hbm>>
    %dma_wait3A_116 = arith.constant 0 : i32
    %dma_wait3A_117 = tpu.memref_slice %arg6[%dma_wait3A_109, %dma_wait3A_116] : memref<8x128xi32, #tpu.memory_space<vmem>> -> memref<1x128xi32, #tpu.memory_space<vmem>>
    %dma_wait3A_118 = tpu.memref_squeeze %dma_wait3A_117 : memref<1x128xi32, #tpu.memory_space<vmem>> -> memref<128xi32, #tpu.memory_space<vmem>>
    %dma_wait3A_119 = arith.constant 0 : i32
    %dma_wait3A_120 = tpu.memref_slice %arg3[%dma_wait3A_108, %dma_wait3A_119] : memref<2x320000xi32, #tpu.memory_space<hbm>> -> memref<1x128xi32, #tpu.memory_space<hbm>>
    %dma_wait3A_121 = tpu.memref_squeeze %dma_wait3A_120 : memref<1x128xi32, #tpu.memory_space<hbm>> -> memref<128xi32, #tpu.memory_space<hbm>>
    tpu.wait_dma2 semaphore(%arg11 : memref<!tpu.dma_semaphore, #tpu.memory_space<semaphore_mem>>) src(%dma_wait3A_121 : memref<128xi32, #tpu.memory_space<hbm>>) dst(%dma_wait3A_118 : memref<128xi32, #tpu.memory_space<vmem>>)
    %barrier3A = arith.constant 0 : index
    tpu.barrier barrier_id(%barrier3A)
    %rem3A_122 = arith.constant 0 : i32
    %rem3A_123 = arith.constant 8 : i32
    %rem3A_124 = arith.remsi %rem3A_122, %rem3A_123 : i32
    %dma_start3A = arith.constant 0 : i32
    %dma_start3A_125 = tpu.memref_slice %arg6[%rem3A_124, %dma_start3A] : memref<8x128xi32, #tpu.memory_space<vmem>> -> memref<1x128xi32, #tpu.memory_space<vmem>>
    %dma_start3A_126 = tpu.memref_squeeze %dma_start3A_125 : memref<1x128xi32, #tpu.memory_space<vmem>> -> memref<128xi32, #tpu.memory_space<vmem>>
    %dma_start3A_127 = arith.constant 0 : i32
    %dma_start3A_128 = arith.constant 0 : i32
    %dma_start3A_129 = tpu.memref_slice %arg2[%dma_start3A_127, %dma_start3A_128] : memref<10000x64xf32, #tpu.memory_space<hbm>> -> memref<10000x64xf32, #tpu.memory_space<hbm>>
    tpu.enqueue_indirect_dma source(%dma_start3A_129 : memref<10000x64xf32, #tpu.memory_space<hbm>>) target(%arg8 : memref<128x64xf32, #tpu.memory_space<vmem>>) offsets(%dma_start3A_126 : memref<128xi32, #tpu.memory_space<vmem>>) semaphore(%arg12 : memref<!tpu.dma_semaphore, #tpu.memory_space<semaphore_mem>>)
    %while3A = arith.constant 0 : i32
    %while3A_130 = arith.constant 0 : i32
    %while3A_131 = arith.subi %select_n3A_19, %while3A_130 : i32
    %while3A_132 = arith.addi %while3A_130, %while3A_131 : i32
    %while3A_133 = arith.constant 1 : i32
    %while3A_134 = arith.divsi %while3A_131, %while3A_133 : i32
    %while3A_135 = arith.muli %while3A_134, %while3A_133 : i32
    %while3A_136 = arith.addi %while3A_130, %while3A_135 : i32
    %while3A_137 = arith.constant 1 : i32
    scf.for %while3A_220 = %while3A_130 to %while3A_136 step %while3A_137  : i32 {
      %mul3A_221 = arith.constant 2 : i32
      %mul3A_222 = arith.muli %mul3A_221, %while3A_220 : i32
      %add3A_223 = arith.constant 1 : i32
      %add3A_224 = arith.addi %mul3A_222, %add3A_223 : i32
      %sub3A_225 = arith.constant 1 : i32
      %sub3A_226 = arith.subi %select_n3A_19, %sub3A_225 : i32
      %lt3A_227 = arith.cmpi slt, %while3A_220, %sub3A_226 : i32
      %convert_element_type3A_228 = arith.extui %lt3A_227 : i1 to i32
      %cond3A_229 = arith.constant 0 : i32
      %cond3A_230 = arith.cmpi ne, %convert_element_type3A_228, %cond3A_229 : i32
      scf.if %cond3A_230 {
        %add3A_269 = arith.constant 2 : i32
        %add3A_270 = arith.addi %mul3A_222, %add3A_269 : i32
        %rem3A_271 = arith.constant 8 : i32
        %rem3A_272 = arith.remsi %add3A_270, %rem3A_271 : i32
        %mul3A_273 = arith.constant 128 : i32
        %mul3A_274 = arith.muli %add3A_270, %mul3A_273 : i32
        %add3A_275 = arith.addi %mul3A_28, %mul3A_274 : i32
        %lt3A_276 = arith.constant 320000 : i32
        %lt3A_277 = arith.cmpi slt, %add3A_275, %lt3A_276 : i32
        %convert_element_type3A_278 = arith.extui %lt3A_277 : i1 to i32
        %cond3A_279 = arith.constant 0 : i32
        %cond3A_280 = arith.cmpi ne, %convert_element_type3A_278, %cond3A_279 : i32
        scf.if %cond3A_280 {
          %dma_start3A_303 = arith.constant 0 : i32
          %dma_start3A_304 = arith.constant 0 : i32
          %dma_start3A_305 = tpu.memref_slice %arg6[%rem3A_272, %dma_start3A_304] : memref<8x128xi32, #tpu.memory_space<vmem>> -> memref<1x128xi32, #tpu.memory_space<vmem>>
          %dma_start3A_306 = tpu.memref_squeeze %dma_start3A_305 : memref<1x128xi32, #tpu.memory_space<vmem>> -> memref<128xi32, #tpu.memory_space<vmem>>
          %dma_start3A_307 = tpu.memref_slice %arg3[%dma_start3A_303, %add3A_275] : memref<2x320000xi32, #tpu.memory_space<hbm>> -> memref<1x128xi32, #tpu.memory_space<hbm>>
          %dma_start3A_308 = tpu.memref_squeeze %dma_start3A_307 : memref<1x128xi32, #tpu.memory_space<hbm>> -> memref<128xi32, #tpu.memory_space<hbm>>
          %dma_start3A_309 = arith.constant 0 : i32
          %dma_start3A_310 = tpu.memref_slice %arg6[%rem3A_272, %dma_start3A_309] : memref<8x128xi32, #tpu.memory_space<vmem>> -> memref<1x128xi32, #tpu.memory_space<vmem>>
          %dma_start3A_311 = tpu.memref_squeeze %dma_start3A_310 : memref<1x128xi32, #tpu.memory_space<vmem>> -> memref<128xi32, #tpu.memory_space<vmem>>
          %dma_start3A_312 = tpu.memref_slice %arg3[%dma_start3A_303, %add3A_275] : memref<2x320000xi32, #tpu.memory_space<hbm>> -> memref<1x128xi32, #tpu.memory_space<hbm>>
          %dma_start3A_313 = tpu.memref_squeeze %dma_start3A_312 : memref<1x128xi32, #tpu.memory_space<hbm>> -> memref<128xi32, #tpu.memory_space<hbm>>
          tpu.enqueue_dma source(%dma_start3A_313 : memref<128xi32, #tpu.memory_space<hbm>>) target(%dma_start3A_311 : memref<128xi32, #tpu.memory_space<vmem>>) target_semaphore(%arg11 : memref<!tpu.dma_semaphore, #tpu.memory_space<semaphore_mem>>)
          %dma_start3A_314 = arith.constant 1 : i32
          %dma_start3A_315 = arith.constant 0 : i32
          %dma_start3A_316 = tpu.memref_slice %arg7[%rem3A_272, %dma_start3A_315] : memref<8x128xi32, #tpu.memory_space<vmem>> -> memref<1x128xi32, #tpu.memory_space<vmem>>
          %dma_start3A_317 = tpu.memref_squeeze %dma_start3A_316 : memref<1x128xi32, #tpu.memory_space<vmem>> -> memref<128xi32, #tpu.memory_space<vmem>>
          %dma_start3A_318 = tpu.memref_slice %arg3[%dma_start3A_314, %add3A_275] : memref<2x320000xi32, #tpu.memory_space<hbm>> -> memref<1x128xi32, #tpu.memory_space<hbm>>
          %dma_start3A_319 = tpu.memref_squeeze %dma_start3A_318 : memref<1x128xi32, #tpu.memory_space<hbm>> -> memref<128xi32, #tpu.memory_space<hbm>>
          %dma_start3A_320 = arith.constant 0 : i32
          %dma_start3A_321 = tpu.memref_slice %arg7[%rem3A_272, %dma_start3A_320] : memref<8x128xi32, #tpu.memory_space<vmem>> -> memref<1x128xi32, #tpu.memory_space<vmem>>
          %dma_start3A_322 = tpu.memref_squeeze %dma_start3A_321 : memref<1x128xi32, #tpu.memory_space<vmem>> -> memref<128xi32, #tpu.memory_space<vmem>>
          %dma_start3A_323 = tpu.memref_slice %arg3[%dma_start3A_314, %add3A_275] : memref<2x320000xi32, #tpu.memory_space<hbm>> -> memref<1x128xi32, #tpu.memory_space<hbm>>
          %dma_start3A_324 = tpu.memref_squeeze %dma_start3A_323 : memref<1x128xi32, #tpu.memory_space<hbm>> -> memref<128xi32, #tpu.memory_space<hbm>>
          tpu.enqueue_dma source(%dma_start3A_324 : memref<128xi32, #tpu.memory_space<hbm>>) target(%dma_start3A_322 : memref<128xi32, #tpu.memory_space<vmem>>) target_semaphore(%arg11 : memref<!tpu.dma_semaphore, #tpu.memory_space<semaphore_mem>>)
        } else {
        }
        %ge3A_281 = arith.constant 320000 : i32
        %ge3A_282 = arith.cmpi sge, %add3A_275, %ge3A_281 : i32
        %convert_element_type3A_283 = arith.extui %ge3A_282 : i1 to i32
        %cond3A_284 = arith.constant 0 : i32
        %cond3A_285 = arith.cmpi ne, %convert_element_type3A_283, %cond3A_284 : i32
        scf.if %cond3A_285 {
          %sub3A_303 = arith.constant 320000 : i32
          %sub3A_304 = arith.subi %add3A_275, %sub3A_303 : i32
          %dma_start3A_305 = arith.constant 0 : i32
          %dma_start3A_306 = arith.constant 0 : i32
          %dma_start3A_307 = tpu.memref_slice %arg6[%rem3A_272, %dma_start3A_306] : memref<8x128xi32, #tpu.memory_space<vmem>> -> memref<1x128xi32, #tpu.memory_space<vmem>>
          %dma_start3A_308 = tpu.memref_squeeze %dma_start3A_307 : memref<1x128xi32, #tpu.memory_space<vmem>> -> memref<128xi32, #tpu.memory_space<vmem>>
          %dma_start3A_309 = tpu.memref_slice %arg4[%dma_start3A_305, %sub3A_304] : memref<2x7680xi32, #tpu.memory_space<hbm>> -> memref<1x128xi32, #tpu.memory_space<hbm>>
          %dma_start3A_310 = tpu.memref_squeeze %dma_start3A_309 : memref<1x128xi32, #tpu.memory_space<hbm>> -> memref<128xi32, #tpu.memory_space<hbm>>
          %dma_start3A_311 = arith.constant 0 : i32
          %dma_start3A_312 = tpu.memref_slice %arg6[%rem3A_272, %dma_start3A_311] : memref<8x128xi32, #tpu.memory_space<vmem>> -> memref<1x128xi32, #tpu.memory_space<vmem>>
          %dma_start3A_313 = tpu.memref_squeeze %dma_start3A_312 : memref<1x128xi32, #tpu.memory_space<vmem>> -> memref<128xi32, #tpu.memory_space<vmem>>
          %dma_start3A_314 = tpu.memref_slice %arg4[%dma_start3A_305, %sub3A_304] : memref<2x7680xi32, #tpu.memory_space<hbm>> -> memref<1x128xi32, #tpu.memory_space<hbm>>
          %dma_start3A_315 = tpu.memref_squeeze %dma_start3A_314 : memref<1x128xi32, #tpu.memory_space<hbm>> -> memref<128xi32, #tpu.memory_space<hbm>>
          tpu.enqueue_dma source(%dma_start3A_315 : memref<128xi32, #tpu.memory_space<hbm>>) target(%dma_start3A_313 : memref<128xi32, #tpu.memory_space<vmem>>) target_semaphore(%arg11 : memref<!tpu.dma_semaphore, #tpu.memory_space<semaphore_mem>>)
          %sub3A_316 = arith.constant 320000 : i32
          %sub3A_317 = arith.subi %add3A_275, %sub3A_316 : i32
          %dma_start3A_318 = arith.constant 1 : i32
          %dma_start3A_319 = arith.constant 0 : i32
          %dma_start3A_320 = tpu.memref_slice %arg7[%rem3A_272, %dma_start3A_319] : memref<8x128xi32, #tpu.memory_space<vmem>> -> memref<1x128xi32, #tpu.memory_space<vmem>>
          %dma_start3A_321 = tpu.memref_squeeze %dma_start3A_320 : memref<1x128xi32, #tpu.memory_space<vmem>> -> memref<128xi32, #tpu.memory_space<vmem>>
          %dma_start3A_322 = tpu.memref_slice %arg4[%dma_start3A_318, %sub3A_317] : memref<2x7680xi32, #tpu.memory_space<hbm>> -> memref<1x128xi32, #tpu.memory_space<hbm>>
          %dma_start3A_323 = tpu.memref_squeeze %dma_start3A_322 : memref<1x128xi32, #tpu.memory_space<hbm>> -> memref<128xi32, #tpu.memory_space<hbm>>
          %dma_start3A_324 = arith.constant 0 : i32
          %dma_start3A_325 = tpu.memref_slice %arg7[%rem3A_272, %dma_start3A_324] : memref<8x128xi32, #tpu.memory_space<vmem>> -> memref<1x128xi32, #tpu.memory_space<vmem>>
          %dma_start3A_326 = tpu.memref_squeeze %dma_start3A_325 : memref<1x128xi32, #tpu.memory_space<vmem>> -> memref<128xi32, #tpu.memory_space<vmem>>
          %dma_start3A_327 = tpu.memref_slice %arg4[%dma_start3A_318, %sub3A_317] : memref<2x7680xi32, #tpu.memory_space<hbm>> -> memref<1x128xi32, #tpu.memory_space<hbm>>
          %dma_start3A_328 = tpu.memref_squeeze %dma_start3A_327 : memref<1x128xi32, #tpu.memory_space<hbm>> -> memref<128xi32, #tpu.memory_space<hbm>>
          tpu.enqueue_dma source(%dma_start3A_328 : memref<128xi32, #tpu.memory_space<hbm>>) target(%dma_start3A_326 : memref<128xi32, #tpu.memory_space<vmem>>) target_semaphore(%arg11 : memref<!tpu.dma_semaphore, #tpu.memory_space<semaphore_mem>>)
        } else {
        }
        %add3A_286 = arith.constant 2 : i32
        %add3A_287 = arith.addi %add3A_224, %add3A_286 : i32
        %rem3A_288 = arith.constant 8 : i32
        %rem3A_289 = arith.remsi %add3A_287, %rem3A_288 : i32
        %mul3A_290 = arith.constant 128 : i32
        %mul3A_291 = arith.muli %add3A_287, %mul3A_290 : i32
        %add3A_292 = arith.addi %mul3A_28, %mul3A_291 : i32
        %lt3A_293 = arith.constant 320000 : i32
        %lt3A_294 = arith.cmpi slt, %add3A_292, %lt3A_293 : i32
        %convert_element_type3A_295 = arith.extui %lt3A_294 : i1 to i32
        %cond3A_296 = arith.constant 0 : i32
        %cond3A_297 = arith.cmpi ne, %convert_element_type3A_295, %cond3A_296 : i32
        scf.if %cond3A_297 {
          %dma_start3A_303 = arith.constant 0 : i32
          %dma_start3A_304 = arith.constant 0 : i32
          %dma_start3A_305 = tpu.memref_slice %arg6[%rem3A_289, %dma_start3A_304] : memref<8x128xi32, #tpu.memory_space<vmem>> -> memref<1x128xi32, #tpu.memory_space<vmem>>
          %dma_start3A_306 = tpu.memref_squeeze %dma_start3A_305 : memref<1x128xi32, #tpu.memory_space<vmem>> -> memref<128xi32, #tpu.memory_space<vmem>>
          %dma_start3A_307 = tpu.memref_slice %arg3[%dma_start3A_303, %add3A_292] : memref<2x320000xi32, #tpu.memory_space<hbm>> -> memref<1x128xi32, #tpu.memory_space<hbm>>
          %dma_start3A_308 = tpu.memref_squeeze %dma_start3A_307 : memref<1x128xi32, #tpu.memory_space<hbm>> -> memref<128xi32, #tpu.memory_space<hbm>>
          %dma_start3A_309 = arith.constant 0 : i32
          %dma_start3A_310 = tpu.memref_slice %arg6[%rem3A_289, %dma_start3A_309] : memref<8x128xi32, #tpu.memory_space<vmem>> -> memref<1x128xi32, #tpu.memory_space<vmem>>
          %dma_start3A_311 = tpu.memref_squeeze %dma_start3A_310 : memref<1x128xi32, #tpu.memory_space<vmem>> -> memref<128xi32, #tpu.memory_space<vmem>>
          %dma_start3A_312 = tpu.memref_slice %arg3[%dma_start3A_303, %add3A_292] : memref<2x320000xi32, #tpu.memory_space<hbm>> -> memref<1x128xi32, #tpu.memory_space<hbm>>
          %dma_start3A_313 = tpu.memref_squeeze %dma_start3A_312 : memref<1x128xi32, #tpu.memory_space<hbm>> -> memref<128xi32, #tpu.memory_space<hbm>>
          tpu.enqueue_dma source(%dma_start3A_313 : memref<128xi32, #tpu.memory_space<hbm>>) target(%dma_start3A_311 : memref<128xi32, #tpu.memory_space<vmem>>) target_semaphore(%arg11 : memref<!tpu.dma_semaphore, #tpu.memory_space<semaphore_mem>>)
          %dma_start3A_314 = arith.constant 1 : i32
          %dma_start3A_315 = arith.constant 0 : i32
          %dma_start3A_316 = tpu.memref_slice %arg7[%rem3A_289, %dma_start3A_315] : memref<8x128xi32, #tpu.memory_space<vmem>> -> memref<1x128xi32, #tpu.memory_space<vmem>>
          %dma_start3A_317 = tpu.memref_squeeze %dma_start3A_316 : memref<1x128xi32, #tpu.memory_space<vmem>> -> memref<128xi32, #tpu.memory_space<vmem>>
          %dma_start3A_318 = tpu.memref_slice %arg3[%dma_start3A_314, %add3A_292] : memref<2x320000xi32, #tpu.memory_space<hbm>> -> memref<1x128xi32, #tpu.memory_space<hbm>>
          %dma_start3A_319 = tpu.memref_squeeze %dma_start3A_318 : memref<1x128xi32, #tpu.memory_space<hbm>> -> memref<128xi32, #tpu.memory_space<hbm>>
          %dma_start3A_320 = arith.constant 0 : i32
          %dma_start3A_321 = tpu.memref_slice %arg7[%rem3A_289, %dma_start3A_320] : memref<8x128xi32, #tpu.memory_space<vmem>> -> memref<1x128xi32, #tpu.memory_space<vmem>>
          %dma_start3A_322 = tpu.memref_squeeze %dma_start3A_321 : memref<1x128xi32, #tpu.memory_space<vmem>> -> memref<128xi32, #tpu.memory_space<vmem>>
          %dma_start3A_323 = tpu.memref_slice %arg3[%dma_start3A_314, %add3A_292] : memref<2x320000xi32, #tpu.memory_space<hbm>> -> memref<1x128xi32, #tpu.memory_space<hbm>>
          %dma_start3A_324 = tpu.memref_squeeze %dma_start3A_323 : memref<1x128xi32, #tpu.memory_space<hbm>> -> memref<128xi32, #tpu.memory_space<hbm>>
          tpu.enqueue_dma source(%dma_start3A_324 : memref<128xi32, #tpu.memory_space<hbm>>) target(%dma_start3A_322 : memref<128xi32, #tpu.memory_space<vmem>>) target_semaphore(%arg11 : memref<!tpu.dma_semaphore, #tpu.memory_space<semaphore_mem>>)
        } else {
        }
        %ge3A_298 = arith.constant 320000 : i32
        %ge3A_299 = arith.cmpi sge, %add3A_292, %ge3A_298 : i32
        %convert_element_type3A_300 = arith.extui %ge3A_299 : i1 to i32
        %cond3A_301 = arith.constant 0 : i32
        %cond3A_302 = arith.cmpi ne, %convert_element_type3A_300, %cond3A_301 : i32
        scf.if %cond3A_302 {
          %sub3A_303 = arith.constant 320000 : i32
          %sub3A_304 = arith.subi %add3A_292, %sub3A_303 : i32
          %dma_start3A_305 = arith.constant 0 : i32
          %dma_start3A_306 = arith.constant 0 : i32
          %dma_start3A_307 = tpu.memref_slice %arg6[%rem3A_289, %dma_start3A_306] : memref<8x128xi32, #tpu.memory_space<vmem>> -> memref<1x128xi32, #tpu.memory_space<vmem>>
          %dma_start3A_308 = tpu.memref_squeeze %dma_start3A_307 : memref<1x128xi32, #tpu.memory_space<vmem>> -> memref<128xi32, #tpu.memory_space<vmem>>
          %dma_start3A_309 = tpu.memref_slice %arg4[%dma_start3A_305, %sub3A_304] : memref<2x7680xi32, #tpu.memory_space<hbm>> -> memref<1x128xi32, #tpu.memory_space<hbm>>
          %dma_start3A_310 = tpu.memref_squeeze %dma_start3A_309 : memref<1x128xi32, #tpu.memory_space<hbm>> -> memref<128xi32, #tpu.memory_space<hbm>>
          %dma_start3A_311 = arith.constant 0 : i32
          %dma_start3A_312 = tpu.memref_slice %arg6[%rem3A_289, %dma_start3A_311] : memref<8x128xi32, #tpu.memory_space<vmem>> -> memref<1x128xi32, #tpu.memory_space<vmem>>
          %dma_start3A_313 = tpu.memref_squeeze %dma_start3A_312 : memref<1x128xi32, #tpu.memory_space<vmem>> -> memref<128xi32, #tpu.memory_space<vmem>>
          %dma_start3A_314 = tpu.memref_slice %arg4[%dma_start3A_305, %sub3A_304] : memref<2x7680xi32, #tpu.memory_space<hbm>> -> memref<1x128xi32, #tpu.memory_space<hbm>>
          %dma_start3A_315 = tpu.memref_squeeze %dma_start3A_314 : memref<1x128xi32, #tpu.memory_space<hbm>> -> memref<128xi32, #tpu.memory_space<hbm>>
          tpu.enqueue_dma source(%dma_start3A_315 : memref<128xi32, #tpu.memory_space<hbm>>) target(%dma_start3A_313 : memref<128xi32, #tpu.memory_space<vmem>>) target_semaphore(%arg11 : memref<!tpu.dma_semaphore, #tpu.memory_space<semaphore_mem>>)
          %sub3A_316 = arith.constant 320000 : i32
          %sub3A_317 = arith.subi %add3A_292, %sub3A_316 : i32
          %dma_start3A_318 = arith.constant 1 : i32
          %dma_start3A_319 = arith.constant 0 : i32
          %dma_start3A_320 = tpu.memref_slice %arg7[%rem3A_289, %dma_start3A_319] : memref<8x128xi32, #tpu.memory_space<vmem>> -> memref<1x128xi32, #tpu.memory_space<vmem>>
          %dma_start3A_321 = tpu.memref_squeeze %dma_start3A_320 : memref<1x128xi32, #tpu.memory_space<vmem>> -> memref<128xi32, #tpu.memory_space<vmem>>
          %dma_start3A_322 = tpu.memref_slice %arg4[%dma_start3A_318, %sub3A_317] : memref<2x7680xi32, #tpu.memory_space<hbm>> -> memref<1x128xi32, #tpu.memory_space<hbm>>
          %dma_start3A_323 = tpu.memref_squeeze %dma_start3A_322 : memref<1x128xi32, #tpu.memory_space<hbm>> -> memref<128xi32, #tpu.memory_space<hbm>>
          %dma_start3A_324 = arith.constant 0 : i32
          %dma_start3A_325 = tpu.memref_slice %arg7[%rem3A_289, %dma_start3A_324] : memref<8x128xi32, #tpu.memory_space<vmem>> -> memref<1x128xi32, #tpu.memory_space<vmem>>
          %dma_start3A_326 = tpu.memref_squeeze %dma_start3A_325 : memref<1x128xi32, #tpu.memory_space<vmem>> -> memref<128xi32, #tpu.memory_space<vmem>>
          %dma_start3A_327 = tpu.memref_slice %arg4[%dma_start3A_318, %sub3A_317] : memref<2x7680xi32, #tpu.memory_space<hbm>> -> memref<1x128xi32, #tpu.memory_space<hbm>>
          %dma_start3A_328 = tpu.memref_squeeze %dma_start3A_327 : memref<1x128xi32, #tpu.memory_space<hbm>> -> memref<128xi32, #tpu.memory_space<hbm>>
          tpu.enqueue_dma source(%dma_start3A_328 : memref<128xi32, #tpu.memory_space<hbm>>) target(%dma_start3A_326 : memref<128xi32, #tpu.memory_space<vmem>>) target_semaphore(%arg11 : memref<!tpu.dma_semaphore, #tpu.memory_space<semaphore_mem>>)
        } else {
        }
      } else {
      }
      %dma_wait3A_231 = arith.constant 0 : i32
      %dma_wait3A_232 = arith.constant 0 : i32
      %dma_wait3A_233 = tpu.memref_slice %arg6[%dma_wait3A_231, %dma_wait3A_232] : memref<8x128xi32, #tpu.memory_space<vmem>> -> memref<1x128xi32, #tpu.memory_space<vmem>>
      %dma_wait3A_234 = tpu.memref_squeeze %dma_wait3A_233 : memref<1x128xi32, #tpu.memory_space<vmem>> -> memref<128xi32, #tpu.memory_space<vmem>>
      %dma_wait3A_235 = arith.constant 0 : i32
      %dma_wait3A_236 = arith.constant 0 : i32
      %dma_wait3A_237 = tpu.memref_slice %arg2[%dma_wait3A_235, %dma_wait3A_236] : memref<10000x64xf32, #tpu.memory_space<hbm>> -> memref<10000x64xf32, #tpu.memory_space<hbm>>
      tpu.wait_indirect_dma semaphore(%arg12 : memref<!tpu.dma_semaphore, #tpu.memory_space<semaphore_mem>>) src(%dma_wait3A_237 : memref<10000x64xf32, #tpu.memory_space<hbm>>) dst(%arg8 : memref<128x64xf32, #tpu.memory_space<vmem>>)
      %rem3A_238 = arith.constant 8 : i32
      %rem3A_239 = arith.remsi %add3A_224, %rem3A_238 : i32
      %dma_start3A_240 = arith.constant 0 : i32
      %dma_start3A_241 = tpu.memref_slice %arg6[%rem3A_239, %dma_start3A_240] : memref<8x128xi32, #tpu.memory_space<vmem>> -> memref<1x128xi32, #tpu.memory_space<vmem>>
      %dma_start3A_242 = tpu.memref_squeeze %dma_start3A_241 : memref<1x128xi32, #tpu.memory_space<vmem>> -> memref<128xi32, #tpu.memory_space<vmem>>
      %dma_start3A_243 = arith.constant 0 : i32
      %dma_start3A_244 = arith.constant 0 : i32
      %dma_start3A_245 = tpu.memref_slice %arg2[%dma_start3A_243, %dma_start3A_244] : memref<10000x64xf32, #tpu.memory_space<hbm>> -> memref<10000x64xf32, #tpu.memory_space<hbm>>
      tpu.enqueue_indirect_dma source(%dma_start3A_245 : memref<10000x64xf32, #tpu.memory_space<hbm>>) target(%arg9 : memref<128x64xf32, #tpu.memory_space<vmem>>) offsets(%dma_start3A_242 : memref<128xi32, #tpu.memory_space<vmem>>) semaphore(%arg13 : memref<!tpu.dma_semaphore, #tpu.memory_space<semaphore_mem>>)
      %rem3A_246 = arith.constant 8 : i32
      %rem3A_247 = arith.remsi %mul3A_222, %rem3A_246 : i32
      "tpu.region"() ({
        %run_scoped3A = tpu.sem_alloc : memref<!tpu.dma_semaphore, #tpu.memory_space<semaphore_mem>>
        %dma_start3A_269 = arith.constant 0 : i32
        %dma_start3A_270 = tpu.memref_slice %arg7[%rem3A_247, %dma_start3A_269] : memref<8x128xi32, #tpu.memory_space<vmem>> -> memref<1x128xi32, #tpu.memory_space<vmem>>
        %dma_start3A_271 = tpu.memref_squeeze %dma_start3A_270 : memref<1x128xi32, #tpu.memory_space<vmem>> -> memref<128xi32, #tpu.memory_space<vmem>>
        %dma_start3A_272 = arith.constant 0 : i32
        %dma_start3A_273 = arith.constant 0 : i32
        %dma_start3A_274 = tpu.memref_slice %arg10[%dma_start3A_272, %dma_start3A_273] : memref<10240x64xf32, #tpu.memory_space<vmem_shared>> -> memref<10240x64xf32, #tpu.memory_space<vmem_shared>>
        tpu.enqueue_indirect_dma source(%arg8 : memref<128x64xf32, #tpu.memory_space<vmem>>) target(%dma_start3A_274 : memref<10240x64xf32, #tpu.memory_space<vmem_shared>>) offsets(%dma_start3A_271 : memref<128xi32, #tpu.memory_space<vmem>>) semaphore(%run_scoped3A : memref<!tpu.dma_semaphore, #tpu.memory_space<semaphore_mem>>) {add = true}
        %dma_wait3A_275 = arith.constant 0 : i32
        %dma_wait3A_276 = tpu.memref_slice %arg7[%rem3A_247, %dma_wait3A_275] : memref<8x128xi32, #tpu.memory_space<vmem>> -> memref<1x128xi32, #tpu.memory_space<vmem>>
        %dma_wait3A_277 = tpu.memref_squeeze %dma_wait3A_276 : memref<1x128xi32, #tpu.memory_space<vmem>> -> memref<128xi32, #tpu.memory_space<vmem>>
        %dma_wait3A_278 = arith.constant 0 : i32
        %dma_wait3A_279 = arith.constant 0 : i32
        %dma_wait3A_280 = tpu.memref_slice %arg10[%dma_wait3A_278, %dma_wait3A_279] : memref<10240x64xf32, #tpu.memory_space<vmem_shared>> -> memref<10240x64xf32, #tpu.memory_space<vmem_shared>>
        tpu.wait_indirect_dma semaphore(%run_scoped3A : memref<!tpu.dma_semaphore, #tpu.memory_space<semaphore_mem>>) src(%arg8 : memref<128x64xf32, #tpu.memory_space<vmem>>) dst(%dma_wait3A_280 : memref<10240x64xf32, #tpu.memory_space<vmem_shared>>)
        tpu.yield
      }) : () -> ()
      %sub3A_248 = arith.constant 1 : i32
      %sub3A_249 = arith.subi %select_n3A_19, %sub3A_248 : i32
      %lt3A_250 = arith.cmpi slt, %while3A_220, %sub3A_249 : i32
      %convert_element_type3A_251 = arith.extui %lt3A_250 : i1 to i32
      %cond3A_252 = arith.constant 0 : i32
      %cond3A_253 = arith.cmpi ne, %convert_element_type3A_251, %cond3A_252 : i32
      scf.if %cond3A_253 {
        %dma_wait3A_269 = arith.constant 0 : i32
        %dma_wait3A_270 = arith.constant 0 : i32
        %dma_wait3A_271 = arith.constant 0 : i32
        %dma_wait3A_272 = tpu.memref_slice %arg6[%dma_wait3A_270, %dma_wait3A_271] : memref<8x128xi32, #tpu.memory_space<vmem>> -> memref<1x128xi32, #tpu.memory_space<vmem>>
        %dma_wait3A_273 = tpu.memref_squeeze %dma_wait3A_272 : memref<1x128xi32, #tpu.memory_space<vmem>> -> memref<128xi32, #tpu.memory_space<vmem>>
        %dma_wait3A_274 = arith.constant 0 : i32
        %dma_wait3A_275 = tpu.memref_slice %arg3[%dma_wait3A_269, %dma_wait3A_274] : memref<2x320000xi32, #tpu.memory_space<hbm>> -> memref<1x128xi32, #tpu.memory_space<hbm>>
        %dma_wait3A_276 = tpu.memref_squeeze %dma_wait3A_275 : memref<1x128xi32, #tpu.memory_space<hbm>> -> memref<128xi32, #tpu.memory_space<hbm>>
        %dma_wait3A_277 = arith.constant 0 : i32
        %dma_wait3A_278 = tpu.memref_slice %arg6[%dma_wait3A_270, %dma_wait3A_277] : memref<8x128xi32, #tpu.memory_space<vmem>> -> memref<1x128xi32, #tpu.memory_space<vmem>>
        %dma_wait3A_279 = tpu.memref_squeeze %dma_wait3A_278 : memref<1x128xi32, #tpu.memory_space<vmem>> -> memref<128xi32, #tpu.memory_space<vmem>>
        %dma_wait3A_280 = arith.constant 0 : i32
        %dma_wait3A_281 = tpu.memref_slice %arg3[%dma_wait3A_269, %dma_wait3A_280] : memref<2x320000xi32, #tpu.memory_space<hbm>> -> memref<1x128xi32, #tpu.memory_space<hbm>>
        %dma_wait3A_282 = tpu.memref_squeeze %dma_wait3A_281 : memref<1x128xi32, #tpu.memory_space<hbm>> -> memref<128xi32, #tpu.memory_space<hbm>>
        tpu.wait_dma2 semaphore(%arg11 : memref<!tpu.dma_semaphore, #tpu.memory_space<semaphore_mem>>) src(%dma_wait3A_282 : memref<128xi32, #tpu.memory_space<hbm>>) dst(%dma_wait3A_279 : memref<128xi32, #tpu.memory_space<vmem>>)
        %dma_wait3A_283 = arith.constant 0 : i32
        %dma_wait3A_284 = arith.constant 0 : i32
        %dma_wait3A_285 = arith.constant 0 : i32
        %dma_wait3A_286 = tpu.memref_slice %arg6[%dma_wait3A_284, %dma_wait3A_285] : memref<8x128xi32, #tpu.memory_space<vmem>> -> memref<1x128xi32, #tpu.memory_space<vmem>>
        %dma_wait3A_287 = tpu.memref_squeeze %dma_wait3A_286 : memref<1x128xi32, #tpu.memory_space<vmem>> -> memref<128xi32, #tpu.memory_space<vmem>>
        %dma_wait3A_288 = arith.constant 0 : i32
        %dma_wait3A_289 = tpu.memref_slice %arg3[%dma_wait3A_283, %dma_wait3A_288] : memref<2x320000xi32, #tpu.memory_space<hbm>> -> memref<1x128xi32, #tpu.memory_space<hbm>>
        %dma_wait3A_290 = tpu.memref_squeeze %dma_wait3A_289 : memref<1x128xi32, #tpu.memory_space<hbm>> -> memref<128xi32, #tpu.memory_space<hbm>>
        %dma_wait3A_291 = arith.constant 0 : i32
        %dma_wait3A_292 = tpu.memref_slice %arg6[%dma_wait3A_284, %dma_wait3A_291] : memref<8x128xi32, #tpu.memory_space<vmem>> -> memref<1x128xi32, #tpu.memory_space<vmem>>
        %dma_wait3A_293 = tpu.memref_squeeze %dma_wait3A_292 : memref<1x128xi32, #tpu.memory_space<vmem>> -> memref<128xi32, #tpu.memory_space<vmem>>
        %dma_wait3A_294 = arith.constant 0 : i32
        %dma_wait3A_295 = tpu.memref_slice %arg3[%dma_wait3A_283, %dma_wait3A_294] : memref<2x320000xi32, #tpu.memory_space<hbm>> -> memref<1x128xi32, #tpu.memory_space<hbm>>
        %dma_wait3A_296 = tpu.memref_squeeze %dma_wait3A_295 : memref<1x128xi32, #tpu.memory_space<hbm>> -> memref<128xi32, #tpu.memory_space<hbm>>
        tpu.wait_dma2 semaphore(%arg11 : memref<!tpu.dma_semaphore, #tpu.memory_space<semaphore_mem>>) src(%dma_wait3A_296 : memref<128xi32, #tpu.memory_space<hbm>>) dst(%dma_wait3A_293 : memref<128xi32, #tpu.memory_space<vmem>>)
        %dma_wait3A_297 = arith.constant 0 : i32
        %dma_wait3A_298 = arith.constant 0 : i32
        %dma_wait3A_299 = arith.constant 0 : i32
        %dma_wait3A_300 = tpu.memref_slice %arg6[%dma_wait3A_298, %dma_wait3A_299] : memref<8x128xi32, #tpu.memory_space<vmem>> -> memref<1x128xi32, #tpu.memory_space<vmem>>
        %dma_wait3A_301 = tpu.memref_squeeze %dma_wait3A_300 : memref<1x128xi32, #tpu.memory_space<vmem>> -> memref<128xi32, #tpu.memory_space<vmem>>
        %dma_wait3A_302 = arith.constant 0 : i32
        %dma_wait3A_303 = tpu.memref_slice %arg3[%dma_wait3A_297, %dma_wait3A_302] : memref<2x320000xi32, #tpu.memory_space<hbm>> -> memref<1x128xi32, #tpu.memory_space<hbm>>
        %dma_wait3A_304 = tpu.memref_squeeze %dma_wait3A_303 : memref<1x128xi32, #tpu.memory_space<hbm>> -> memref<128xi32, #tpu.memory_space<hbm>>
        %dma_wait3A_305 = arith.constant 0 : i32
        %dma_wait3A_306 = tpu.memref_slice %arg6[%dma_wait3A_298, %dma_wait3A_305] : memref<8x128xi32, #tpu.memory_space<vmem>> -> memref<1x128xi32, #tpu.memory_space<vmem>>
        %dma_wait3A_307 = tpu.memref_squeeze %dma_wait3A_306 : memref<1x128xi32, #tpu.memory_space<vmem>> -> memref<128xi32, #tpu.memory_space<vmem>>
        %dma_wait3A_308 = arith.constant 0 : i32
        %dma_wait3A_309 = tpu.memref_slice %arg3[%dma_wait3A_297, %dma_wait3A_308] : memref<2x320000xi32, #tpu.memory_space<hbm>> -> memref<1x128xi32, #tpu.memory_space<hbm>>
        %dma_wait3A_310 = tpu.memref_squeeze %dma_wait3A_309 : memref<1x128xi32, #tpu.memory_space<hbm>> -> memref<128xi32, #tpu.memory_space<hbm>>
        tpu.wait_dma2 semaphore(%arg11 : memref<!tpu.dma_semaphore, #tpu.memory_space<semaphore_mem>>) src(%dma_wait3A_310 : memref<128xi32, #tpu.memory_space<hbm>>) dst(%dma_wait3A_307 : memref<128xi32, #tpu.memory_space<vmem>>)
        %dma_wait3A_311 = arith.constant 0 : i32
        %dma_wait3A_312 = arith.constant 0 : i32
        %dma_wait3A_313 = arith.constant 0 : i32
        %dma_wait3A_314 = tpu.memref_slice %arg6[%dma_wait3A_312, %dma_wait3A_313] : memref<8x128xi32, #tpu.memory_space<vmem>> -> memref<1x128xi32, #tpu.memory_space<vmem>>
        %dma_wait3A_315 = tpu.memref_squeeze %dma_wait3A_314 : memref<1x128xi32, #tpu.memory_space<vmem>> -> memref<128xi32, #tpu.memory_space<vmem>>
        %dma_wait3A_316 = arith.constant 0 : i32
        %dma_wait3A_317 = tpu.memref_slice %arg3[%dma_wait3A_311, %dma_wait3A_316] : memref<2x320000xi32, #tpu.memory_space<hbm>> -> memref<1x128xi32, #tpu.memory_space<hbm>>
        %dma_wait3A_318 = tpu.memref_squeeze %dma_wait3A_317 : memref<1x128xi32, #tpu.memory_space<hbm>> -> memref<128xi32, #tpu.memory_space<hbm>>
        %dma_wait3A_319 = arith.constant 0 : i32
        %dma_wait3A_320 = tpu.memref_slice %arg6[%dma_wait3A_312, %dma_wait3A_319] : memref<8x128xi32, #tpu.memory_space<vmem>> -> memref<1x128xi32, #tpu.memory_space<vmem>>
        %dma_wait3A_321 = tpu.memref_squeeze %dma_wait3A_320 : memref<1x128xi32, #tpu.memory_space<vmem>> -> memref<128xi32, #tpu.memory_space<vmem>>
        %dma_wait3A_322 = arith.constant 0 : i32
        %dma_wait3A_323 = tpu.memref_slice %arg3[%dma_wait3A_311, %dma_wait3A_322] : memref<2x320000xi32, #tpu.memory_space<hbm>> -> memref<1x128xi32, #tpu.memory_space<hbm>>
        %dma_wait3A_324 = tpu.memref_squeeze %dma_wait3A_323 : memref<1x128xi32, #tpu.memory_space<hbm>> -> memref<128xi32, #tpu.memory_space<hbm>>
        tpu.wait_dma2 semaphore(%arg11 : memref<!tpu.dma_semaphore, #tpu.memory_space<semaphore_mem>>) src(%dma_wait3A_324 : memref<128xi32, #tpu.memory_space<hbm>>) dst(%dma_wait3A_321 : memref<128xi32, #tpu.memory_space<vmem>>)
      } else {
      }
      %dma_wait3A_254 = arith.constant 0 : i32
      %dma_wait3A_255 = arith.constant 0 : i32
      %dma_wait3A_256 = tpu.memref_slice %arg6[%dma_wait3A_254, %dma_wait3A_255] : memref<8x128xi32, #tpu.memory_space<vmem>> -> memref<1x128xi32, #tpu.memory_space<vmem>>
      %dma_wait3A_257 = tpu.memref_squeeze %dma_wait3A_256 : memref<1x128xi32, #tpu.memory_space<vmem>> -> memref<128xi32, #tpu.memory_space<vmem>>
      %dma_wait3A_258 = arith.constant 0 : i32
      %dma_wait3A_259 = arith.constant 0 : i32
      %dma_wait3A_260 = tpu.memref_slice %arg2[%dma_wait3A_258, %dma_wait3A_259] : memref<10000x64xf32, #tpu.memory_space<hbm>> -> memref<10000x64xf32, #tpu.memory_space<hbm>>
      tpu.wait_indirect_dma semaphore(%arg13 : memref<!tpu.dma_semaphore, #tpu.memory_space<semaphore_mem>>) src(%dma_wait3A_260 : memref<10000x64xf32, #tpu.memory_space<hbm>>) dst(%arg9 : memref<128x64xf32, #tpu.memory_space<vmem>>)
      %sub3A_261 = arith.constant 1 : i32
      %sub3A_262 = arith.subi %select_n3A_19, %sub3A_261 : i32
      %lt3A_263 = arith.cmpi slt, %while3A_220, %sub3A_262 : i32
      %convert_element_type3A_264 = arith.extui %lt3A_263 : i1 to i32
      %cond3A_265 = arith.constant 0 : i32
      %cond3A_266 = arith.cmpi ne, %convert_element_type3A_264, %cond3A_265 : i32
      scf.if %cond3A_266 {
        %add3A_269 = arith.constant 2 : i32
        %add3A_270 = arith.addi %mul3A_222, %add3A_269 : i32
        %rem3A_271 = arith.constant 8 : i32
        %rem3A_272 = arith.remsi %add3A_270, %rem3A_271 : i32
        %dma_start3A_273 = arith.constant 0 : i32
        %dma_start3A_274 = tpu.memref_slice %arg6[%rem3A_272, %dma_start3A_273] : memref<8x128xi32, #tpu.memory_space<vmem>> -> memref<1x128xi32, #tpu.memory_space<vmem>>
        %dma_start3A_275 = tpu.memref_squeeze %dma_start3A_274 : memref<1x128xi32, #tpu.memory_space<vmem>> -> memref<128xi32, #tpu.memory_space<vmem>>
        %dma_start3A_276 = arith.constant 0 : i32
        %dma_start3A_277 = arith.constant 0 : i32
        %dma_start3A_278 = tpu.memref_slice %arg2[%dma_start3A_276, %dma_start3A_277] : memref<10000x64xf32, #tpu.memory_space<hbm>> -> memref<10000x64xf32, #tpu.memory_space<hbm>>
        tpu.enqueue_indirect_dma source(%dma_start3A_278 : memref<10000x64xf32, #tpu.memory_space<hbm>>) target(%arg8 : memref<128x64xf32, #tpu.memory_space<vmem>>) offsets(%dma_start3A_275 : memref<128xi32, #tpu.memory_space<vmem>>) semaphore(%arg12 : memref<!tpu.dma_semaphore, #tpu.memory_space<semaphore_mem>>)
      } else {
      }
      %rem3A_267 = arith.constant 8 : i32
      %rem3A_268 = arith.remsi %add3A_224, %rem3A_267 : i32
      "tpu.region"() ({
        %run_scoped3A = tpu.sem_alloc : memref<!tpu.dma_semaphore, #tpu.memory_space<semaphore_mem>>
        %dma_start3A_269 = arith.constant 0 : i32
        %dma_start3A_270 = tpu.memref_slice %arg7[%rem3A_268, %dma_start3A_269] : memref<8x128xi32, #tpu.memory_space<vmem>> -> memref<1x128xi32, #tpu.memory_space<vmem>>
        %dma_start3A_271 = tpu.memref_squeeze %dma_start3A_270 : memref<1x128xi32, #tpu.memory_space<vmem>> -> memref<128xi32, #tpu.memory_space<vmem>>
        %dma_start3A_272 = arith.constant 0 : i32
        %dma_start3A_273 = arith.constant 0 : i32
        %dma_start3A_274 = tpu.memref_slice %arg10[%dma_start3A_272, %dma_start3A_273] : memref<10240x64xf32, #tpu.memory_space<vmem_shared>> -> memref<10240x64xf32, #tpu.memory_space<vmem_shared>>
        tpu.enqueue_indirect_dma source(%arg9 : memref<128x64xf32, #tpu.memory_space<vmem>>) target(%dma_start3A_274 : memref<10240x64xf32, #tpu.memory_space<vmem_shared>>) offsets(%dma_start3A_271 : memref<128xi32, #tpu.memory_space<vmem>>) semaphore(%run_scoped3A : memref<!tpu.dma_semaphore, #tpu.memory_space<semaphore_mem>>) {add = true}
        %dma_wait3A_275 = arith.constant 0 : i32
        %dma_wait3A_276 = tpu.memref_slice %arg7[%rem3A_268, %dma_wait3A_275] : memref<8x128xi32, #tpu.memory_space<vmem>> -> memref<1x128xi32, #tpu.memory_space<vmem>>
        %dma_wait3A_277 = tpu.memref_squeeze %dma_wait3A_276 : memref<1x128xi32, #tpu.memory_space<vmem>> -> memref<128xi32, #tpu.memory_space<vmem>>
        %dma_wait3A_278 = arith.constant 0 : i32
        %dma_wait3A_279 = arith.constant 0 : i32
        %dma_wait3A_280 = tpu.memref_slice %arg10[%dma_wait3A_278, %dma_wait3A_279] : memref<10240x64xf32, #tpu.memory_space<vmem_shared>> -> memref<10240x64xf32, #tpu.memory_space<vmem_shared>>
        tpu.wait_indirect_dma semaphore(%run_scoped3A : memref<!tpu.dma_semaphore, #tpu.memory_space<semaphore_mem>>) src(%arg9 : memref<128x64xf32, #tpu.memory_space<vmem>>) dst(%dma_wait3A_280 : memref<10240x64xf32, #tpu.memory_space<vmem_shared>>)
        tpu.yield
      }) : () -> ()
    }
    %while3A_138 = arith.constant 1 : i32
    scf.for %while3A_220 = %while3A_136 to %while3A_132 step %while3A_138  : i32 {
      %mul3A_221 = arith.constant 2 : i32
      %mul3A_222 = arith.muli %mul3A_221, %while3A_220 : i32
      %add3A_223 = arith.constant 1 : i32
      %add3A_224 = arith.addi %mul3A_222, %add3A_223 : i32
      %sub3A_225 = arith.constant 1 : i32
      %sub3A_226 = arith.subi %select_n3A_19, %sub3A_225 : i32
      %lt3A_227 = arith.cmpi slt, %while3A_220, %sub3A_226 : i32
      %convert_element_type3A_228 = arith.extui %lt3A_227 : i1 to i32
      %cond3A_229 = arith.constant 0 : i32
      %cond3A_230 = arith.cmpi ne, %convert_element_type3A_228, %cond3A_229 : i32
      scf.if %cond3A_230 {
        %add3A_269 = arith.constant 2 : i32
        %add3A_270 = arith.addi %mul3A_222, %add3A_269 : i32
        %rem3A_271 = arith.constant 8 : i32
        %rem3A_272 = arith.remsi %add3A_270, %rem3A_271 : i32
        %mul3A_273 = arith.constant 128 : i32
        %mul3A_274 = arith.muli %add3A_270, %mul3A_273 : i32
        %add3A_275 = arith.addi %mul3A_28, %mul3A_274 : i32
        %lt3A_276 = arith.constant 320000 : i32
        %lt3A_277 = arith.cmpi slt, %add3A_275, %lt3A_276 : i32
        %convert_element_type3A_278 = arith.extui %lt3A_277 : i1 to i32
        %cond3A_279 = arith.constant 0 : i32
        %cond3A_280 = arith.cmpi ne, %convert_element_type3A_278, %cond3A_279 : i32
        scf.if %cond3A_280 {
          %dma_start3A_303 = arith.constant 0 : i32
          %dma_start3A_304 = arith.constant 0 : i32
          %dma_start3A_305 = tpu.memref_slice %arg6[%rem3A_272, %dma_start3A_304] : memref<8x128xi32, #tpu.memory_space<vmem>> -> memref<1x128xi32, #tpu.memory_space<vmem>>
          %dma_start3A_306 = tpu.memref_squeeze %dma_start3A_305 : memref<1x128xi32, #tpu.memory_space<vmem>> -> memref<128xi32, #tpu.memory_space<vmem>>
          %dma_start3A_307 = tpu.memref_slice %arg3[%dma_start3A_303, %add3A_275] : memref<2x320000xi32, #tpu.memory_space<hbm>> -> memref<1x128xi32, #tpu.memory_space<hbm>>
          %dma_start3A_308 = tpu.memref_squeeze %dma_start3A_307 : memref<1x128xi32, #tpu.memory_space<hbm>> -> memref<128xi32, #tpu.memory_space<hbm>>
          %dma_start3A_309 = arith.constant 0 : i32
          %dma_start3A_310 = tpu.memref_slice %arg6[%rem3A_272, %dma_start3A_309] : memref<8x128xi32, #tpu.memory_space<vmem>> -> memref<1x128xi32, #tpu.memory_space<vmem>>
          %dma_start3A_311 = tpu.memref_squeeze %dma_start3A_310 : memref<1x128xi32, #tpu.memory_space<vmem>> -> memref<128xi32, #tpu.memory_space<vmem>>
          %dma_start3A_312 = tpu.memref_slice %arg3[%dma_start3A_303, %add3A_275] : memref<2x320000xi32, #tpu.memory_space<hbm>> -> memref<1x128xi32, #tpu.memory_space<hbm>>
          %dma_start3A_313 = tpu.memref_squeeze %dma_start3A_312 : memref<1x128xi32, #tpu.memory_space<hbm>> -> memref<128xi32, #tpu.memory_space<hbm>>
          tpu.enqueue_dma source(%dma_start3A_313 : memref<128xi32, #tpu.memory_space<hbm>>) target(%dma_start3A_311 : memref<128xi32, #tpu.memory_space<vmem>>) target_semaphore(%arg11 : memref<!tpu.dma_semaphore, #tpu.memory_space<semaphore_mem>>)
          %dma_start3A_314 = arith.constant 1 : i32
          %dma_start3A_315 = arith.constant 0 : i32
          %dma_start3A_316 = tpu.memref_slice %arg7[%rem3A_272, %dma_start3A_315] : memref<8x128xi32, #tpu.memory_space<vmem>> -> memref<1x128xi32, #tpu.memory_space<vmem>>
          %dma_start3A_317 = tpu.memref_squeeze %dma_start3A_316 : memref<1x128xi32, #tpu.memory_space<vmem>> -> memref<128xi32, #tpu.memory_space<vmem>>
          %dma_start3A_318 = tpu.memref_slice %arg3[%dma_start3A_314, %add3A_275] : memref<2x320000xi32, #tpu.memory_space<hbm>> -> memref<1x128xi32, #tpu.memory_space<hbm>>
          %dma_start3A_319 = tpu.memref_squeeze %dma_start3A_318 : memref<1x128xi32, #tpu.memory_space<hbm>> -> memref<128xi32, #tpu.memory_space<hbm>>
          %dma_start3A_320 = arith.constant 0 : i32
          %dma_start3A_321 = tpu.memref_slice %arg7[%rem3A_272, %dma_start3A_320] : memref<8x128xi32, #tpu.memory_space<vmem>> -> memref<1x128xi32, #tpu.memory_space<vmem>>
          %dma_start3A_322 = tpu.memref_squeeze %dma_start3A_321 : memref<1x128xi32, #tpu.memory_space<vmem>> -> memref<128xi32, #tpu.memory_space<vmem>>
          %dma_start3A_323 = tpu.memref_slice %arg3[%dma_start3A_314, %add3A_275] : memref<2x320000xi32, #tpu.memory_space<hbm>> -> memref<1x128xi32, #tpu.memory_space<hbm>>
          %dma_start3A_324 = tpu.memref_squeeze %dma_start3A_323 : memref<1x128xi32, #tpu.memory_space<hbm>> -> memref<128xi32, #tpu.memory_space<hbm>>
          tpu.enqueue_dma source(%dma_start3A_324 : memref<128xi32, #tpu.memory_space<hbm>>) target(%dma_start3A_322 : memref<128xi32, #tpu.memory_space<vmem>>) target_semaphore(%arg11 : memref<!tpu.dma_semaphore, #tpu.memory_space<semaphore_mem>>)
        } else {
        }
        %ge3A_281 = arith.constant 320000 : i32
        %ge3A_282 = arith.cmpi sge, %add3A_275, %ge3A_281 : i32
        %convert_element_type3A_283 = arith.extui %ge3A_282 : i1 to i32
        %cond3A_284 = arith.constant 0 : i32
        %cond3A_285 = arith.cmpi ne, %convert_element_type3A_283, %cond3A_284 : i32
        scf.if %cond3A_285 {
          %sub3A_303 = arith.constant 320000 : i32
          %sub3A_304 = arith.subi %add3A_275, %sub3A_303 : i32
          %dma_start3A_305 = arith.constant 0 : i32
          %dma_start3A_306 = arith.constant 0 : i32
          %dma_start3A_307 = tpu.memref_slice %arg6[%rem3A_272, %dma_start3A_306] : memref<8x128xi32, #tpu.memory_space<vmem>> -> memref<1x128xi32, #tpu.memory_space<vmem>>
          %dma_start3A_308 = tpu.memref_squeeze %dma_start3A_307 : memref<1x128xi32, #tpu.memory_space<vmem>> -> memref<128xi32, #tpu.memory_space<vmem>>
          %dma_start3A_309 = tpu.memref_slice %arg4[%dma_start3A_305, %sub3A_304] : memref<2x7680xi32, #tpu.memory_space<hbm>> -> memref<1x128xi32, #tpu.memory_space<hbm>>
          %dma_start3A_310 = tpu.memref_squeeze %dma_start3A_309 : memref<1x128xi32, #tpu.memory_space<hbm>> -> memref<128xi32, #tpu.memory_space<hbm>>
          %dma_start3A_311 = arith.constant 0 : i32
          %dma_start3A_312 = tpu.memref_slice %arg6[%rem3A_272, %dma_start3A_311] : memref<8x128xi32, #tpu.memory_space<vmem>> -> memref<1x128xi32, #tpu.memory_space<vmem>>
          %dma_start3A_313 = tpu.memref_squeeze %dma_start3A_312 : memref<1x128xi32, #tpu.memory_space<vmem>> -> memref<128xi32, #tpu.memory_space<vmem>>
          %dma_start3A_314 = tpu.memref_slice %arg4[%dma_start3A_305, %sub3A_304] : memref<2x7680xi32, #tpu.memory_space<hbm>> -> memref<1x128xi32, #tpu.memory_space<hbm>>
          %dma_start3A_315 = tpu.memref_squeeze %dma_start3A_314 : memref<1x128xi32, #tpu.memory_space<hbm>> -> memref<128xi32, #tpu.memory_space<hbm>>
          tpu.enqueue_dma source(%dma_start3A_315 : memref<128xi32, #tpu.memory_space<hbm>>) target(%dma_start3A_313 : memref<128xi32, #tpu.memory_space<vmem>>) target_semaphore(%arg11 : memref<!tpu.dma_semaphore, #tpu.memory_space<semaphore_mem>>)
          %sub3A_316 = arith.constant 320000 : i32
          %sub3A_317 = arith.subi %add3A_275, %sub3A_316 : i32
          %dma_start3A_318 = arith.constant 1 : i32
          %dma_start3A_319 = arith.constant 0 : i32
          %dma_start3A_320 = tpu.memref_slice %arg7[%rem3A_272, %dma_start3A_319] : memref<8x128xi32, #tpu.memory_space<vmem>> -> memref<1x128xi32, #tpu.memory_space<vmem>>
          %dma_start3A_321 = tpu.memref_squeeze %dma_start3A_320 : memref<1x128xi32, #tpu.memory_space<vmem>> -> memref<128xi32, #tpu.memory_space<vmem>>
          %dma_start3A_322 = tpu.memref_slice %arg4[%dma_start3A_318, %sub3A_317] : memref<2x7680xi32, #tpu.memory_space<hbm>> -> memref<1x128xi32, #tpu.memory_space<hbm>>
          %dma_start3A_323 = tpu.memref_squeeze %dma_start3A_322 : memref<1x128xi32, #tpu.memory_space<hbm>> -> memref<128xi32, #tpu.memory_space<hbm>>
          %dma_start3A_324 = arith.constant 0 : i32
          %dma_start3A_325 = tpu.memref_slice %arg7[%rem3A_272, %dma_start3A_324] : memref<8x128xi32, #tpu.memory_space<vmem>> -> memref<1x128xi32, #tpu.memory_space<vmem>>
          %dma_start3A_326 = tpu.memref_squeeze %dma_start3A_325 : memref<1x128xi32, #tpu.memory_space<vmem>> -> memref<128xi32, #tpu.memory_space<vmem>>
          %dma_start3A_327 = tpu.memref_slice %arg4[%dma_start3A_318, %sub3A_317] : memref<2x7680xi32, #tpu.memory_space<hbm>> -> memref<1x128xi32, #tpu.memory_space<hbm>>
          %dma_start3A_328 = tpu.memref_squeeze %dma_start3A_327 : memref<1x128xi32, #tpu.memory_space<hbm>> -> memref<128xi32, #tpu.memory_space<hbm>>
          tpu.enqueue_dma source(%dma_start3A_328 : memref<128xi32, #tpu.memory_space<hbm>>) target(%dma_start3A_326 : memref<128xi32, #tpu.memory_space<vmem>>) target_semaphore(%arg11 : memref<!tpu.dma_semaphore, #tpu.memory_space<semaphore_mem>>)
        } else {
        }
        %add3A_286 = arith.constant 2 : i32
        %add3A_287 = arith.addi %add3A_224, %add3A_286 : i32
        %rem3A_288 = arith.constant 8 : i32
        %rem3A_289 = arith.remsi %add3A_287, %rem3A_288 : i32
        %mul3A_290 = arith.constant 128 : i32
        %mul3A_291 = arith.muli %add3A_287, %mul3A_290 : i32
        %add3A_292 = arith.addi %mul3A_28, %mul3A_291 : i32
        %lt3A_293 = arith.constant 320000 : i32
        %lt3A_294 = arith.cmpi slt, %add3A_292, %lt3A_293 : i32
        %convert_element_type3A_295 = arith.extui %lt3A_294 : i1 to i32
        %cond3A_296 = arith.constant 0 : i32
        %cond3A_297 = arith.cmpi ne, %convert_element_type3A_295, %cond3A_296 : i32
        scf.if %cond3A_297 {
          %dma_start3A_303 = arith.constant 0 : i32
          %dma_start3A_304 = arith.constant 0 : i32
          %dma_start3A_305 = tpu.memref_slice %arg6[%rem3A_289, %dma_start3A_304] : memref<8x128xi32, #tpu.memory_space<vmem>> -> memref<1x128xi32, #tpu.memory_space<vmem>>
          %dma_start3A_306 = tpu.memref_squeeze %dma_start3A_305 : memref<1x128xi32, #tpu.memory_space<vmem>> -> memref<128xi32, #tpu.memory_space<vmem>>
          %dma_start3A_307 = tpu.memref_slice %arg3[%dma_start3A_303, %add3A_292] : memref<2x320000xi32, #tpu.memory_space<hbm>> -> memref<1x128xi32, #tpu.memory_space<hbm>>
          %dma_start3A_308 = tpu.memref_squeeze %dma_start3A_307 : memref<1x128xi32, #tpu.memory_space<hbm>> -> memref<128xi32, #tpu.memory_space<hbm>>
          %dma_start3A_309 = arith.constant 0 : i32
          %dma_start3A_310 = tpu.memref_slice %arg6[%rem3A_289, %dma_start3A_309] : memref<8x128xi32, #tpu.memory_space<vmem>> -> memref<1x128xi32, #tpu.memory_space<vmem>>
          %dma_start3A_311 = tpu.memref_squeeze %dma_start3A_310 : memref<1x128xi32, #tpu.memory_space<vmem>> -> memref<128xi32, #tpu.memory_space<vmem>>
          %dma_start3A_312 = tpu.memref_slice %arg3[%dma_start3A_303, %add3A_292] : memref<2x320000xi32, #tpu.memory_space<hbm>> -> memref<1x128xi32, #tpu.memory_space<hbm>>
          %dma_start3A_313 = tpu.memref_squeeze %dma_start3A_312 : memref<1x128xi32, #tpu.memory_space<hbm>> -> memref<128xi32, #tpu.memory_space<hbm>>
          tpu.enqueue_dma source(%dma_start3A_313 : memref<128xi32, #tpu.memory_space<hbm>>) target(%dma_start3A_311 : memref<128xi32, #tpu.memory_space<vmem>>) target_semaphore(%arg11 : memref<!tpu.dma_semaphore, #tpu.memory_space<semaphore_mem>>)
          %dma_start3A_314 = arith.constant 1 : i32
          %dma_start3A_315 = arith.constant 0 : i32
          %dma_start3A_316 = tpu.memref_slice %arg7[%rem3A_289, %dma_start3A_315] : memref<8x128xi32, #tpu.memory_space<vmem>> -> memref<1x128xi32, #tpu.memory_space<vmem>>
          %dma_start3A_317 = tpu.memref_squeeze %dma_start3A_316 : memref<1x128xi32, #tpu.memory_space<vmem>> -> memref<128xi32, #tpu.memory_space<vmem>>
          %dma_start3A_318 = tpu.memref_slice %arg3[%dma_start3A_314, %add3A_292] : memref<2x320000xi32, #tpu.memory_space<hbm>> -> memref<1x128xi32, #tpu.memory_space<hbm>>
          %dma_start3A_319 = tpu.memref_squeeze %dma_start3A_318 : memref<1x128xi32, #tpu.memory_space<hbm>> -> memref<128xi32, #tpu.memory_space<hbm>>
          %dma_start3A_320 = arith.constant 0 : i32
          %dma_start3A_321 = tpu.memref_slice %arg7[%rem3A_289, %dma_start3A_320] : memref<8x128xi32, #tpu.memory_space<vmem>> -> memref<1x128xi32, #tpu.memory_space<vmem>>
          %dma_start3A_322 = tpu.memref_squeeze %dma_start3A_321 : memref<1x128xi32, #tpu.memory_space<vmem>> -> memref<128xi32, #tpu.memory_space<vmem>>
          %dma_start3A_323 = tpu.memref_slice %arg3[%dma_start3A_314, %add3A_292] : memref<2x320000xi32, #tpu.memory_space<hbm>> -> memref<1x128xi32, #tpu.memory_space<hbm>>
          %dma_start3A_324 = tpu.memref_squeeze %dma_start3A_323 : memref<1x128xi32, #tpu.memory_space<hbm>> -> memref<128xi32, #tpu.memory_space<hbm>>
          tpu.enqueue_dma source(%dma_start3A_324 : memref<128xi32, #tpu.memory_space<hbm>>) target(%dma_start3A_322 : memref<128xi32, #tpu.memory_space<vmem>>) target_semaphore(%arg11 : memref<!tpu.dma_semaphore, #tpu.memory_space<semaphore_mem>>)
        } else {
        }
        %ge3A_298 = arith.constant 320000 : i32
        %ge3A_299 = arith.cmpi sge, %add3A_292, %ge3A_298 : i32
        %convert_element_type3A_300 = arith.extui %ge3A_299 : i1 to i32
        %cond3A_301 = arith.constant 0 : i32
        %cond3A_302 = arith.cmpi ne, %convert_element_type3A_300, %cond3A_301 : i32
        scf.if %cond3A_302 {
          %sub3A_303 = arith.constant 320000 : i32
          %sub3A_304 = arith.subi %add3A_292, %sub3A_303 : i32
          %dma_start3A_305 = arith.constant 0 : i32
          %dma_start3A_306 = arith.constant 0 : i32
          %dma_start3A_307 = tpu.memref_slice %arg6[%rem3A_289, %dma_start3A_306] : memref<8x128xi32, #tpu.memory_space<vmem>> -> memref<1x128xi32, #tpu.memory_space<vmem>>
          %dma_start3A_308 = tpu.memref_squeeze %dma_start3A_307 : memref<1x128xi32, #tpu.memory_space<vmem>> -> memref<128xi32, #tpu.memory_space<vmem>>
          %dma_start3A_309 = tpu.memref_slice %arg4[%dma_start3A_305, %sub3A_304] : memref<2x7680xi32, #tpu.memory_space<hbm>> -> memref<1x128xi32, #tpu.memory_space<hbm>>
          %dma_start3A_310 = tpu.memref_squeeze %dma_start3A_309 : memref<1x128xi32, #tpu.memory_space<hbm>> -> memref<128xi32, #tpu.memory_space<hbm>>
          %dma_start3A_311 = arith.constant 0 : i32
          %dma_start3A_312 = tpu.memref_slice %arg6[%rem3A_289, %dma_start3A_311] : memref<8x128xi32, #tpu.memory_space<vmem>> -> memref<1x128xi32, #tpu.memory_space<vmem>>
          %dma_start3A_313 = tpu.memref_squeeze %dma_start3A_312 : memref<1x128xi32, #tpu.memory_space<vmem>> -> memref<128xi32, #tpu.memory_space<vmem>>
          %dma_start3A_314 = tpu.memref_slice %arg4[%dma_start3A_305, %sub3A_304] : memref<2x7680xi32, #tpu.memory_space<hbm>> -> memref<1x128xi32, #tpu.memory_space<hbm>>
          %dma_start3A_315 = tpu.memref_squeeze %dma_start3A_314 : memref<1x128xi32, #tpu.memory_space<hbm>> -> memref<128xi32, #tpu.memory_space<hbm>>
          tpu.enqueue_dma source(%dma_start3A_315 : memref<128xi32, #tpu.memory_space<hbm>>) target(%dma_start3A_313 : memref<128xi32, #tpu.memory_space<vmem>>) target_semaphore(%arg11 : memref<!tpu.dma_semaphore, #tpu.memory_space<semaphore_mem>>)
          %sub3A_316 = arith.constant 320000 : i32
          %sub3A_317 = arith.subi %add3A_292, %sub3A_316 : i32
          %dma_start3A_318 = arith.constant 1 : i32
          %dma_start3A_319 = arith.constant 0 : i32
          %dma_start3A_320 = tpu.memref_slice %arg7[%rem3A_289, %dma_start3A_319] : memref<8x128xi32, #tpu.memory_space<vmem>> -> memref<1x128xi32, #tpu.memory_space<vmem>>
          %dma_start3A_321 = tpu.memref_squeeze %dma_start3A_320 : memref<1x128xi32, #tpu.memory_space<vmem>> -> memref<128xi32, #tpu.memory_space<vmem>>
          %dma_start3A_322 = tpu.memref_slice %arg4[%dma_start3A_318, %sub3A_317] : memref<2x7680xi32, #tpu.memory_space<hbm>> -> memref<1x128xi32, #tpu.memory_space<hbm>>
          %dma_start3A_323 = tpu.memref_squeeze %dma_start3A_322 : memref<1x128xi32, #tpu.memory_space<hbm>> -> memref<128xi32, #tpu.memory_space<hbm>>
          %dma_start3A_324 = arith.constant 0 : i32
          %dma_start3A_325 = tpu.memref_slice %arg7[%rem3A_289, %dma_start3A_324] : memref<8x128xi32, #tpu.memory_space<vmem>> -> memref<1x128xi32, #tpu.memory_space<vmem>>
          %dma_start3A_326 = tpu.memref_squeeze %dma_start3A_325 : memref<1x128xi32, #tpu.memory_space<vmem>> -> memref<128xi32, #tpu.memory_space<vmem>>
          %dma_start3A_327 = tpu.memref_slice %arg4[%dma_start3A_318, %sub3A_317] : memref<2x7680xi32, #tpu.memory_space<hbm>> -> memref<1x128xi32, #tpu.memory_space<hbm>>
          %dma_start3A_328 = tpu.memref_squeeze %dma_start3A_327 : memref<1x128xi32, #tpu.memory_space<hbm>> -> memref<128xi32, #tpu.memory_space<hbm>>
          tpu.enqueue_dma source(%dma_start3A_328 : memref<128xi32, #tpu.memory_space<hbm>>) target(%dma_start3A_326 : memref<128xi32, #tpu.memory_space<vmem>>) target_semaphore(%arg11 : memref<!tpu.dma_semaphore, #tpu.memory_space<semaphore_mem>>)
        } else {
        }
      } else {
      }
      %dma_wait3A_231 = arith.constant 0 : i32
      %dma_wait3A_232 = arith.constant 0 : i32
      %dma_wait3A_233 = tpu.memref_slice %arg6[%dma_wait3A_231, %dma_wait3A_232] : memref<8x128xi32, #tpu.memory_space<vmem>> -> memref<1x128xi32, #tpu.memory_space<vmem>>
      %dma_wait3A_234 = tpu.memref_squeeze %dma_wait3A_233 : memref<1x128xi32, #tpu.memory_space<vmem>> -> memref<128xi32, #tpu.memory_space<vmem>>
      %dma_wait3A_235 = arith.constant 0 : i32
      %dma_wait3A_236 = arith.constant 0 : i32
      %dma_wait3A_237 = tpu.memref_slice %arg2[%dma_wait3A_235, %dma_wait3A_236] : memref<10000x64xf32, #tpu.memory_space<hbm>> -> memref<10000x64xf32, #tpu.memory_space<hbm>>
      tpu.wait_indirect_dma semaphore(%arg12 : memref<!tpu.dma_semaphore, #tpu.memory_space<semaphore_mem>>) src(%dma_wait3A_237 : memref<10000x64xf32, #tpu.memory_space<hbm>>) dst(%arg8 : memref<128x64xf32, #tpu.memory_space<vmem>>)
      %rem3A_238 = arith.constant 8 : i32
      %rem3A_239 = arith.remsi %add3A_224, %rem3A_238 : i32
      %dma_start3A_240 = arith.constant 0 : i32
      %dma_start3A_241 = tpu.memref_slice %arg6[%rem3A_239, %dma_start3A_240] : memref<8x128xi32, #tpu.memory_space<vmem>> -> memref<1x128xi32, #tpu.memory_space<vmem>>
      %dma_start3A_242 = tpu.memref_squeeze %dma_start3A_241 : memref<1x128xi32, #tpu.memory_space<vmem>> -> memref<128xi32, #tpu.memory_space<vmem>>
      %dma_start3A_243 = arith.constant 0 : i32
      %dma_start3A_244 = arith.constant 0 : i32
      %dma_start3A_245 = tpu.memref_slice %arg2[%dma_start3A_243, %dma_start3A_244] : memref<10000x64xf32, #tpu.memory_space<hbm>> -> memref<10000x64xf32, #tpu.memory_space<hbm>>
      tpu.enqueue_indirect_dma source(%dma_start3A_245 : memref<10000x64xf32, #tpu.memory_space<hbm>>) target(%arg9 : memref<128x64xf32, #tpu.memory_space<vmem>>) offsets(%dma_start3A_242 : memref<128xi32, #tpu.memory_space<vmem>>) semaphore(%arg13 : memref<!tpu.dma_semaphore, #tpu.memory_space<semaphore_mem>>)
      %rem3A_246 = arith.constant 8 : i32
      %rem3A_247 = arith.remsi %mul3A_222, %rem3A_246 : i32
      "tpu.region"() ({
        %run_scoped3A = tpu.sem_alloc : memref<!tpu.dma_semaphore, #tpu.memory_space<semaphore_mem>>
        %dma_start3A_269 = arith.constant 0 : i32
        %dma_start3A_270 = tpu.memref_slice %arg7[%rem3A_247, %dma_start3A_269] : memref<8x128xi32, #tpu.memory_space<vmem>> -> memref<1x128xi32, #tpu.memory_space<vmem>>
        %dma_start3A_271 = tpu.memref_squeeze %dma_start3A_270 : memref<1x128xi32, #tpu.memory_space<vmem>> -> memref<128xi32, #tpu.memory_space<vmem>>
        %dma_start3A_272 = arith.constant 0 : i32
        %dma_start3A_273 = arith.constant 0 : i32
        %dma_start3A_274 = tpu.memref_slice %arg10[%dma_start3A_272, %dma_start3A_273] : memref<10240x64xf32, #tpu.memory_space<vmem_shared>> -> memref<10240x64xf32, #tpu.memory_space<vmem_shared>>
        tpu.enqueue_indirect_dma source(%arg8 : memref<128x64xf32, #tpu.memory_space<vmem>>) target(%dma_start3A_274 : memref<10240x64xf32, #tpu.memory_space<vmem_shared>>) offsets(%dma_start3A_271 : memref<128xi32, #tpu.memory_space<vmem>>) semaphore(%run_scoped3A : memref<!tpu.dma_semaphore, #tpu.memory_space<semaphore_mem>>) {add = true}
        %dma_wait3A_275 = arith.constant 0 : i32
        %dma_wait3A_276 = tpu.memref_slice %arg7[%rem3A_247, %dma_wait3A_275] : memref<8x128xi32, #tpu.memory_space<vmem>> -> memref<1x128xi32, #tpu.memory_space<vmem>>
        %dma_wait3A_277 = tpu.memref_squeeze %dma_wait3A_276 : memref<1x128xi32, #tpu.memory_space<vmem>> -> memref<128xi32, #tpu.memory_space<vmem>>
        %dma_wait3A_278 = arith.constant 0 : i32
        %dma_wait3A_279 = arith.constant 0 : i32
        %dma_wait3A_280 = tpu.memref_slice %arg10[%dma_wait3A_278, %dma_wait3A_279] : memref<10240x64xf32, #tpu.memory_space<vmem_shared>> -> memref<10240x64xf32, #tpu.memory_space<vmem_shared>>
        tpu.wait_indirect_dma semaphore(%run_scoped3A : memref<!tpu.dma_semaphore, #tpu.memory_space<semaphore_mem>>) src(%arg8 : memref<128x64xf32, #tpu.memory_space<vmem>>) dst(%dma_wait3A_280 : memref<10240x64xf32, #tpu.memory_space<vmem_shared>>)
        tpu.yield
      }) : () -> ()
      %sub3A_248 = arith.constant 1 : i32
      %sub3A_249 = arith.subi %select_n3A_19, %sub3A_248 : i32
      %lt3A_250 = arith.cmpi slt, %while3A_220, %sub3A_249 : i32
      %convert_element_type3A_251 = arith.extui %lt3A_250 : i1 to i32
      %cond3A_252 = arith.constant 0 : i32
      %cond3A_253 = arith.cmpi ne, %convert_element_type3A_251, %cond3A_252 : i32
      scf.if %cond3A_253 {
        %dma_wait3A_269 = arith.constant 0 : i32
        %dma_wait3A_270 = arith.constant 0 : i32
        %dma_wait3A_271 = arith.constant 0 : i32
        %dma_wait3A_272 = tpu.memref_slice %arg6[%dma_wait3A_270, %dma_wait3A_271] : memref<8x128xi32, #tpu.memory_space<vmem>> -> memref<1x128xi32, #tpu.memory_space<vmem>>
        %dma_wait3A_273 = tpu.memref_squeeze %dma_wait3A_272 : memref<1x128xi32, #tpu.memory_space<vmem>> -> memref<128xi32, #tpu.memory_space<vmem>>
        %dma_wait3A_274 = arith.constant 0 : i32
        %dma_wait3A_275 = tpu.memref_slice %arg3[%dma_wait3A_269, %dma_wait3A_274] : memref<2x320000xi32, #tpu.memory_space<hbm>> -> memref<1x128xi32, #tpu.memory_space<hbm>>
        %dma_wait3A_276 = tpu.memref_squeeze %dma_wait3A_275 : memref<1x128xi32, #tpu.memory_space<hbm>> -> memref<128xi32, #tpu.memory_space<hbm>>
        %dma_wait3A_277 = arith.constant 0 : i32
        %dma_wait3A_278 = tpu.memref_slice %arg6[%dma_wait3A_270, %dma_wait3A_277] : memref<8x128xi32, #tpu.memory_space<vmem>> -> memref<1x128xi32, #tpu.memory_space<vmem>>
        %dma_wait3A_279 = tpu.memref_squeeze %dma_wait3A_278 : memref<1x128xi32, #tpu.memory_space<vmem>> -> memref<128xi32, #tpu.memory_space<vmem>>
        %dma_wait3A_280 = arith.constant 0 : i32
        %dma_wait3A_281 = tpu.memref_slice %arg3[%dma_wait3A_269, %dma_wait3A_280] : memref<2x320000xi32, #tpu.memory_space<hbm>> -> memref<1x128xi32, #tpu.memory_space<hbm>>
        %dma_wait3A_282 = tpu.memref_squeeze %dma_wait3A_281 : memref<1x128xi32, #tpu.memory_space<hbm>> -> memref<128xi32, #tpu.memory_space<hbm>>
        tpu.wait_dma2 semaphore(%arg11 : memref<!tpu.dma_semaphore, #tpu.memory_space<semaphore_mem>>) src(%dma_wait3A_282 : memref<128xi32, #tpu.memory_space<hbm>>) dst(%dma_wait3A_279 : memref<128xi32, #tpu.memory_space<vmem>>)
        %dma_wait3A_283 = arith.constant 0 : i32
        %dma_wait3A_284 = arith.constant 0 : i32
        %dma_wait3A_285 = arith.constant 0 : i32
        %dma_wait3A_286 = tpu.memref_slice %arg6[%dma_wait3A_284, %dma_wait3A_285] : memref<8x128xi32, #tpu.memory_space<vmem>> -> memref<1x128xi32, #tpu.memory_space<vmem>>
        %dma_wait3A_287 = tpu.memref_squeeze %dma_wait3A_286 : memref<1x128xi32, #tpu.memory_space<vmem>> -> memref<128xi32, #tpu.memory_space<vmem>>
        %dma_wait3A_288 = arith.constant 0 : i32
        %dma_wait3A_289 = tpu.memref_slice %arg3[%dma_wait3A_283, %dma_wait3A_288] : memref<2x320000xi32, #tpu.memory_space<hbm>> -> memref<1x128xi32, #tpu.memory_space<hbm>>
        %dma_wait3A_290 = tpu.memref_squeeze %dma_wait3A_289 : memref<1x128xi32, #tpu.memory_space<hbm>> -> memref<128xi32, #tpu.memory_space<hbm>>
        %dma_wait3A_291 = arith.constant 0 : i32
        %dma_wait3A_292 = tpu.memref_slice %arg6[%dma_wait3A_284, %dma_wait3A_291] : memref<8x128xi32, #tpu.memory_space<vmem>> -> memref<1x128xi32, #tpu.memory_space<vmem>>
        %dma_wait3A_293 = tpu.memref_squeeze %dma_wait3A_292 : memref<1x128xi32, #tpu.memory_space<vmem>> -> memref<128xi32, #tpu.memory_space<vmem>>
        %dma_wait3A_294 = arith.constant 0 : i32
        %dma_wait3A_295 = tpu.memref_slice %arg3[%dma_wait3A_283, %dma_wait3A_294] : memref<2x320000xi32, #tpu.memory_space<hbm>> -> memref<1x128xi32, #tpu.memory_space<hbm>>
        %dma_wait3A_296 = tpu.memref_squeeze %dma_wait3A_295 : memref<1x128xi32, #tpu.memory_space<hbm>> -> memref<128xi32, #tpu.memory_space<hbm>>
        tpu.wait_dma2 semaphore(%arg11 : memref<!tpu.dma_semaphore, #tpu.memory_space<semaphore_mem>>) src(%dma_wait3A_296 : memref<128xi32, #tpu.memory_space<hbm>>) dst(%dma_wait3A_293 : memref<128xi32, #tpu.memory_space<vmem>>)
        %dma_wait3A_297 = arith.constant 0 : i32
        %dma_wait3A_298 = arith.constant 0 : i32
        %dma_wait3A_299 = arith.constant 0 : i32
        %dma_wait3A_300 = tpu.memref_slice %arg6[%dma_wait3A_298, %dma_wait3A_299] : memref<8x128xi32, #tpu.memory_space<vmem>> -> memref<1x128xi32, #tpu.memory_space<vmem>>
        %dma_wait3A_301 = tpu.memref_squeeze %dma_wait3A_300 : memref<1x128xi32, #tpu.memory_space<vmem>> -> memref<128xi32, #tpu.memory_space<vmem>>
        %dma_wait3A_302 = arith.constant 0 : i32
        %dma_wait3A_303 = tpu.memref_slice %arg3[%dma_wait3A_297, %dma_wait3A_302] : memref<2x320000xi32, #tpu.memory_space<hbm>> -> memref<1x128xi32, #tpu.memory_space<hbm>>
        %dma_wait3A_304 = tpu.memref_squeeze %dma_wait3A_303 : memref<1x128xi32, #tpu.memory_space<hbm>> -> memref<128xi32, #tpu.memory_space<hbm>>
        %dma_wait3A_305 = arith.constant 0 : i32
        %dma_wait3A_306 = tpu.memref_slice %arg6[%dma_wait3A_298, %dma_wait3A_305] : memref<8x128xi32, #tpu.memory_space<vmem>> -> memref<1x128xi32, #tpu.memory_space<vmem>>
        %dma_wait3A_307 = tpu.memref_squeeze %dma_wait3A_306 : memref<1x128xi32, #tpu.memory_space<vmem>> -> memref<128xi32, #tpu.memory_space<vmem>>
        %dma_wait3A_308 = arith.constant 0 : i32
        %dma_wait3A_309 = tpu.memref_slice %arg3[%dma_wait3A_297, %dma_wait3A_308] : memref<2x320000xi32, #tpu.memory_space<hbm>> -> memref<1x128xi32, #tpu.memory_space<hbm>>
        %dma_wait3A_310 = tpu.memref_squeeze %dma_wait3A_309 : memref<1x128xi32, #tpu.memory_space<hbm>> -> memref<128xi32, #tpu.memory_space<hbm>>
        tpu.wait_dma2 semaphore(%arg11 : memref<!tpu.dma_semaphore, #tpu.memory_space<semaphore_mem>>) src(%dma_wait3A_310 : memref<128xi32, #tpu.memory_space<hbm>>) dst(%dma_wait3A_307 : memref<128xi32, #tpu.memory_space<vmem>>)
        %dma_wait3A_311 = arith.constant 0 : i32
        %dma_wait3A_312 = arith.constant 0 : i32
        %dma_wait3A_313 = arith.constant 0 : i32
        %dma_wait3A_314 = tpu.memref_slice %arg6[%dma_wait3A_312, %dma_wait3A_313] : memref<8x128xi32, #tpu.memory_space<vmem>> -> memref<1x128xi32, #tpu.memory_space<vmem>>
        %dma_wait3A_315 = tpu.memref_squeeze %dma_wait3A_314 : memref<1x128xi32, #tpu.memory_space<vmem>> -> memref<128xi32, #tpu.memory_space<vmem>>
        %dma_wait3A_316 = arith.constant 0 : i32
        %dma_wait3A_317 = tpu.memref_slice %arg3[%dma_wait3A_311, %dma_wait3A_316] : memref<2x320000xi32, #tpu.memory_space<hbm>> -> memref<1x128xi32, #tpu.memory_space<hbm>>
        %dma_wait3A_318 = tpu.memref_squeeze %dma_wait3A_317 : memref<1x128xi32, #tpu.memory_space<hbm>> -> memref<128xi32, #tpu.memory_space<hbm>>
        %dma_wait3A_319 = arith.constant 0 : i32
        %dma_wait3A_320 = tpu.memref_slice %arg6[%dma_wait3A_312, %dma_wait3A_319] : memref<8x128xi32, #tpu.memory_space<vmem>> -> memref<1x128xi32, #tpu.memory_space<vmem>>
        %dma_wait3A_321 = tpu.memref_squeeze %dma_wait3A_320 : memref<1x128xi32, #tpu.memory_space<vmem>> -> memref<128xi32, #tpu.memory_space<vmem>>
        %dma_wait3A_322 = arith.constant 0 : i32
        %dma_wait3A_323 = tpu.memref_slice %arg3[%dma_wait3A_311, %dma_wait3A_322] : memref<2x320000xi32, #tpu.memory_space<hbm>> -> memref<1x128xi32, #tpu.memory_space<hbm>>
        %dma_wait3A_324 = tpu.memref_squeeze %dma_wait3A_323 : memref<1x128xi32, #tpu.memory_space<hbm>> -> memref<128xi32, #tpu.memory_space<hbm>>
        tpu.wait_dma2 semaphore(%arg11 : memref<!tpu.dma_semaphore, #tpu.memory_space<semaphore_mem>>) src(%dma_wait3A_324 : memref<128xi32, #tpu.memory_space<hbm>>) dst(%dma_wait3A_321 : memref<128xi32, #tpu.memory_space<vmem>>)
      } else {
      }
      %dma_wait3A_254 = arith.constant 0 : i32
      %dma_wait3A_255 = arith.constant 0 : i32
      %dma_wait3A_256 = tpu.memref_slice %arg6[%dma_wait3A_254, %dma_wait3A_255] : memref<8x128xi32, #tpu.memory_space<vmem>> -> memref<1x128xi32, #tpu.memory_space<vmem>>
      %dma_wait3A_257 = tpu.memref_squeeze %dma_wait3A_256 : memref<1x128xi32, #tpu.memory_space<vmem>> -> memref<128xi32, #tpu.memory_space<vmem>>
      %dma_wait3A_258 = arith.constant 0 : i32
      %dma_wait3A_259 = arith.constant 0 : i32
      %dma_wait3A_260 = tpu.memref_slice %arg2[%dma_wait3A_258, %dma_wait3A_259] : memref<10000x64xf32, #tpu.memory_space<hbm>> -> memref<10000x64xf32, #tpu.memory_space<hbm>>
      tpu.wait_indirect_dma semaphore(%arg13 : memref<!tpu.dma_semaphore, #tpu.memory_space<semaphore_mem>>) src(%dma_wait3A_260 : memref<10000x64xf32, #tpu.memory_space<hbm>>) dst(%arg9 : memref<128x64xf32, #tpu.memory_space<vmem>>)
      %sub3A_261 = arith.constant 1 : i32
      %sub3A_262 = arith.subi %select_n3A_19, %sub3A_261 : i32
      %lt3A_263 = arith.cmpi slt, %while3A_220, %sub3A_262 : i32
      %convert_element_type3A_264 = arith.extui %lt3A_263 : i1 to i32
      %cond3A_265 = arith.constant 0 : i32
      %cond3A_266 = arith.cmpi ne, %convert_element_type3A_264, %cond3A_265 : i32
      scf.if %cond3A_266 {
        %add3A_269 = arith.constant 2 : i32
        %add3A_270 = arith.addi %mul3A_222, %add3A_269 : i32
        %rem3A_271 = arith.constant 8 : i32
        %rem3A_272 = arith.remsi %add3A_270, %rem3A_271 : i32
        %dma_start3A_273 = arith.constant 0 : i32
        %dma_start3A_274 = tpu.memref_slice %arg6[%rem3A_272, %dma_start3A_273] : memref<8x128xi32, #tpu.memory_space<vmem>> -> memref<1x128xi32, #tpu.memory_space<vmem>>
        %dma_start3A_275 = tpu.memref_squeeze %dma_start3A_274 : memref<1x128xi32, #tpu.memory_space<vmem>> -> memref<128xi32, #tpu.memory_space<vmem>>
        %dma_start3A_276 = arith.constant 0 : i32
        %dma_start3A_277 = arith.constant 0 : i32
        %dma_start3A_278 = tpu.memref_slice %arg2[%dma_start3A_276, %dma_start3A_277] : memref<10000x64xf32, #tpu.memory_space<hbm>> -> memref<10000x64xf32, #tpu.memory_space<hbm>>
        tpu.enqueue_indirect_dma source(%dma_start3A_278 : memref<10000x64xf32, #tpu.memory_space<hbm>>) target(%arg8 : memref<128x64xf32, #tpu.memory_space<vmem>>) offsets(%dma_start3A_275 : memref<128xi32, #tpu.memory_space<vmem>>) semaphore(%arg12 : memref<!tpu.dma_semaphore, #tpu.memory_space<semaphore_mem>>)
      } else {
      }
      %rem3A_267 = arith.constant 8 : i32
      %rem3A_268 = arith.remsi %add3A_224, %rem3A_267 : i32
      "tpu.region"() ({
        %run_scoped3A = tpu.sem_alloc : memref<!tpu.dma_semaphore, #tpu.memory_space<semaphore_mem>>
        %dma_start3A_269 = arith.constant 0 : i32
        %dma_start3A_270 = tpu.memref_slice %arg7[%rem3A_268, %dma_start3A_269] : memref<8x128xi32, #tpu.memory_space<vmem>> -> memref<1x128xi32, #tpu.memory_space<vmem>>
        %dma_start3A_271 = tpu.memref_squeeze %dma_start3A_270 : memref<1x128xi32, #tpu.memory_space<vmem>> -> memref<128xi32, #tpu.memory_space<vmem>>
        %dma_start3A_272 = arith.constant 0 : i32
        %dma_start3A_273 = arith.constant 0 : i32
        %dma_start3A_274 = tpu.memref_slice %arg10[%dma_start3A_272, %dma_start3A_273] : memref<10240x64xf32, #tpu.memory_space<vmem_shared>> -> memref<10240x64xf32, #tpu.memory_space<vmem_shared>>
        tpu.enqueue_indirect_dma source(%arg9 : memref<128x64xf32, #tpu.memory_space<vmem>>) target(%dma_start3A_274 : memref<10240x64xf32, #tpu.memory_space<vmem_shared>>) offsets(%dma_start3A_271 : memref<128xi32, #tpu.memory_space<vmem>>) semaphore(%run_scoped3A : memref<!tpu.dma_semaphore, #tpu.memory_space<semaphore_mem>>) {add = true}
        %dma_wait3A_275 = arith.constant 0 : i32
        %dma_wait3A_276 = tpu.memref_slice %arg7[%rem3A_268, %dma_wait3A_275] : memref<8x128xi32, #tpu.memory_space<vmem>> -> memref<1x128xi32, #tpu.memory_space<vmem>>
        %dma_wait3A_277 = tpu.memref_squeeze %dma_wait3A_276 : memref<1x128xi32, #tpu.memory_space<vmem>> -> memref<128xi32, #tpu.memory_space<vmem>>
        %dma_wait3A_278 = arith.constant 0 : i32
        %dma_wait3A_279 = arith.constant 0 : i32
        %dma_wait3A_280 = tpu.memref_slice %arg10[%dma_wait3A_278, %dma_wait3A_279] : memref<10240x64xf32, #tpu.memory_space<vmem_shared>> -> memref<10240x64xf32, #tpu.memory_space<vmem_shared>>
        tpu.wait_indirect_dma semaphore(%run_scoped3A : memref<!tpu.dma_semaphore, #tpu.memory_space<semaphore_mem>>) src(%arg9 : memref<128x64xf32, #tpu.memory_space<vmem>>) dst(%dma_wait3A_280 : memref<10240x64xf32, #tpu.memory_space<vmem_shared>>)
        tpu.yield
      }) : () -> ()
    }
    %barrier3A_139 = arith.constant 0 : index
    tpu.barrier barrier_id(%barrier3A_139)
    %mul3A_140 = arith.constant 640 : i32
    %mul3A_141 = arith.muli %arg1, %mul3A_140 : i32
    %add3A_142 = arith.constant 0 : i32
    %add3A_143 = arith.addi %mul3A_141, %add3A_142 : i32
    "tpu.region"() ({
      %run_scoped3A = tpu.sem_alloc : memref<!tpu.dma_semaphore, #tpu.memory_space<semaphore_mem>>
      %dma_start3A_220 = arith.constant 0 : i32
      %dma_start3A_221 = tpu.memref_slice %arg10[%add3A_143, %dma_start3A_220] : memref<10240x64xf32, #tpu.memory_space<vmem_shared>> -> memref<128x64xf32, #tpu.memory_space<vmem_shared>>
      %dma_start3A_222 = arith.constant 0 : i32
      %dma_start3A_223 = tpu.memref_slice %arg10[%add3A_143, %dma_start3A_222] : memref<10240x64xf32, #tpu.memory_space<vmem_shared>> -> memref<128x64xf32, #tpu.memory_space<vmem_shared>>
      tpu.enqueue_dma source(%dma_start3A_223 : memref<128x64xf32, #tpu.memory_space<vmem_shared>>) target(%arg8 : memref<128x64xf32, #tpu.memory_space<vmem>>) target_semaphore(%run_scoped3A : memref<!tpu.dma_semaphore, #tpu.memory_space<semaphore_mem>>)
      %dma_wait3A_224 = arith.constant 0 : i32
      %dma_wait3A_225 = tpu.memref_slice %arg10[%add3A_143, %dma_wait3A_224] : memref<10240x64xf32, #tpu.memory_space<vmem_shared>> -> memref<128x64xf32, #tpu.memory_space<vmem_shared>>
      %dma_wait3A_226 = arith.constant 0 : i32
      %dma_wait3A_227 = tpu.memref_slice %arg10[%add3A_143, %dma_wait3A_226] : memref<10240x64xf32, #tpu.memory_space<vmem_shared>> -> memref<128x64xf32, #tpu.memory_space<vmem_shared>>
      tpu.wait_dma2 semaphore(%run_scoped3A : memref<!tpu.dma_semaphore, #tpu.memory_space<semaphore_mem>>) src(%dma_wait3A_227 : memref<128x64xf32, #tpu.memory_space<vmem_shared>>) dst(%arg8 : memref<128x64xf32, #tpu.memory_space<vmem>>)
      tpu.yield
    }) : () -> ()
    %dma_start3A_144 = arith.constant 0 : i32
    %dma_start3A_145 = tpu.memref_slice %arg5[%arg0, %add3A_143, %dma_start3A_144] : memref<2x10240x64xf32, #tpu.memory_space<hbm>> -> memref<1x128x64xf32, #tpu.memory_space<hbm>>
    %dma_start3A_146 = tpu.memref_squeeze %dma_start3A_145 : memref<1x128x64xf32, #tpu.memory_space<hbm>> -> memref<128x64xf32, #tpu.memory_space<hbm>>
    %dma_start3A_147 = arith.constant 0 : i32
    %dma_start3A_148 = tpu.memref_slice %arg5[%arg0, %add3A_143, %dma_start3A_147] : memref<2x10240x64xf32, #tpu.memory_space<hbm>> -> memref<1x128x64xf32, #tpu.memory_space<hbm>>
    %dma_start3A_149 = tpu.memref_squeeze %dma_start3A_148 : memref<1x128x64xf32, #tpu.memory_space<hbm>> -> memref<128x64xf32, #tpu.memory_space<hbm>>
    tpu.enqueue_dma source(%arg8 : memref<128x64xf32, #tpu.memory_space<vmem>>) target(%dma_start3A_149 : memref<128x64xf32, #tpu.memory_space<hbm>>) target_semaphore(%arg12 : memref<!tpu.dma_semaphore, #tpu.memory_space<semaphore_mem>>)
    %mul3A_150 = arith.constant 640 : i32
    %mul3A_151 = arith.muli %arg1, %mul3A_150 : i32
    %add3A_152 = arith.constant 128 : i32
    %add3A_153 = arith.addi %mul3A_151, %add3A_152 : i32
    "tpu.region"() ({
      %run_scoped3A = tpu.sem_alloc : memref<!tpu.dma_semaphore, #tpu.memory_space<semaphore_mem>>
      %dma_start3A_220 = arith.constant 0 : i32
      %dma_start3A_221 = tpu.memref_slice %arg10[%add3A_153, %dma_start3A_220] : memref<10240x64xf32, #tpu.memory_space<vmem_shared>> -> memref<128x64xf32, #tpu.memory_space<vmem_shared>>
      %dma_start3A_222 = arith.constant 0 : i32
      %dma_start3A_223 = tpu.memref_slice %arg10[%add3A_153, %dma_start3A_222] : memref<10240x64xf32, #tpu.memory_space<vmem_shared>> -> memref<128x64xf32, #tpu.memory_space<vmem_shared>>
      tpu.enqueue_dma source(%dma_start3A_223 : memref<128x64xf32, #tpu.memory_space<vmem_shared>>) target(%arg9 : memref<128x64xf32, #tpu.memory_space<vmem>>) target_semaphore(%run_scoped3A : memref<!tpu.dma_semaphore, #tpu.memory_space<semaphore_mem>>)
      %dma_wait3A_224 = arith.constant 0 : i32
      %dma_wait3A_225 = tpu.memref_slice %arg10[%add3A_153, %dma_wait3A_224] : memref<10240x64xf32, #tpu.memory_space<vmem_shared>> -> memref<128x64xf32, #tpu.memory_space<vmem_shared>>
      %dma_wait3A_226 = arith.constant 0 : i32
      %dma_wait3A_227 = tpu.memref_slice %arg10[%add3A_153, %dma_wait3A_226] : memref<10240x64xf32, #tpu.memory_space<vmem_shared>> -> memref<128x64xf32, #tpu.memory_space<vmem_shared>>
      tpu.wait_dma2 semaphore(%run_scoped3A : memref<!tpu.dma_semaphore, #tpu.memory_space<semaphore_mem>>) src(%dma_wait3A_227 : memref<128x64xf32, #tpu.memory_space<vmem_shared>>) dst(%arg9 : memref<128x64xf32, #tpu.memory_space<vmem>>)
      tpu.yield
    }) : () -> ()
    %dma_start3A_154 = arith.constant 0 : i32
    %dma_start3A_155 = tpu.memref_slice %arg5[%arg0, %add3A_153, %dma_start3A_154] : memref<2x10240x64xf32, #tpu.memory_space<hbm>> -> memref<1x128x64xf32, #tpu.memory_space<hbm>>
    %dma_start3A_156 = tpu.memref_squeeze %dma_start3A_155 : memref<1x128x64xf32, #tpu.memory_space<hbm>> -> memref<128x64xf32, #tpu.memory_space<hbm>>
    %dma_start3A_157 = arith.constant 0 : i32
    %dma_start3A_158 = tpu.memref_slice %arg5[%arg0, %add3A_153, %dma_start3A_157] : memref<2x10240x64xf32, #tpu.memory_space<hbm>> -> memref<1x128x64xf32, #tpu.memory_space<hbm>>
    %dma_start3A_159 = tpu.memref_squeeze %dma_start3A_158 : memref<1x128x64xf32, #tpu.memory_space<hbm>> -> memref<128x64xf32, #tpu.memory_space<hbm>>
    tpu.enqueue_dma source(%arg9 : memref<128x64xf32, #tpu.memory_space<vmem>>) target(%dma_start3A_159 : memref<128x64xf32, #tpu.memory_space<hbm>>) target_semaphore(%arg13 : memref<!tpu.dma_semaphore, #tpu.memory_space<semaphore_mem>>)
    %dma_wait3A_160 = arith.constant 0 : i32
    %dma_wait3A_161 = tpu.memref_slice %arg5[%arg0, %add3A_143, %dma_wait3A_160] : memref<2x10240x64xf32, #tpu.memory_space<hbm>> -> memref<1x128x64xf32, #tpu.memory_space<hbm>>
    %dma_wait3A_162 = tpu.memref_squeeze %dma_wait3A_161 : memref<1x128x64xf32, #tpu.memory_space<hbm>> -> memref<128x64xf32, #tpu.memory_space<hbm>>
    %dma_wait3A_163 = arith.constant 0 : i32
    %dma_wait3A_164 = tpu.memref_slice %arg5[%arg0, %add3A_143, %dma_wait3A_163] : memref<2x10240x64xf32, #tpu.memory_space<hbm>> -> memref<1x128x64xf32, #tpu.memory_space<hbm>>
    %dma_wait3A_165 = tpu.memref_squeeze %dma_wait3A_164 : memref<1x128x64xf32, #tpu.memory_space<hbm>> -> memref<128x64xf32, #tpu.memory_space<hbm>>
    tpu.wait_dma2 semaphore(%arg12 : memref<!tpu.dma_semaphore, #tpu.memory_space<semaphore_mem>>) src(%arg8 : memref<128x64xf32, #tpu.memory_space<vmem>>) dst(%dma_wait3A_165 : memref<128x64xf32, #tpu.memory_space<hbm>>)
    %mul3A_166 = arith.constant 640 : i32
    %mul3A_167 = arith.muli %arg1, %mul3A_166 : i32
    %add3A_168 = arith.constant 256 : i32
    %add3A_169 = arith.addi %mul3A_167, %add3A_168 : i32
    "tpu.region"() ({
      %run_scoped3A = tpu.sem_alloc : memref<!tpu.dma_semaphore, #tpu.memory_space<semaphore_mem>>
      %dma_start3A_220 = arith.constant 0 : i32
      %dma_start3A_221 = tpu.memref_slice %arg10[%add3A_169, %dma_start3A_220] : memref<10240x64xf32, #tpu.memory_space<vmem_shared>> -> memref<128x64xf32, #tpu.memory_space<vmem_shared>>
      %dma_start3A_222 = arith.constant 0 : i32
      %dma_start3A_223 = tpu.memref_slice %arg10[%add3A_169, %dma_start3A_222] : memref<10240x64xf32, #tpu.memory_space<vmem_shared>> -> memref<128x64xf32, #tpu.memory_space<vmem_shared>>
      tpu.enqueue_dma source(%dma_start3A_223 : memref<128x64xf32, #tpu.memory_space<vmem_shared>>) target(%arg8 : memref<128x64xf32, #tpu.memory_space<vmem>>) target_semaphore(%run_scoped3A : memref<!tpu.dma_semaphore, #tpu.memory_space<semaphore_mem>>)
      %dma_wait3A_224 = arith.constant 0 : i32
      %dma_wait3A_225 = tpu.memref_slice %arg10[%add3A_169, %dma_wait3A_224] : memref<10240x64xf32, #tpu.memory_space<vmem_shared>> -> memref<128x64xf32, #tpu.memory_space<vmem_shared>>
      %dma_wait3A_226 = arith.constant 0 : i32
      %dma_wait3A_227 = tpu.memref_slice %arg10[%add3A_169, %dma_wait3A_226] : memref<10240x64xf32, #tpu.memory_space<vmem_shared>> -> memref<128x64xf32, #tpu.memory_space<vmem_shared>>
      tpu.wait_dma2 semaphore(%run_scoped3A : memref<!tpu.dma_semaphore, #tpu.memory_space<semaphore_mem>>) src(%dma_wait3A_227 : memref<128x64xf32, #tpu.memory_space<vmem_shared>>) dst(%arg8 : memref<128x64xf32, #tpu.memory_space<vmem>>)
      tpu.yield
    }) : () -> ()
    %dma_start3A_170 = arith.constant 0 : i32
    %dma_start3A_171 = tpu.memref_slice %arg5[%arg0, %add3A_169, %dma_start3A_170] : memref<2x10240x64xf32, #tpu.memory_space<hbm>> -> memref<1x128x64xf32, #tpu.memory_space<hbm>>
    %dma_start3A_172 = tpu.memref_squeeze %dma_start3A_171 : memref<1x128x64xf32, #tpu.memory_space<hbm>> -> memref<128x64xf32, #tpu.memory_space<hbm>>
    %dma_start3A_173 = arith.constant 0 : i32
    %dma_start3A_174 = tpu.memref_slice %arg5[%arg0, %add3A_169, %dma_start3A_173] : memref<2x10240x64xf32, #tpu.memory_space<hbm>> -> memref<1x128x64xf32, #tpu.memory_space<hbm>>
    %dma_start3A_175 = tpu.memref_squeeze %dma_start3A_174 : memref<1x128x64xf32, #tpu.memory_space<hbm>> -> memref<128x64xf32, #tpu.memory_space<hbm>>
    tpu.enqueue_dma source(%arg8 : memref<128x64xf32, #tpu.memory_space<vmem>>) target(%dma_start3A_175 : memref<128x64xf32, #tpu.memory_space<hbm>>) target_semaphore(%arg12 : memref<!tpu.dma_semaphore, #tpu.memory_space<semaphore_mem>>)
    %dma_wait3A_176 = arith.constant 0 : i32
    %dma_wait3A_177 = tpu.memref_slice %arg5[%arg0, %add3A_153, %dma_wait3A_176] : memref<2x10240x64xf32, #tpu.memory_space<hbm>> -> memref<1x128x64xf32, #tpu.memory_space<hbm>>
    %dma_wait3A_178 = tpu.memref_squeeze %dma_wait3A_177 : memref<1x128x64xf32, #tpu.memory_space<hbm>> -> memref<128x64xf32, #tpu.memory_space<hbm>>
    %dma_wait3A_179 = arith.constant 0 : i32
    %dma_wait3A_180 = tpu.memref_slice %arg5[%arg0, %add3A_153, %dma_wait3A_179] : memref<2x10240x64xf32, #tpu.memory_space<hbm>> -> memref<1x128x64xf32, #tpu.memory_space<hbm>>
    %dma_wait3A_181 = tpu.memref_squeeze %dma_wait3A_180 : memref<1x128x64xf32, #tpu.memory_space<hbm>> -> memref<128x64xf32, #tpu.memory_space<hbm>>
    tpu.wait_dma2 semaphore(%arg13 : memref<!tpu.dma_semaphore, #tpu.memory_space<semaphore_mem>>) src(%arg9 : memref<128x64xf32, #tpu.memory_space<vmem>>) dst(%dma_wait3A_181 : memref<128x64xf32, #tpu.memory_space<hbm>>)
    %mul3A_182 = arith.constant 640 : i32
    %mul3A_183 = arith.muli %arg1, %mul3A_182 : i32
    %add3A_184 = arith.constant 384 : i32
    %add3A_185 = arith.addi %mul3A_183, %add3A_184 : i32
    "tpu.region"() ({
      %run_scoped3A = tpu.sem_alloc : memref<!tpu.dma_semaphore, #tpu.memory_space<semaphore_mem>>
      %dma_start3A_220 = arith.constant 0 : i32
      %dma_start3A_221 = tpu.memref_slice %arg10[%add3A_185, %dma_start3A_220] : memref<10240x64xf32, #tpu.memory_space<vmem_shared>> -> memref<128x64xf32, #tpu.memory_space<vmem_shared>>
      %dma_start3A_222 = arith.constant 0 : i32
      %dma_start3A_223 = tpu.memref_slice %arg10[%add3A_185, %dma_start3A_222] : memref<10240x64xf32, #tpu.memory_space<vmem_shared>> -> memref<128x64xf32, #tpu.memory_space<vmem_shared>>
      tpu.enqueue_dma source(%dma_start3A_223 : memref<128x64xf32, #tpu.memory_space<vmem_shared>>) target(%arg9 : memref<128x64xf32, #tpu.memory_space<vmem>>) target_semaphore(%run_scoped3A : memref<!tpu.dma_semaphore, #tpu.memory_space<semaphore_mem>>)
      %dma_wait3A_224 = arith.constant 0 : i32
      %dma_wait3A_225 = tpu.memref_slice %arg10[%add3A_185, %dma_wait3A_224] : memref<10240x64xf32, #tpu.memory_space<vmem_shared>> -> memref<128x64xf32, #tpu.memory_space<vmem_shared>>
      %dma_wait3A_226 = arith.constant 0 : i32
      %dma_wait3A_227 = tpu.memref_slice %arg10[%add3A_185, %dma_wait3A_226] : memref<10240x64xf32, #tpu.memory_space<vmem_shared>> -> memref<128x64xf32, #tpu.memory_space<vmem_shared>>
      tpu.wait_dma2 semaphore(%run_scoped3A : memref<!tpu.dma_semaphore, #tpu.memory_space<semaphore_mem>>) src(%dma_wait3A_227 : memref<128x64xf32, #tpu.memory_space<vmem_shared>>) dst(%arg9 : memref<128x64xf32, #tpu.memory_space<vmem>>)
      tpu.yield
    }) : () -> ()
    %dma_start3A_186 = arith.constant 0 : i32
    %dma_start3A_187 = tpu.memref_slice %arg5[%arg0, %add3A_185, %dma_start3A_186] : memref<2x10240x64xf32, #tpu.memory_space<hbm>> -> memref<1x128x64xf32, #tpu.memory_space<hbm>>
    %dma_start3A_188 = tpu.memref_squeeze %dma_start3A_187 : memref<1x128x64xf32, #tpu.memory_space<hbm>> -> memref<128x64xf32, #tpu.memory_space<hbm>>
    %dma_start3A_189 = arith.constant 0 : i32
    %dma_start3A_190 = tpu.memref_slice %arg5[%arg0, %add3A_185, %dma_start3A_189] : memref<2x10240x64xf32, #tpu.memory_space<hbm>> -> memref<1x128x64xf32, #tpu.memory_space<hbm>>
    %dma_start3A_191 = tpu.memref_squeeze %dma_start3A_190 : memref<1x128x64xf32, #tpu.memory_space<hbm>> -> memref<128x64xf32, #tpu.memory_space<hbm>>
    tpu.enqueue_dma source(%arg9 : memref<128x64xf32, #tpu.memory_space<vmem>>) target(%dma_start3A_191 : memref<128x64xf32, #tpu.memory_space<hbm>>) target_semaphore(%arg13 : memref<!tpu.dma_semaphore, #tpu.memory_space<semaphore_mem>>)
    %dma_wait3A_192 = arith.constant 0 : i32
    %dma_wait3A_193 = tpu.memref_slice %arg5[%arg0, %add3A_169, %dma_wait3A_192] : memref<2x10240x64xf32, #tpu.memory_space<hbm>> -> memref<1x128x64xf32, #tpu.memory_space<hbm>>
    %dma_wait3A_194 = tpu.memref_squeeze %dma_wait3A_193 : memref<1x128x64xf32, #tpu.memory_space<hbm>> -> memref<128x64xf32, #tpu.memory_space<hbm>>
    %dma_wait3A_195 = arith.constant 0 : i32
    %dma_wait3A_196 = tpu.memref_slice %arg5[%arg0, %add3A_169, %dma_wait3A_195] : memref<2x10240x64xf32, #tpu.memory_space<hbm>> -> memref<1x128x64xf32, #tpu.memory_space<hbm>>
    %dma_wait3A_197 = tpu.memref_squeeze %dma_wait3A_196 : memref<1x128x64xf32, #tpu.memory_space<hbm>> -> memref<128x64xf32, #tpu.memory_space<hbm>>
    tpu.wait_dma2 semaphore(%arg12 : memref<!tpu.dma_semaphore, #tpu.memory_space<semaphore_mem>>) src(%arg8 : memref<128x64xf32, #tpu.memory_space<vmem>>) dst(%dma_wait3A_197 : memref<128x64xf32, #tpu.memory_space<hbm>>)
    %mul3A_198 = arith.constant 640 : i32
    %mul3A_199 = arith.muli %arg1, %mul3A_198 : i32
    %add3A_200 = arith.constant 512 : i32
    %add3A_201 = arith.addi %mul3A_199, %add3A_200 : i32
    "tpu.region"() ({
      %run_scoped3A = tpu.sem_alloc : memref<!tpu.dma_semaphore, #tpu.memory_space<semaphore_mem>>
      %dma_start3A_220 = arith.constant 0 : i32
      %dma_start3A_221 = tpu.memref_slice %arg10[%add3A_201, %dma_start3A_220] : memref<10240x64xf32, #tpu.memory_space<vmem_shared>> -> memref<128x64xf32, #tpu.memory_space<vmem_shared>>
      %dma_start3A_222 = arith.constant 0 : i32
      %dma_start3A_223 = tpu.memref_slice %arg10[%add3A_201, %dma_start3A_222] : memref<10240x64xf32, #tpu.memory_space<vmem_shared>> -> memref<128x64xf32, #tpu.memory_space<vmem_shared>>
      tpu.enqueue_dma source(%dma_start3A_223 : memref<128x64xf32, #tpu.memory_space<vmem_shared>>) target(%arg8 : memref<128x64xf32, #tpu.memory_space<vmem>>) target_semaphore(%run_scoped3A : memref<!tpu.dma_semaphore, #tpu.memory_space<semaphore_mem>>)
      %dma_wait3A_224 = arith.constant 0 : i32
      %dma_wait3A_225 = tpu.memref_slice %arg10[%add3A_201, %dma_wait3A_224] : memref<10240x64xf32, #tpu.memory_space<vmem_shared>> -> memref<128x64xf32, #tpu.memory_space<vmem_shared>>
      %dma_wait3A_226 = arith.constant 0 : i32
      %dma_wait3A_227 = tpu.memref_slice %arg10[%add3A_201, %dma_wait3A_226] : memref<10240x64xf32, #tpu.memory_space<vmem_shared>> -> memref<128x64xf32, #tpu.memory_space<vmem_shared>>
      tpu.wait_dma2 semaphore(%run_scoped3A : memref<!tpu.dma_semaphore, #tpu.memory_space<semaphore_mem>>) src(%dma_wait3A_227 : memref<128x64xf32, #tpu.memory_space<vmem_shared>>) dst(%arg8 : memref<128x64xf32, #tpu.memory_space<vmem>>)
      tpu.yield
    }) : () -> ()
    %dma_start3A_202 = arith.constant 0 : i32
    %dma_start3A_203 = tpu.memref_slice %arg5[%arg0, %add3A_201, %dma_start3A_202] : memref<2x10240x64xf32, #tpu.memory_space<hbm>> -> memref<1x128x64xf32, #tpu.memory_space<hbm>>
    %dma_start3A_204 = tpu.memref_squeeze %dma_start3A_203 : memref<1x128x64xf32, #tpu.memory_space<hbm>> -> memref<128x64xf32, #tpu.memory_space<hbm>>
    %dma_start3A_205 = arith.constant 0 : i32
    %dma_start3A_206 = tpu.memref_slice %arg5[%arg0, %add3A_201, %dma_start3A_205] : memref<2x10240x64xf32, #tpu.memory_space<hbm>> -> memref<1x128x64xf32, #tpu.memory_space<hbm>>
    %dma_start3A_207 = tpu.memref_squeeze %dma_start3A_206 : memref<1x128x64xf32, #tpu.memory_space<hbm>> -> memref<128x64xf32, #tpu.memory_space<hbm>>
    tpu.enqueue_dma source(%arg8 : memref<128x64xf32, #tpu.memory_space<vmem>>) target(%dma_start3A_207 : memref<128x64xf32, #tpu.memory_space<hbm>>) target_semaphore(%arg12 : memref<!tpu.dma_semaphore, #tpu.memory_space<semaphore_mem>>)
    %dma_wait3A_208 = arith.constant 0 : i32
    %dma_wait3A_209 = tpu.memref_slice %arg5[%arg0, %add3A_185, %dma_wait3A_208] : memref<2x10240x64xf32, #tpu.memory_space<hbm>> -> memref<1x128x64xf32, #tpu.memory_space<hbm>>
    %dma_wait3A_210 = tpu.memref_squeeze %dma_wait3A_209 : memref<1x128x64xf32, #tpu.memory_space<hbm>> -> memref<128x64xf32, #tpu.memory_space<hbm>>
    %dma_wait3A_211 = arith.constant 0 : i32
    %dma_wait3A_212 = tpu.memref_slice %arg5[%arg0, %add3A_185, %dma_wait3A_211] : memref<2x10240x64xf32, #tpu.memory_space<hbm>> -> memref<1x128x64xf32, #tpu.memory_space<hbm>>
    %dma_wait3A_213 = tpu.memref_squeeze %dma_wait3A_212 : memref<1x128x64xf32, #tpu.memory_space<hbm>> -> memref<128x64xf32, #tpu.memory_space<hbm>>
    tpu.wait_dma2 semaphore(%arg13 : memref<!tpu.dma_semaphore, #tpu.memory_space<semaphore_mem>>) src(%arg9 : memref<128x64xf32, #tpu.memory_space<vmem>>) dst(%dma_wait3A_213 : memref<128x64xf32, #tpu.memory_space<hbm>>)
    %dma_wait3A_214 = arith.constant 0 : i32
    %dma_wait3A_215 = tpu.memref_slice %arg5[%arg0, %add3A_201, %dma_wait3A_214] : memref<2x10240x64xf32, #tpu.memory_space<hbm>> -> memref<1x128x64xf32, #tpu.memory_space<hbm>>
    %dma_wait3A_216 = tpu.memref_squeeze %dma_wait3A_215 : memref<1x128x64xf32, #tpu.memory_space<hbm>> -> memref<128x64xf32, #tpu.memory_space<hbm>>
    %dma_wait3A_217 = arith.constant 0 : i32
    %dma_wait3A_218 = tpu.memref_slice %arg5[%arg0, %add3A_201, %dma_wait3A_217] : memref<2x10240x64xf32, #tpu.memory_space<hbm>> -> memref<1x128x64xf32, #tpu.memory_space<hbm>>
    %dma_wait3A_219 = tpu.memref_squeeze %dma_wait3A_218 : memref<1x128x64xf32, #tpu.memory_space<hbm>> -> memref<128x64xf32, #tpu.memory_space<hbm>>
    tpu.wait_dma2 semaphore(%arg12 : memref<!tpu.dma_semaphore, #tpu.memory_space<semaphore_mem>>) src(%arg8 : memref<128x64xf32, #tpu.memory_space<vmem>>) dst(%dma_wait3A_219 : memref<128x64xf32, #tpu.memory_space<hbm>>)
    return
  }
}

module attributes {stable_mosaic.version = 14 : i64} {
  func.func @_tc1_body(%arg0: i32, %arg1: memref<1000x128xf32, #tpu.memory_space<vmem>>, %arg2: memref<2x1000x128xf32, #tpu.memory_space<vmem>>, %arg3: memref<2x1000x16xf32, #tpu.memory_space<vmem>>, %arg4: memref<128x128xf32, #tpu.memory_space<vmem>>, %arg5: memref<128x128xf32, #tpu.memory_space<vmem>>, %arg6: memref<1x128xf32, #tpu.memory_space<vmem>>, %arg7: memref<64x128xf32, #tpu.memory_space<vmem>>, %arg8: memref<64x128xf32, #tpu.memory_space<vmem>>, %arg9: memref<1x64xf32, #tpu.memory_space<vmem>>, %arg10: memref<64x64xf32, #tpu.memory_space<vmem>>, %arg11: memref<1x64xf32, #tpu.memory_space<vmem>>, %arg12: memref<1000x64xf32, #tpu.memory_space<vmem>>, %arg13: memref<1000x64xf32, #tpu.memory_space<vmem>>) attributes {dimension_semantics = [#tpu.dimension_semantics<arbitrary>], iteration_bounds = array<i64: 10>, scalar_prefetch = 0 : i64, scratch_operands = 0 : i64, tpu.core_type = #tpu.core_type<tc>, window_params = [{transform_indices = @transform_0, window_bounds = array<i64: 1000, 128>}, {transform_indices = @transform_1, window_bounds = array<i64: 2, 1000, 128>}, {transform_indices = @transform_2, window_bounds = array<i64: 2, 1000, 16>}, {pipeline_mode = #tpu.pipeline_mode<synchronous>, transform_indices = @transform_3, window_bounds = array<i64: 128, 128>}, {pipeline_mode = #tpu.pipeline_mode<synchronous>, transform_indices = @transform_4, window_bounds = array<i64: 128, 128>}, {pipeline_mode = #tpu.pipeline_mode<synchronous>, transform_indices = @transform_5, window_bounds = array<i64: 1, 128>}, {pipeline_mode = #tpu.pipeline_mode<synchronous>, transform_indices = @transform_6, window_bounds = array<i64: 64, 128>}, {pipeline_mode = #tpu.pipeline_mode<synchronous>, transform_indices = @transform_7, window_bounds = array<i64: 64, 128>}, {pipeline_mode = #tpu.pipeline_mode<synchronous>, transform_indices = @transform_8, window_bounds = array<i64: 1, 64>}, {pipeline_mode = #tpu.pipeline_mode<synchronous>, transform_indices = @transform_9, window_bounds = array<i64: 64, 64>}, {pipeline_mode = #tpu.pipeline_mode<synchronous>, transform_indices = @transform_10, window_bounds = array<i64: 1, 64>}, {transform_indices = @transform_11, window_bounds = array<i64: 1000, 64>}, {transform_indices = @transform_12, window_bounds = array<i64: 1000, 64>}]} {
    %get3A = arith.constant 0 : index
    %get3A_0 = arith.constant 0 : index
    %get3A_1 = vector.load %arg1[%get3A, %get3A_0] : memref<1000x128xf32, #tpu.memory_space<vmem>>, vector<1000x128xf32>
    %get3A_2 = arith.constant 0 : index
    %get3A_3 = arith.constant 0 : index
    %get3A_4 = arith.constant 0 : index
    %get3A_5 = vector.load %arg2[%get3A_2, %get3A_3, %get3A_4] : memref<2x1000x128xf32, #tpu.memory_space<vmem>>, vector<1x1000x128xf32>
    %get3A_6 = vector.shape_cast %get3A_5 : vector<1x1000x128xf32> to vector<1000x128xf32>
    %get3A_7 = arith.constant 1 : index
    %get3A_8 = arith.constant 0 : index
    %get3A_9 = arith.constant 0 : index
    %get3A_10 = vector.load %arg2[%get3A_7, %get3A_8, %get3A_9] : memref<2x1000x128xf32, #tpu.memory_space<vmem>>, vector<1x1000x128xf32>
    %get3A_11 = vector.shape_cast %get3A_10 : vector<1x1000x128xf32> to vector<1000x128xf32>
    %add3A = arith.addf %get3A_6, %get3A_11 : vector<1000x128xf32>
    %get3A_12 = arith.constant 0 : index
    %get3A_13 = arith.constant 0 : index
    %get3A_14 = arith.constant 0 : index
    %get3A_15 = vector.load %arg3[%get3A_12, %get3A_13, %get3A_14] : memref<2x1000x16xf32, #tpu.memory_space<vmem>>, vector<2x1000x16xf32>
    %slice3A = vector.extract_strided_slice %get3A_15 {offsets = [0, 0, 0], sizes = [1, 1000, 1], strides = [1, 1, 1]} : vector<2x1000x16xf32> to vector<1x1000x1xf32>
    %squeeze3A = vector.shape_cast %slice3A : vector<1x1000x1xf32> to vector<1000xf32>
    %slice3A_16 = vector.extract_strided_slice %get3A_15 {offsets = [1, 0, 0], sizes = [1, 1000, 1], strides = [1, 1, 1]} : vector<2x1000x16xf32> to vector<1x1000x1xf32>
    %squeeze3A_17 = vector.shape_cast %slice3A_16 : vector<1x1000x1xf32> to vector<1000xf32>
    %add3A_18 = arith.addf %squeeze3A, %squeeze3A_17 : vector<1000xf32>
    %max3A = arith.constant 1.000000e+00 : f32
    %max3A_19 = vector.broadcast %max3A : f32 to vector<1000xf32>
    %max3A_20 = arith.maximumf %add3A_18, %max3A_19 : vector<1000xf32>
    %div3A = arith.constant 1.000000e+00 : f32
    %div3A_21 = vector.broadcast %div3A : f32 to vector<1000xf32>
    %div3A_22 = arith.divf %div3A_21, %max3A_20 : vector<1000xf32>
    %broadcast_in_dim3A = vector.shape_cast %div3A_22 : vector<1000xf32> to vector<1000x1xf32>
    %mul3A = vector.broadcast %broadcast_in_dim3A : vector<1000x1xf32> to vector<1000x128xf32>
    %mul3A_23 = arith.mulf %add3A, %mul3A : vector<1000x128xf32>
    %get3A_24 = arith.constant 0 : index
    %get3A_25 = arith.constant 0 : index
    %get3A_26 = vector.load %arg4[%get3A_24, %get3A_25] : memref<128x128xf32, #tpu.memory_space<vmem>>, vector<128x128xf32>
    %dot_general3A = arith.constant dense<0.000000e+00> : vector<1000x128xf32>
    %dot_general3A_27 = tpu.matmul %get3A_1, %get3A_26, %dot_general3A {dimension_numbers = #tpu.dot_dimension_numbers<[1], [1], [0], [0], [0, 0, 1, 0], [], []>, transpose_lhs_hint = false} : vector<1000x128xf32>, vector<128x128xf32>, vector<1000x128xf32> -> vector<1000x128xf32>
    %get3A_28 = arith.constant 0 : index
    %get3A_29 = arith.constant 0 : index
    %get3A_30 = vector.load %arg5[%get3A_28, %get3A_29] : memref<128x128xf32, #tpu.memory_space<vmem>>, vector<128x128xf32>
    %dot_general3A_31 = arith.constant dense<0.000000e+00> : vector<1000x128xf32>
    %dot_general3A_32 = tpu.matmul %mul3A_23, %get3A_30, %dot_general3A_31 {dimension_numbers = #tpu.dot_dimension_numbers<[1], [1], [0], [0], [0, 0, 1, 0], [], []>, transpose_lhs_hint = false} : vector<1000x128xf32>, vector<128x128xf32>, vector<1000x128xf32> -> vector<1000x128xf32>
    %add3A_33 = arith.addf %dot_general3A_27, %dot_general3A_32 : vector<1000x128xf32>
    %get3A_34 = arith.constant 0 : index
    %get3A_35 = arith.constant 0 : index
    %get3A_36 = vector.load %arg6[%get3A_34, %get3A_35] : memref<1x128xf32, #tpu.memory_space<vmem>>, vector<1x128xf32>
    %add3A_37 = vector.broadcast %get3A_36 : vector<1x128xf32> to vector<1000x128xf32>
    %add3A_38 = arith.addf %add3A_33, %add3A_37 : vector<1000x128xf32>
    %max3A_39 = arith.constant 0.000000e+00 : f32
    %max3A_40 = vector.broadcast %max3A_39 : f32 to vector<1000x128xf32>
    %max3A_41 = arith.maximumf %add3A_38, %max3A_40 : vector<1000x128xf32>
    %get3A_42 = arith.constant 0 : index
    %get3A_43 = arith.constant 0 : index
    %get3A_44 = vector.load %arg10[%get3A_42, %get3A_43] : memref<64x64xf32, #tpu.memory_space<vmem>>, vector<64x64xf32>
    %get3A_45 = arith.constant 0 : index
    %get3A_46 = arith.constant 0 : index
    %get3A_47 = vector.load %arg8[%get3A_45, %get3A_46] : memref<64x128xf32, #tpu.memory_space<vmem>>, vector<64x128xf32>
    %dot_general3A_48 = arith.constant dense<0.000000e+00> : vector<64x128xf32>
    %dot_general3A_49 = tpu.matmul %get3A_44, %get3A_47, %dot_general3A_48 {dimension_numbers = #tpu.dot_dimension_numbers<[1], [0], [0], [1], [0, 0, 1, 1], [], []>, transpose_lhs_hint = false} : vector<64x64xf32>, vector<64x128xf32>, vector<64x128xf32> -> vector<64x128xf32>
    %get3A_50 = arith.constant 0 : index
    %get3A_51 = arith.constant 0 : index
    %get3A_52 = vector.load %arg7[%get3A_50, %get3A_51] : memref<64x128xf32, #tpu.memory_space<vmem>>, vector<64x128xf32>
    %dot_general3A_53 = arith.constant dense<0.000000e+00> : vector<64x128xf32>
    %dot_general3A_54 = tpu.matmul %get3A_44, %get3A_52, %dot_general3A_53 {dimension_numbers = #tpu.dot_dimension_numbers<[1], [0], [0], [1], [0, 0, 1, 1], [], []>, transpose_lhs_hint = false} : vector<64x64xf32>, vector<64x128xf32>, vector<64x128xf32> -> vector<64x128xf32>
    %get3A_55 = arith.constant 0 : index
    %get3A_56 = arith.constant 0 : index
    %get3A_57 = vector.load %arg9[%get3A_55, %get3A_56] : memref<1x64xf32, #tpu.memory_space<vmem>>, vector<1x64xf32>
    %dot_general3A_58 = arith.constant dense<0.000000e+00> : vector<1x64xf32>
    %dot_general3A_59 = tpu.matmul %get3A_57, %get3A_44, %dot_general3A_58 {dimension_numbers = #tpu.dot_dimension_numbers<[1], [1], [0], [0], [0, 0, 1, 0], [], []>, transpose_lhs_hint = false} : vector<1x64xf32>, vector<64x64xf32>, vector<1x64xf32> -> vector<1x64xf32>
    %get3A_60 = arith.constant 0 : index
    %get3A_61 = arith.constant 0 : index
    %get3A_62 = vector.load %arg11[%get3A_60, %get3A_61] : memref<1x64xf32, #tpu.memory_space<vmem>>, vector<1x64xf32>
    %add3A_63 = arith.addf %dot_general3A_59, %get3A_62 : vector<1x64xf32>
    %dot_general3A_64 = arith.constant dense<0.000000e+00> : vector<1000x64xf32>
    %dot_general3A_65 = tpu.matmul %max3A_41, %dot_general3A_49, %dot_general3A_64 {dimension_numbers = #tpu.dot_dimension_numbers<[1], [1], [0], [0], [0, 0, 1, 0], [], []>, transpose_lhs_hint = false} : vector<1000x128xf32>, vector<64x128xf32>, vector<1000x64xf32> -> vector<1000x64xf32>
    %swap3A = arith.constant 0 : index
    %swap3A_66 = arith.constant 0 : index
    %swap3A_67 = vector.load %arg12[%swap3A, %swap3A_66] : memref<1000x64xf32, #tpu.memory_space<vmem>>, vector<1000x64xf32>
    tpu.vector_store %arg12[%swap3A, %swap3A_66], %dot_general3A_65 {strides = array<i32>} : memref<1000x64xf32, #tpu.memory_space<vmem>>, vector<1000x64xf32>,
    %dot_general3A_68 = arith.constant dense<0.000000e+00> : vector<1000x64xf32>
    %dot_general3A_69 = tpu.matmul %max3A_41, %dot_general3A_54, %dot_general3A_68 {dimension_numbers = #tpu.dot_dimension_numbers<[1], [1], [0], [0], [0, 0, 1, 0], [], []>, transpose_lhs_hint = false} : vector<1000x128xf32>, vector<64x128xf32>, vector<1000x64xf32> -> vector<1000x64xf32>
    %add3A_70 = vector.broadcast %add3A_63 : vector<1x64xf32> to vector<1000x64xf32>
    %add3A_71 = arith.addf %dot_general3A_69, %add3A_70 : vector<1000x64xf32>
    %swap3A_72 = arith.constant 0 : index
    %swap3A_73 = arith.constant 0 : index
    %swap3A_74 = vector.load %arg13[%swap3A_72, %swap3A_73] : memref<1000x64xf32, #tpu.memory_space<vmem>>, vector<1000x64xf32>
    tpu.vector_store %arg13[%swap3A_72, %swap3A_73], %add3A_71 {strides = array<i32>} : memref<1000x64xf32, #tpu.memory_space<vmem>>, vector<1000x64xf32>,
    return
  }
  func.func @transform_0(%arg0: i32) -> (i32, i32) {
    %c0_i32 = arith.constant 0 : i32
    %c0_i32_0 = arith.constant 0 : i32
    return %arg0, %c0_i32 : i32, i32
  }
  func.func @transform_1(%arg0: i32) -> (i32, i32, i32) {
    %c0_i32 = arith.constant 0 : i32
    %c0_i32_0 = arith.constant 0 : i32
    %c0_i32_1 = arith.constant 0 : i32
    return %c0_i32, %arg0, %c0_i32_0 : i32, i32, i32
  }
  func.func @transform_2(%arg0: i32) -> (i32, i32, i32) {
    %c0_i32 = arith.constant 0 : i32
    %c0_i32_0 = arith.constant 0 : i32
    %c0_i32_1 = arith.constant 0 : i32
    return %c0_i32, %arg0, %c0_i32_0 : i32, i32, i32
  }
  func.func @transform_3(%arg0: i32) -> (i32, i32) {
    %c0_i32 = arith.constant 0 : i32
    %c0_i32_0 = arith.constant 0 : i32
    %c0_i32_1 = arith.constant 0 : i32
    return %c0_i32, %c0_i32_0 : i32, i32
  }
  func.func @transform_4(%arg0: i32) -> (i32, i32) {
    %c0_i32 = arith.constant 0 : i32
    %c0_i32_0 = arith.constant 0 : i32
    %c0_i32_1 = arith.constant 0 : i32
    return %c0_i32, %c0_i32_0 : i32, i32
  }
  func.func @transform_5(%arg0: i32) -> (i32, i32) {
    %c0_i32 = arith.constant 0 : i32
    %c0_i32_0 = arith.constant 0 : i32
    %c0_i32_1 = arith.constant 0 : i32
    return %c0_i32, %c0_i32_0 : i32, i32
  }
  func.func @transform_6(%arg0: i32) -> (i32, i32) {
    %c0_i32 = arith.constant 0 : i32
    %c0_i32_0 = arith.constant 0 : i32
    %c0_i32_1 = arith.constant 0 : i32
    return %c0_i32, %c0_i32_0 : i32, i32
  }
  func.func @transform_7(%arg0: i32) -> (i32, i32) {
    %c0_i32 = arith.constant 0 : i32
    %c0_i32_0 = arith.constant 0 : i32
    %c0_i32_1 = arith.constant 0 : i32
    return %c0_i32, %c0_i32_0 : i32, i32
  }
  func.func @transform_8(%arg0: i32) -> (i32, i32) {
    %c0_i32 = arith.constant 0 : i32
    %c0_i32_0 = arith.constant 0 : i32
    %c0_i32_1 = arith.constant 0 : i32
    return %c0_i32, %c0_i32_0 : i32, i32
  }
  func.func @transform_9(%arg0: i32) -> (i32, i32) {
    %c0_i32 = arith.constant 0 : i32
    %c0_i32_0 = arith.constant 0 : i32
    %c0_i32_1 = arith.constant 0 : i32
    return %c0_i32, %c0_i32_0 : i32, i32
  }
  func.func @transform_10(%arg0: i32) -> (i32, i32) {
    %c0_i32 = arith.constant 0 : i32
    %c0_i32_0 = arith.constant 0 : i32
    %c0_i32_1 = arith.constant 0 : i32
    return %c0_i32, %c0_i32_0 : i32, i32
  }
  func.func @transform_11(%arg0: i32) -> (i32, i32) {
    %c0_i32 = arith.constant 0 : i32
    %c0_i32_0 = arith.constant 0 : i32
    return %arg0, %c0_i32 : i32, i32
  }
  func.func @transform_12(%arg0: i32) -> (i32, i32) {
    %c0_i32 = arith.constant 0 : i32
    %c0_i32_0 = arith.constant 0 : i32
    return %arg0, %c0_i32 : i32, i32
  }
}

module attributes {stable_mosaic.version = 14 : i64} {
  func.func @_tc2_body(%arg0: i32, %arg1: memref<1000x64xf32, #tpu.memory_space<vmem>>, %arg2: memref<2x1000x64xf32, #tpu.memory_space<vmem>>, %arg3: memref<2x1000x16xf32, #tpu.memory_space<vmem>>, %arg4: memref<1000x64xf32, #tpu.memory_space<vmem>>) attributes {dimension_semantics = [#tpu.dimension_semantics<arbitrary>], iteration_bounds = array<i64: 10>, scalar_prefetch = 0 : i64, scratch_operands = 0 : i64, tpu.core_type = #tpu.core_type<tc>, window_params = [{transform_indices = @transform_0, window_bounds = array<i64: 1000, 64>}, {transform_indices = @transform_1, window_bounds = array<i64: 2, 1000, 64>}, {transform_indices = @transform_2, window_bounds = array<i64: 2, 1000, 16>}, {transform_indices = @transform_3, window_bounds = array<i64: 1000, 64>}]} {
    %get3A = arith.constant 0 : index
    %get3A_0 = arith.constant 0 : index
    %get3A_1 = arith.constant 0 : index
    %get3A_2 = vector.load %arg3[%get3A, %get3A_0, %get3A_1] : memref<2x1000x16xf32, #tpu.memory_space<vmem>>, vector<2x1000x16xf32>
    %slice3A = vector.extract_strided_slice %get3A_2 {offsets = [0, 0, 0], sizes = [1, 1000, 1], strides = [1, 1, 1]} : vector<2x1000x16xf32> to vector<1x1000x1xf32>
    %squeeze3A = vector.shape_cast %slice3A : vector<1x1000x1xf32> to vector<1000xf32>
    %slice3A_3 = vector.extract_strided_slice %get3A_2 {offsets = [1, 0, 0], sizes = [1, 1000, 1], strides = [1, 1, 1]} : vector<2x1000x16xf32> to vector<1x1000x1xf32>
    %squeeze3A_4 = vector.shape_cast %slice3A_3 : vector<1x1000x1xf32> to vector<1000xf32>
    %add3A = arith.addf %squeeze3A, %squeeze3A_4 : vector<1000xf32>
    %max3A = arith.constant 1.000000e+00 : f32
    %max3A_5 = vector.broadcast %max3A : f32 to vector<1000xf32>
    %max3A_6 = arith.maximumf %add3A, %max3A_5 : vector<1000xf32>
    %div3A = arith.constant 1.000000e+00 : f32
    %div3A_7 = vector.broadcast %div3A : f32 to vector<1000xf32>
    %div3A_8 = arith.divf %div3A_7, %max3A_6 : vector<1000xf32>
    %get3A_9 = arith.constant 0 : index
    %get3A_10 = arith.constant 0 : index
    %get3A_11 = arith.constant 0 : index
    %get3A_12 = vector.load %arg2[%get3A_9, %get3A_10, %get3A_11] : memref<2x1000x64xf32, #tpu.memory_space<vmem>>, vector<1x1000x64xf32>
    %get3A_13 = vector.shape_cast %get3A_12 : vector<1x1000x64xf32> to vector<1000x64xf32>
    %get3A_14 = arith.constant 1 : index
    %get3A_15 = arith.constant 0 : index
    %get3A_16 = arith.constant 0 : index
    %get3A_17 = vector.load %arg2[%get3A_14, %get3A_15, %get3A_16] : memref<2x1000x64xf32, #tpu.memory_space<vmem>>, vector<1x1000x64xf32>
    %get3A_18 = vector.shape_cast %get3A_17 : vector<1x1000x64xf32> to vector<1000x64xf32>
    %add3A_19 = arith.addf %get3A_13, %get3A_18 : vector<1000x64xf32>
    %get3A_20 = arith.constant 0 : index
    %get3A_21 = arith.constant 0 : index
    %get3A_22 = vector.load %arg1[%get3A_20, %get3A_21] : memref<1000x64xf32, #tpu.memory_space<vmem>>, vector<1000x64xf32>
    %broadcast_in_dim3A = vector.shape_cast %div3A_8 : vector<1000xf32> to vector<1000x1xf32>
    %mul3A = vector.broadcast %broadcast_in_dim3A : vector<1000x1xf32> to vector<1000x64xf32>
    %mul3A_23 = arith.mulf %add3A_19, %mul3A : vector<1000x64xf32>
    %add3A_24 = arith.addf %get3A_22, %mul3A_23 : vector<1000x64xf32>
    %swap3A = arith.constant 0 : index
    %swap3A_25 = arith.constant 0 : index
    %swap3A_26 = vector.load %arg4[%swap3A, %swap3A_25] : memref<1000x64xf32, #tpu.memory_space<vmem>>, vector<1000x64xf32>
    tpu.vector_store %arg4[%swap3A, %swap3A_25], %add3A_24 {strides = array<i32>} : memref<1000x64xf32, #tpu.memory_space<vmem>>, vector<1000x64xf32>,
    return
  }
  func.func @transform_0(%arg0: i32) -> (i32, i32) {
    %c0_i32 = arith.constant 0 : i32
    %c0_i32_0 = arith.constant 0 : i32
    return %arg0, %c0_i32 : i32, i32
  }
  func.func @transform_1(%arg0: i32) -> (i32, i32, i32) {
    %c0_i32 = arith.constant 0 : i32
    %c0_i32_0 = arith.constant 0 : i32
    %c0_i32_1 = arith.constant 0 : i32
    return %c0_i32, %arg0, %c0_i32_0 : i32, i32, i32
  }
  func.func @transform_2(%arg0: i32) -> (i32, i32, i32) {
    %c0_i32 = arith.constant 0 : i32
    %c0_i32_0 = arith.constant 0 : i32
    %c0_i32_1 = arith.constant 0 : i32
    return %c0_i32, %arg0, %c0_i32_0 : i32, i32, i32
  }
  func.func @transform_3(%arg0: i32) -> (i32, i32) {
    %c0_i32 = arith.constant 0 : i32
    %c0_i32_0 = arith.constant 0 : i32
    return %arg0, %c0_i32 : i32, i32
  }
}

</mosaic_0001>

<sc_bundles>
// kernel: kernel.6.cloned.1.call-start
scs
__scs_entry_jumppad:
0x0: {  	(pc) =	sbr.rel $0x88, $3  }
0x1: {  	(tag) =	ssettag $0x0;
	lr =	simm.s32 $0x1  }
0x2: {  	[smem:$0x3F97] =	sst lr;
	_ =	strace $0xD0000000  }
0x3: {  	_ = 	snop  }
0x4: {  	_ = 	snop  }
0x5: {  	_ = 	snop  }
0x6: {  	_ = 	snop  }
0x7: {  	_ = 	snop  }
__scs_overlays_trampoline_lowered:
0x8: {  	[smem:$0x3FA6] =	sst s0  }
0x9: {  	[smem:$0x3FA7] =	sst s1  }
0xa: {  	[smem:$0x3FA8] =	sst s2  }
0xb: {  	[smem:$0x3FA9] =	sst s3  }
0xc: {  	[smem:$0x3FAA] =	sst s4  }
0xd: {  	[smem:$0x3FAB] =	sst s5  }
0xe: {  	[smem:$0x3FAC] =	sst s6  }
0xf: {  	[smem:$0x3FAD] =	sst s7  }
0x10: {  	[smem:$0x3FAE] =	sst s8  }
0x11: {  	[smem:$0x3FAF] =	sst s9;
	s0 =	simm.s32 @!p0 $0x0  }
0x12: {  	s1 =	sld [smem:$0x3F95];
	s0 =	simm.s32 @p0 $0x1  }
0x13: {  	[smem:$0x3FB0] =	sst s0;
	s0 =	simm.s32 @!p1 $0x0  }
0x14: {  	s2 =	sld [smem:$0x3F94];
	s0 =	simm.s32 @p1 $0x1  }
0x15: {  	[smem:$0x3FB1] =	sst s0;
	s0 =	simm.s32 @!p2 $0x0  }
0x16: {  	s3 =	sld [smem:$0x3FDB];
	s0 =	simm.s32 @p2 $0x1  }
0x17: {  	s4 =	simm.s32 $0x1BF5;
	[smem:$0x3FB3] =	sst s0  }
0x18: {  	s0 =	sld [smem:$0x3F96];
	_ =	swait.ge [sflag:s4], $0x0  }
0x19: {  	s7 =	sld [smem:$0x3F97]  }
0x1a: {  	s8 =	sadd.s32 $0xFFFFE003, lr  }
0x1b: {  	s9 =	sadd.s32 $0xFFFFFEF7, lr;
	s5 =	simm.s32 $0xFFFFFFFF;
	p2 =	slt.u32 s8, $0xFFFFF086  }
0x1c: {  	p1 =	slt.u32 s9, $0xF7A;
	s5 =	simm.s32 @!p2 $0x0  }
0x1d: {  	s5 =	simm.s32 @p1 $0x1;
	p0 =	seq.s32 s7, s2  }
0x1e: {  	s7 =	smul.u32 @!p0 $0xF7A, s2;
	p2 =	seq.s32 @!p0 s5, $0x0  }
0x1f: {  	s9 =	smul.u32 $0xF7A, s1;
	s8 =	simm.s32 @!p0 $0x1BF5;
	p2 =	por !p2, p0  }
0x20: {  	[sflag:s8] =	ssyncset.s32 @!p0 $0xFFFFF086;
	s6 =	sadd.s32 @!p0 s3, s7;
	s7 =	simm.s32 @!p0 $0x108  }
0x21: {  	s3 =	sadd.s32 s3, s9;
	s6 =	sadd.s32 @!p0 $0x88, s6;
	s7 =	simm.s32 @p2 $0x1082  }
0x22: {  	[simem:s7], [sflag:s8] =	dma.local @!p0 [hbm:s6], $0xF7A  }
0x23: {  	s9 =	sor.u32 $0xD0000000, s2;
	s6 =	simm.s32 $0x108;
	_ =	swait.ge @!p0 [sflag:s8], $0x0  }
0x24: {  	s3 =	sadd.s32 $0x88, s3;
	s6 =	simm.s32 @!p1 $0x1082;
	[sflag:s4] =	ssyncset.s32 $0xFFFFF086  }
0x25: {  	[simem:s6], [sflag:s4] =	dma.local [hbm:s3], $0xF7A  }
0x26: {  	[smem:$0x3F97] =	sst s1;
	(tag) =	ssettag s2;
	_ =	strace s9  }
0x27: {  	s1 =	sld [smem:$0x3FA7]  }
0x28: {  	s2 =	sld [smem:$0x3FA8]  }
0x29: {  	s4 =	sld [smem:$0x3FAA]  }
0x2a: {  	p0 =	seq.s32 s5, $0x0;
	s5 =	sld [smem:$0x3FAB]  }
0x2b: {  	s6 =	sld [smem:$0x3FAC]  }
0x2c: {  	s7 =	sld [smem:$0x3FAD]  }
0x2d: {  	s3 =	simm.s32 $0x108;
	s8 =	sld [smem:$0x3FAE]  }
0x2e: {  	s3 =	simm.s32 @!p0 $0x1082;
	s9 =	sld [smem:$0x3FAF]  }
0x2f: {  	lr =	sadd.s32 s0, s3;
	s0 =	sld [smem:$0x3FA6]  }
0x30: {  	s3 =	sld [smem:$0x3FA9]  }
0x31: {  	[smem:$0x3FB2] =	sst s10  }
0x32: {  	s10 =	sld [smem:$0x3FB0];
	_ =	sdelay $0x3  }
0x33: {  	p0 =	seq.s32 s10, $0x1;
	s10 =	sld [smem:$0x3FB2];
	_ =	sdelay $0x3  }
0x34: {  	[smem:$0x3FB2] =	sst s10  }
0x35: {  	s10 =	sld [smem:$0x3FB1];
	_ =	sdelay $0x3  }
0x36: {  	p1 =	seq.s32 s10, $0x1;
	s10 =	sld [smem:$0x3FB2];
	_ =	sdelay $0x3  }
0x37: {  	[smem:$0x3FB2] =	sst s10  }
0x38: {  	s10 =	sld [smem:$0x3FB3]  }
0x39: {  	_ = 	snop;
	(pc) =	sbr.ind lr, $3  }
0x3a: {  	_ = 	snop  }
0x3b: {  	_ = 	snop  }
0x3c: {  	p2 =	seq.s32 s10, $0x1;
	s10 =	sld [smem:$0x3FB2]  }
0x3d: {  	_ =	shalt  }
0x3e: {  	_ =	shalt  }
0x3f: {  	_ =	shalt  }
0x40: {  	_ =	shalt  }
0x41: {  	_ =	shalt  }
0x42: {  	_ =	shalt  }
0x43: {  	_ =	shalt  }
0x44: {  	_ =	shalt  }
0x45: {  	_ =	shalt  }
0x46: {  	_ =	shalt  }
0x47: {  	_ =	shalt  }
0x48: {  	_ =	shalt  }
0x49: {  	_ =	shalt  }
0x4a: {  	_ =	shalt  }
0x4b: {  	_ =	shalt  }
0x4c: {  	_ =	shalt  }
0x4d: {  	_ =	shalt  }
0x4e: {  	_ =	shalt  }
0x4f: {  	_ =	shalt  }
0x50: {  	_ =	shalt  }
0x51: {  	_ =	shalt  }
0x52: {  	_ =	shalt  }
0x53: {  	_ =	shalt  }
0x54: {  	_ =	shalt  }
0x55: {  	_ =	shalt  }
0x56: {  	_ =	shalt  }
0x57: {  	_ =	shalt  }
0x58: {  	_ =	shalt  }
0x59: {  	_ =	shalt  }
0x5a: {  	_ =	shalt  }
0x5b: {  	_ =	shalt  }
0x5c: {  	_ =	shalt  }
0x5d: {  	_ =	shalt  }
0x5e: {  	_ =	shalt  }
0x5f: {  	_ =	shalt  }
0x60: {  	_ =	shalt  }
0x61: {  	_ =	shalt  }
0x62: {  	_ =	shalt  }
0x63: {  	_ =	shalt  }
0x64: {  	_ =	shalt  }
0x65: {  	_ =	shalt  }
0x66: {  	_ =	shalt  }
0x67: {  	_ =	shalt  }
0x68: {  	_ =	shalt  }
0x69: {  	_ =	shalt  }
0x6a: {  	_ =	shalt  }
0x6b: {  	_ =	shalt  }
0x6c: {  	_ =	shalt  }
0x6d: {  	_ =	shalt  }
0x6e: {  	_ =	shalt  }
0x6f: {  	_ =	shalt  }
0x70: {  	_ =	shalt  }
0x71: {  	_ =	shalt  }
0x72: {  	_ =	shalt  }
0x73: {  	_ =	shalt  }
0x74: {  	_ =	shalt  }
0x75: {  	_ =	shalt  }
0x76: {  	_ =	shalt  }
0x77: {  	_ =	shalt  }
0x78: {  	_ =	shalt  }
0x79: {  	_ =	shalt  }
0x7a: {  	_ =	shalt  }
0x7b: {  	_ =	shalt  }
0x7c: {  	_ =	shalt  }
0x7d: {  	_ =	shalt  }
0x7e: {  	_ =	shalt  }
0x7f: {  	_ =	shalt  }
0x80: {  	_ =	shalt  }
0x81: {  	_ =	shalt  }
0x82: {  	_ =	shalt  }
0x83: {  	_ =	shalt  }
0x84: {  	_ =	shalt  }
0x85: {  	_ =	shalt  }
0x86: {  	_ =	shalt  }
0x87: {  	_ =	shalt  }
.Lfunc_end0:
.L_simem_size_0:
called_computation_lowered:
.L_overlay_start_0:
0x88: {  	s2 =	sld [smem:$0x3FD9]  }
0x89: {  	s3 =	sld [smem:$0x3FFE];
	_ =	sdelay $0x1  }
0x8a: {  	s1 =	srdreg.scid  }
0x8b: {  	s0 =	sand.u32 $0x1, s1  }
0x8c: {  	s17 =	sshll.u32 s0, $0xA;
	s2 =	sadd.s32 s3, s2  }
0x8d: {  	s2 =	sadd.s32 s2, s17  }
0x8e: {  	[smem:$0x3FBE] =	sst s2  }
0x8f: {  	_ = 	snop  }
0x90: {  	s2 =	sld [smem:$0x3FC9]  }
0x91: {  	s18 =	sld [smem:$0x3FD0];
	(tm) =	ssettm $0x1  }
0x92: {  	s4 =	sld [smem:$0x3FFB];
	_ =	sdelay $0x3  }
0x93: {  	_ =	strace s4  }
0x94: {  	s4 =	sld [smem:$0x3FFC];
	_ =	sdelay $0x3  }
0x95: {  	_ =	strace s4  }
0x96: {  	s4 =	sld [smem:$0x3FFD];
	_ =	sdelay $0x3  }
0x97: {  	_ =	strace s4  }
0x98: {  	_ =	strace $0x8FFFFFFF  }
0x99: {  	s19 =	sld [smem:$0x3FDB];
	_ =	sdelay $0x1  }
0x9a: {  	s5 =	simm.s32 $_scs_section_size  }
0x9b: {  	s6 =	simm.s32 $_size__tile_overlayer_lowered;
	s7 =	simm.s32 $_tile_overlayer_lowered  }
0x9c: {  	s22 =	simm.s32 $0x1BFF;
	s21 =	sshll.u32 s7, $0x1;
	s4 =	sadd.s32 s5, s19  }
0x9d: {  	s8 =	simm.s32 $0x0;
	s20 =	sshll.u32 s6, $0x1;
	s6 =	sadd.s32 s21, s4  }
0x9e: {  	[timem:s8], [sflag:s22] =	dma.local [hbm:s6], s20  }
0x9f: {  	_ =	swait.ge [sflag:s22], s20  }
0xa0: {  	s5 =	ssub.s32 $0x0, s20;
	[sflag:s22] =	ssyncset.done $0x0  }
0xa1: {  	[sflag:s22] =	ssyncadd.s32 s5;
	_ =	sdelay $0x1  }
0xa2: {  	s23 =	simm.s32 $0x1B8B  }
0xa3: {  	_ =	swait.ge [sflag:s23], $0x1  }
0xa4: {  	[sflag:s23] =	ssyncset.done $0x0  }
0xa5: {  	s25 =	simm.s32 $0x1B8E;
	s24 =	sld [smem:$0x3FFE];
	[sflag:s23] =	ssyncadd.s32 $0xFFFFFFFF  }
0xa6: {  	s26 =	simm.s32 $execute0_lowered;
	[smem:$0x3FD2] =	sst s25  }
0xa7: {  	s6 =	sshll.u32 s26, $0x1;
	_ =	strace $0x80000046;
	[dreg:$0x1] =	wrdreg $0xFFFFFFFF  }
0xa8: {  	s28 =	simm.s32 $_size_execute0_lowered;
	s4 =	sadd.s32 s4, s6;
	[dreg:$0x0] =	wrdreg $0x0  }
0xa9: {  	s6 =	sshll.u32 s28, $0x1;
	[dreg:$0x2] =	wrdreg s4  }
0xaa: {  	[dreg:$0x3] =	wrdreg s6  }
0xab: {  	[dreg:$0x4] =	wrdreg $0xC0  }
0xac: {  	_ =	task [dreg:s8], $0x5FFFF  }
0xad: {  	[dreg:$0x1] =	wrdreg $0xFFFFFFFF  }
0xae: {  	[dreg:$0x0] =	wrdreg $0x60  }
0xaf: {  	[dreg:$0x2] =	wrdreg s2  }
0xb0: {  	[dreg:$0x3] =	wrdreg s18  }
0xb1: {  	[dreg:$0x4] =	wrdreg s24  }
0xb2: {  	[dreg:$0x5] =	wrdreg $0x88000  }
0xb3: {  	[dreg:$0x6] =	wrdreg $0x1D4000  }
0xb4: {  	[dreg:$0x7] =	wrdreg $0x9  }
0xb5: {  	_ =	task.clear_ibuf [dreg:s8], $0x8FFFF;
	_ =	strace $0x90000046  }
0xb6: {  	s29 =	simm.s32 $0x9;
	_ =	strace $0x80000048  }
0xb7: {  	_ =	swait.ge [sflag:s29], $0x1  }
0xb8: {  	[sflag:s29] =	ssyncadd.s32 $0xFFFFFFFF  }
0xb9: {  	_ =	strace $0x90000048  }
0xba: {  	_ =	sfence  }
0xbb: {  	s30 =	sld [smem:$0x0];
	_ =	sdelay $0x2  }
0xbc: {  	s31 =	sshll.u32 s1, $0xD;
	s1 =	sshrl.u32 s1, $0x2  }
0xbd: {  	s3 =	sand.u32 $0x4000, s31;
	s1 =	sadd.s32 s1, s30  }
0xbe: {  	s0 =	sor.u32 s3, s0;
	s1 =	sshll.u32 s1, $0x11  }
0xbf: {  	s0 =	sor.u32 s1, s0  }
0xc0: {  	s0 =	sadd.s32 $0x8F2B, s0  }
0xc1: {  	[sflag:s0] =	ssyncadd.remote.s32 $0x1  }
0xc2: {  	_ =	sfence.sel $0xFFFF  }
0xc3: {  	[dreg:$0x0] =	wrdreg $0xFFFFFFFF;
	(pc) =	sbr.abs _section_cstart, $3  }
0xc4: {  	[dreg:$0x1] =	wrdreg $0xFFFFFFFF  }
0xc5: {  	_ =	task.clear_ibuf [dreg:s8], $0x2FFFF;
	_ =	strace $0x9FFFFFFF  }
0xc6: {  	(tm) =	ssettm $0x7FFFFFFF  }
0xc7: {  	_ =	shalt  }
tec
execute0_lowered:
.L_overlay_start_1:
0x0: {  	(tag) =	ssettag $0x1  }
0x1: {  	s4 =	rddreg [dreg:$0x2];
	s23 =	stileid.u32  }
0x2: {  	s2 =	srdreg.scid;
	s1 =	simm.s32 $0x0;
	s0 =	smul.u32 $0x2800, s23  }
0x3: {  	s11 =	sand.u32 $0x1, s2;
	s10 =	smul.u32 $0x280, s23;
	[smem:$0x7FF] =	sst s1  }
0x4: {  	s5 =	smul.u32 $0x14000, s23;
	s12 =	sadd.s32 $0xCE00, s4;
	s7 =	sadd.s32 $0x2E00, s4  }
0x5: {  	s2 =	ssub.s32 $0x2, s11;
	s13 =	smul.u32 $0x140000, s11;
	p0 =	seq.s32 s11, $0x0  }
0x6: {  	s11 =	smul.u32 $0x28000, s11;
	s3 =	sshrl.u32 s2, $0x1;
	s14 =	sadd.s32 $0x80, s10  }
0x7: {  	s15 =	sadd.s32 $0x100, s10;
	s16 =	sadd.s32 $0x180, s10;
	s6 =	sadd.s32 s5, s13  }
0x8: {  	s19 =	sadd.s32 $0x200, s10;
	s28 =	sadd.s32 $0x1C00, s0;
	s8 =	sshrl.u32 s6, $0x3  }
0x9: {  	s10 =	sshll.u32 s19, $0x7;
	s6 =	sshll.u32 s14, $0x7;
	s8 =	sadd.s32 s12, s8  }
0xa: {  	s31 =	sadd.s32 s0, s11;
	s26 =	sadd.s32 s13, s6;
	[dreg:$0x6] =	wrdreg s8  }
0xb: {  	s9 =	sshrl.u32 s26, $0x3;
	s8 =	sshll.u32 s15, $0x7;
	s15 =	sshll.u32 s15, $0x4  }
0xc: {  	s9 =	sadd.s32 s12, s9;
	s17 =	sadd.s32 s13, s8;
	s25 =	sadd.s32 s11, s15  }
0xd: {  	[dreg:$0x7] =	wrdreg s9;
	s9 =	sshll.u32 s16, $0x7;
	s17 =	sshrl.u32 s17, $0x3  }
0xe: {  	s26 =	sshrl.u32 s25, $0x3;
	s18 =	sadd.s32 s13, s9;
	s17 =	sadd.s32 s12, s17  }
0xf: {  	s13 =	sadd.s32 s13, s10;
	s18 =	sshrl.u32 s18, $0x3;
	[dreg:$0x8] =	wrdreg s17  }
0x10: {  	s13 =	sshrl.u32 s13, $0x3;
	s30 =	sadd.s32 s12, s18;
	s18 =	sor.u32 $0x400, s0  }
0x11: {  	s12 =	sadd.s32 s12, s13;
	s13 =	sshrl.u32 s31, $0x3;
	[dreg:$0x9] =	wrdreg s30  }
0x12: {  	[dreg:$0xa] =	wrdreg s12;
	s17 =	sadd.s32 s11, s18;
	s12 =	sadd.s32 s7, s13  }
0x13: {  	s13 =	sshll.u32 s14, $0x4;
	s14 =	sadd.s32 $0xC00, s0;
	s20 =	sshrl.u32 s17, $0x3  }
0x14: {  	[dreg:$0xb] =	wrdreg s12;
	s21 =	sadd.s32 s11, s13;
	s12 =	sadd.s32 s7, s20  }
0x15: {  	s22 =	sadd.s32 s11, s14;
	[dreg:$0xc] =	wrdreg s12;
	s12 =	sshrl.u32 s21, $0x3  }
0x16: {  	s17 =	rddreg [dreg:$0x1];
	s24 =	sshrl.u32 s22, $0x3;
	s12 =	sadd.s32 s7, s12  }
0x17: {  	s22 =	sadd.s32 $0x1400, s0;
	[dreg:$0xd] =	wrdreg s12;
	s12 =	sadd.s32 s7, s24  }
0x18: {  	s30 =	sadd.s32 s11, s22;
	[dreg:$0xe] =	wrdreg s12;
	s12 =	sadd.s32 s7, s26  }
0x19: {  	s21 =	sadd.s32 s11, s28;
	[dreg:$0xf] =	wrdreg s12;
	s12 =	sshll.u32 s16, $0x4  }
0x1a: {  	s24 =	sshrl.u32 s21, $0x3;
	s16 =	sshrl.u32 s30, $0x3;
	s31 =	sadd.s32 s11, s12  }
0x1b: {  	s21 =	rddreg [dreg:$0x4];
	s16 =	sadd.s32 s7, s16;
	s20 =	sshrl.u32 s31, $0x3  }
0x1c: {  	s19 =	sshll.u32 s19, $0x4;
	[dreg:$0x10] =	wrdreg s16;
	s16 =	sadd.s32 s7, s20  }
0x1d: {  	s25 =	sadd.s32 s11, s19;
	[dreg:$0x11] =	wrdreg s16;
	s16 =	sadd.s32 s7, s24  }
0x1e: {  	s29 =	sadd.s32 $0x2400, s0;
	s20 =	sshrl.u32 s25, $0x3;
	[dreg:$0x12] =	wrdreg s16  }
0x1f: {  	s11 =	sadd.s32 s11, s29;
	s20 =	sadd.s32 s7, s20;
	s16 =	rddreg [dreg:$0x0]  }
0x20: {  	s3 =	ssub.s32 s2, s3;
	s11 =	sshrl.u32 s11, $0x3;
	[dreg:$0x13] =	wrdreg s20  }
0x21: {  	s2 =	sadd.s32 $0x28000, s0;
	s7 =	sadd.s32 s7, s11;
	s20 =	rddreg [dreg:$0x3]  }
0x22: {  	s2 =	smov.u32 @p0 s0;
	s0 =	sadd.s32 s0, s21;
	[dreg:$0x14] =	wrdreg s7  }
0x23: {  	s11 =	sadd.s32 s13, s21;
	_ =	strace $0x80000047;
	[dreg:$0x1a] =	wrdreg s0  }
0x24: {  	s13 =	sadd.s32 s14, s21;
	[dreg:$0x1c] =	wrdreg s11  }
0x25: {  	s26 =	smul.u32 $0xA000, s23;
	s14 =	sadd.s32 s15, s21;
	[dreg:$0x1d] =	wrdreg s13  }
0x26: {  	s30 =	sshrl.u32 s2, $0x3;
	s15 =	sadd.s32 s22, s21;
	[dreg:$0x1e] =	wrdreg s14  }
0x27: {  	s25 =	smul.u32 $0x50000, s23;
	s22 =	sadd.s32 s28, s21;
	[dreg:$0x1f] =	wrdreg s15  }
0x28: {  	s24 =	sadd.s32 s17, s30;
	s30 =	sadd.s32 s19, s21;
	[smem:$0x7EA] =	sst s22  }
0x29: {  	s23 =	sadd.s32 $0x2600, s4;
	s4 =	smax.u32 s3, $0x1;
	[smem:$0x7EB] =	sst s30  }
0x2a: {  	s5 =	sadd.s32 s5, s20;
	[smem:$0x7ED] =	sst s4  }
0x2b: {  	s7 =	sshrl.u32 s26, $0x2;
	s6 =	sadd.s32 s6, s20;
	[dreg:$0x15] =	wrdreg s5  }
0x2c: {  	s26 =	sadd.s32 s7, s21;
	s7 =	sadd.s32 s8, s20;
	[dreg:$0x16] =	wrdreg s6  }
0x2d: {  	s8 =	sadd.s32 s9, s20;
	[dreg:$0x17] =	wrdreg s7  }
0x2e: {  	s9 =	sadd.s32 s10, s20;
	[dreg:$0x18] =	wrdreg s8  }
0x2f: {  	s10 =	sadd.s32 s18, s21;
	[dreg:$0x19] =	wrdreg s9  }
0x30: {  	s31 =	sshrl.u32 s25, $0x2;
	s18 =	sadd.s32 s12, s21;
	[dreg:$0x1b] =	wrdreg s10  }
0x31: {  	s25 =	sadd.s32 s31, s20;
	s31 =	sadd.s32 s29, s21;
	[smem:$0x7E9] =	sst s18  }
0x32: {  	[smem:$0x7EC] =	sst s31;
	s5 =	sadd.s32 $0x9C40, s24  }
0x33: {  	s6 =	sadd.s32 $0x10, s24;
	[smem:$0x7EE] =	sst s5  }
0x34: {  	s7 =	sadd.s32 $0x9C50, s24;
	[smem:$0x7EF] =	sst s6  }
0x35: {  	s8 =	sadd.s32 $0x4000, s25;
	[smem:$0x7F0] =	sst s7  }
0x36: {  	s9 =	sadd.s32 $0x8000, s25;
	[smem:$0x7F1] =	sst s8  }
0x37: {  	s10 =	sadd.s32 $0xC000, s25;
	[smem:$0x7F2] =	sst s9  }
0x38: {  	s11 =	sadd.s32 $0x10000, s25;
	[smem:$0x7F3] =	sst s10  }
0x39: {  	s12 =	sadd.s32 $0x400, s26;
	[smem:$0x7F4] =	sst s11  }
0x3a: {  	s13 =	sadd.s32 $0x800, s26;
	[smem:$0x7F5] =	sst s12  }
0x3b: {  	s14 =	sadd.s32 $0xC00, s26;
	[smem:$0x7F6] =	sst s13  }
0x3c: {  	s15 =	sadd.s32 $0x1000, s26;
	[smem:$0x7F7] =	sst s14  }
0x3d: {  	s18 =	sadd.s32 $0x1400, s26;
	[smem:$0x7F8] =	sst s15  }
0x3e: {  	s19 =	sadd.s32 $0x1800, s26;
	[smem:$0x7F9] =	sst s18  }
0x3f: {  	s22 =	sadd.s32 $0x1C00, s26;
	[smem:$0x7FA] =	sst s19  }
0x40: {  	s28 =	simm.s32 $0x5;
	s30 =	sadd.s32 $0x2000, s26;
	[smem:$0x7FB] =	sst s22  }
.Ltmp0:
0x41: {  	s31 =	sadd.s32 $0x2400, s26;
	[smem:$0x7FC] =	sst s30;
	(pc) =	sbr.rel .LBB2_1-.Ltmp0, $4  }
0x42: {  	s29 =	simm.s32 $0x0;
	[smem:$0x7FD] =	sst s31;
	s8 =	simm.s32 $0x80  }
0x43: {  	s9 =	simm.s32 $0x800;
	s10 =	simm.s32 $0x6;
	s11 =	simm.s32 $0x1C800  }
0x44: {  	s12 =	simm.s32 $0x1;
	s13 =	simm.s32 $0x2;
	s14 =	simm.s32 $0x4800  }
0x45: {  	v0 =	vimm.f32 $0.0e+00;
	v1 =	vimm.f32 $1.000000000e+00;
	s15 =	simm.s32 $0x1CC00;
	s18 =	simm.s32 $0x3;
	s22 =	simm.s32 $0x4  }
.LBB2_14:
0x46: {  	_ =	swait.ge [sflag:s22], $0x800  }
0x47: {  	[sflag:s22] =	ssyncset.done $0x0  }
0x48: {  	[sflag:s22] =	ssyncadd.s32 $0xFFFFF800  }
0x49: {  	_ =	swait.ge [sflag:s28], $0x800  }
0x4a: {  	[sflag:s28] =	ssyncset.done $0x0  }
0x4b: {  	[sflag:s28] =	ssyncadd.s32 $0xFFFFF800  }
0x4c: {  	[bflag:$0x0] =	sbarrier.arrive $0xFFFF  }
0x4d: {  	s0 =	rddreg [dreg:$0x15]  }
0x4e: {  	[tilespmem:s9], [sflag:$0x6] =	stream.linear.gather [spmem:s0], $0x4000, $0x38;
	[tilespmem:$0x1FC00] =	vst v63  }
0x4f: {  	_ =	swait.ge [sflag:s10], $0x4000  }
0x50: {  	[sflag:s10] =	ssyncset.done $0x0  }
0x51: {  	s5 =	rddreg [dreg:$0x6];
	[sflag:s10] =	ssyncadd.s32 $0xFFFFC000  }
0x52: {  	[hbm4b:s5+s1] =	stream.linear.scatter [tilespmem:s9], [sflag:$0x2], $0x4000, $0x38;
	[tilespmem:$0x1FC00] =	vst v63  }
0x53: {  	s6 =	rddreg [dreg:$0x16]  }
0x54: {  	[tilespmem:s14], [sflag:$0x6] =	stream.linear.gather [spmem:s6], $0x4000, $0x38;
	[tilespmem:$0x1FC00] =	vst v63  }
0x55: {  	_ =	swait.ge [sflag:s10], $0x4000  }
0x56: {  	[sflag:s10] =	ssyncset.done $0x0  }
0x57: {  	s7 =	rddreg [dreg:$0x7];
	[sflag:s10] =	ssyncadd.s32 $0xFFFFC000  }
0x58: {  	[hbm4b:s7+s1] =	stream.linear.scatter [tilespmem:s14], [sflag:$0x3], $0x4000, $0x38;
	[tilespmem:$0x1FC00] =	vst v63  }
0x59: {  	_ =	swait.ge [sflag:s13], $0x4000  }
0x5a: {  	[sflag:s13] =	ssyncset.done $0x0  }
0x5b: {  	s19 =	rddreg [dreg:$0x17];
	[sflag:s13] =	ssyncadd.s32 $0xFFFFC000  }
0x5c: {  	[tilespmem:s9], [sflag:$0x6] =	stream.linear.gather [spmem:s19], $0x4000, $0x38;
	[tilespmem:$0x1FC00] =	vst v63  }
0x5d: {  	_ =	swait.ge [sflag:s10], $0x4000  }
0x5e: {  	[sflag:s10] =	ssyncset.done $0x0  }
0x5f: {  	s30 =	rddreg [dreg:$0x8];
	[sflag:s10] =	ssyncadd.s32 $0xFFFFC000  }
0x60: {  	[hbm4b:s30+s1] =	stream.linear.scatter [tilespmem:s9], [sflag:$0x2], $0x4000, $0x38;
	[tilespmem:$0x1FC00] =	vst v63  }
0x61: {  	_ =	swait.ge [sflag:s18], $0x4000  }
0x62: {  	[sflag:s18] =	ssyncset.done $0x0  }
0x63: {  	s31 =	rddreg [dreg:$0x18];
	[sflag:s18] =	ssyncadd.s32 $0xFFFFC000  }
0x64: {  	[tilespmem:s14], [sflag:$0x6] =	stream.linear.gather [spmem:s31], $0x4000, $0x38;
	[tilespmem:$0x1FC00] =	vst v63  }
0x65: {  	_ =	swait.ge [sflag:s10], $0x4000  }
0x66: {  	[sflag:s10] =	ssyncset.done $0x0  }
0x67: {  	s3 =	rddreg [dreg:$0x9];
	[sflag:s10] =	ssyncadd.s32 $0xFFFFC000  }
0x68: {  	[hbm4b:s3+s1] =	stream.linear.scatter [tilespmem:s14], [sflag:$0x3], $0x4000, $0x38;
	[tilespmem:$0x1FC00] =	vst v63  }
0x69: {  	_ =	swait.ge [sflag:s13], $0x4000  }
0x6a: {  	[sflag:s13] =	ssyncset.done $0x0  }
0x6b: {  	s4 =	rddreg [dreg:$0x19];
	[sflag:s13] =	ssyncadd.s32 $0xFFFFC000  }
0x6c: {  	[tilespmem:s9], [sflag:$0x6] =	stream.linear.gather [spmem:s4], $0x4000, $0x38;
	[tilespmem:$0x1FC00] =	vst v63  }
0x6d: {  	_ =	swait.ge [sflag:s10], $0x4000  }
0x6e: {  	[sflag:s10] =	ssyncset.done $0x0  }
0x6f: {  	s5 =	rddreg [dreg:$0xa];
	[sflag:s10] =	ssyncadd.s32 $0xFFFFC000  }
0x70: {  	[hbm4b:s5+s1] =	stream.linear.scatter [tilespmem:s9], [sflag:$0x2], $0x4000, $0x38;
	[tilespmem:$0x1FC00] =	vst v63  }
0x71: {  	_ =	swait.ge [sflag:s18], $0x4000  }
0x72: {  	[sflag:s18] =	ssyncset.done $0x0  }
0x73: {  	[sflag:s18] =	ssyncadd.s32 $0xFFFFC000  }
0x74: {  	_ =	swait.ge [sflag:s13], $0x4000  }
0x75: {  	[sflag:s13] =	ssyncset.done $0x0  }
0x76: {  	s6 =	rddreg [dreg:$0x1a];
	[sflag:s13] =	ssyncadd.s32 $0xFFFFC000  }
0x77: {  	[tilespmem:s11], [sflag:$0x6] =	stream.linear.gather [spmem:s6], $0x400, $0x38;
	[tilespmem:$0x1FC00] =	vst v63  }
0x78: {  	_ =	swait.ge [sflag:s10], $0x400  }
0x79: {  	[sflag:s10] =	ssyncset.done $0x0  }
0x7a: {  	s7 =	rddreg [dreg:$0xb];
	[sflag:s10] =	ssyncadd.s32 $0xFFFFFC00  }
0x7b: {  	[hbm4b:s7+s1] =	stream.linear.scatter [tilespmem:s11], [sflag:$0x6], $0x400, $0x38;
	[tilespmem:$0x1FC00] =	vst v63  }
0x7c: {  	_ =	swait.ge [sflag:s10], $0x400  }
0x7d: {  	[sflag:s10] =	ssyncset.done $0x0  }
0x7e: {  	s19 =	rddreg [dreg:$0x1b];
	[sflag:s10] =	ssyncadd.s32 $0xFFFFFC00  }
0x7f: {  	[tilespmem:s11], [sflag:$0x6] =	stream.linear.gather [spmem:s19], $0x400, $0x38;
	[tilespmem:$0x1FC00] =	vst v63  }
0x80: {  	_ =	swait.ge [sflag:s10], $0x400  }
0x81: {  	[sflag:s10] =	ssyncset.done $0x0  }
0x82: {  	s30 =	rddreg [dreg:$0xc];
	[sflag:s10] =	ssyncadd.s32 $0xFFFFFC00  }
0x83: {  	[hbm4b:s30+s1] =	stream.linear.scatter [tilespmem:s11], [sflag:$0x6], $0x400, $0x38;
	[tilespmem:$0x1FC00] =	vst v63  }
0x84: {  	_ =	swait.ge [sflag:s10], $0x400  }
0x85: {  	[sflag:s10] =	ssyncset.done $0x0  }
0x86: {  	s31 =	rddreg [dreg:$0x1c];
	[sflag:s10] =	ssyncadd.s32 $0xFFFFFC00  }
0x87: {  	[tilespmem:s11], [sflag:$0x6] =	stream.linear.gather [spmem:s31], $0x400, $0x38;
	[tilespmem:$0x1FC00] =	vst v63  }
0x88: {  	_ =	swait.ge [sflag:s10], $0x400  }
0x89: {  	[sflag:s10] =	ssyncset.done $0x0  }
0x8a: {  	s3 =	rddreg [dreg:$0xd];
	[sflag:s10] =	ssyncadd.s32 $0xFFFFFC00  }
0x8b: {  	[hbm4b:s3+s1] =	stream.linear.scatter [tilespmem:s11], [sflag:$0x6], $0x400, $0x38;
	[tilespmem:$0x1FC00] =	vst v63  }
0x8c: {  	_ =	swait.ge [sflag:s10], $0x400  }
0x8d: {  	[sflag:s10] =	ssyncset.done $0x0  }
0x8e: {  	s4 =	rddreg [dreg:$0x1d];
	[sflag:s10] =	ssyncadd.s32 $0xFFFFFC00  }
0x8f: {  	[tilespmem:s11], [sflag:$0x6] =	stream.linear.gather [spmem:s4], $0x400, $0x38;
	[tilespmem:$0x1FC00] =	vst v63  }
0x90: {  	_ =	swait.ge [sflag:s10], $0x400  }
0x91: {  	[sflag:s10] =	ssyncset.done $0x0  }
0x92: {  	s5 =	rddreg [dreg:$0xe];
	[sflag:s10] =	ssyncadd.s32 $0xFFFFFC00  }
0x93: {  	[hbm4b:s5+s1] =	stream.linear.scatter [tilespmem:s11], [sflag:$0x6], $0x400, $0x38;
	[tilespmem:$0x1FC00] =	vst v63  }
0x94: {  	_ =	swait.ge [sflag:s10], $0x400  }
0x95: {  	[sflag:s10] =	ssyncset.done $0x0  }
0x96: {  	s6 =	rddreg [dreg:$0x1e];
	[sflag:s10] =	ssyncadd.s32 $0xFFFFFC00  }
0x97: {  	[tilespmem:s11], [sflag:$0x6] =	stream.linear.gather [spmem:s6], $0x400, $0x38;
	[tilespmem:$0x1FC00] =	vst v63  }
0x98: {  	_ =	swait.ge [sflag:s10], $0x400  }
0x99: {  	[sflag:s10] =	ssyncset.done $0x0  }
0x9a: {  	s7 =	rddreg [dreg:$0xf];
	[sflag:s10] =	ssyncadd.s32 $0xFFFFFC00  }
0x9b: {  	[hbm4b:s7+s1] =	stream.linear.scatter [tilespmem:s11], [sflag:$0x6], $0x400, $0x38;
	[tilespmem:$0x1FC00] =	vst v63  }
0x9c: {  	_ =	swait.ge [sflag:s10], $0x400  }
0x9d: {  	[sflag:s10] =	ssyncset.done $0x0  }
0x9e: {  	s19 =	rddreg [dreg:$0x1f];
	[sflag:s10] =	ssyncadd.s32 $0xFFFFFC00  }
0x9f: {  	[tilespmem:s11], [sflag:$0x6] =	stream.linear.gather [spmem:s19], $0x400, $0x38;
	[tilespmem:$0x1FC00] =	vst v63  }
0xa0: {  	_ =	swait.ge [sflag:s10], $0x400  }
0xa1: {  	[sflag:s10] =	ssyncset.done $0x0  }
0xa2: {  	s30 =	rddreg [dreg:$0x10];
	[sflag:s10] =	ssyncadd.s32 $0xFFFFFC00  }
0xa3: {  	[hbm4b:s30+s1] =	stream.linear.scatter [tilespmem:s11], [sflag:$0x6], $0x400, $0x38;
	[tilespmem:$0x1FC00] =	vst v63  }
0xa4: {  	_ =	swait.ge [sflag:s10], $0x400  }
0xa5: {  	s31 =	sld [smem:$0x7E9]  }
0xa6: {  	[sflag:s10] =	ssyncset.done $0x0  }
0xa7: {  	[sflag:s10] =	ssyncadd.s32 $0xFFFFFC00  }
0xa8: {  	[tilespmem:s11], [sflag:$0x6] =	stream.linear.gather [spmem:s31], $0x400, $0x38;
	[tilespmem:$0x1FC00] =	vst v63  }
0xa9: {  	_ =	swait.ge [sflag:s10], $0x400  }
0xaa: {  	[sflag:s10] =	ssyncset.done $0x0  }
0xab: {  	s3 =	rddreg [dreg:$0x11];
	[sflag:s10] =	ssyncadd.s32 $0xFFFFFC00  }
0xac: {  	[hbm4b:s3+s1] =	stream.linear.scatter [tilespmem:s11], [sflag:$0x6], $0x400, $0x38;
	[tilespmem:$0x1FC00] =	vst v63  }
0xad: {  	_ =	swait.ge [sflag:s10], $0x400  }
0xae: {  	s4 =	sld [smem:$0x7EA]  }
0xaf: {  	[sflag:s10] =	ssyncset.done $0x0  }
0xb0: {  	[sflag:s10] =	ssyncadd.s32 $0xFFFFFC00  }
0xb1: {  	[tilespmem:s11], [sflag:$0x6] =	stream.linear.gather [spmem:s4], $0x400, $0x38;
	[tilespmem:$0x1FC00] =	vst v63  }
0xb2: {  	_ =	swait.ge [sflag:s10], $0x400  }
0xb3: {  	[sflag:s10] =	ssyncset.done $0x0  }
0xb4: {  	s5 =	rddreg [dreg:$0x12];
	[sflag:s10] =	ssyncadd.s32 $0xFFFFFC00  }
0xb5: {  	[hbm4b:s5+s1] =	stream.linear.scatter [tilespmem:s11], [sflag:$0x6], $0x400, $0x38;
	[tilespmem:$0x1FC00] =	vst v63  }
0xb6: {  	_ =	swait.ge [sflag:s10], $0x400  }
0xb7: {  	s6 =	sld [smem:$0x7EB]  }
0xb8: {  	[sflag:s10] =	ssyncset.done $0x0  }
0xb9: {  	[sflag:s10] =	ssyncadd.s32 $0xFFFFFC00  }
0xba: {  	[tilespmem:s11], [sflag:$0x6] =	stream.linear.gather [spmem:s6], $0x400, $0x38;
	[tilespmem:$0x1FC00] =	vst v63  }
0xbb: {  	_ =	swait.ge [sflag:s10], $0x400  }
0xbc: {  	[sflag:s10] =	ssyncset.done $0x0  }
0xbd: {  	s7 =	rddreg [dreg:$0x13];
	[sflag:s10] =	ssyncadd.s32 $0xFFFFFC00  }
0xbe: {  	[hbm4b:s7+s1] =	stream.linear.scatter [tilespmem:s11], [sflag:$0x6], $0x400, $0x38;
	[tilespmem:$0x1FC00] =	vst v63  }
0xbf: {  	_ =	swait.ge [sflag:s10], $0x400  }
0xc0: {  	s19 =	sld [smem:$0x7EC]  }
0xc1: {  	[sflag:s10] =	ssyncset.done $0x0  }
0xc2: {  	[sflag:s10] =	ssyncadd.s32 $0xFFFFFC00  }
0xc3: {  	[tilespmem:s11], [sflag:$0x6] =	stream.linear.gather [spmem:s19], $0x400, $0x38;
	[tilespmem:$0x1FC00] =	vst v63  }
0xc4: {  	_ =	swait.ge [sflag:s10], $0x400  }
0xc5: {  	[sflag:s10] =	ssyncset.done $0x0  }
0xc6: {  	s30 =	rddreg [dreg:$0x14];
	[sflag:s10] =	ssyncadd.s32 $0xFFFFFC00  }
0xc7: {  	[hbm4b:s30+s1] =	stream.linear.scatter [tilespmem:s11], [sflag:$0x6], $0x400, $0x38;
	[tilespmem:$0x1FC00] =	vst v63  }
0xc8: {  	_ =	swait.ge [sflag:s10], $0x400  }
0xc9: {  	s31 =	sld [smem:$0x7ED];
	_ =	sdelay $0x1  }
0xca: {  	s29 =	sadd.s32 $0x1, s29  }
0xcb: {  	p0 =	sne.s32 s29, s31  }
.Ltmp1:
0xcc: {  	_ = 	snop;
	(pc) =	sbr.rel @!p0 .LBB2_15-.Ltmp1, $3  }
0xcd: {  	_ =	sdelay $0x1  }
0xce: {  	[sflag:s10] =	ssyncset.done $0x0  }
0xcf: {  	[sflag:s10] =	ssyncadd.s32 $0xFFFFFC00  }
.LBB2_1:
0xd0: {  	s0 =	sld [smem:$0x7EE]  }
0xd1: {  	[tilespmem:s1], [sflag:$0x1] =	stream.linear.gather [hbm4b:s24+s1], $0x80, $0x38;
	[tilespmem:$0x1FC00] =	vst v63  }
0xd2: {  	s3 =	simm.s32 $0x400;
	s7 =	sld [smem:$0x7EF]  }
0xd3: {  	[tilespmem:s3], [sflag:$0x1] =	stream.linear.gather [hbm4b:s0+s1], $0x80, $0x38;
	[tilespmem:$0x1FC00] =	vst v63  }
0xd4: {  	s19 =	sld [smem:$0x7F0]  }
0xd5: {  	[tilespmem:s8], [sflag:$0x1] =	stream.linear.gather [hbm4b:s7+s1], $0x80, $0x38;
	[tilespmem:$0x1FC00] =	vst v63  }
0xd6: {  	s31 =	simm.s32 $0x480  }
0xd7: {  	[tilespmem:s31], [sflag:$0x1] =	stream.linear.gather [hbm4b:s19+s1], $0x80, $0x38;
	[tilespmem:$0x1FC00] =	vst v63  }
0xd8: {  	s30 =	simm.s32 $0x200;
	s19 =	simm.s32 $0x0  }
.LBB2_2:
0xd9: {  	p0 =	sne.s32 s30, $0xFE00;
	[tilespmem:s19+$0x870] =	vst v0  }
0xda: {  	[tilespmem:s19+$0x800] =	vst v0  }
0xdb: {  	[tilespmem:s19+$0x810] =	vst v0  }
.Ltmp2:
0xdc: {  	[tilespmem:s19+$0x820] =	vst v0;
	(pc) =	sbr.rel @p0 .LBB2_2-.Ltmp2, $4  }
0xdd: {  	[tilespmem:s19+$0x830] =	vst v0  }
0xde: {  	[tilespmem:s19+$0x840] =	vst v0  }
0xdf: {  	[tilespmem:s19+$0x850] =	vst v0  }
0xe0: {  	[tilespmem:s19+$0x860] =	vst v0;
	s19 =	sshra.s32 s30, $0x2;
	s30 =	sadd.s32 $0x200, s30  }
0xe1: {  	[tilespmem:s19+$0x870] =	vst v0  }
0xe2: {  	[tilespmem:s19+$0x800] =	vst v0  }
0xe3: {  	[tilespmem:s19+$0x810] =	vst v0  }
0xe4: {  	[tilespmem:s19+$0x820] =	vst v0  }
0xe5: {  	[tilespmem:s19+$0x830] =	vst v0  }
0xe6: {  	[tilespmem:s19+$0x840] =	vst v0  }
0xe7: {  	[tilespmem:s19+$0x850] =	vst v0  }
0xe8: {  	[tilespmem:s19+$0x860] =	vst v0  }
0xe9: {  	[spmem:s25] =	stream.linear.scatter [tilespmem:s9], [sflag:$0x6], $0x4000, $0x38;
	[tilespmem:$0x1FC00] =	vst v63  }
0xea: {  	_ =	swait.ge [sflag:s10], $0x4000  }
0xeb: {  	s0 =	sld [smem:$0x7F1]  }
0xec: {  	[sflag:s10] =	ssyncset.done $0x0  }
0xed: {  	[sflag:s10] =	ssyncadd.s32 $0xFFFFC000  }
0xee: {  	[spmem:s0] =	stream.linear.scatter [tilespmem:s9], [sflag:$0x6], $0x4000, $0x38;
	[tilespmem:$0x1FC00] =	vst v63  }
0xef: {  	_ =	swait.ge [sflag:s10], $0x4000  }
0xf0: {  	s19 =	sld [smem:$0x7F2]  }
0xf1: {  	[sflag:s10] =	ssyncset.done $0x0  }
0xf2: {  	[sflag:s10] =	ssyncadd.s32 $0xFFFFC000  }
0xf3: {  	[spmem:s19] =	stream.linear.scatter [tilespmem:s9], [sflag:$0x6], $0x4000, $0x38;
	[tilespmem:$0x1FC00] =	vst v63  }
0xf4: {  	_ =	swait.ge [sflag:s10], $0x4000  }
0xf5: {  	s30 =	sld [smem:$0x7F3]  }
0xf6: {  	[sflag:s10] =	ssyncset.done $0x0  }
0xf7: {  	[sflag:s10] =	ssyncadd.s32 $0xFFFFC000  }
0xf8: {  	[spmem:s30] =	stream.linear.scatter [tilespmem:s9], [sflag:$0x6], $0x4000, $0x38;
	[tilespmem:$0x1FC00] =	vst v63  }
0xf9: {  	_ =	swait.ge [sflag:s10], $0x4000  }
0xfa: {  	s31 =	sld [smem:$0x7F4]  }
0xfb: {  	[sflag:s10] =	ssyncset.done $0x0  }
0xfc: {  	[sflag:s10] =	ssyncadd.s32 $0xFFFFC000  }
0xfd: {  	[spmem:s31] =	stream.linear.scatter [tilespmem:s9], [sflag:$0x6], $0x4000, $0x38;
	[tilespmem:$0x1FC00] =	vst v63  }
0xfe: {  	_ =	swait.ge [sflag:s10], $0x4000  }
0xff: {  	[sflag:s10] =	ssyncset.done $0x0  }
0x100: {  	s0 =	simm.s32 $0x0;
	s19 =	simm.s32 $0x40;
	[sflag:s10] =	ssyncadd.s32 $0xFFFFC000  }
.LBB2_4:
0x101: {  	p0 =	seq.s32 s19, $0xFC0;
	[tilespmem:s0+$0x1C800] =	vst v0;
	s0 =	smov.u32 s19;
	s19 =	sadd.s32 $0x40, s19  }
.Ltmp3:
0x102: {  	(pc) =	sbr.rel @!p0 .LBB2_4-.Ltmp3, $2  }
0x103: {  	_ =	sdelay $0x2  }
0x104: {  	s0 =	sshra.s32 s0, $0x2  }
0x105: {  	[tilespmem:s0+$0x1C800] =	vst v0;
	s19 =	simm.s32 $0x40;
	s0 =	simm.s32 $0x0  }
.LBB2_6:
0x106: {  	p0 =	seq.s32 s19, $0x1FC0;
	[tilespmem:s0+$0x1CC00] =	vst v1;
	s0 =	smov.u32 s19;
	s19 =	sadd.s32 $0x40, s19  }
.Ltmp4:
0x107: {  	(pc) =	sbr.rel @!p0 .LBB2_6-.Ltmp4, $2  }
0x108: {  	_ =	sdelay $0x2  }
0x109: {  	s0 =	sshra.s32 s0, $0x2  }
0x10a: {  	[tilespmem:s0+$0x1CC00] =	vst v1  }
0x10b: {  	[spmem:s26] =	stream.linear.scatter [tilespmem:s11], [sflag:$0x6], $0x400, $0x38;
	[tilespmem:$0x1FC00] =	vst v63  }
0x10c: {  	_ =	swait.ge [sflag:s10], $0x400  }
0x10d: {  	s6 =	sld [smem:$0x7F5]  }
0x10e: {  	[sflag:s10] =	ssyncset.done $0x0  }
0x10f: {  	[sflag:s10] =	ssyncadd.s32 $0xFFFFFC00  }
0x110: {  	[spmem:s6] =	stream.linear.scatter [tilespmem:s11], [sflag:$0x6], $0x400, $0x38;
	[tilespmem:$0x1FC00] =	vst v63  }
0x111: {  	_ =	swait.ge [sflag:s10], $0x400  }
0x112: {  	s7 =	sld [smem:$0x7F6]  }
0x113: {  	[sflag:s10] =	ssyncset.done $0x0  }
0x114: {  	[sflag:s10] =	ssyncadd.s32 $0xFFFFFC00  }
0x115: {  	[spmem:s7] =	stream.linear.scatter [tilespmem:s11], [sflag:$0x6], $0x400, $0x38;
	[tilespmem:$0x1FC00] =	vst v63  }
0x116: {  	_ =	swait.ge [sflag:s10], $0x400  }
0x117: {  	s19 =	sld [smem:$0x7F7]  }
0x118: {  	[sflag:s10] =	ssyncset.done $0x0  }
0x119: {  	[sflag:s10] =	ssyncadd.s32 $0xFFFFFC00  }
0x11a: {  	[spmem:s19] =	stream.linear.scatter [tilespmem:s11], [sflag:$0x6], $0x400, $0x38;
	[tilespmem:$0x1FC00] =	vst v63  }
0x11b: {  	_ =	swait.ge [sflag:s10], $0x400  }
0x11c: {  	s3 =	sld [smem:$0x7F8]  }
0x11d: {  	[sflag:s10] =	ssyncset.done $0x0  }
0x11e: {  	[sflag:s10] =	ssyncadd.s32 $0xFFFFFC00  }
0x11f: {  	[spmem:s3] =	stream.linear.scatter [tilespmem:s11], [sflag:$0x6], $0x400, $0x38;
	[tilespmem:$0x1FC00] =	vst v63  }
0x120: {  	_ =	swait.ge [sflag:s10], $0x400  }
0x121: {  	s4 =	sld [smem:$0x7F9]  }
0x122: {  	[sflag:s10] =	ssyncset.done $0x0  }
0x123: {  	[sflag:s10] =	ssyncadd.s32 $0xFFFFFC00  }
0x124: {  	[spmem:s4] =	stream.linear.scatter [tilespmem:s11], [sflag:$0x6], $0x400, $0x38;
	[tilespmem:$0x1FC00] =	vst v63  }
0x125: {  	_ =	swait.ge [sflag:s10], $0x400  }
0x126: {  	s5 =	sld [smem:$0x7FA]  }
0x127: {  	[sflag:s10] =	ssyncset.done $0x0  }
0x128: {  	[sflag:s10] =	ssyncadd.s32 $0xFFFFFC00  }
0x129: {  	[spmem:s5] =	stream.linear.scatter [tilespmem:s11], [sflag:$0x6], $0x400, $0x38;
	[tilespmem:$0x1FC00] =	vst v63  }
0x12a: {  	_ =	swait.ge [sflag:s10], $0x400  }
0x12b: {  	s6 =	sld [smem:$0x7FB]  }
0x12c: {  	[sflag:s10] =	ssyncset.done $0x0  }
0x12d: {  	[sflag:s10] =	ssyncadd.s32 $0xFFFFFC00  }
0x12e: {  	[spmem:s6] =	stream.linear.scatter [tilespmem:s11], [sflag:$0x6], $0x400, $0x38;
	[tilespmem:$0x1FC00] =	vst v63  }
0x12f: {  	_ =	swait.ge [sflag:s10], $0x400  }
0x130: {  	s7 =	sld [smem:$0x7FC]  }
0x131: {  	[sflag:s10] =	ssyncset.done $0x0  }
0x132: {  	[sflag:s10] =	ssyncadd.s32 $0xFFFFFC00  }
0x133: {  	[spmem:s7] =	stream.linear.scatter [tilespmem:s11], [sflag:$0x6], $0x400, $0x38;
	[tilespmem:$0x1FC00] =	vst v63  }
0x134: {  	_ =	swait.ge [sflag:s10], $0x400  }
0x135: {  	s19 =	sld [smem:$0x7FD]  }
0x136: {  	[sflag:s10] =	ssyncset.done $0x0  }
0x137: {  	[sflag:s10] =	ssyncadd.s32 $0xFFFFFC00  }
0x138: {  	[spmem:s19] =	stream.linear.scatter [tilespmem:s11], [sflag:$0x6], $0x400, $0x38;
	[tilespmem:$0x1FC00] =	vst v63  }
0x139: {  	_ =	swait.ge [sflag:s10], $0x400  }
0x13a: {  	[sflag:s10] =	ssyncset.done $0x0  }
0x13b: {  	[sflag:s10] =	ssyncadd.s32 $0xFFFFFC00  }
0x13c: {  	_ =	swait.ge [sflag:s12], $0x80  }
0x13d: {  	[sflag:s12] =	ssyncset.done $0x0  }
0x13e: {  	[sflag:s12] =	ssyncadd.s32 $0xFFFFFF80  }
0x13f: {  	_ =	swait.ge [sflag:s12], $0x80  }
0x140: {  	[sflag:s12] =	ssyncset.done $0x0  }
0x141: {  	[sflag:s12] =	ssyncadd.s32 $0xFFFFFF80  }
0x142: {  	_ =	swait.ge [sflag:s12], $0x80  }
0x143: {  	[sflag:s12] =	ssyncset.done $0x0  }
0x144: {  	[sflag:s12] =	ssyncadd.s32 $0xFFFFFF80  }
.Ltmp5:
0x145: {  	_ =	swait.ge [sflag:s12], $0x80;
	(pc) =	sbr.rel .LBB2_8-.Ltmp5, $4  }
0x146: {  	[sflag:s12] =	ssyncset.done $0x0  }
0x147: {  	[sflag:s12] =	ssyncadd.s32 $0xFFFFFF80  }
0x148: {  	s30 =	simm.s32 $0x0;
	s31 =	simm.s32 $0x400;
	[bflag:$0x0] =	sbarrier.arrive $0xFFFF  }
0x149: {  	[tilespmem:s9], [sflag:$0x2] =	stream.indirect.gather [hbm4b:s16+s8], $0x80, s30, s8, $0xb8;
	[tilespmem:$0x1FC00] =	vst v63  }
.LBB2_12:
0x14a: {  	_ =	swait.ge [sflag:s18], $0x4000  }
0x14b: {  	[sflag:s18] =	ssyncset.done $0x0  }
0x14c: {  	[sflag:s18] =	ssyncadd.s32 $0xFFFFC000  }
.LBB2_13:
0x14d: {  	s0 =	sor.u32 $0x400, s19  }
0x14e: {  	[spmem:s20] =	stream.indirect.scatter.add.f32 [tilespmem:s14], [sflag:$0x6], $0x80, s0, s8, $0xb8;
	[tilespmem:$0x1FC00] =	vst v63  }
0x14f: {  	_ =	swait.ge [sflag:s10], $0x4000  }
0x150: {  	p0 =	seq.s32 s30, $0x0;
	[sflag:s10] =	ssyncset.done $0x0  }
0x151: {  	s3 =	simm.s32 @!p0 $0x5;
	[sflag:s10] =	ssyncadd.s32 $0xFFFFC000  }
0x152: {  	_ =	swait.ge @!p0 [sflag:s3], $0x800  }
0x153: {  	s30 =	sadd.s32 $0x100, s30;
	[sflag:s3] =	ssyncset.done @!p0 $0x0  }
0x154: {  	[sflag:s3] =	ssyncadd.s32 @!p0 $0xFFFFF800;
	p0 =	sne.s32 s30, $0x2800  }
.Ltmp6:
0x155: {  	_ = 	snop;
	(pc) =	sbr.rel @!p0 .LBB2_14-.Ltmp6, $3  }
0x156: {  	_ =	sdelay $0x1  }
0x157: {  	s31 =	sadd.s32 $0x400, s31  }
0x158: {  	[spmem:s21] =	stream.indirect.scatter.add.f32 [tilespmem:s15], [sflag:$0x5], $0x10, s0, s8, $0xb8;
	[tilespmem:$0x1FC00] =	vst v63  }
.LBB2_8:
0x159: {  	p0 =	seq.s32 s30, $0x2700  }
0x15a: {  	s0 =	sadd.s32 @!p0 s30, s2  }
0x15b: {  	s19 =	sadd.s32 @!p0 $0x100, s0  }
0x15c: {  	s3 =	sadd.s32 @!p0 $0x100, s30;
	s6 =	simm.s32 @!p0 $0x4E200;
	p1 =	slt.u32 @!p0 s19, $0x4E200  }
0x15d: {  	s7 =	simm.s32 @!p0 $0x0;
	s4 =	sadd.s32 @!p0 $0xFFFB1F00, s0;
	p1 =	por !p1, p0  }
0x15e: {  	s19 =	smov.u32 @p1 s4;
	s4 =	smov.u32 s17;
	s6 =	simm.s32 @p1 $0xFFFB3C00  }
0x15f: {  	s4 =	smov.u32 @p1 s23;
	s19 =	sshrl.u32 @!p0 s19, $0x3;
	s6 =	sadd.s32 @!p0 s6, s2  }
0x160: {  	s5 =	sand.u32 @!p0 $0x300, s3;
	s19 =	sadd.s32 @!p0 s4, s19;
	s3 =	sadd.s32 @!p0 s6, s3  }
0x161: {  	[tilespmem:s5], [sflag:$0x1] =	stream.linear.gather @!p0 [hbm4b:s19+s7], $0x80, $0x38;
	[tilespmem:$0x1FC00] =	vst v63  }
0x162: {  	s3 =	sshrl.u32 @!p0 s3, $0x3  }
0x163: {  	s5 =	sor.u32 @!p0 $0x400, s5;
	s3 =	sadd.s32 @!p0 s4, s3  }
0x164: {  	[tilespmem:s5], [sflag:$0x1] =	stream.linear.gather @!p0 [hbm4b:s3+s7], $0x80, $0x38;
	[tilespmem:$0x1FC00] =	vst v63  }
0x165: {  	s3 =	sadd.s32 @!p0 $0x180, s0  }
0x166: {  	p1 =	slt.u32 @!p0 s3, $0x4E200  }
0x167: {  	s0 =	sadd.s32 @!p0 $0xFFFB1F80, s0;
	p1 =	por !p1, p0  }
0x168: {  	s4 =	simm.s32 @!p0 $0x4E200;
	s3 =	smov.u32 @p1 s0;
	s0 =	smov.u32 s17  }
0x169: {  	s5 =	sadd.s32 @!p0 $0x180, s30;
	s0 =	smov.u32 @p1 s23;
	s3 =	sshrl.u32 @!p0 s3, $0x3  }
0x16a: {  	s6 =	sand.u32 @!p0 $0x380, s5;
	s4 =	simm.s32 @p1 $0xFFFB3C00;
	s3 =	sadd.s32 @!p0 s0, s3  }
0x16b: {  	[tilespmem:s6], [sflag:$0x1] =	stream.linear.gather @!p0 [hbm4b:s3+s7], $0x80, $0x38;
	[tilespmem:$0x1FC00] =	vst v63  }
0x16c: {  	s3 =	sadd.s32 @!p0 s4, s2  }
0x16d: {  	s3 =	sadd.s32 @!p0 s3, s5  }
0x16e: {  	s3 =	sshrl.u32 @!p0 s3, $0x3  }
0x16f: {  	s4 =	sor.u32 @!p0 $0x400, s6;
	s0 =	sadd.s32 @!p0 s0, s3  }
0x170: {  	[tilespmem:s4], [sflag:$0x1] =	stream.linear.gather @!p0 [hbm4b:s0+s7], $0x80, $0x38;
	[tilespmem:$0x1FC00] =	vst v63  }
0x171: {  	p1 =	sne.s32 s30, $0x0;
	s7 =	sadd.s32 $0xFFFFFC00, s31;
	_ =	swait.ge [sflag:s13], $0x4000  }
0x172: {  	s6 =	sand.u32 $0x300, s30;
	s0 =	sand.u32 $0xC00, s7;
	[sflag:s13] =	ssyncset.done $0x0  }
0x173: {  	s19 =	sor.u32 $0x80, s6;
	s0 =	sshrl.u32 s0, $0x2;
	[sflag:s13] =	ssyncadd.s32 $0xFFFFC000  }
0x174: {  	[tilespmem:s14], [sflag:$0x3] =	stream.indirect.gather [hbm4b:s16+s8], $0x80, s19, s8, $0xb8;
	[tilespmem:$0x1FC00] =	vst v63  }
.Ltmp7:
0x175: {  	s0 =	sor.u32 $0x400, s0;
	(pc) =	sbr.rel @!p1 .LBB2_9-.Ltmp7, $4  }
0x176: {  	[spmem:s20] =	stream.indirect.scatter.add.f32 [tilespmem:s9], [sflag:$0x6], $0x80, s0, s8, $0xb8;
	[tilespmem:$0x1FC00] =	vst v63  }
0x177: {  	_ =	swait.ge [sflag:s10], $0x4000  }
0x178: {  	[sflag:s10] =	ssyncset.done $0x0  }
0x179: {  	[sflag:s10] =	ssyncadd.s32 $0xFFFFC000  }
.Ltmp8:
0x17a: {  	(pc) =	sbr.rel @p0 .LBB2_12-.Ltmp8, $4  }
.Ltmp9:
0x17b: {  	_ =	swait.ge [sflag:s22], $0x800;
	(pc) =	sbr.rel @!p0 .LBB2_11-.Ltmp9, $4  }
0x17c: {  	[sflag:s22] =	ssyncset.done $0x0  }
0x17d: {  	[sflag:s22] =	ssyncadd.s32 $0xFFFFF800  }
0x17e: {  	[spmem:s21] =	stream.indirect.scatter.add.f32 [tilespmem:s15], [sflag:$0x4], $0x10, s0, s8, $0xb8;
	[tilespmem:$0x1FC00] =	vst v63  }
0x17f: {  	_ = 	snop  }
.LBB2_9:
0x180: {  	[spmem:s21] =	stream.indirect.scatter.add.f32 [tilespmem:s15], [sflag:$0x4], $0x10, s0, s8, $0xb8;
	[tilespmem:$0x1FC00] =	vst v63  }
.LBB2_11:
0x181: {  	_ =	swait.ge [sflag:s12], $0x80  }
0x182: {  	[sflag:s12] =	ssyncset.done $0x0  }
0x183: {  	[sflag:s12] =	ssyncadd.s32 $0xFFFFFF80  }
0x184: {  	_ =	swait.ge [sflag:s12], $0x80  }
0x185: {  	[sflag:s12] =	ssyncset.done $0x0  }
0x186: {  	[sflag:s12] =	ssyncadd.s32 $0xFFFFFF80  }
0x187: {  	_ =	swait.ge [sflag:s12], $0x80  }
0x188: {  	[sflag:s12] =	ssyncset.done $0x0  }
0x189: {  	[sflag:s12] =	ssyncadd.s32 $0xFFFFFF80  }
0x18a: {  	_ =	swait.ge [sflag:s12], $0x80  }
0x18b: {  	[sflag:s12] =	ssyncset.done $0x0  }
.Ltmp10:
0x18c: {  	[sflag:s12] =	ssyncadd.s32 $0xFFFFFF80;
	(pc) =	sbr.rel .LBB2_13-.Ltmp10, $4  }
0x18d: {  	_ =	swait.ge [sflag:s18], $0x4000  }
0x18e: {  	s0 =	sand.u32 $0xC00, s31;
	[sflag:s18] =	ssyncset.done $0x0  }
0x18f: {  	s0 =	sshrl.u32 s0, $0x2;
	[sflag:s18] =	ssyncadd.s32 $0xFFFFC000  }
0x190: {  	[tilespmem:s9], [sflag:$0x2] =	stream.indirect.gather [hbm4b:s16+s8], $0x80, s0, s8, $0xb8;
	[tilespmem:$0x1FC00] =	vst v63  }
.LBB2_15:
0x191: {  	_ =	sfence.sel $0x180000  }
0x192: {  	[bflag:$0x0] =	sbarrier.arrive $0xFFFF  }
0x193: {  	_ =	strace $0x90000047  }
0x194: {  	s0 =	stileid.u32;
	[bflag:$0x2] =	sbarrier.arrive $0xFFFF  }
0x195: {  	p0 =	sne.s32 s0, $0x0;
	s0 =	rddreg [dreg:$0x5]  }
0x196: {  	s0 =	sadd.s32 @!p0 $0x100000, s0  }
0x197: {  	[sflag:s0] =	ssyncadd.tile.s32 @!p0 $0x1;
	_ =	shalt  }
.Lfunc_end2:
_tile_overlayer_lowered:
.L_overlay_start_2:
0x198: {  	(tag) =	ssettag $0x2  }
0x199: {  	s0 =	rddreg [dreg:$0x0];
	s2 =	stileid.u32  }
0x19a: {  	s1 =	rddreg [dreg:$0x1];
	p0 =	sne.s32 s2, $0x0  }
0x19b: {  	s3 =	rddreg [dreg:$0x2];
	[bflag:$0x3] =	sbarrier.arrive $0xFFFF;
	s2 =	simm.s32 @!p0 $0x1C06  }
0x19c: {  	[timem:s3], [sflag:s2] =	dma.local @!p0 [hbm:s0], s1  }
0x19d: {  	s0 =	simm.s32 @!p0 $0x6  }
0x19e: {  	_ =	swait.ge @!p0 [sflag:s0], s1  }
0x19f: {  	s1 =	ssub.s32 @!p0 $0x0, s1;
	[sflag:s0] =	ssyncset.done @!p0 $0x0  }
0x1a0: {  	[sflag:s0] =	ssyncadd.s32 @!p0 s1  }
0x1a1: {  	[bflag:$0x3] =	sbarrier.arrive $0xFFFF  }
0x1a2: {  	_ =	shalt  }

// kernel: kernel.9.cloned.1.call-start
scs
__scs_entry_jumppad:
0x0: {  	(pc) =	sbr.rel $0x88, $3  }
0x1: {  	(tag) =	ssettag $0x0;
	lr =	simm.s32 $0x1  }
0x2: {  	[smem:$0x3F97] =	sst lr;
	_ =	strace $0xD0000000  }
0x3: {  	_ = 	snop  }
0x4: {  	_ = 	snop  }
0x5: {  	_ = 	snop  }
0x6: {  	_ = 	snop  }
0x7: {  	_ = 	snop  }
__scs_overlays_trampoline_lowered:
0x8: {  	[smem:$0x3FA6] =	sst s0  }
0x9: {  	[smem:$0x3FA7] =	sst s1  }
0xa: {  	[smem:$0x3FA8] =	sst s2  }
0xb: {  	[smem:$0x3FA9] =	sst s3  }
0xc: {  	[smem:$0x3FAA] =	sst s4  }
0xd: {  	[smem:$0x3FAB] =	sst s5  }
0xe: {  	[smem:$0x3FAC] =	sst s6  }
0xf: {  	[smem:$0x3FAD] =	sst s7  }
0x10: {  	[smem:$0x3FAE] =	sst s8  }
0x11: {  	[smem:$0x3FAF] =	sst s9;
	s0 =	simm.s32 @!p0 $0x0  }
0x12: {  	s1 =	sld [smem:$0x3F95];
	s0 =	simm.s32 @p0 $0x1  }
0x13: {  	[smem:$0x3FB0] =	sst s0;
	s0 =	simm.s32 @!p1 $0x0  }
0x14: {  	s2 =	sld [smem:$0x3F94];
	s0 =	simm.s32 @p1 $0x1  }
0x15: {  	[smem:$0x3FB1] =	sst s0;
	s0 =	simm.s32 @!p2 $0x0  }
0x16: {  	s3 =	sld [smem:$0x3FDB];
	s0 =	simm.s32 @p2 $0x1  }
0x17: {  	s4 =	simm.s32 $0x1BF5;
	[smem:$0x3FB3] =	sst s0  }
0x18: {  	s0 =	sld [smem:$0x3F96];
	_ =	swait.ge [sflag:s4], $0x0  }
0x19: {  	s7 =	sld [smem:$0x3F97]  }
0x1a: {  	s8 =	sadd.s32 $0xFFFFE003, lr  }
0x1b: {  	s9 =	sadd.s32 $0xFFFFFEF7, lr;
	s5 =	simm.s32 $0xFFFFFFFF;
	p2 =	slt.u32 s8, $0xFFFFF086  }
0x1c: {  	p1 =	slt.u32 s9, $0xF7A;
	s5 =	simm.s32 @!p2 $0x0  }
0x1d: {  	s5 =	simm.s32 @p1 $0x1;
	p0 =	seq.s32 s7, s2  }
0x1e: {  	s7 =	smul.u32 @!p0 $0xF7A, s2;
	p2 =	seq.s32 @!p0 s5, $0x0  }
0x1f: {  	s9 =	smul.u32 $0xF7A, s1;
	s8 =	simm.s32 @!p0 $0x1BF5;
	p2 =	por !p2, p0  }
0x20: {  	[sflag:s8] =	ssyncset.s32 @!p0 $0xFFFFF086;
	s6 =	sadd.s32 @!p0 s3, s7;
	s7 =	simm.s32 @!p0 $0x108  }
0x21: {  	s3 =	sadd.s32 s3, s9;
	s6 =	sadd.s32 @!p0 $0x88, s6;
	s7 =	simm.s32 @p2 $0x1082  }
0x22: {  	[simem:s7], [sflag:s8] =	dma.local @!p0 [hbm:s6], $0xF7A  }
0x23: {  	s9 =	sor.u32 $0xD0000000, s2;
	s6 =	simm.s32 $0x108;
	_ =	swait.ge @!p0 [sflag:s8], $0x0  }
0x24: {  	s3 =	sadd.s32 $0x88, s3;
	s6 =	simm.s32 @!p1 $0x1082;
	[sflag:s4] =	ssyncset.s32 $0xFFFFF086  }
0x25: {  	[simem:s6], [sflag:s4] =	dma.local [hbm:s3], $0xF7A  }
0x26: {  	[smem:$0x3F97] =	sst s1;
	(tag) =	ssettag s2;
	_ =	strace s9  }
0x27: {  	s1 =	sld [smem:$0x3FA7]  }
0x28: {  	s2 =	sld [smem:$0x3FA8]  }
0x29: {  	s4 =	sld [smem:$0x3FAA]  }
0x2a: {  	p0 =	seq.s32 s5, $0x0;
	s5 =	sld [smem:$0x3FAB]  }
0x2b: {  	s6 =	sld [smem:$0x3FAC]  }
0x2c: {  	s7 =	sld [smem:$0x3FAD]  }
0x2d: {  	s3 =	simm.s32 $0x108;
	s8 =	sld [smem:$0x3FAE]  }
0x2e: {  	s3 =	simm.s32 @!p0 $0x1082;
	s9 =	sld [smem:$0x3FAF]  }
0x2f: {  	lr =	sadd.s32 s0, s3;
	s0 =	sld [smem:$0x3FA6]  }
0x30: {  	s3 =	sld [smem:$0x3FA9]  }
0x31: {  	[smem:$0x3FB2] =	sst s10  }
0x32: {  	s10 =	sld [smem:$0x3FB0];
	_ =	sdelay $0x3  }
0x33: {  	p0 =	seq.s32 s10, $0x1;
	s10 =	sld [smem:$0x3FB2];
	_ =	sdelay $0x3  }
0x34: {  	[smem:$0x3FB2] =	sst s10  }
0x35: {  	s10 =	sld [smem:$0x3FB1];
	_ =	sdelay $0x3  }
0x36: {  	p1 =	seq.s32 s10, $0x1;
	s10 =	sld [smem:$0x3FB2];
	_ =	sdelay $0x3  }
0x37: {  	[smem:$0x3FB2] =	sst s10  }
0x38: {  	s10 =	sld [smem:$0x3FB3]  }
0x39: {  	_ = 	snop;
	(pc) =	sbr.ind lr, $3  }
0x3a: {  	_ = 	snop  }
0x3b: {  	_ = 	snop  }
0x3c: {  	p2 =	seq.s32 s10, $0x1;
	s10 =	sld [smem:$0x3FB2]  }
0x3d: {  	_ =	shalt  }
0x3e: {  	_ =	shalt  }
0x3f: {  	_ =	shalt  }
0x40: {  	_ =	shalt  }
0x41: {  	_ =	shalt  }
0x42: {  	_ =	shalt  }
0x43: {  	_ =	shalt  }
0x44: {  	_ =	shalt  }
0x45: {  	_ =	shalt  }
0x46: {  	_ =	shalt  }
0x47: {  	_ =	shalt  }
0x48: {  	_ =	shalt  }
0x49: {  	_ =	shalt  }
0x4a: {  	_ =	shalt  }
0x4b: {  	_ =	shalt  }
0x4c: {  	_ =	shalt  }
0x4d: {  	_ =	shalt  }
0x4e: {  	_ =	shalt  }
0x4f: {  	_ =	shalt  }
0x50: {  	_ =	shalt  }
0x51: {  	_ =	shalt  }
0x52: {  	_ =	shalt  }
0x53: {  	_ =	shalt  }
0x54: {  	_ =	shalt  }
0x55: {  	_ =	shalt  }
0x56: {  	_ =	shalt  }
0x57: {  	_ =	shalt  }
0x58: {  	_ =	shalt  }
0x59: {  	_ =	shalt  }
0x5a: {  	_ =	shalt  }
0x5b: {  	_ =	shalt  }
0x5c: {  	_ =	shalt  }
0x5d: {  	_ =	shalt  }
0x5e: {  	_ =	shalt  }
0x5f: {  	_ =	shalt  }
0x60: {  	_ =	shalt  }
0x61: {  	_ =	shalt  }
0x62: {  	_ =	shalt  }
0x63: {  	_ =	shalt  }
0x64: {  	_ =	shalt  }
0x65: {  	_ =	shalt  }
0x66: {  	_ =	shalt  }
0x67: {  	_ =	shalt  }
0x68: {  	_ =	shalt  }
0x69: {  	_ =	shalt  }
0x6a: {  	_ =	shalt  }
0x6b: {  	_ =	shalt  }
0x6c: {  	_ =	shalt  }
0x6d: {  	_ =	shalt  }
0x6e: {  	_ =	shalt  }
0x6f: {  	_ =	shalt  }
0x70: {  	_ =	shalt  }
0x71: {  	_ =	shalt  }
0x72: {  	_ =	shalt  }
0x73: {  	_ =	shalt  }
0x74: {  	_ =	shalt  }
0x75: {  	_ =	shalt  }
0x76: {  	_ =	shalt  }
0x77: {  	_ =	shalt  }
0x78: {  	_ =	shalt  }
0x79: {  	_ =	shalt  }
0x7a: {  	_ =	shalt  }
0x7b: {  	_ =	shalt  }
0x7c: {  	_ =	shalt  }
0x7d: {  	_ =	shalt  }
0x7e: {  	_ =	shalt  }
0x7f: {  	_ =	shalt  }
0x80: {  	_ =	shalt  }
0x81: {  	_ =	shalt  }
0x82: {  	_ =	shalt  }
0x83: {  	_ =	shalt  }
0x84: {  	_ =	shalt  }
0x85: {  	_ =	shalt  }
0x86: {  	_ =	shalt  }
0x87: {  	_ =	shalt  }
.Lfunc_end0:
.L_simem_size_0:
called_computation.1_lowered:
.L_overlay_start_0:
0x88: {  	s2 =	sld [smem:$0x3FD9]  }
0x89: {  	s3 =	sld [smem:$0x3FFE];
	_ =	sdelay $0x1  }
0x8a: {  	s1 =	srdreg.scid  }
0x8b: {  	s0 =	sand.u32 $0x1, s1  }
0x8c: {  	s17 =	sshll.u32 s0, $0xA;
	s2 =	sadd.s32 s3, s2  }
0x8d: {  	s2 =	sadd.s32 s2, s17  }
0x8e: {  	[smem:$0x3FBE] =	sst s2  }
0x8f: {  	_ = 	snop  }
0x90: {  	s2 =	sld [smem:$0x3FD0];
	(tm) =	ssettm $0x1  }
0x91: {  	s18 =	sld [smem:$0x3FFB];
	_ =	sdelay $0x3  }
0x92: {  	_ =	strace s18  }
0x93: {  	s3 =	sld [smem:$0x3FFC];
	_ =	sdelay $0x3  }
0x94: {  	_ =	strace s3  }
0x95: {  	s3 =	sld [smem:$0x3FFD];
	_ =	sdelay $0x3  }
0x96: {  	_ =	strace s3  }
0x97: {  	_ =	strace $0x8FFFFFFF  }
0x98: {  	s19 =	sld [smem:$0x3FDB];
	_ =	sdelay $0x1  }
0x99: {  	s4 =	simm.s32 $_scs_section_size  }
0x9a: {  	s5 =	simm.s32 $_size__tile_overlayer_lowered;
	s6 =	simm.s32 $_tile_overlayer_lowered  }
0x9b: {  	s22 =	simm.s32 $0x1BFF;
	s21 =	sshll.u32 s6, $0x1;
	s3 =	sadd.s32 s4, s19  }
0x9c: {  	s7 =	simm.s32 $0x0;
	s20 =	sshll.u32 s5, $0x1;
	s5 =	sadd.s32 s21, s3  }
0x9d: {  	[timem:s7], [sflag:s22] =	dma.local [hbm:s5], s20  }
0x9e: {  	_ =	swait.ge [sflag:s22], s20  }
0x9f: {  	s4 =	ssub.s32 $0x0, s20;
	[sflag:s22] =	ssyncset.done $0x0  }
0xa0: {  	[sflag:s22] =	ssyncadd.s32 s4;
	_ =	sdelay $0x1  }
0xa1: {  	s23 =	simm.s32 $0x1B8B  }
0xa2: {  	_ =	swait.ge [sflag:s23], $0x1  }
0xa3: {  	[sflag:s23] =	ssyncset.done $0x0  }
0xa4: {  	s25 =	simm.s32 $0x1B8E;
	s24 =	sld [smem:$0x3FFE];
	[sflag:s23] =	ssyncadd.s32 $0xFFFFFFFF  }
0xa5: {  	s26 =	simm.s32 $execute0_lowered;
	[smem:$0x3FD2] =	sst s25  }
0xa6: {  	s5 =	sshll.u32 s26, $0x1;
	_ =	strace $0x80000049;
	[dreg:$0x1] =	wrdreg $0xFFFFFFFF  }
0xa7: {  	s28 =	simm.s32 $_size_execute0_lowered;
	s3 =	sadd.s32 s3, s5;
	[dreg:$0x0] =	wrdreg $0x0  }
0xa8: {  	s5 =	sshll.u32 s28, $0x1;
	[dreg:$0x2] =	wrdreg s3  }
0xa9: {  	[dreg:$0x3] =	wrdreg s5  }
0xaa: {  	[dreg:$0x4] =	wrdreg $0xC0  }
0xab: {  	_ =	task [dreg:s7], $0x5FFFF  }
0xac: {  	[dreg:$0x1] =	wrdreg $0xFFFFFFFF  }
0xad: {  	[dreg:$0x0] =	wrdreg $0x60  }
0xae: {  	[dreg:$0x2] =	wrdreg s24  }
0xaf: {  	[dreg:$0x3] =	wrdreg s2  }
0xb0: {  	[dreg:$0x4] =	wrdreg $0x48000  }
0xb1: {  	[dreg:$0x5] =	wrdreg $0x9  }
0xb2: {  	_ =	task.clear_ibuf [dreg:s7], $0x6FFFF;
	_ =	strace $0x90000049  }
0xb3: {  	s29 =	simm.s32 $0x9;
	_ =	strace $0x8000004B  }
0xb4: {  	_ =	swait.ge [sflag:s29], $0x1  }
0xb5: {  	[sflag:s29] =	ssyncadd.s32 $0xFFFFFFFF  }
0xb6: {  	_ =	strace $0x9000004B  }
0xb7: {  	_ =	sfence  }
0xb8: {  	s30 =	sld [smem:$0x0];
	_ =	sdelay $0x2  }
0xb9: {  	s31 =	sshll.u32 s1, $0xD;
	s1 =	sshrl.u32 s1, $0x2  }
0xba: {  	s3 =	sand.u32 $0x4000, s31;
	s1 =	sadd.s32 s1, s30  }
0xbb: {  	s0 =	sor.u32 s3, s0;
	s1 =	sshll.u32 s1, $0x11  }
0xbc: {  	s0 =	sor.u32 s1, s0  }
0xbd: {  	s0 =	sadd.s32 $0x8F2B, s0  }
0xbe: {  	[sflag:s0] =	ssyncadd.remote.s32 $0x1  }
0xbf: {  	_ =	sfence.sel $0xFFFF  }
0xc0: {  	[dreg:$0x0] =	wrdreg $0xFFFFFFFF;
	(pc) =	sbr.abs _section_cstart, $3  }
0xc1: {  	[dreg:$0x1] =	wrdreg $0xFFFFFFFF  }
0xc2: {  	_ =	task.clear_ibuf [dreg:s7], $0x2FFFF;
	_ =	strace $0x9FFFFFFF  }
0xc3: {  	(tm) =	ssettm $0x7FFFFFFF  }
tec
execute0_lowered:
.L_overlay_start_1:
0x0: {  	(tag) =	ssettag $0x1  }
0x1: {  	s0 =	rddreg [dreg:$0x0]  }
0x2: {  	s12 =	rddreg [dreg:$0x1]  }
0x3: {  	s3 =	rddreg [dreg:$0x2];
	s4 =	simm.s32 $0x0  }
0x4: {  	s1 =	stileid.u32;
	s2 =	srdreg.scid;
	s30 =	simm.s32 $0x80  }
0x5: {  	s29 =	simm.s32 $0x1;
	[smem:$0x7FF] =	sst s4;
	s8 =	smul.u32 $0x2800, s1  }
0x6: {  	s5 =	sadd.s32 $0x2E00, s0;
	s2 =	sand.u32 $0x1, s2;
	s9 =	smul.u32 $0x28000, s1  }
0x7: {  	s6 =	sadd.s32 $0x2600, s0;
	s0 =	sadd.s32 $0x16800, s0;
	s11 =	smul.u32 $0xA000, s1  }
0x8: {  	_ =	strace $0x8000004A;
	p0 =	seq.s32 s2, $0x0;
	s10 =	ssub.s32 $0x2, s2  }
0x9: {  	s2 =	smul.u32 $0xA0000, s2;
	s7 =	sadd.s32 $0x28000, s8;
	s17 =	sshrl.u32 s10, $0x1  }
0xa: {  	s22 =	sadd.s32 $0x2000, s11;
	s23 =	sadd.s32 s11, s3;
	s28 =	sadd.s32 $0x4000, s11  }
0xb: {  	s7 =	smov.u32 @p0 s8;
	s10 =	ssub.s32 s10, s17;
	s13 =	sadd.s32 s11, s2  }
0xc: {  	[dreg:$0x8] =	wrdreg s23;
	s26 =	sadd.s32 s22, s3;
	s15 =	sadd.s32 s28, s3  }
0xd: {  	s17 =	sadd.s32 $0x6000, s11;
	s11 =	sadd.s32 $0x8000, s11;
	[dreg:$0xa] =	wrdreg s26  }
0xe: {  	s25 =	sadd.s32 s2, s22;
	[dreg:$0xc] =	wrdreg s15;
	s22 =	sadd.s32 s11, s3  }
0xf: {  	s8 =	sshrl.u32 s7, $0x3;
	s23 =	smax.u32 s10, $0x1;
	[dreg:$0x10] =	wrdreg s22  }
0x10: {  	s21 =	sshrl.u32 s13, $0x3;
	s8 =	sadd.s32 s12, s8;
	[dreg:$0x12] =	wrdreg s23  }
0x11: {  	s31 =	simm.s32 $0x2;
	s24 =	sadd.s32 s0, s21;
	[dreg:$0x4] =	wrdreg s8  }
0x12: {  	s9 =	sshrl.u32 s9, $0x2;
	s18 =	sadd.s32 $0x9C40, s8;
	[dreg:$0x9] =	wrdreg s24  }
0x13: {  	s19 =	sadd.s32 $0x10, s8;
	s20 =	sadd.s32 $0x9C50, s8;
	[dreg:$0x5] =	wrdreg s18  }
0x14: {  	s8 =	sadd.s32 s9, s3;
	s9 =	sshrl.u32 s25, $0x3;
	[dreg:$0x6] =	wrdreg s19  }
0x15: {  	s16 =	sadd.s32 s2, s28;
	[dreg:$0x7] =	wrdreg s20;
	s14 =	sadd.s32 s0, s9  }
0x16: {  	s10 =	simm.s32 $0x3;
	s20 =	sadd.s32 s17, s3;
	[dreg:$0xb] =	wrdreg s14  }
0x17: {  	s9 =	sshrl.u32 s16, $0x3;
	s24 =	sadd.s32 $0x2000, s8;
	[dreg:$0xe] =	wrdreg s20  }
0x18: {  	s19 =	sadd.s32 s2, s17;
	s25 =	sadd.s32 $0x4000, s8;
	[dreg:$0x13] =	wrdreg s24  }
0x19: {  	s2 =	sadd.s32 s2, s11;
	s26 =	sadd.s32 $0x6000, s8;
	[dreg:$0x14] =	wrdreg s25  }
0x1a: {  	s28 =	sadd.s32 $0x8000, s8;
	s11 =	simm.s32 $0x0;
	[dreg:$0x15] =	wrdreg s26  }
0x1b: {  	s18 =	sadd.s32 s0, s9;
	s9 =	sshrl.u32 s19, $0x3;
	[dreg:$0x16] =	wrdreg s28  }
0x1c: {  	s2 =	sshrl.u32 s2, $0x3;
	[dreg:$0xd] =	wrdreg s18;
	s21 =	sadd.s32 s0, s9  }
0x1d: {  	s0 =	sadd.s32 s0, s2;
	s2 =	simm.s32 $0x4;
	[dreg:$0xf] =	wrdreg s21  }
0x1e: {  	v0 =	vimm.f32 $0.0e+00;
	s9 =	simm.s32 $0x2800;
	[dreg:$0x11] =	wrdreg s0;
	s0 =	simm.s32 $0x800  }
.LBB2_1:
0x1f: {  	s1 =	rddreg [dreg:$0x4]  }
0x20: {  	s24 =	rddreg [dreg:$0x5]  }
0x21: {  	[tilespmem:s4], [sflag:$0x1] =	stream.linear.gather [hbm4b:s1+s4], $0x80, $0x38;
	[tilespmem:$0xE800] =	vst v63  }
0x22: {  	s13 =	simm.s32 $0x400;
	s25 =	rddreg [dreg:$0x6]  }
0x23: {  	[tilespmem:s13], [sflag:$0x1] =	stream.linear.gather [hbm4b:s24+s4], $0x80, $0x38;
	[tilespmem:$0xE800] =	vst v63  }
0x24: {  	s26 =	rddreg [dreg:$0x7]  }
0x25: {  	[tilespmem:s30], [sflag:$0x1] =	stream.linear.gather [hbm4b:s25+s4], $0x80, $0x38;
	[tilespmem:$0xE800] =	vst v63  }
0x26: {  	s28 =	simm.s32 $0x480;
	s14 =	simm.s32 $0x100;
	s13 =	simm.s32 $0x0  }
0x27: {  	[tilespmem:s28], [sflag:$0x1] =	stream.linear.gather [hbm4b:s26+s4], $0x80, $0x38;
	[tilespmem:$0xE800] =	vst v63  }
.LBB2_2:
0x28: {  	p0 =	sne.s32 s14, $0x7F00;
	[tilespmem:s13+$0x830] =	vst v0;
	s15 =	smov.u32 s14;
	s14 =	sadd.s32 $0x100, s14  }
.Ltmp0:
0x29: {  	[tilespmem:s13+$0x820] =	vst v0;
	(pc) =	sbr.rel @p0 .LBB2_2-.Ltmp0, $3  }
0x2a: {  	[tilespmem:s13+$0x800] =	vst v0  }
0x2b: {  	[tilespmem:s13+$0x810] =	vst v0;
	_ =	sdelay $0x1  }
0x2c: {  	s13 =	sshra.s32 s15, $0x2  }
0x2d: {  	[tilespmem:s13+$0x830] =	vst v0  }
0x2e: {  	[tilespmem:s13+$0x820] =	vst v0  }
0x2f: {  	[tilespmem:s13+$0x800] =	vst v0  }
0x30: {  	[tilespmem:s13+$0x810] =	vst v0  }
0x31: {  	[spmem:s8] =	stream.linear.scatter [tilespmem:s0], [sflag:$0x4], $0x2000, $0x38;
	[tilespmem:$0xE800] =	vst v63  }
0x32: {  	_ =	swait.ge [sflag:s2], $0x2000  }
0x33: {  	[sflag:s2] =	ssyncset.done $0x0  }
0x34: {  	s1 =	rddreg [dreg:$0x13];
	[sflag:s2] =	ssyncadd.s32 $0xFFFFE000  }
0x35: {  	[spmem:s1] =	stream.linear.scatter [tilespmem:s0], [sflag:$0x4], $0x2000, $0x38;
	[tilespmem:$0xE800] =	vst v63  }
0x36: {  	_ =	swait.ge [sflag:s2], $0x2000  }
0x37: {  	[sflag:s2] =	ssyncset.done $0x0  }
0x38: {  	s21 =	rddreg [dreg:$0x14];
	[sflag:s2] =	ssyncadd.s32 $0xFFFFE000  }
0x39: {  	[spmem:s21] =	stream.linear.scatter [tilespmem:s0], [sflag:$0x4], $0x2000, $0x38;
	[tilespmem:$0xE800] =	vst v63  }
0x3a: {  	_ =	swait.ge [sflag:s2], $0x2000  }
0x3b: {  	[sflag:s2] =	ssyncset.done $0x0  }
0x3c: {  	s22 =	rddreg [dreg:$0x15];
	[sflag:s2] =	ssyncadd.s32 $0xFFFFE000  }
0x3d: {  	[spmem:s22] =	stream.linear.scatter [tilespmem:s0], [sflag:$0x4], $0x2000, $0x38;
	[tilespmem:$0xE800] =	vst v63  }
0x3e: {  	_ =	swait.ge [sflag:s2], $0x2000  }
0x3f: {  	[sflag:s2] =	ssyncset.done $0x0  }
0x40: {  	s23 =	rddreg [dreg:$0x16];
	[sflag:s2] =	ssyncadd.s32 $0xFFFFE000  }
0x41: {  	[spmem:s23] =	stream.linear.scatter [tilespmem:s0], [sflag:$0x4], $0x2000, $0x38;
	[tilespmem:$0xE800] =	vst v63  }
0x42: {  	_ =	swait.ge [sflag:s2], $0x2000  }
0x43: {  	s24 =	simm.s32 $0x0;
	p0 =	por $0x0, $0x0;
	[sflag:s2] =	ssyncset.done $0x0  }
0x44: {  	s20 =	smov.u32 s12;
	s14 =	sadd.s32 @!p0 $0x0, s7;
	[sflag:s2] =	ssyncadd.s32 $0xFFFFE000  }
0x45: {  	s16 =	simm.s32 @!p0 $0x4E200;
	s17 =	simm.s32 @!p0 $0x100;
	_ =	swait.ge [sflag:s29], $0x80  }
0x46: {  	s15 =	sadd.s32 @!p0 $0x100, s14;
	s18 =	sadd.s32 @!p0 $0xFFFB1F00, s14;
	[sflag:s29] =	ssyncset.done $0x0  }
0x47: {  	s19 =	sadd.s32 @!p0 $0x180, s14;
	p1 =	slt.u32 @!p0 s15, $0x4E200;
	[sflag:s29] =	ssyncadd.s32 $0xFFFFFF80  }
0x48: {  	s14 =	sadd.s32 @!p0 $0xFFFB1F80, s14;
	p1 =	por !p1, p0;
	_ =	swait.ge [sflag:s29], $0x80  }
0x49: {  	s17 =	sand.u32 @!p0 $0x300, s17;
	s16 =	simm.s32 @p1 $0xFFFB3C00;
	[sflag:s29] =	ssyncset.done $0x0  }
0x4a: {  	s15 =	smov.u32 @p1 s18;
	s18 =	simm.s32 @!p0 $0x4E200;
	[sflag:s29] =	ssyncadd.s32 $0xFFFFFF80  }
0x4b: {  	s20 =	smov.u32 @p1 s6;
	p1 =	slt.u32 @!p0 s19, $0x4E200;
	_ =	swait.ge [sflag:s29], $0x80  }
0x4c: {  	s16 =	sadd.s32 @!p0 s16, s7;
	s15 =	sshrl.u32 @!p0 s15, $0x3;
	[sflag:s29] =	ssyncset.done $0x0  }
0x4d: {  	p1 =	por !p1, p0;
	s16 =	sadd.s32 @!p0 $0x100, s16;
	[sflag:s29] =	ssyncadd.s32 $0xFFFFFF80  }
0x4e: {  	s15 =	sadd.s32 @!p0 s20, s15;
	s18 =	simm.s32 @p1 $0xFFFB3C00;
	_ =	swait.ge [sflag:s29], $0x80  }
0x4f: {  	s19 =	smov.u32 @p1 s14;
	s16 =	sshrl.u32 @!p0 s16, $0x3;
	[sflag:s29] =	ssyncset.done $0x0  }
0x50: {  	s14 =	sshrl.u32 @!p0 s19, $0x3;
	s18 =	sadd.s32 @!p0 s18, s7;
	[sflag:s29] =	ssyncadd.s32 $0xFFFFFF80  }
0x51: {  	s19 =	simm.s32 @!p0 $0x180;
	s16 =	sadd.s32 @!p0 s20, s16;
	[bflag:$0x0] =	sbarrier.arrive $0xFFFF  }
0x52: {  	[tilespmem:s0], [sflag:$0x2] =	stream.indirect.gather [hbm4b:s5+s30], $0x40, s24, s30, $0xb8;
	[tilespmem:$0xE800] =	vst v63  }
0x53: {  	s19 =	sand.u32 @!p0 $0x380, s19;
	s20 =	simm.s32 @!p0 $0x0;
	s21 =	smov.u32 s12  }
0x54: {  	[tilespmem:s17], [sflag:$0x1] =	stream.linear.gather @!p0 [hbm4b:s15+s20], $0x80, $0x38;
	[tilespmem:$0xE800] =	vst v63  }
0x55: {  	s21 =	smov.u32 @p1 s6;
	s15 =	sadd.s32 @!p0 $0x180, s18;
	s17 =	sor.u32 @!p0 $0x400, s17  }
0x56: {  	[tilespmem:s17], [sflag:$0x1] =	stream.linear.gather @!p0 [hbm4b:s16+s20], $0x80, $0x38;
	[tilespmem:$0xE800] =	vst v63  }
0x57: {  	p1 =	por p0, p0;
	s14 =	sadd.s32 @!p0 s21, s14;
	s15 =	sshrl.u32 @!p0 s15, $0x3  }
0x58: {  	[tilespmem:s19], [sflag:$0x1] =	stream.linear.gather @!p1 [hbm4b:s14+s20], $0x80, $0x38;
	[tilespmem:$0xE800] =	vst v63  }
0x59: {  	s15 =	sadd.s32 @!p0 s21, s15;
	s14 =	sor.u32 @!p0 $0x400, s19  }
0x5a: {  	[tilespmem:s14], [sflag:$0x1] =	stream.linear.gather @!p1 [hbm4b:s15+s20], $0x80, $0x38;
	[tilespmem:$0xE800] =	vst v63  }
0x5b: {  	s25 =	simm.s32 $0x0;
	_ =	swait.ge [sflag:s31], $0x2000  }
0x5c: {  	s13 =	sand.u32 $0x300, s24;
	s14 =	sand.u32 $0xC00, s25;
	[sflag:s31] =	ssyncset.done $0x0  }
0x5d: {  	s17 =	sor.u32 $0x80, s13;
	s26 =	sshrl.u32 s14, $0x2;
	[sflag:s31] =	ssyncadd.s32 $0xFFFFE000  }
0x5e: {  	[tilespmem:s9], [sflag:$0x3] =	stream.indirect.gather [hbm4b:s5+s30], $0x40, s17, s30, $0xb8;
	[tilespmem:$0xE800] =	vst v63  }
0x5f: {  	s13 =	sor.u32 $0x400, s26  }
0x60: {  	[spmem:s3] =	stream.indirect.scatter.add.f32 [tilespmem:s0], [sflag:$0x4], $0x40, s13, s30, $0xb8;
	[tilespmem:$0xE800] =	vst v63  }
0x61: {  	_ =	swait.ge [sflag:s2], $0x2000  }
0x62: {  	[sflag:s2] =	ssyncset.done $0x0  }
0x63: {  	s13 =	simm.s32 @p1 $0x3;
	[sflag:s2] =	ssyncadd.s32 $0xFFFFE000  }
0x64: {  	s24 =	simm.s32 @!p1 $0x3;
	s18 =	simm.s32 @!p1 $0x80;
	_ =	swait.ge @p1 [sflag:s13], $0x2000  }
0x65: {  	s16 =	simm.s32 $0x400;
	s19 =	simm.s32 @!p1 $0x1;
	[sflag:s13] =	ssyncset.done @p1 $0x0  }
0x66: {  	s15 =	simm.s32 $0x200;
	s20 =	simm.s32 @!p1 $0x800;
	[sflag:s13] =	ssyncadd.s32 @p1 $0xFFFFE000  }
0x67: {  	s14 =	simm.s32 $0x100;
	s13 =	sand.u32 @!p0 $0xC00, s16;
	_ =	swait.ge @!p1 [sflag:s19], $0x80  }
0x68: {  	s16 =	sshrl.u32 @!p0 s13, $0x2;
	p0 =	por $0x0, $0x0;
	[sflag:s19] =	ssyncset.done @!p1 $0x0  }
0x69: {  	s13 =	simm.s32 $0x800;
	s22 =	sadd.s32 @!p0 $0x100, s7;
	[sflag:s19] =	ssyncadd.s32 @!p1 $0xFFFFFF80  }
0x6a: {  	s21 =	simm.s32 @!p0 $0x200;
	s26 =	sadd.s32 @!p0 $0x100, s22;
	_ =	swait.ge @!p1 [sflag:s19], $0x80  }
0x6b: {  	s28 =	simm.s32 @!p0 $0x4E200;
	p2 =	slt.u32 @!p0 s26, $0x4E200;
	[sflag:s19] =	ssyncset.done @!p1 $0x0  }
0x6c: {  	s25 =	sadd.s32 @!p0 $0xFFFB1F00, s22;
	p3 =	por !p2, p0;
	[sflag:s19] =	ssyncadd.s32 @!p1 $0xFFFFFF80  }
0x6d: {  	s23 =	sadd.s32 @!p0 $0x180, s22;
	s26 =	smov.u32 @p3 s25;
	_ =	swait.ge @!p1 [sflag:s19], $0x80  }
0x6e: {  	s25 =	simm.s32 @!p0 $0x4E200;
	s28 =	simm.s32 @p3 $0xFFFB3C00;
	[sflag:s19] =	ssyncset.done @!p1 $0x0  }
.LBB2_4:
0x6f: {  	s26 =	sshrl.u32 @!p0 s26, $0x3  }
0x70: {  	s28 =	sadd.s32 @!p0 s28, s7;
	s17 =	sor.u32 $0x400, s17;
	s1 =	smov.u32 s12  }
0x71: {  	s1 =	smov.u32 @p3 s6;
	s28 =	sadd.s32 @!p0 s28, s21;
	[sflag:s19] =	ssyncadd.s32 @!p1 $0xFFFFFF80  }
0x72: {  	p2 =	slt.u32 @!p0 s23, $0x4E200;
	s28 =	sshrl.u32 @!p0 s28, $0x3;
	_ =	swait.ge @!p1 [sflag:s19], $0x80  }
0x73: {  	p2 =	por !p2, p0;
	s26 =	sadd.s32 @!p0 s1, s26;
	[sflag:s19] =	ssyncset.done @!p1 $0x0  }
0x74: {  	s22 =	sadd.s32 @!p0 $0xFFFB1F80, s22;
	s25 =	simm.s32 @p2 $0xFFFB3C00;
	[sflag:s19] =	ssyncadd.s32 @!p1 $0xFFFFFF80  }
0x75: {  	s23 =	smov.u32 @p2 s22;
	s1 =	sadd.s32 @!p0 s1, s28;
	_ =	swait.ge @!p1 [sflag:s24], $0x2000  }
0x76: {  	s22 =	sadd.s32 @!p0 s25, s7;
	s19 =	sshrl.u32 @!p0 s23, $0x3;
	[sflag:s24] =	ssyncset.done @!p1 $0x0  }
0x77: {  	s21 =	sand.u32 @!p0 $0x300, s21;
	s23 =	sadd.s32 @!p0 $0x180, s14;
	[sflag:s24] =	ssyncadd.s32 @!p1 $0xFFFFE000  }
0x78: {  	[tilespmem:s20], [sflag:$0x2] =	stream.indirect.gather @!p1 [hbm4b:s5+s18], $0x40, s16, s18, $0xb8;
	[tilespmem:$0xE800] =	vst v63  }
0x79: {  	s16 =	smov.u32 s12  }
0x7a: {  	s18 =	sand.u32 @!p0 $0x380, s23;
	s20 =	sadd.s32 @!p0 s22, s23;
	s16 =	smov.u32 @p2 s6  }
0x7b: {  	[spmem:s3] =	stream.indirect.scatter.add.f32 [tilespmem:s9], [sflag:$0x4], $0x40, s17, s30, $0xb8;
	[tilespmem:$0xE800] =	vst v63  }
0x7c: {  	s17 =	sadd.s32 @!p0 s16, s19;
	s19 =	sshrl.u32 @!p0 s20, $0x3;
	_ =	swait.ge [sflag:s2], $0x2000  }
0x7d: {  	s22 =	sor.u32 @!p0 $0x400, s21;
	s20 =	simm.s32 @!p0 $0x0;
	[sflag:s2] =	ssyncset.done $0x0  }
0x7e: {  	s23 =	sor.u32 @!p0 $0x400, s18;
	s19 =	sadd.s32 @!p0 s16, s19;
	[sflag:s2] =	ssyncadd.s32 $0xFFFFE000  }
0x7f: {  	[tilespmem:s21], [sflag:$0x1] =	stream.linear.gather @!p0 [hbm4b:s26+s20], $0x80, $0x38;
	[tilespmem:$0xE800] =	vst v63  }
0x80: {  	s16 =	sand.u32 @!p0 $0xC00, s13;
	s21 =	smov.u32 s15;
	s15 =	sadd.s32 $0x100, s15  }
0x81: {  	[tilespmem:s22], [sflag:$0x1] =	stream.linear.gather @!p0 [hbm4b:s1+s20], $0x80, $0x38;
	[tilespmem:$0xE800] =	vst v63  }
0x82: {  	p1 =	por p0, p0;
	s16 =	sshrl.u32 @!p0 s16, $0x2;
	p2 =	sne.s32 s15, $0x2800  }
0x83: {  	[tilespmem:s18], [sflag:$0x1] =	stream.linear.gather @!p1 [hbm4b:s17+s20], $0x80, $0x38;
	[tilespmem:$0xE800] =	vst v63  }
0x84: {  	_ = 	snop  }
0x85: {  	[tilespmem:s23], [sflag:$0x1] =	stream.linear.gather @!p1 [hbm4b:s19+s20], $0x80, $0x38;
	[tilespmem:$0xE800] =	vst v63  }
0x86: {  	s1 =	sand.u32 $0x300, s14;
	s14 =	sadd.s32 $0xFFFFFC00, s13;
	_ =	swait.ge [sflag:s31], $0x2000  }
0x87: {  	s17 =	sor.u32 $0x80, s1;
	s1 =	sand.u32 $0xC00, s14;
	[sflag:s31] =	ssyncset.done $0x0  }
0x88: {  	s14 =	smov.u32 s21;
	s1 =	sshrl.u32 s1, $0x2;
	[sflag:s31] =	ssyncadd.s32 $0xFFFFE000  }
0x89: {  	[tilespmem:s9], [sflag:$0x3] =	stream.indirect.gather [hbm4b:s5+s30], $0x40, s17, s30, $0xb8;
	[tilespmem:$0xE800] =	vst v63  }
0x8a: {  	s1 =	sor.u32 $0x400, s1  }
0x8b: {  	[spmem:s3] =	stream.indirect.scatter.add.f32 [tilespmem:s0], [sflag:$0x4], $0x40, s1, s30, $0xb8;
	[tilespmem:$0xE800] =	vst v63  }
0x8c: {  	_ =	swait.ge [sflag:s2], $0x2000  }
0x8d: {  	s1 =	simm.s32 @p1 $0x3;
	[sflag:s2] =	ssyncset.done $0x0  }
0x8e: {  	[sflag:s2] =	ssyncadd.s32 $0xFFFFE000  }
0x8f: {  	_ =	swait.ge @p1 [sflag:s1], $0x2000  }
0x90: {  	s19 =	simm.s32 @!p1 $0x1;
	[sflag:s1] =	ssyncset.done @p1 $0x0  }
0x91: {  	s24 =	simm.s32 @!p1 $0x3;
	[sflag:s1] =	ssyncadd.s32 @p1 $0xFFFFE000  }
0x92: {  	s13 =	sadd.s32 $0x400, s13;
	s18 =	simm.s32 @!p1 $0x80;
	_ =	swait.ge @!p1 [sflag:s19], $0x80  }
0x93: {  	p0 =	seq.s32 s14, $0x2700;
	s20 =	simm.s32 @!p1 $0x800;
	[sflag:s19] =	ssyncset.done @!p1 $0x0  }
0x94: {  	s21 =	sadd.s32 @!p0 $0x100, s14;
	s22 =	sadd.s32 @!p0 s14, s7;
	[sflag:s19] =	ssyncadd.s32 @!p1 $0xFFFFFF80  }
.Ltmp1:
0x95: {  	s25 =	simm.s32 @!p0 $0x4E200;
	_ =	swait.ge @!p1 [sflag:s19], $0x80;
	(pc) =	sbr.rel @p2 .LBB2_4-.Ltmp1, $4  }
0x96: {  	s26 =	sadd.s32 @!p0 $0x100, s22;
	s1 =	sadd.s32 @!p0 $0xFFFB1F00, s22;
	[sflag:s19] =	ssyncset.done @!p1 $0x0  }
0x97: {  	s23 =	sadd.s32 @!p0 $0x180, s22;
	p3 =	slt.u32 @!p0 s26, $0x4E200;
	[sflag:s19] =	ssyncadd.s32 @!p1 $0xFFFFFF80  }
0x98: {  	s28 =	simm.s32 @!p0 $0x4E200;
	p3 =	por !p3, p0;
	_ =	swait.ge @!p1 [sflag:s19], $0x80  }
0x99: {  	s28 =	simm.s32 @p3 $0xFFFB3C00;
	s26 =	smov.u32 @p3 s1;
	[sflag:s19] =	ssyncset.done @!p1 $0x0  }
0x9a: {  	[sflag:s19] =	ssyncadd.s32 @!p1 $0xFFFFFF80  }
0x9b: {  	_ =	swait.ge @!p1 [sflag:s19], $0x80  }
0x9c: {  	[sflag:s19] =	ssyncset.done @!p1 $0x0  }
0x9d: {  	[sflag:s19] =	ssyncadd.s32 @!p1 $0xFFFFFF80  }
0x9e: {  	_ =	swait.ge @!p1 [sflag:s24], $0x2000  }
0x9f: {  	[sflag:s24] =	ssyncset.done @!p1 $0x0  }
0xa0: {  	s1 =	sshrl.u32 @!p0 s26, $0x3;
	[sflag:s24] =	ssyncadd.s32 @!p1 $0xFFFFE000  }
0xa1: {  	[tilespmem:s20], [sflag:$0x2] =	stream.indirect.gather @!p1 [hbm4b:s5+s18], $0x40, s16, s18, $0xb8;
	[tilespmem:$0xE800] =	vst v63  }
0xa2: {  	s15 =	sor.u32 $0x400, s17;
	s17 =	sand.u32 @!p0 $0x300, s21;
	s16 =	smov.u32 s12  }
0xa3: {  	[spmem:s3] =	stream.indirect.scatter.add.f32 [tilespmem:s9], [sflag:$0x4], $0x40, s15, s30, $0xb8;
	[tilespmem:$0xE800] =	vst v63  }
0xa4: {  	s18 =	simm.s32 @!p0 $0x0;
	p1 =	slt.u32 @!p0 s23, $0x4E200;
	_ =	swait.ge [sflag:s2], $0x2000  }
0xa5: {  	s16 =	smov.u32 @p3 s6;
	s15 =	sadd.s32 @!p0 s28, s7;
	[sflag:s2] =	ssyncset.done $0x0  }
0xa6: {  	s1 =	sadd.s32 @!p0 s16, s1;
	s15 =	sadd.s32 @!p0 s15, s21;
	[sflag:s2] =	ssyncadd.s32 $0xFFFFE000  }
0xa7: {  	[tilespmem:s17], [sflag:$0x1] =	stream.linear.gather @!p0 [hbm4b:s1+s18], $0x80, $0x38;
	[tilespmem:$0xE800] =	vst v63  }
0xa8: {  	p1 =	por !p1, p0;
	s1 =	sshrl.u32 @!p0 s15, $0x3  }
0xa9: {  	s25 =	simm.s32 @p1 $0xFFFB3C00;
	s15 =	sor.u32 @!p0 $0x400, s17;
	s1 =	sadd.s32 @!p0 s16, s1  }
0xaa: {  	[tilespmem:s15], [sflag:$0x1] =	stream.linear.gather @!p0 [hbm4b:s1+s18], $0x80, $0x38;
	[tilespmem:$0xE800] =	vst v63  }
0xab: {  	s16 =	smov.u32 s12;
	s1 =	sadd.s32 @!p0 $0xFFFB1F80, s22;
	s15 =	sadd.s32 @!p0 $0x180, s14  }
0xac: {  	s16 =	smov.u32 @p1 s6;
	s23 =	smov.u32 @p1 s1;
	s1 =	sadd.s32 @!p0 s25, s7  }
0xad: {  	p1 =	por p0, p0;
	s17 =	sshrl.u32 @!p0 s23, $0x3;
	s1 =	sadd.s32 @!p0 s1, s15  }
0xae: {  	s15 =	sand.u32 @!p0 $0x380, s15;
	s17 =	sadd.s32 @!p0 s16, s17;
	s1 =	sshrl.u32 @!p0 s1, $0x3  }
0xaf: {  	[tilespmem:s15], [sflag:$0x1] =	stream.linear.gather @!p1 [hbm4b:s17+s18], $0x80, $0x38;
	[tilespmem:$0xE800] =	vst v63  }
0xb0: {  	s1 =	sadd.s32 @!p0 s16, s1;
	s15 =	sor.u32 @!p0 $0x400, s15  }
0xb1: {  	[tilespmem:s15], [sflag:$0x1] =	stream.linear.gather @!p1 [hbm4b:s1+s18], $0x80, $0x38;
	[tilespmem:$0xE800] =	vst v63  }
0xb2: {  	s28 =	sadd.s32 $0xFFFFFC00, s13;
	_ =	swait.ge [sflag:s31], $0x2000  }
0xb3: {  	s15 =	sand.u32 $0x300, s14;
	s1 =	sand.u32 $0xC00, s28;
	[sflag:s31] =	ssyncset.done $0x0  }
0xb4: {  	s14 =	sor.u32 $0x80, s15;
	s1 =	sshrl.u32 s1, $0x2;
	[sflag:s31] =	ssyncadd.s32 $0xFFFFE000  }
0xb5: {  	[tilespmem:s9], [sflag:$0x3] =	stream.indirect.gather [hbm4b:s5+s30], $0x40, s14, s30, $0xb8;
	[tilespmem:$0xE800] =	vst v63  }
0xb6: {  	s1 =	sor.u32 $0x400, s1  }
0xb7: {  	[spmem:s3] =	stream.indirect.scatter.add.f32 [tilespmem:s0], [sflag:$0x4], $0x40, s1, s30, $0xb8;
	[tilespmem:$0xE800] =	vst v63  }
0xb8: {  	_ =	swait.ge [sflag:s2], $0x2000  }
0xb9: {  	[sflag:s2] =	ssyncset.done $0x0  }
0xba: {  	s1 =	simm.s32 @p1 $0x3;
	[sflag:s2] =	ssyncadd.s32 $0xFFFFE000  }
0xbb: {  	_ =	swait.ge @p1 [sflag:s1], $0x2000  }
0xbc: {  	[sflag:s1] =	ssyncset.done @p1 $0x0  }
0xbd: {  	s15 =	simm.s32 @!p1 $0x1;
	[sflag:s1] =	ssyncadd.s32 @p1 $0xFFFFE000  }
0xbe: {  	_ =	swait.ge @!p1 [sflag:s15], $0x80  }
0xbf: {  	[sflag:s15] =	ssyncset.done @!p1 $0x0  }
0xc0: {  	[sflag:s15] =	ssyncadd.s32 @!p1 $0xFFFFFF80  }
0xc1: {  	_ =	swait.ge @!p1 [sflag:s15], $0x80  }
0xc2: {  	[sflag:s15] =	ssyncset.done @!p1 $0x0  }
0xc3: {  	[sflag:s15] =	ssyncadd.s32 @!p1 $0xFFFFFF80  }
0xc4: {  	_ =	swait.ge @!p1 [sflag:s15], $0x80  }
0xc5: {  	[sflag:s15] =	ssyncset.done @!p1 $0x0  }
0xc6: {  	[sflag:s15] =	ssyncadd.s32 @!p1 $0xFFFFFF80  }
0xc7: {  	_ =	swait.ge @!p1 [sflag:s15], $0x80  }
0xc8: {  	[sflag:s15] =	ssyncset.done @!p1 $0x0  }
0xc9: {  	s1 =	simm.s32 @!p1 $0x3;
	[sflag:s15] =	ssyncadd.s32 @!p1 $0xFFFFFF80  }
0xca: {  	s13 =	sand.u32 @!p0 $0xC00, s13;
	_ =	swait.ge @!p1 [sflag:s1], $0x2000  }
0xcb: {  	s13 =	sshrl.u32 @!p0 s13, $0x2;
	[sflag:s1] =	ssyncset.done @!p1 $0x0  }
0xcc: {  	s15 =	simm.s32 @!p1 $0x80;
	[sflag:s1] =	ssyncadd.s32 @!p1 $0xFFFFE000;
	s1 =	simm.s32 @!p1 $0x800  }
0xcd: {  	[tilespmem:s1], [sflag:$0x2] =	stream.indirect.gather @!p1 [hbm4b:s5+s15], $0x40, s13, s15, $0xb8;
	[tilespmem:$0xE800] =	vst v63  }
0xce: {  	s16 =	sor.u32 $0x400, s14  }
0xcf: {  	[spmem:s3] =	stream.indirect.scatter.add.f32 [tilespmem:s9], [sflag:$0x4], $0x40, s16, s30, $0xb8;
	[tilespmem:$0xE800] =	vst v63  }
0xd0: {  	_ =	swait.ge [sflag:s2], $0x2000  }
0xd1: {  	[sflag:s2] =	ssyncset.done $0x0  }
0xd2: {  	[sflag:s2] =	ssyncadd.s32 $0xFFFFE000  }
0xd3: {  	[bflag:$0x0] =	sbarrier.arrive $0xFFFF  }
0xd4: {  	s17 =	rddreg [dreg:$0x8]  }
0xd5: {  	[tilespmem:s0], [sflag:$0x4] =	stream.linear.gather [spmem:s17], $0x2000, $0x38;
	[tilespmem:$0xE800] =	vst v63  }
0xd6: {  	_ =	swait.ge [sflag:s2], $0x2000  }
0xd7: {  	[sflag:s2] =	ssyncset.done $0x0  }
0xd8: {  	s18 =	rddreg [dreg:$0x9];
	[sflag:s2] =	ssyncadd.s32 $0xFFFFE000  }
0xd9: {  	[hbm4b:s18+s4] =	stream.linear.scatter [tilespmem:s0], [sflag:$0x2], $0x2000, $0x38;
	[tilespmem:$0xE800] =	vst v63  }
0xda: {  	s19 =	rddreg [dreg:$0xa]  }
0xdb: {  	[tilespmem:s9], [sflag:$0x4] =	stream.linear.gather [spmem:s19], $0x2000, $0x38;
	[tilespmem:$0xE800] =	vst v63  }
0xdc: {  	_ =	swait.ge [sflag:s2], $0x2000  }
0xdd: {  	[sflag:s2] =	ssyncset.done $0x0  }
0xde: {  	s20 =	rddreg [dreg:$0xb];
	[sflag:s2] =	ssyncadd.s32 $0xFFFFE000  }
0xdf: {  	[hbm4b:s20+s4] =	stream.linear.scatter [tilespmem:s9], [sflag:$0x3], $0x2000, $0x38;
	[tilespmem:$0xE800] =	vst v63  }
0xe0: {  	_ =	swait.ge [sflag:s31], $0x2000  }
0xe1: {  	[sflag:s31] =	ssyncset.done $0x0  }
0xe2: {  	s21 =	rddreg [dreg:$0xc];
	[sflag:s31] =	ssyncadd.s32 $0xFFFFE000  }
0xe3: {  	[tilespmem:s0], [sflag:$0x4] =	stream.linear.gather [spmem:s21], $0x2000, $0x38;
	[tilespmem:$0xE800] =	vst v63  }
0xe4: {  	_ =	swait.ge [sflag:s2], $0x2000  }
0xe5: {  	[sflag:s2] =	ssyncset.done $0x0  }
0xe6: {  	s22 =	rddreg [dreg:$0xd];
	[sflag:s2] =	ssyncadd.s32 $0xFFFFE000  }
0xe7: {  	[hbm4b:s22+s4] =	stream.linear.scatter [tilespmem:s0], [sflag:$0x2], $0x2000, $0x38;
	[tilespmem:$0xE800] =	vst v63  }
0xe8: {  	_ =	swait.ge [sflag:s10], $0x2000  }
0xe9: {  	[sflag:s10] =	ssyncset.done $0x0  }
0xea: {  	s23 =	rddreg [dreg:$0xe];
	[sflag:s10] =	ssyncadd.s32 $0xFFFFE000  }
0xeb: {  	[tilespmem:s9], [sflag:$0x4] =	stream.linear.gather [spmem:s23], $0x2000, $0x38;
	[tilespmem:$0xE800] =	vst v63  }
0xec: {  	_ =	swait.ge [sflag:s2], $0x2000  }
0xed: {  	[sflag:s2] =	ssyncset.done $0x0  }
0xee: {  	s24 =	rddreg [dreg:$0xf];
	[sflag:s2] =	ssyncadd.s32 $0xFFFFE000  }
0xef: {  	[hbm4b:s24+s4] =	stream.linear.scatter [tilespmem:s9], [sflag:$0x3], $0x2000, $0x38;
	[tilespmem:$0xE800] =	vst v63  }
0xf0: {  	_ =	swait.ge [sflag:s31], $0x2000  }
0xf1: {  	[sflag:s31] =	ssyncset.done $0x0  }
0xf2: {  	s25 =	rddreg [dreg:$0x10];
	[sflag:s31] =	ssyncadd.s32 $0xFFFFE000  }
0xf3: {  	[tilespmem:s0], [sflag:$0x4] =	stream.linear.gather [spmem:s25], $0x2000, $0x38;
	[tilespmem:$0xE800] =	vst v63  }
0xf4: {  	_ =	swait.ge [sflag:s2], $0x2000  }
0xf5: {  	[sflag:s2] =	ssyncset.done $0x0  }
0xf6: {  	s26 =	rddreg [dreg:$0x11];
	[sflag:s2] =	ssyncadd.s32 $0xFFFFE000  }
0xf7: {  	[hbm4b:s26+s4] =	stream.linear.scatter [tilespmem:s0], [sflag:$0x2], $0x2000, $0x38;
	[tilespmem:$0xE800] =	vst v63  }
0xf8: {  	_ =	swait.ge [sflag:s10], $0x2000  }
0xf9: {  	[sflag:s10] =	ssyncset.done $0x0  }
0xfa: {  	[sflag:s10] =	ssyncadd.s32 $0xFFFFE000  }
0xfb: {  	_ =	swait.ge [sflag:s31], $0x2000  }
0xfc: {  	s11 =	sadd.s32 $0x1, s11;
	s28 =	rddreg [dreg:$0x12]  }
0xfd: {  	p0 =	sne.s32 s11, s28  }
.Ltmp2:
0xfe: {  	_ = 	snop;
	(pc) =	sbr.rel @p0 .LBB2_1-.Ltmp2, $3  }
0xff: {  	_ =	sdelay $0x1  }
0x100: {  	[sflag:s31] =	ssyncset.done $0x0  }
0x101: {  	[sflag:s31] =	ssyncadd.s32 $0xFFFFE000  }
0x102: {  	_ =	sfence.sel $0x180000  }
0x103: {  	[bflag:$0x0] =	sbarrier.arrive $0xFFFF  }
0x104: {  	_ =	strace $0x9000004A  }
0x105: {  	s0 =	stileid.u32;
	[bflag:$0x2] =	sbarrier.arrive $0xFFFF  }
0x106: {  	p0 =	sne.s32 s0, $0x0;
	s0 =	rddreg [dreg:$0x3]  }
0x107: {  	s0 =	sadd.s32 @!p0 $0x100000, s0  }
0x108: {  	[sflag:s0] =	ssyncadd.tile.s32 @!p0 $0x1;
	_ =	shalt  }
.Lfunc_end2:
_tile_overlayer_lowered:
.L_overlay_start_2:
0x109: {  	(tag) =	ssettag $0x2  }
0x10a: {  	s0 =	rddreg [dreg:$0x0];
	s2 =	stileid.u32  }
0x10b: {  	s1 =	rddreg [dreg:$0x1];
	p0 =	sne.s32 s2, $0x0  }
0x10c: {  	s3 =	rddreg [dreg:$0x2];
	[bflag:$0x3] =	sbarrier.arrive $0xFFFF;
	s2 =	simm.s32 @!p0 $0x1C04  }
0x10d: {  	[timem:s3], [sflag:s2] =	dma.local @!p0 [hbm:s0], s1  }
0x10e: {  	s0 =	simm.s32 @!p0 $0x4  }
0x10f: {  	_ =	swait.ge @!p0 [sflag:s0], s1  }
0x110: {  	s1 =	ssub.s32 @!p0 $0x0, s1;
	[sflag:s0] =	ssyncset.done @!p0 $0x0  }
0x111: {  	[sflag:s0] =	ssyncadd.s32 @!p0 s1  }
0x112: {  	[bflag:$0x3] =	sbarrier.arrive $0xFFFF  }
0x113: {  	_ =	shalt  }

</sc_bundles>
